<compile_context>
chip_gen: v7x
topology: tpu7x:2x2x1
jax: 0.10.2.dev20260603
libtpu: 0.0.44.dev20260713+nightly
codegen_flags: <defaults>
</compile_context>

<pallas_src>
import jax
import jax.numpy as jnp
from jax import lax
from jax.experimental import pallas as pl

H = 128
N_C = 10000
NPAD = 10240

RBLK = 512
GRID = NPAD // RBLK


def _mean(a, c):
    return a[...] / jnp.maximum(c[...], 1.0)


def _dot(a, b):
    return jnp.dot(a, b, preferred_element_type=jnp.float32)


def _tc1_body(as_, cs, aa, ca, at, ct,
              x, Wsl, Wal, Wtl, Wr, b, out):
    acc = (_dot(_mean(as_, cs), Wsl[...])
           + _dot(_mean(aa, ca), Wal[...])
           + _dot(_mean(at, ct), Wtl[...])
           + _dot(x[...], Wr[...]) + b[...])
    out[...] = jnp.maximum(acc, 0.0)


def _tc2_body(a2, cs, aa, ca, at, ct,
              c1, Wsl, Wal, Wtl, Wr, b,
              Whead, bhead, Wmh, Wmti, bmp, out):
    h = jnp.maximum(_dot(_mean(a2, cs), Wsl[...])
                    + _dot(_mean(aa, ca), Wal[...])
                    + _dot(_mean(at, ct), Wtl[...])
                    + _dot(c1[...], Wr[...]) + b[...], 0.0)
    logits = _dot(h, Whead[...]) + bhead[...]
    lane = lax.broadcasted_iota(jnp.int32, (RBLK, H), 1)
    mt = lane < 6
    mi = (lane >= 6) & (lane < 10)
    tp = jnp.where(mt, jax.nn.sigmoid(logits), 0.0)
    z = jnp.where(mi, logits, -1e30)
    e = jnp.where(mi, jnp.exp(z - jnp.max(z, axis=-1, keepdims=True)), 0.0)
    ip = e / jnp.sum(e, axis=-1, keepdims=True)
    impl = _dot(h, Wmh[...]) + _dot(tp + ip, Wmti[...]) + bmp[...]
    out[...] = jnp.where(lane < 10, logits, 0.0) + impl


def _row_spec():
    return pl.BlockSpec((RBLK, H), lambda i: (i, 0))


def _cnt_spec():
    return pl.BlockSpec((RBLK, 1), lambda i: (i, 0))


def _w_spec():
    return pl.BlockSpec((H, H), lambda i: (0, 0))


def _b_spec():
    return pl.BlockSpec((1, H), lambda i: (0, 0))


_tc1 = pl.pallas_call(
    _tc1_body,
    grid=(GRID,),
    in_specs=[_row_spec(), _cnt_spec()] * 3 + [_row_spec()]
    + [_w_spec()] * 4 + [_b_spec()],
    out_specs=_row_spec(),
    out_shape=jax.ShapeDtypeStruct((NPAD, H), jnp.float32),
)

_tc2 = pl.pallas_call(
    _tc2_body,
    grid=(GRID,),
    in_specs=[_row_spec(), _cnt_spec()] * 3 + [_row_spec()]
    + [_w_spec()] * 4 + [_b_spec()]
    + [_w_spec(), _b_spec(), _w_spec(), _w_spec(), _b_spec()],
    out_specs=_row_spec(),
    out_shape=jax.ShapeDtypeStruct((NPAD, H), jnp.float32),
)


def _agg(x_src, src, dst):
    return jnp.zeros((NPAD, H), jnp.float32).at[dst].add(x_src[src])


def _cnt(dst, n_edges):
    return (jnp.zeros((NPAD, 1), jnp.float32)
            .at[dst, 0].add(jnp.ones((n_edges,), jnp.float32)))


@jax.jit
def kernel(x_comment, x_topic, x_claim,
           edge_src_sim, edge_dst_sim, edge_src_about, edge_dst_about,
           edge_src_targets, edge_dst_targets,
           W1_sim_l, b1_sim, W1_sim_r, W1_ab_l, b1_ab, W1_ab_r,
           W1_tg_l, b1_tg, W1_tg_r,
           W2_sim_l, b2_sim, W2_sim_r, W2_ab_l, b2_ab, W2_ab_r,
           W2_tg_l, b2_tg, W2_tg_r,
           Wt, bt, Wi, bi, Wm, bm):
    f32 = jnp.float32
    ss, ds = edge_src_sim.astype(jnp.int32), edge_dst_sim.astype(jnp.int32)
    sa, da = edge_src_about.astype(jnp.int32), edge_dst_about.astype(jnp.int32)
    st, dt = (edge_src_targets.astype(jnp.int32),
              edge_dst_targets.astype(jnp.int32))

    agg_sim = _agg(x_comment, ss, ds)
    agg_ab = _agg(x_topic, sa, da)
    agg_tg = _agg(x_claim, st, dt)
    cnt_sim = _cnt(ds, ds.shape[0])
    cnt_ab = _cnt(da, da.shape[0])
    cnt_tg = _cnt(dt, dt.shape[0])

    xp = jnp.zeros((NPAD, H), f32).at[:N_C].set(x_comment)
    Wr1 = W1_sim_r + W1_ab_r + W1_tg_r
    b1 = (b1_sim + b1_ab + b1_tg).reshape(1, H)
    c1 = _tc1(agg_sim, cnt_sim, agg_ab, cnt_ab, agg_tg, cnt_tg, xp,
              W1_sim_l, W1_ab_l, W1_tg_l, Wr1, b1)

    agg_sim2 = _agg(c1, ss, ds)

    Wr2 = W2_sim_r + W2_ab_r + W2_tg_r
    b2 = (b2_sim + b2_ab + b2_tg).reshape(1, H)
    Whead = jnp.zeros((H, H), f32).at[:, 0:6].set(Wt).at[:, 6:10].set(Wi)
    bhead = jnp.zeros((1, H), f32).at[0, 0:6].set(bt).at[0, 6:10].set(bi)
    Wmh = jnp.zeros((H, H), f32).at[:, 10:13].set(Wm[:H])
    Wmti = (jnp.zeros((H, H), f32).at[0:6, 10:13].set(Wm[H:H + 6])
            .at[6:10, 10:13].set(Wm[H + 6:H + 10]))
    bmp = jnp.zeros((1, H), f32).at[0, 10:13].set(bm)

    out = _tc2(agg_sim2, cnt_sim, agg_ab, cnt_ab, agg_tg, cnt_tg, c1,
               W2_sim_l, W2_ab_l, W2_tg_l, Wr2, b2,
               Whead, bhead, Wmh, Wmti, bmp)

    return (out[:N_C, 0:6], out[:N_C, 6:10], out[:N_C, 10:13])

# --- scband reference (transcript-rebuilt; emitter-appended) ---
"""Pipeline reference for scband-gnnclassifier-71365176590992 (READ-ONLY COPY).

The authoritative reference and input builder live on the scoring server;
editing this copy changes nothing except your own understanding.
"""

import jax, jax.numpy as jnp
import numpy as np

H = 128
N_C, N_T, N_CL = 10000, 1000, 5000
E_SIM, E_AB, E_TG = 320000, 160000, 160000
N_TGT, N_INT, N_IMPL = 6, 4, 3


def _w(k, din, dout):
    return jax.random.normal(k, (din, dout), dtype=jnp.float32) / np.sqrt(din)


def setup_inputs(seed: int = 0) -> dict:
    key = jax.random.key(seed)
    ks = jax.random.split(key, 32)
    inp = {}
    inp["x_comment"] = jax.random.normal(ks[0], (N_C, H), dtype=jnp.float32)
    inp["x_topic"] = jax.random.normal(ks[1], (N_T, H), dtype=jnp.float32)
    inp["x_claim"] = jax.random.normal(ks[2], (N_CL, H), dtype=jnp.float32)
    inp["edge_src_sim"] = jax.random.randint(ks[3], (E_SIM,), 0, N_C)
    inp["edge_dst_sim"] = jax.random.randint(ks[4], (E_SIM,), 0, N_C)
    inp["edge_src_about"] = jax.random.randint(ks[5], (E_AB,), 0, N_T)
    inp["edge_dst_about"] = jax.random.randint(ks[6], (E_AB,), 0, N_C)
    inp["edge_src_targets"] = jax.random.randint(ks[7], (E_TG,), 0, N_CL)
    inp["edge_dst_targets"] = jax.random.randint(ks[8], (E_TG,), 0, N_C)
    i = 9
    for layer in (1, 2):
        for et in ("sim", "ab", "tg"):
            inp["W%d_%s_l" % (layer, et)] = _w(ks[i], H, H); i += 1
            inp["b%d_%s" % (layer, et)] = jnp.zeros((H,), dtype=jnp.float32)
            inp["W%d_%s_r" % (layer, et)] = _w(ks[i], H, H); i += 1
    inp["Wt"] = _w(ks[i], H, N_TGT); i += 1
    inp["bt"] = jnp.zeros((N_TGT,), dtype=jnp.float32)
    inp["Wi"] = _w(ks[i], H, N_INT); i += 1
    inp["bi"] = jnp.zeros((N_INT,), dtype=jnp.float32)
    inp["Wm"] = _w(ks[i], H + N_TGT + N_INT, N_IMPL); i += 1
    inp["bm"] = jnp.zeros((N_IMPL,), dtype=jnp.float32)
    return inp


def _sage(x_src, x_dst, src, dst, Wl, bl, Wr):
    # PyG SAGEConv: lin_l(mean_{j in N(i)} x_j) + lin_r(x_i); lin_l has bias, lin_r does not
    n_dst = x_dst.shape[0]
    agg = jax.ops.segment_sum(x_src[src], dst, num_segments=n_dst)
    cnt = jax.ops.segment_sum(jnp.ones(src.shape[0], dtype=x_src.dtype), dst, num_segments=n_dst)
    mean = agg / jnp.maximum(cnt, 1.0)[:, None]
    return mean @ Wl + bl + x_dst @ Wr


def reference(x_comment, x_topic, x_claim,
              edge_src_sim, edge_dst_sim, edge_src_about, edge_dst_about,
              edge_src_targets, edge_dst_targets,
              W1_sim_l, b1_sim, W1_sim_r, W1_ab_l, b1_ab, W1_ab_r, W1_tg_l, b1_tg, W1_tg_r,
              W2_sim_l, b2_sim, W2_sim_r, W2_ab_l, b2_ab, W2_ab_r, W2_tg_l, b2_tg, W2_tg_r,
              Wt, bt, Wi, bi, Wm, bm):
    # conv1 (HeteroConv aggr='sum'): all three relations write to 'comment'
    c1 = (_sage(x_comment, x_comment, edge_src_sim, edge_dst_sim, W1_sim_l, b1_sim, W1_sim_r)
          + _sage(x_topic, x_comment, edge_src_about, edge_dst_about, W1_ab_l, b1_ab, W1_ab_r)
          + _sage(x_claim, x_comment, edge_src_targets, edge_dst_targets, W1_tg_l, b1_tg, W1_tg_r))
    # F.relu(F.dropout(..., p=0.3, training=False)) -> dropout is identity in eval
    c1 = jax.nn.relu(c1)
    c2 = (_sage(c1, c1, edge_src_sim, edge_dst_sim, W2_sim_l, b2_sim, W2_sim_r)
          + _sage(x_topic, c1, edge_src_about, edge_dst_about, W2_ab_l, b2_ab, W2_ab_r)
          + _sage(x_claim, c1, edge_src_targets, edge_dst_targets, W2_tg_l, b2_tg, W2_tg_r))
    h = jax.nn.relu(c2)
    target_logits = h @ Wt + bt
    intent_logits = h @ Wi + bi
    target_probs = jax.nn.sigmoid(target_logits)
    intent_probs = jax.nn.softmax(intent_logits, axis=-1)
    impl_logits = jnp.concatenate([h, target_probs, intent_probs], axis=-1) @ Wm + bm
    return (target_logits, intent_logits, impl_logits)

if __name__ == "__main__":
    import jax
    _d = setup_inputs()
    print(jax.jit(kernel)(*tuple(_d.values())))

</pallas_src>

<mosaic_0001>
module attributes {stable_mosaic.version = 14 : i64} {
  func.func @_tc1_body(%arg0: i32, %arg1: memref<512x128xf32, #tpu.memory_space<vmem>>, %arg2: memref<512x1xf32, #tpu.memory_space<vmem>>, %arg3: memref<512x128xf32, #tpu.memory_space<vmem>>, %arg4: memref<512x1xf32, #tpu.memory_space<vmem>>, %arg5: memref<512x128xf32, #tpu.memory_space<vmem>>, %arg6: memref<512x1xf32, #tpu.memory_space<vmem>>, %arg7: memref<512x128xf32, #tpu.memory_space<vmem>>, %arg8: memref<128x128xf32, #tpu.memory_space<vmem>>, %arg9: memref<128x128xf32, #tpu.memory_space<vmem>>, %arg10: memref<128x128xf32, #tpu.memory_space<vmem>>, %arg11: memref<128x128xf32, #tpu.memory_space<vmem>>, %arg12: memref<1x128xf32, #tpu.memory_space<vmem>>, %arg13: memref<512x128xf32, #tpu.memory_space<vmem>>) attributes {dimension_semantics = [#tpu.dimension_semantics<arbitrary>], iteration_bounds = array<i64: 20>, scalar_prefetch = 0 : i64, scratch_operands = 0 : i64, tpu.core_type = #tpu.core_type<tc>, window_params = [{transform_indices = @transform_0, window_bounds = array<i64: 512, 128>}, {transform_indices = @transform_1, window_bounds = array<i64: 512, 1>}, {transform_indices = @transform_2, window_bounds = array<i64: 512, 128>}, {transform_indices = @transform_3, window_bounds = array<i64: 512, 1>}, {transform_indices = @transform_4, window_bounds = array<i64: 512, 128>}, {transform_indices = @transform_5, window_bounds = array<i64: 512, 1>}, {transform_indices = @transform_6, window_bounds = array<i64: 512, 128>}, {pipeline_mode = #tpu.pipeline_mode<synchronous>, transform_indices = @transform_7, window_bounds = array<i64: 128, 128>}, {pipeline_mode = #tpu.pipeline_mode<synchronous>, transform_indices = @transform_8, window_bounds = array<i64: 128, 128>}, {pipeline_mode = #tpu.pipeline_mode<synchronous>, transform_indices = @transform_9, window_bounds = array<i64: 128, 128>}, {pipeline_mode = #tpu.pipeline_mode<synchronous>, transform_indices = @transform_10, window_bounds = array<i64: 128, 128>}, {pipeline_mode = #tpu.pipeline_mode<synchronous>, transform_indices = @transform_11, window_bounds = array<i64: 1, 128>}, {transform_indices = @transform_12, window_bounds = array<i64: 512, 128>}]} {
    %get3A = arith.constant 0 : index
    %get3A_0 = arith.constant 0 : index
    %get3A_1 = vector.load %arg1[%get3A, %get3A_0] : memref<512x128xf32, #tpu.memory_space<vmem>>, vector<512x128xf32>
    %get3A_2 = arith.constant 0 : index
    %get3A_3 = arith.constant 0 : index
    %get3A_4 = vector.load %arg2[%get3A_2, %get3A_3] : memref<512x1xf32, #tpu.memory_space<vmem>>, vector<512x1xf32>
    %max3A = arith.constant 1.000000e+00 : f32
    %max3A_5 = vector.broadcast %max3A : f32 to vector<512x1xf32>
    %max3A_6 = arith.maximumf %get3A_4, %max3A_5 : vector<512x1xf32>
    %div3A = vector.broadcast %max3A_6 : vector<512x1xf32> to vector<512x128xf32>
    %div3A_7 = arith.divf %get3A_1, %div3A : vector<512x128xf32>
    %get3A_8 = arith.constant 0 : index
    %get3A_9 = arith.constant 0 : index
    %get3A_10 = vector.load %arg8[%get3A_8, %get3A_9] : memref<128x128xf32, #tpu.memory_space<vmem>>, vector<128x128xf32>
    %dot_general3A = arith.constant dense<0.000000e+00> : vector<512x128xf32>
    %dot_general3A_11 = tpu.matmul %div3A_7, %get3A_10, %dot_general3A {dimension_numbers = #tpu.dot_dimension_numbers<[1], [0], [0], [1], [0, 0, 1, 1], [], []>, transpose_lhs_hint = false} : vector<512x128xf32>, vector<128x128xf32>, vector<512x128xf32> -> vector<512x128xf32>
    %get3A_12 = arith.constant 0 : index
    %get3A_13 = arith.constant 0 : index
    %get3A_14 = vector.load %arg3[%get3A_12, %get3A_13] : memref<512x128xf32, #tpu.memory_space<vmem>>, vector<512x128xf32>
    %get3A_15 = arith.constant 0 : index
    %get3A_16 = arith.constant 0 : index
    %get3A_17 = vector.load %arg4[%get3A_15, %get3A_16] : memref<512x1xf32, #tpu.memory_space<vmem>>, vector<512x1xf32>
    %max3A_18 = arith.constant 1.000000e+00 : f32
    %max3A_19 = vector.broadcast %max3A_18 : f32 to vector<512x1xf32>
    %max3A_20 = arith.maximumf %get3A_17, %max3A_19 : vector<512x1xf32>
    %div3A_21 = vector.broadcast %max3A_20 : vector<512x1xf32> to vector<512x128xf32>
    %div3A_22 = arith.divf %get3A_14, %div3A_21 : vector<512x128xf32>
    %get3A_23 = arith.constant 0 : index
    %get3A_24 = arith.constant 0 : index
    %get3A_25 = vector.load %arg9[%get3A_23, %get3A_24] : memref<128x128xf32, #tpu.memory_space<vmem>>, vector<128x128xf32>
    %dot_general3A_26 = arith.constant dense<0.000000e+00> : vector<512x128xf32>
    %dot_general3A_27 = tpu.matmul %div3A_22, %get3A_25, %dot_general3A_26 {dimension_numbers = #tpu.dot_dimension_numbers<[1], [0], [0], [1], [0, 0, 1, 1], [], []>, transpose_lhs_hint = false} : vector<512x128xf32>, vector<128x128xf32>, vector<512x128xf32> -> vector<512x128xf32>
    %add3A = arith.addf %dot_general3A_11, %dot_general3A_27 : vector<512x128xf32>
    %get3A_28 = arith.constant 0 : index
    %get3A_29 = arith.constant 0 : index
    %get3A_30 = vector.load %arg5[%get3A_28, %get3A_29] : memref<512x128xf32, #tpu.memory_space<vmem>>, vector<512x128xf32>
    %get3A_31 = arith.constant 0 : index
    %get3A_32 = arith.constant 0 : index
    %get3A_33 = vector.load %arg6[%get3A_31, %get3A_32] : memref<512x1xf32, #tpu.memory_space<vmem>>, vector<512x1xf32>
    %max3A_34 = arith.constant 1.000000e+00 : f32
    %max3A_35 = vector.broadcast %max3A_34 : f32 to vector<512x1xf32>
    %max3A_36 = arith.maximumf %get3A_33, %max3A_35 : vector<512x1xf32>
    %div3A_37 = vector.broadcast %max3A_36 : vector<512x1xf32> to vector<512x128xf32>
    %div3A_38 = arith.divf %get3A_30, %div3A_37 : vector<512x128xf32>
    %get3A_39 = arith.constant 0 : index
    %get3A_40 = arith.constant 0 : index
    %get3A_41 = vector.load %arg10[%get3A_39, %get3A_40] : memref<128x128xf32, #tpu.memory_space<vmem>>, vector<128x128xf32>
    %dot_general3A_42 = arith.constant dense<0.000000e+00> : vector<512x128xf32>
    %dot_general3A_43 = tpu.matmul %div3A_38, %get3A_41, %dot_general3A_42 {dimension_numbers = #tpu.dot_dimension_numbers<[1], [0], [0], [1], [0, 0, 1, 1], [], []>, transpose_lhs_hint = false} : vector<512x128xf32>, vector<128x128xf32>, vector<512x128xf32> -> vector<512x128xf32>
    %add3A_44 = arith.addf %add3A, %dot_general3A_43 : vector<512x128xf32>
    %get3A_45 = arith.constant 0 : index
    %get3A_46 = arith.constant 0 : index
    %get3A_47 = vector.load %arg7[%get3A_45, %get3A_46] : memref<512x128xf32, #tpu.memory_space<vmem>>, vector<512x128xf32>
    %get3A_48 = arith.constant 0 : index
    %get3A_49 = arith.constant 0 : index
    %get3A_50 = vector.load %arg11[%get3A_48, %get3A_49] : memref<128x128xf32, #tpu.memory_space<vmem>>, vector<128x128xf32>
    %dot_general3A_51 = arith.constant dense<0.000000e+00> : vector<512x128xf32>
    %dot_general3A_52 = tpu.matmul %get3A_47, %get3A_50, %dot_general3A_51 {dimension_numbers = #tpu.dot_dimension_numbers<[1], [0], [0], [1], [0, 0, 1, 1], [], []>, transpose_lhs_hint = false} : vector<512x128xf32>, vector<128x128xf32>, vector<512x128xf32> -> vector<512x128xf32>
    %add3A_53 = arith.addf %add3A_44, %dot_general3A_52 : vector<512x128xf32>
    %get3A_54 = arith.constant 0 : index
    %get3A_55 = arith.constant 0 : index
    %get3A_56 = vector.load %arg12[%get3A_54, %get3A_55] : memref<1x128xf32, #tpu.memory_space<vmem>>, vector<1x128xf32>
    %add3A_57 = vector.broadcast %get3A_56 : vector<1x128xf32> to vector<512x128xf32>
    %add3A_58 = arith.addf %add3A_53, %add3A_57 : vector<512x128xf32>
    %max3A_59 = arith.constant 0.000000e+00 : f32
    %max3A_60 = vector.broadcast %max3A_59 : f32 to vector<512x128xf32>
    %max3A_61 = arith.maximumf %add3A_58, %max3A_60 : vector<512x128xf32>
    %swap3A = arith.constant 0 : index
    %swap3A_62 = arith.constant 0 : index
    %swap3A_63 = vector.load %arg13[%swap3A, %swap3A_62] : memref<512x128xf32, #tpu.memory_space<vmem>>, vector<512x128xf32>
    tpu.vector_store %arg13[%swap3A, %swap3A_62], %max3A_61 {strides = array<i32>} : memref<512x128xf32, #tpu.memory_space<vmem>>, vector<512x128xf32>,
    return
  }
  func.func @transform_0(%arg0: i32) -> (i32, i32) {
    %c0_i32 = arith.constant 0 : i32
    %c0_i32_0 = arith.constant 0 : i32
    return %arg0, %c0_i32 : i32, i32
  }
  func.func @transform_1(%arg0: i32) -> (i32, i32) {
    %c0_i32 = arith.constant 0 : i32
    %c0_i32_0 = arith.constant 0 : i32
    return %arg0, %c0_i32 : i32, i32
  }
  func.func @transform_2(%arg0: i32) -> (i32, i32) {
    %c0_i32 = arith.constant 0 : i32
    %c0_i32_0 = arith.constant 0 : i32
    return %arg0, %c0_i32 : i32, i32
  }
  func.func @transform_3(%arg0: i32) -> (i32, i32) {
    %c0_i32 = arith.constant 0 : i32
    %c0_i32_0 = arith.constant 0 : i32
    return %arg0, %c0_i32 : i32, i32
  }
  func.func @transform_4(%arg0: i32) -> (i32, i32) {
    %c0_i32 = arith.constant 0 : i32
    %c0_i32_0 = arith.constant 0 : i32
    return %arg0, %c0_i32 : i32, i32
  }
  func.func @transform_5(%arg0: i32) -> (i32, i32) {
    %c0_i32 = arith.constant 0 : i32
    %c0_i32_0 = arith.constant 0 : i32
    return %arg0, %c0_i32 : i32, i32
  }
  func.func @transform_6(%arg0: i32) -> (i32, i32) {
    %c0_i32 = arith.constant 0 : i32
    %c0_i32_0 = arith.constant 0 : i32
    return %arg0, %c0_i32 : i32, i32
  }
  func.func @transform_7(%arg0: i32) -> (i32, i32) {
    %c0_i32 = arith.constant 0 : i32
    %c0_i32_0 = arith.constant 0 : i32
    %c0_i32_1 = arith.constant 0 : i32
    return %c0_i32, %c0_i32_0 : i32, i32
  }
  func.func @transform_8(%arg0: i32) -> (i32, i32) {
    %c0_i32 = arith.constant 0 : i32
    %c0_i32_0 = arith.constant 0 : i32
    %c0_i32_1 = arith.constant 0 : i32
    return %c0_i32, %c0_i32_0 : i32, i32
  }
  func.func @transform_9(%arg0: i32) -> (i32, i32) {
    %c0_i32 = arith.constant 0 : i32
    %c0_i32_0 = arith.constant 0 : i32
    %c0_i32_1 = arith.constant 0 : i32
    return %c0_i32, %c0_i32_0 : i32, i32
  }
  func.func @transform_10(%arg0: i32) -> (i32, i32) {
    %c0_i32 = arith.constant 0 : i32
    %c0_i32_0 = arith.constant 0 : i32
    %c0_i32_1 = arith.constant 0 : i32
    return %c0_i32, %c0_i32_0 : i32, i32
  }
  func.func @transform_11(%arg0: i32) -> (i32, i32) {
    %c0_i32 = arith.constant 0 : i32
    %c0_i32_0 = arith.constant 0 : i32
    %c0_i32_1 = arith.constant 0 : i32
    return %c0_i32, %c0_i32_0 : i32, i32
  }
  func.func @transform_12(%arg0: i32) -> (i32, i32) {
    %c0_i32 = arith.constant 0 : i32
    %c0_i32_0 = arith.constant 0 : i32
    return %arg0, %c0_i32 : i32, i32
  }
}

module attributes {stable_mosaic.version = 14 : i64} {
  func.func @_tc2_body(%arg0: i32, %arg1: memref<512x128xf32, #tpu.memory_space<vmem>>, %arg2: memref<512x1xf32, #tpu.memory_space<vmem>>, %arg3: memref<512x128xf32, #tpu.memory_space<vmem>>, %arg4: memref<512x1xf32, #tpu.memory_space<vmem>>, %arg5: memref<512x128xf32, #tpu.memory_space<vmem>>, %arg6: memref<512x1xf32, #tpu.memory_space<vmem>>, %arg7: memref<512x128xf32, #tpu.memory_space<vmem>>, %arg8: memref<128x128xf32, #tpu.memory_space<vmem>>, %arg9: memref<128x128xf32, #tpu.memory_space<vmem>>, %arg10: memref<128x128xf32, #tpu.memory_space<vmem>>, %arg11: memref<128x128xf32, #tpu.memory_space<vmem>>, %arg12: memref<1x128xf32, #tpu.memory_space<vmem>>, %arg13: memref<128x128xf32, #tpu.memory_space<vmem>>, %arg14: memref<1x128xf32, #tpu.memory_space<vmem>>, %arg15: memref<128x128xf32, #tpu.memory_space<vmem>>, %arg16: memref<128x128xf32, #tpu.memory_space<vmem>>, %arg17: memref<1x128xf32, #tpu.memory_space<vmem>>, %arg18: memref<512x128xf32, #tpu.memory_space<vmem>>) attributes {dimension_semantics = [#tpu.dimension_semantics<arbitrary>], iteration_bounds = array<i64: 20>, scalar_prefetch = 0 : i64, scratch_operands = 0 : i64, tpu.core_type = #tpu.core_type<tc>, window_params = [{transform_indices = @transform_0, window_bounds = array<i64: 512, 128>}, {transform_indices = @transform_1, window_bounds = array<i64: 512, 1>}, {transform_indices = @transform_2, window_bounds = array<i64: 512, 128>}, {transform_indices = @transform_3, window_bounds = array<i64: 512, 1>}, {transform_indices = @transform_4, window_bounds = array<i64: 512, 128>}, {transform_indices = @transform_5, window_bounds = array<i64: 512, 1>}, {transform_indices = @transform_6, window_bounds = array<i64: 512, 128>}, {pipeline_mode = #tpu.pipeline_mode<synchronous>, transform_indices = @transform_7, window_bounds = array<i64: 128, 128>}, {pipeline_mode = #tpu.pipeline_mode<synchronous>, transform_indices = @transform_8, window_bounds = array<i64: 128, 128>}, {pipeline_mode = #tpu.pipeline_mode<synchronous>, transform_indices = @transform_9, window_bounds = array<i64: 128, 128>}, {pipeline_mode = #tpu.pipeline_mode<synchronous>, transform_indices = @transform_10, window_bounds = array<i64: 128, 128>}, {pipeline_mode = #tpu.pipeline_mode<synchronous>, transform_indices = @transform_11, window_bounds = array<i64: 1, 128>}, {pipeline_mode = #tpu.pipeline_mode<synchronous>, transform_indices = @transform_12, window_bounds = array<i64: 128, 128>}, {pipeline_mode = #tpu.pipeline_mode<synchronous>, transform_indices = @transform_13, window_bounds = array<i64: 1, 128>}, {pipeline_mode = #tpu.pipeline_mode<synchronous>, transform_indices = @transform_14, window_bounds = array<i64: 128, 128>}, {pipeline_mode = #tpu.pipeline_mode<synchronous>, transform_indices = @transform_15, window_bounds = array<i64: 128, 128>}, {pipeline_mode = #tpu.pipeline_mode<synchronous>, transform_indices = @transform_16, window_bounds = array<i64: 1, 128>}, {transform_indices = @transform_17, window_bounds = array<i64: 512, 128>}]} {
    %get3A = arith.constant 0 : index
    %get3A_0 = arith.constant 0 : index
    %get3A_1 = vector.load %arg1[%get3A, %get3A_0] : memref<512x128xf32, #tpu.memory_space<vmem>>, vector<512x128xf32>
    %get3A_2 = arith.constant 0 : index
    %get3A_3 = arith.constant 0 : index
    %get3A_4 = vector.load %arg2[%get3A_2, %get3A_3] : memref<512x1xf32, #tpu.memory_space<vmem>>, vector<512x1xf32>
    %max3A = arith.constant 1.000000e+00 : f32
    %max3A_5 = vector.broadcast %max3A : f32 to vector<512x1xf32>
    %max3A_6 = arith.maximumf %get3A_4, %max3A_5 : vector<512x1xf32>
    %div3A = vector.broadcast %max3A_6 : vector<512x1xf32> to vector<512x128xf32>
    %div3A_7 = arith.divf %get3A_1, %div3A : vector<512x128xf32>
    %get3A_8 = arith.constant 0 : index
    %get3A_9 = arith.constant 0 : index
    %get3A_10 = vector.load %arg8[%get3A_8, %get3A_9] : memref<128x128xf32, #tpu.memory_space<vmem>>, vector<128x128xf32>
    %dot_general3A = arith.constant dense<0.000000e+00> : vector<512x128xf32>
    %dot_general3A_11 = tpu.matmul %div3A_7, %get3A_10, %dot_general3A {dimension_numbers = #tpu.dot_dimension_numbers<[1], [0], [0], [1], [0, 0, 1, 1], [], []>, transpose_lhs_hint = false} : vector<512x128xf32>, vector<128x128xf32>, vector<512x128xf32> -> vector<512x128xf32>
    %get3A_12 = arith.constant 0 : index
    %get3A_13 = arith.constant 0 : index
    %get3A_14 = vector.load %arg3[%get3A_12, %get3A_13] : memref<512x128xf32, #tpu.memory_space<vmem>>, vector<512x128xf32>
    %get3A_15 = arith.constant 0 : index
    %get3A_16 = arith.constant 0 : index
    %get3A_17 = vector.load %arg4[%get3A_15, %get3A_16] : memref<512x1xf32, #tpu.memory_space<vmem>>, vector<512x1xf32>
    %max3A_18 = arith.constant 1.000000e+00 : f32
    %max3A_19 = vector.broadcast %max3A_18 : f32 to vector<512x1xf32>
    %max3A_20 = arith.maximumf %get3A_17, %max3A_19 : vector<512x1xf32>
    %div3A_21 = vector.broadcast %max3A_20 : vector<512x1xf32> to vector<512x128xf32>
    %div3A_22 = arith.divf %get3A_14, %div3A_21 : vector<512x128xf32>
    %get3A_23 = arith.constant 0 : index
    %get3A_24 = arith.constant 0 : index
    %get3A_25 = vector.load %arg9[%get3A_23, %get3A_24] : memref<128x128xf32, #tpu.memory_space<vmem>>, vector<128x128xf32>
    %dot_general3A_26 = arith.constant dense<0.000000e+00> : vector<512x128xf32>
    %dot_general3A_27 = tpu.matmul %div3A_22, %get3A_25, %dot_general3A_26 {dimension_numbers = #tpu.dot_dimension_numbers<[1], [0], [0], [1], [0, 0, 1, 1], [], []>, transpose_lhs_hint = false} : vector<512x128xf32>, vector<128x128xf32>, vector<512x128xf32> -> vector<512x128xf32>
    %add3A = arith.addf %dot_general3A_11, %dot_general3A_27 : vector<512x128xf32>
    %get3A_28 = arith.constant 0 : index
    %get3A_29 = arith.constant 0 : index
    %get3A_30 = vector.load %arg5[%get3A_28, %get3A_29] : memref<512x128xf32, #tpu.memory_space<vmem>>, vector<512x128xf32>
    %get3A_31 = arith.constant 0 : index
    %get3A_32 = arith.constant 0 : index
    %get3A_33 = vector.load %arg6[%get3A_31, %get3A_32] : memref<512x1xf32, #tpu.memory_space<vmem>>, vector<512x1xf32>
    %max3A_34 = arith.constant 1.000000e+00 : f32
    %max3A_35 = vector.broadcast %max3A_34 : f32 to vector<512x1xf32>
    %max3A_36 = arith.maximumf %get3A_33, %max3A_35 : vector<512x1xf32>
    %div3A_37 = vector.broadcast %max3A_36 : vector<512x1xf32> to vector<512x128xf32>
    %div3A_38 = arith.divf %get3A_30, %div3A_37 : vector<512x128xf32>
    %get3A_39 = arith.constant 0 : index
    %get3A_40 = arith.constant 0 : index
    %get3A_41 = vector.load %arg10[%get3A_39, %get3A_40] : memref<128x128xf32, #tpu.memory_space<vmem>>, vector<128x128xf32>
    %dot_general3A_42 = arith.constant dense<0.000000e+00> : vector<512x128xf32>
    %dot_general3A_43 = tpu.matmul %div3A_38, %get3A_41, %dot_general3A_42 {dimension_numbers = #tpu.dot_dimension_numbers<[1], [0], [0], [1], [0, 0, 1, 1], [], []>, transpose_lhs_hint = false} : vector<512x128xf32>, vector<128x128xf32>, vector<512x128xf32> -> vector<512x128xf32>
    %add3A_44 = arith.addf %add3A, %dot_general3A_43 : vector<512x128xf32>
    %get3A_45 = arith.constant 0 : index
    %get3A_46 = arith.constant 0 : index
    %get3A_47 = vector.load %arg7[%get3A_45, %get3A_46] : memref<512x128xf32, #tpu.memory_space<vmem>>, vector<512x128xf32>
    %get3A_48 = arith.constant 0 : index
    %get3A_49 = arith.constant 0 : index
    %get3A_50 = vector.load %arg11[%get3A_48, %get3A_49] : memref<128x128xf32, #tpu.memory_space<vmem>>, vector<128x128xf32>
    %dot_general3A_51 = arith.constant dense<0.000000e+00> : vector<512x128xf32>
    %dot_general3A_52 = tpu.matmul %get3A_47, %get3A_50, %dot_general3A_51 {dimension_numbers = #tpu.dot_dimension_numbers<[1], [0], [0], [1], [0, 0, 1, 1], [], []>, transpose_lhs_hint = false} : vector<512x128xf32>, vector<128x128xf32>, vector<512x128xf32> -> vector<512x128xf32>
    %add3A_53 = arith.addf %add3A_44, %dot_general3A_52 : vector<512x128xf32>
    %get3A_54 = arith.constant 0 : index
    %get3A_55 = arith.constant 0 : index
    %get3A_56 = vector.load %arg12[%get3A_54, %get3A_55] : memref<1x128xf32, #tpu.memory_space<vmem>>, vector<1x128xf32>
    %add3A_57 = vector.broadcast %get3A_56 : vector<1x128xf32> to vector<512x128xf32>
    %add3A_58 = arith.addf %add3A_53, %add3A_57 : vector<512x128xf32>
    %max3A_59 = arith.constant 0.000000e+00 : f32
    %max3A_60 = vector.broadcast %max3A_59 : f32 to vector<512x128xf32>
    %max3A_61 = arith.maximumf %add3A_58, %max3A_60 : vector<512x128xf32>
    %get3A_62 = arith.constant 0 : index
    %get3A_63 = arith.constant 0 : index
    %get3A_64 = vector.load %arg13[%get3A_62, %get3A_63] : memref<128x128xf32, #tpu.memory_space<vmem>>, vector<128x128xf32>
    %dot_general3A_65 = arith.constant dense<0.000000e+00> : vector<512x128xf32>
    %dot_general3A_66 = tpu.matmul %max3A_61, %get3A_64, %dot_general3A_65 {dimension_numbers = #tpu.dot_dimension_numbers<[1], [0], [0], [1], [0, 0, 1, 1], [], []>, transpose_lhs_hint = false} : vector<512x128xf32>, vector<128x128xf32>, vector<512x128xf32> -> vector<512x128xf32>
    %get3A_67 = arith.constant 0 : index
    %get3A_68 = arith.constant 0 : index
    %get3A_69 = vector.load %arg14[%get3A_67, %get3A_68] : memref<1x128xf32, #tpu.memory_space<vmem>>, vector<1x128xf32>
    %add3A_70 = vector.broadcast %get3A_69 : vector<1x128xf32> to vector<512x128xf32>
    %add3A_71 = arith.addf %dot_general3A_66, %add3A_70 : vector<512x128xf32>
    %iota3A = tpu.iota {dimensions = array<i32: 1>} : vector<512x128xi32>
    %lt3A = arith.constant 6 : i32
    %lt3A_72 = vector.broadcast %lt3A : i32 to vector<512x128xi32>
    %lt3A_73 = arith.cmpi slt, %iota3A, %lt3A_72 : vector<512x128xi32>
    %ge3A = arith.constant 6 : i32
    %ge3A_74 = vector.broadcast %ge3A : i32 to vector<512x128xi32>
    %ge3A_75 = arith.cmpi sge, %iota3A, %ge3A_74 : vector<512x128xi32>
    %lt3A_76 = arith.constant 10 : i32
    %lt3A_77 = vector.broadcast %lt3A_76 : i32 to vector<512x128xi32>
    %lt3A_78 = arith.cmpi slt, %iota3A, %lt3A_77 : vector<512x128xi32>
    %and3A = arith.andi %ge3A_75, %lt3A_78 : vector<512x128xi1>
    %logistic3A = arith.negf %add3A_71 : vector<512x128xf32>
    %logistic3A_79 = math.exp %logistic3A : vector<512x128xf32>
    %logistic3A_80 = arith.constant 1.000000e+00 : f32
    %logistic3A_81 = vector.broadcast %logistic3A_80 : f32 to vector<512x128xf32>
    %logistic3A_82 = arith.addf %logistic3A_81, %logistic3A_79 : vector<512x128xf32>
    %logistic3A_83 = arith.divf %logistic3A_81, %logistic3A_82 : vector<512x128xf32>
    %jit3A = arith.constant 0.000000e+00 : f32
    %broadcast_in_dim3A = vector.broadcast %jit3A : f32 to vector<512x128xf32>
    %select_n3A = arith.select %lt3A_73, %logistic3A_83, %broadcast_in_dim3A : vector<512x128xi1>, vector<512x128xf32>
    %jit3A_84 = arith.constant -1.000000e+30 : f32
    %broadcast_in_dim3A_85 = vector.broadcast %jit3A_84 : f32 to vector<512x128xf32>
    %select_n3A_86 = arith.select %and3A, %add3A_71, %broadcast_in_dim3A_85 : vector<512x128xi1>, vector<512x128xf32>
    %reduce_max3A = arith.constant dense<0xFF800000> : vector<512xf32>
    %reduce_max3A_87 = vector.multi_reduction <maximumf>, %select_n3A_86, %reduce_max3A [1] : vector<512x128xf32> to vector<512xf32>
    %broadcast_in_dim3A_88 = vector.shape_cast %reduce_max3A_87 : vector<512xf32> to vector<512x1xf32>
    %sub3A = vector.broadcast %broadcast_in_dim3A_88 : vector<512x1xf32> to vector<512x128xf32>
    %sub3A_89 = arith.subf %select_n3A_86, %sub3A : vector<512x128xf32>
    %exp3A = math.exp %sub3A_89 : vector<512x128xf32>
    %jit3A_90 = arith.constant 0.000000e+00 : f32
    %broadcast_in_dim3A_91 = vector.broadcast %jit3A_90 : f32 to vector<512x128xf32>
    %select_n3A_92 = arith.select %and3A, %exp3A, %broadcast_in_dim3A_91 : vector<512x128xi1>, vector<512x128xf32>
    %reduce_sum3A = arith.constant dense<0.000000e+00> : vector<512xf32>
    %reduce_sum3A_93 = vector.multi_reduction <add>, %select_n3A_92, %reduce_sum3A [1] : vector<512x128xf32> to vector<512xf32>
    %broadcast_in_dim3A_94 = vector.shape_cast %reduce_sum3A_93 : vector<512xf32> to vector<512x1xf32>
    %div3A_95 = vector.broadcast %broadcast_in_dim3A_94 : vector<512x1xf32> to vector<512x128xf32>
    %div3A_96 = arith.divf %select_n3A_92, %div3A_95 : vector<512x128xf32>
    %get3A_97 = arith.constant 0 : index
    %get3A_98 = arith.constant 0 : index
    %get3A_99 = vector.load %arg15[%get3A_97, %get3A_98] : memref<128x128xf32, #tpu.memory_space<vmem>>, vector<128x128xf32>
    %dot_general3A_100 = arith.constant dense<0.000000e+00> : vector<512x128xf32>
    %dot_general3A_101 = tpu.matmul %max3A_61, %get3A_99, %dot_general3A_100 {dimension_numbers = #tpu.dot_dimension_numbers<[1], [0], [0], [1], [0, 0, 1, 1], [], []>, transpose_lhs_hint = false} : vector<512x128xf32>, vector<128x128xf32>, vector<512x128xf32> -> vector<512x128xf32>
    %add3A_102 = arith.addf %select_n3A, %div3A_96 : vector<512x128xf32>
    %get3A_103 = arith.constant 0 : index
    %get3A_104 = arith.constant 0 : index
    %get3A_105 = vector.load %arg16[%get3A_103, %get3A_104] : memref<128x128xf32, #tpu.memory_space<vmem>>, vector<128x128xf32>
    %dot_general3A_106 = arith.constant dense<0.000000e+00> : vector<512x128xf32>
    %dot_general3A_107 = tpu.matmul %add3A_102, %get3A_105, %dot_general3A_106 {dimension_numbers = #tpu.dot_dimension_numbers<[1], [0], [0], [1], [0, 0, 1, 1], [], []>, transpose_lhs_hint = false} : vector<512x128xf32>, vector<128x128xf32>, vector<512x128xf32> -> vector<512x128xf32>
    %add3A_108 = arith.addf %dot_general3A_101, %dot_general3A_107 : vector<512x128xf32>
    %get3A_109 = arith.constant 0 : index
    %get3A_110 = arith.constant 0 : index
    %get3A_111 = vector.load %arg17[%get3A_109, %get3A_110] : memref<1x128xf32, #tpu.memory_space<vmem>>, vector<1x128xf32>
    %add3A_112 = vector.broadcast %get3A_111 : vector<1x128xf32> to vector<512x128xf32>
    %add3A_113 = arith.addf %add3A_108, %add3A_112 : vector<512x128xf32>
    %lt3A_114 = arith.constant 10 : i32
    %lt3A_115 = vector.broadcast %lt3A_114 : i32 to vector<512x128xi32>
    %lt3A_116 = arith.cmpi slt, %iota3A, %lt3A_115 : vector<512x128xi32>
    %jit3A_117 = arith.constant 0.000000e+00 : f32
    %broadcast_in_dim3A_118 = vector.broadcast %jit3A_117 : f32 to vector<512x128xf32>
    %select_n3A_119 = arith.select %lt3A_116, %add3A_71, %broadcast_in_dim3A_118 : vector<512x128xi1>, vector<512x128xf32>
    %add3A_120 = arith.addf %select_n3A_119, %add3A_113 : vector<512x128xf32>
    %swap3A = arith.constant 0 : index
    %swap3A_121 = arith.constant 0 : index
    %swap3A_122 = vector.load %arg18[%swap3A, %swap3A_121] : memref<512x128xf32, #tpu.memory_space<vmem>>, vector<512x128xf32>
    tpu.vector_store %arg18[%swap3A, %swap3A_121], %add3A_120 {strides = array<i32>} : memref<512x128xf32, #tpu.memory_space<vmem>>, vector<512x128xf32>,
    return
  }
  func.func @transform_0(%arg0: i32) -> (i32, i32) {
    %c0_i32 = arith.constant 0 : i32
    %c0_i32_0 = arith.constant 0 : i32
    return %arg0, %c0_i32 : i32, i32
  }
  func.func @transform_1(%arg0: i32) -> (i32, i32) {
    %c0_i32 = arith.constant 0 : i32
    %c0_i32_0 = arith.constant 0 : i32
    return %arg0, %c0_i32 : i32, i32
  }
  func.func @transform_2(%arg0: i32) -> (i32, i32) {
    %c0_i32 = arith.constant 0 : i32
    %c0_i32_0 = arith.constant 0 : i32
    return %arg0, %c0_i32 : i32, i32
  }
  func.func @transform_3(%arg0: i32) -> (i32, i32) {
    %c0_i32 = arith.constant 0 : i32
    %c0_i32_0 = arith.constant 0 : i32
    return %arg0, %c0_i32 : i32, i32
  }
  func.func @transform_4(%arg0: i32) -> (i32, i32) {
    %c0_i32 = arith.constant 0 : i32
    %c0_i32_0 = arith.constant 0 : i32
    return %arg0, %c0_i32 : i32, i32
  }
  func.func @transform_5(%arg0: i32) -> (i32, i32) {
    %c0_i32 = arith.constant 0 : i32
    %c0_i32_0 = arith.constant 0 : i32
    return %arg0, %c0_i32 : i32, i32
  }
  func.func @transform_6(%arg0: i32) -> (i32, i32) {
    %c0_i32 = arith.constant 0 : i32
    %c0_i32_0 = arith.constant 0 : i32
    return %arg0, %c0_i32 : i32, i32
  }
  func.func @transform_7(%arg0: i32) -> (i32, i32) {
    %c0_i32 = arith.constant 0 : i32
    %c0_i32_0 = arith.constant 0 : i32
    %c0_i32_1 = arith.constant 0 : i32
    return %c0_i32, %c0_i32_0 : i32, i32
  }
  func.func @transform_8(%arg0: i32) -> (i32, i32) {
    %c0_i32 = arith.constant 0 : i32
    %c0_i32_0 = arith.constant 0 : i32
    %c0_i32_1 = arith.constant 0 : i32
    return %c0_i32, %c0_i32_0 : i32, i32
  }
  func.func @transform_9(%arg0: i32) -> (i32, i32) {
    %c0_i32 = arith.constant 0 : i32
    %c0_i32_0 = arith.constant 0 : i32
    %c0_i32_1 = arith.constant 0 : i32
    return %c0_i32, %c0_i32_0 : i32, i32
  }
  func.func @transform_10(%arg0: i32) -> (i32, i32) {
    %c0_i32 = arith.constant 0 : i32
    %c0_i32_0 = arith.constant 0 : i32
    %c0_i32_1 = arith.constant 0 : i32
    return %c0_i32, %c0_i32_0 : i32, i32
  }
  func.func @transform_11(%arg0: i32) -> (i32, i32) {
    %c0_i32 = arith.constant 0 : i32
    %c0_i32_0 = arith.constant 0 : i32
    %c0_i32_1 = arith.constant 0 : i32
    return %c0_i32, %c0_i32_0 : i32, i32
  }
  func.func @transform_12(%arg0: i32) -> (i32, i32) {
    %c0_i32 = arith.constant 0 : i32
    %c0_i32_0 = arith.constant 0 : i32
    %c0_i32_1 = arith.constant 0 : i32
    return %c0_i32, %c0_i32_0 : i32, i32
  }
  func.func @transform_13(%arg0: i32) -> (i32, i32) {
    %c0_i32 = arith.constant 0 : i32
    %c0_i32_0 = arith.constant 0 : i32
    %c0_i32_1 = arith.constant 0 : i32
    return %c0_i32, %c0_i32_0 : i32, i32
  }
  func.func @transform_14(%arg0: i32) -> (i32, i32) {
    %c0_i32 = arith.constant 0 : i32
    %c0_i32_0 = arith.constant 0 : i32
    %c0_i32_1 = arith.constant 0 : i32
    return %c0_i32, %c0_i32_0 : i32, i32
  }
  func.func @transform_15(%arg0: i32) -> (i32, i32) {
    %c0_i32 = arith.constant 0 : i32
    %c0_i32_0 = arith.constant 0 : i32
    %c0_i32_1 = arith.constant 0 : i32
    return %c0_i32, %c0_i32_0 : i32, i32
  }
  func.func @transform_16(%arg0: i32) -> (i32, i32) {
    %c0_i32 = arith.constant 0 : i32
    %c0_i32_0 = arith.constant 0 : i32
    %c0_i32_1 = arith.constant 0 : i32
    return %c0_i32, %c0_i32_0 : i32, i32
  }
  func.func @transform_17(%arg0: i32) -> (i32, i32) {
    %c0_i32 = arith.constant 0 : i32
    %c0_i32_0 = arith.constant 0 : i32
    return %arg0, %c0_i32 : i32, i32
  }
}

</mosaic_0001>

<sc_bundles>
// kernel: scatter_offload_async_start.1
scs
__scs_entry_jumppad:
0x0: {  	(pc) =	sbr.rel $0x88, $3  }
0x1: {  	(tag) =	ssettag $0x0;
	lr =	simm.s32 $0x1  }
0x2: {  	[smem:$0x3F80] =	sst lr;
	_ =	strace $0xD0000000  }
0x3: {  	_ = 	snop  }
0x4: {  	_ = 	snop  }
0x5: {  	_ = 	snop  }
0x6: {  	_ = 	snop  }
0x7: {  	_ = 	snop  }
__scs_overlays_trampoline_lowered:
0x8: {  	[smem:$0x3F8F] =	sst s0  }
0x9: {  	[smem:$0x3F90] =	sst s1  }
0xa: {  	[smem:$0x3F91] =	sst s2  }
0xb: {  	[smem:$0x3F92] =	sst s3  }
0xc: {  	[smem:$0x3F93] =	sst s4  }
0xd: {  	[smem:$0x3F94] =	sst s5  }
0xe: {  	[smem:$0x3F95] =	sst s6  }
0xf: {  	[smem:$0x3F96] =	sst s7  }
0x10: {  	[smem:$0x3F97] =	sst s8  }
0x11: {  	[smem:$0x3F98] =	sst s9;
	s0 =	simm.s32 @!p0 $0x0  }
0x12: {  	s1 =	sld [smem:$0x3F7E];
	s0 =	simm.s32 @p0 $0x1  }
0x13: {  	[smem:$0x3F99] =	sst s0;
	s0 =	simm.s32 @!p1 $0x0  }
0x14: {  	s2 =	sld [smem:$0x3F7D];
	s0 =	simm.s32 @p1 $0x1  }
0x15: {  	[smem:$0x3F9A] =	sst s0;
	s0 =	simm.s32 @!p2 $0x0  }
0x16: {  	s3 =	sld [smem:$0x3FDB];
	s0 =	simm.s32 @p2 $0x1  }
0x17: {  	s4 =	simm.s32 $0x1BF5;
	[smem:$0x3F9C] =	sst s0  }
0x18: {  	s0 =	sld [smem:$0x3F7F];
	_ =	swait.ge [sflag:s4], $0x0  }
0x19: {  	s7 =	sld [smem:$0x3F80]  }
0x1a: {  	s8 =	sadd.s32 $0xFFFFE003, lr  }
0x1b: {  	s9 =	sadd.s32 $0xFFFFFEF7, lr;
	s5 =	simm.s32 $0xFFFFFFFF;
	p2 =	slt.u32 s8, $0xFFFFF086  }
0x1c: {  	p1 =	slt.u32 s9, $0xF7A;
	s5 =	simm.s32 @!p2 $0x0  }
0x1d: {  	s5 =	simm.s32 @p1 $0x1;
	p0 =	seq.s32 s7, s2  }
0x1e: {  	s7 =	smul.u32 @!p0 $0xF7A, s2;
	p2 =	seq.s32 @!p0 s5, $0x0  }
0x1f: {  	s9 =	smul.u32 $0xF7A, s1;
	s8 =	simm.s32 @!p0 $0x1BF5;
	p2 =	por !p2, p0  }
0x20: {  	[sflag:s8] =	ssyncset.s32 @!p0 $0xFFFFF086;
	s6 =	sadd.s32 @!p0 s3, s7;
	s7 =	simm.s32 @!p0 $0x108  }
0x21: {  	s3 =	sadd.s32 s3, s9;
	s6 =	sadd.s32 @!p0 $0x88, s6;
	s7 =	simm.s32 @p2 $0x1082  }
0x22: {  	[simem:s7], [sflag:s8] =	dma.local @!p0 [hbm:s6], $0xF7A  }
0x23: {  	s9 =	sor.u32 $0xD0000000, s2;
	s6 =	simm.s32 $0x108;
	_ =	swait.ge @!p0 [sflag:s8], $0x0  }
0x24: {  	s3 =	sadd.s32 $0x88, s3;
	s6 =	simm.s32 @!p1 $0x1082;
	[sflag:s4] =	ssyncset.s32 $0xFFFFF086  }
0x25: {  	[simem:s6], [sflag:s4] =	dma.local [hbm:s3], $0xF7A  }
0x26: {  	[smem:$0x3F80] =	sst s1;
	(tag) =	ssettag s2;
	_ =	strace s9  }
0x27: {  	s1 =	sld [smem:$0x3F90]  }
0x28: {  	s2 =	sld [smem:$0x3F91]  }
0x29: {  	s4 =	sld [smem:$0x3F93]  }
0x2a: {  	p0 =	seq.s32 s5, $0x0;
	s5 =	sld [smem:$0x3F94]  }
0x2b: {  	s6 =	sld [smem:$0x3F95]  }
0x2c: {  	s7 =	sld [smem:$0x3F96]  }
0x2d: {  	s3 =	simm.s32 $0x108;
	s8 =	sld [smem:$0x3F97]  }
0x2e: {  	s3 =	simm.s32 @!p0 $0x1082;
	s9 =	sld [smem:$0x3F98]  }
0x2f: {  	lr =	sadd.s32 s0, s3;
	s0 =	sld [smem:$0x3F8F]  }
0x30: {  	s3 =	sld [smem:$0x3F92]  }
0x31: {  	[smem:$0x3F9B] =	sst s10  }
0x32: {  	s10 =	sld [smem:$0x3F99];
	_ =	sdelay $0x3  }
0x33: {  	p0 =	seq.s32 s10, $0x1;
	s10 =	sld [smem:$0x3F9B];
	_ =	sdelay $0x3  }
0x34: {  	[smem:$0x3F9B] =	sst s10  }
0x35: {  	s10 =	sld [smem:$0x3F9A];
	_ =	sdelay $0x3  }
0x36: {  	p1 =	seq.s32 s10, $0x1;
	s10 =	sld [smem:$0x3F9B];
	_ =	sdelay $0x3  }
0x37: {  	[smem:$0x3F9B] =	sst s10  }
0x38: {  	s10 =	sld [smem:$0x3F9C]  }
0x39: {  	_ = 	snop;
	(pc) =	sbr.ind lr, $3  }
0x3a: {  	_ = 	snop  }
0x3b: {  	_ = 	snop  }
0x3c: {  	p2 =	seq.s32 s10, $0x1;
	s10 =	sld [smem:$0x3F9B]  }
0x3d: {  	_ =	shalt  }
0x3e: {  	_ =	shalt  }
0x3f: {  	_ =	shalt  }
0x40: {  	_ =	shalt  }
0x41: {  	_ =	shalt  }
0x42: {  	_ =	shalt  }
0x43: {  	_ =	shalt  }
0x44: {  	_ =	shalt  }
0x45: {  	_ =	shalt  }
0x46: {  	_ =	shalt  }
0x47: {  	_ =	shalt  }
0x48: {  	_ =	shalt  }
0x49: {  	_ =	shalt  }
0x4a: {  	_ =	shalt  }
0x4b: {  	_ =	shalt  }
0x4c: {  	_ =	shalt  }
0x4d: {  	_ =	shalt  }
0x4e: {  	_ =	shalt  }
0x4f: {  	_ =	shalt  }
0x50: {  	_ =	shalt  }
0x51: {  	_ =	shalt  }
0x52: {  	_ =	shalt  }
0x53: {  	_ =	shalt  }
0x54: {  	_ =	shalt  }
0x55: {  	_ =	shalt  }
0x56: {  	_ =	shalt  }
0x57: {  	_ =	shalt  }
0x58: {  	_ =	shalt  }
0x59: {  	_ =	shalt  }
0x5a: {  	_ =	shalt  }
0x5b: {  	_ =	shalt  }
0x5c: {  	_ =	shalt  }
0x5d: {  	_ =	shalt  }
0x5e: {  	_ =	shalt  }
0x5f: {  	_ =	shalt  }
0x60: {  	_ =	shalt  }
0x61: {  	_ =	shalt  }
0x62: {  	_ =	shalt  }
0x63: {  	_ =	shalt  }
0x64: {  	_ =	shalt  }
0x65: {  	_ =	shalt  }
0x66: {  	_ =	shalt  }
0x67: {  	_ =	shalt  }
0x68: {  	_ =	shalt  }
0x69: {  	_ =	shalt  }
0x6a: {  	_ =	shalt  }
0x6b: {  	_ =	shalt  }
0x6c: {  	_ =	shalt  }
0x6d: {  	_ =	shalt  }
0x6e: {  	_ =	shalt  }
0x6f: {  	_ =	shalt  }
0x70: {  	_ =	shalt  }
0x71: {  	_ =	shalt  }
0x72: {  	_ =	shalt  }
0x73: {  	_ =	shalt  }
0x74: {  	_ =	shalt  }
0x75: {  	_ =	shalt  }
0x76: {  	_ =	shalt  }
0x77: {  	_ =	shalt  }
0x78: {  	_ =	shalt  }
0x79: {  	_ =	shalt  }
0x7a: {  	_ =	shalt  }
0x7b: {  	_ =	shalt  }
0x7c: {  	_ =	shalt  }
0x7d: {  	_ =	shalt  }
0x7e: {  	_ =	shalt  }
0x7f: {  	_ =	shalt  }
0x80: {  	_ =	shalt  }
0x81: {  	_ =	shalt  }
0x82: {  	_ =	shalt  }
0x83: {  	_ =	shalt  }
0x84: {  	_ =	shalt  }
0x85: {  	_ =	shalt  }
0x86: {  	_ =	shalt  }
0x87: {  	_ =	shalt  }
.Lfunc_end0:
.L_simem_size_0:
called_computation.1_lowered:
.L_overlay_start_0:
0x88: {  	s2 =	sld [smem:$0x3FD9]  }
0x89: {  	s3 =	sld [smem:$0x3FFE];
	_ =	sdelay $0x1  }
0x8a: {  	s1 =	srdreg.scid  }
0x8b: {  	s0 =	sand.u32 $0x1, s1  }
0x8c: {  	s12 =	sshll.u32 s0, $0xA;
	s2 =	sadd.s32 s3, s2  }
0x8d: {  	s2 =	sadd.s32 s2, s12  }
0x8e: {  	[smem:$0x3FA7] =	sst s2  }
0x8f: {  	_ = 	snop  }
0x90: {  	(tm) =	ssettm $0x1  }
0x91: {  	s13 =	sld [smem:$0x3FFB];
	_ =	sdelay $0x3  }
0x92: {  	_ =	strace s13  }
0x93: {  	s2 =	sld [smem:$0x3FFC];
	_ =	sdelay $0x3  }
0x94: {  	_ =	strace s2  }
0x95: {  	s2 =	sld [smem:$0x3FFD];
	_ =	sdelay $0x3  }
0x96: {  	_ =	strace s2  }
0x97: {  	_ =	strace $0x8FFFFFFF  }
0x98: {  	s14 =	sld [smem:$0x3FDB];
	_ =	sdelay $0x1  }
0x99: {  	s15 =	simm.s32 $_scs_section_size  }
0x9a: {  	s4 =	simm.s32 $_size__tile_overlayer_lowered;
	s5 =	simm.s32 $_tile_overlayer_lowered  }
0x9b: {  	s19 =	simm.s32 $0x1BFF;
	s17 =	sshll.u32 s5, $0x1;
	s6 =	sadd.s32 s15, s14  }
0x9c: {  	s20 =	simm.s32 $0x0;
	s16 =	sshll.u32 s4, $0x1;
	s18 =	sadd.s32 s17, s6  }
0x9d: {  	[timem:s20], [sflag:s19] =	dma.local [hbm:s18], s16  }
0x9e: {  	_ =	swait.ge [sflag:s19], s16  }
0x9f: {  	s3 =	ssub.s32 $0x0, s16;
	[sflag:s19] =	ssyncset.done $0x0  }
0xa0: {  	[sflag:s19] =	ssyncadd.s32 s3;
	_ =	sdelay $0x1  }
0xa1: {  	s21 =	simm.s32 $0x1B8B  }
0xa2: {  	_ =	swait.ge [sflag:s21], $0x1  }
0xa3: {  	[sflag:s21] =	ssyncset.done $0x0  }
0xa4: {  	[sflag:s21] =	ssyncadd.s32 $0xFFFFFFFF  }
0xa5: {  	s3 =	sld [smem:$0x0]  }
0xa6: {  	s4 =	sand.u32 $0xFFFFFFFE, s1  }
0xa7: {  	p0 =	sne.s32 s1, s4  }
0xa8: {  	s4 =	sshll.u32 @p0 s4, $0xE  }
0xa9: {  	s5 =	sadd.s32 @p0 $0x11B8D, s4;
	s7 =	sshll.u32 @p0 s3, $0x11  }
0xaa: {  	s5 =	sor.u32 @p0 s7, s5  }
0xab: {  	[sflag:s5] =	ssyncadd.remote.s32 @p0 $0x1;
	_ =	sdelay $0x1  }
0xac: {  	s5 =	simm.s32 @p0 $0x1B8D  }
0xad: {  	_ =	swait.eq @p0 [sflag:s5], $0x1  }
0xae: {  	[sflag:s5] =	ssyncadd.s32 @p0 $0xFFFFFFFF  }
0xaf: {  	s7 =	sshll.u32 @!p0 s1, $0xE  }
0xb0: {  	s7 =	sor.u32 @!p0 $0x4000, s7;
	s5 =	simm.s32 @!p0 $0x1B8D  }
0xb1: {  	s9 =	sshll.u32 @!p0 s3, $0x11;
	s8 =	sadd.s32 @!p0 $0x11B8D, s7;
	_ =	swait.eq @!p0 [sflag:s5], $0x1  }
0xb2: {  	[sflag:s5] =	ssyncadd.s32 @!p0 $0xFFFFFFFF;
	s5 =	sor.u32 @!p0 s9, s8  }
0xb3: {  	s23 =	simm.s32 $0x1B8E;
	s22 =	sld [smem:$0x3FFE];
	[sflag:s5] =	ssyncadd.remote.s32 @!p0 $0x1  }
0xb4: {  	s24 =	simm.s32 $execute0_lowered;
	[smem:$0x3FD2] =	sst s23  }
0xb5: {  	s8 =	sshll.u32 s24, $0x1;
	_ =	strace $0x80000058;
	[dreg:$0x1] =	wrdreg $0xFFFFFFFF  }
0xb6: {  	s25 =	simm.s32 $_size_execute0_lowered;
	s8 =	sadd.s32 s6, s8;
	[dreg:$0x0] =	wrdreg $0x0  }
0xb7: {  	s9 =	sshll.u32 s25, $0x1;
	[dreg:$0x2] =	wrdreg s8  }
0xb8: {  	[dreg:$0x3] =	wrdreg s9  }
0xb9: {  	[dreg:$0x4] =	wrdreg $0xC0  }
0xba: {  	s26 =	simm.s32 $execute1_lowered;
	_ =	task [dreg:s20], $0x5FFFF  }
0xbb: {  	s8 =	sshll.u32 s26, $0x1;
	[dreg:$0x1] =	wrdreg $0xFFFFFFFF  }
0xbc: {  	s6 =	sadd.s32 s6, s8;
	[dreg:$0x0] =	wrdreg $0x60  }
0xbd: {  	[dreg:$0x2] =	wrdreg s6  }
0xbe: {  	[dreg:$0x3] =	wrdreg s22  }
0xbf: {  	[dreg:$0x4] =	wrdreg $0xB  }
0xc0: {  	_ =	task.clear_ibuf [dreg:s20], $0x5FFFF;
	_ =	strace $0x90000058  }
0xc1: {  	s28 =	simm.s32 $0xB;
	_ =	strace $0x8000005A  }
0xc2: {  	_ =	swait.ge [sflag:s28], $0x1  }
0xc3: {  	[sflag:s28] =	ssyncadd.s32 $0xFFFFFFFF  }
0xc4: {  	_ =	strace $0x9000005A  }
0xc5: {  	s6 =	sld [smem:$0x0];
	_ =	sdelay $0x3  }
0xc6: {  	s4 =	sadd.s32 @p0 $0x11BF3, s4;
	s8 =	sshll.u32 @p0 s6, $0x11  }
0xc7: {  	s4 =	sor.u32 @p0 s8, s4  }
0xc8: {  	[sflag:s4] =	ssyncadd.remote.s32 @p0 $0x1;
	_ =	sdelay $0x1  }
0xc9: {  	s4 =	simm.s32 @p0 $0x1BF3  }
0xca: {  	_ =	swait.eq @p0 [sflag:s4], $0x1  }
0xcb: {  	[sflag:s4] =	ssyncadd.s32 @p0 $0xFFFFFFFF;
	_ =	sdelay $0x1  }
0xcc: {  	s4 =	simm.s32 @!p0 $0x1BF3  }
0xcd: {  	s7 =	sadd.s32 @!p0 $0x11BF3, s7;
	s6 =	sshll.u32 @!p0 s6, $0x11;
	_ =	swait.eq @!p0 [sflag:s4], $0x1  }
0xce: {  	[sflag:s4] =	ssyncadd.s32 @!p0 $0xFFFFFFFF;
	s4 =	sor.u32 @!p0 s6, s7  }
0xcf: {  	[sflag:s4] =	ssyncadd.remote.s32 @!p0 $0x1  }
0xd0: {  	_ =	strace $0x8000005B;
	[dreg:$0x1] =	wrdreg $0xFFFFFFFF  }
0xd1: {  	[dreg:$0x0] =	wrdreg $0x2030  }
0xd2: {  	[dreg:$0x2] =	wrdreg s22  }
0xd3: {  	[dreg:$0x3] =	wrdreg s1  }
0xd4: {  	[dreg:$0x4] =	wrdreg s3  }
0xd5: {  	[dreg:$0x5] =	wrdreg $0xC  }
0xd6: {  	_ =	task.clear_ibuf [dreg:s20], $0x6FFFF;
	_ =	strace $0x9000005B  }
0xd7: {  	s29 =	simm.s32 $0xC;
	_ =	strace $0x8000005D  }
0xd8: {  	_ =	swait.ge [sflag:s29], $0x1  }
0xd9: {  	[sflag:s29] =	ssyncadd.s32 $0xFFFFFFFF  }
0xda: {  	_ =	strace $0x9000005D  }
0xdb: {  	_ =	sfence  }
0xdc: {  	s30 =	sld [smem:$0x0];
	_ =	sdelay $0x2  }
0xdd: {  	s31 =	sshll.u32 s1, $0xD;
	s1 =	sshrl.u32 s1, $0x2  }
0xde: {  	s4 =	sand.u32 $0x4000, s31;
	s1 =	sadd.s32 s1, s30  }
0xdf: {  	s0 =	sor.u32 s4, s0;
	s1 =	sshll.u32 s1, $0x11  }
0xe0: {  	s0 =	sor.u32 s1, s0  }
0xe1: {  	s0 =	sadd.s32 $0x8F2B, s0  }
0xe2: {  	[sflag:s0] =	ssyncadd.remote.s32 $0x1  }
0xe3: {  	_ =	sfence.sel $0xFFFF  }
0xe4: {  	[dreg:$0x0] =	wrdreg $0xFFFFFFFF;
	(pc) =	sbr.abs _section_cstart, $3  }
0xe5: {  	[dreg:$0x1] =	wrdreg $0xFFFFFFFF  }
0xe6: {  	_ =	task.clear_ibuf [dreg:s20], $0x2FFFF;
	_ =	strace $0x9FFFFFFF  }
0xe7: {  	(tm) =	ssettm $0x7FFFFFFF  }
tec
execute0_lowered:
.L_overlay_start_1:
0x0: {  	(tag) =	ssettag $0x1  }
0x1: {  	s2 =	rddreg [dreg:$0x0]  }
0x2: {  	s4 =	rddreg [dreg:$0x1]  }
0x3: {  	s0 =	rddreg [dreg:$0x2];
	s3 =	stileid.u32;
	[bflag:$0x3] =	sbarrier.arrive $0xFFFF  }
0x4: {  	s1 =	simm.s32 $_size_execute1_lowered;
	s29 =	srdreg.scid;
	p0 =	sne.s32 s3, $0x0  }
0x5: {  	s1 =	sshll.u32 s1, $0x1;
	s5 =	simm.s32 @!p0 $0x1C3F;
	s6 =	simm.s32 @!p0 $0x4060  }
0x6: {  	[timem:s6], [sflag:s5] =	dma.local @!p0 [hbm:s2], s1  }
0x7: {  	s2 =	sshll.u32 s29, $0x7  }
0x8: {  	s7 =	simm.s32 $0x1;
	s3 =	sshll.u32 s3, $0x8;
	s2 =	sand.u32 $0x80, s2  }
0x9: {  	s8 =	simm.s32 $0x2;
	s9 =	simm.s32 $0x0;
	s2 =	sor.u32 s3, s2  }
0xa: {  	s12 =	simm.s32 $0x0;
	s11 =	simm.s32 $0x0;
	s30 =	ssub.s32 $0x2800, s2  }
.Ltmp0:
0xb: {  	s5 =	simm.s32 $0x1;
	s31 =	sand.u32 $0xF80, s30;
	(pc) =	sbr.rel .LBB2_1-.Ltmp0, $4  }
0xc: {  	_ =	strace $0x80000059;
	s3 =	sadd.s32 $0x2B2000, s4;
	p1 =	sne.s32 s31, $0x0  }
0xd: {  	[sflag:s5] =	ssyncpa.u1 $0x0;
	s6 =	sshrl.u32 s30, $0xC;
	s7 =	simm.s32 @!p1 $0x0  }
0xe: {  	s4 =	sadd.s32 $0x2DA000, s4;
	[sflag:s8] =	ssyncpa.u1 $0x0;
	s6 =	sadd.s32 s7, s6  }
0xf: {  	s8 =	simm.s32 $0x0;
	s10 =	smov.u32 s2;
	s7 =	sadd.s32 $0x1, s6  }
.LBB2_4:
0x10: {  	_ =	sdelay $0x3  }
0x11: {  	[tilespmem:v0+s14+$0xFFFFFFA0 ss:$0x1] =	vst.idx.msk $0xffff, v6  }
0x12: {  	v56 =	vld.idx.msk [tilespmem:v1+s15+$0x30 ss:$0x1], $0xffff;
	[tilespmem:v0+s14+$0xFFFFFFB0 ss:$0x1] =	vst.idx.msk $0xffff, v4  }
0x13: {  	v57 =	vld.idx.msk [tilespmem:v1+s15+$0xFFFFFFC0 ss:$0x1], $0xffff;
	[tilespmem:v0+s14+$0xFFFFFFC0 ss:$0x1] =	vst.idx.msk $0xffff, v2  }
0x14: {  	v58 =	vld.idx.msk [tilespmem:v1+s15+$0xFFFFFFD0 ss:$0x1], $0xffff;
	[tilespmem:v0+s14+$0xFFFFFFD0 ss:$0x1] =	vst.idx.msk $0xffff, v3  }
0x15: {  	v59 =	vld.idx.msk [tilespmem:v1+s15+$0xFFFFFFE0 ss:$0x1], $0xffff;
	[tilespmem:v0+s14+$0xFFFFFFE0 ss:$0x1] =	vst.idx.msk $0xffff, v5  }
0x16: {  	v60 =	vld.idx.msk [tilespmem:v1+s15+$0xFFFFFFF0 ss:$0x1], $0xffff;
	[tilespmem:v0+s14+$0xFFFFFFF0 ss:$0x1] =	vst.idx.msk $0xffff, v7;
	s12 =	sand.u32 $0x1FFFFFF, s12  }
0x17: {  	v61 =	vld.idx.msk [tilespmem:v1+s15+$0x0 ss:$0x1], $0xffff;
	s31 =	smulhi.u32 $0xCCCCCD, s12;
	[tilespmem:v0+s15+$0x0 ss:$0x1] =	vst.idx.msk $0xffff, v56  }
0x18: {  	v62 =	vld.idx.msk [tilespmem:v1+s15+$0x10 ss:$0x1], $0xffff;
	[tilespmem:v0+s15+$0xFFFFFF90 ss:$0x1] =	vst.idx.msk $0xffff, v57  }
0x19: {  	v63 =	vld.idx.msk [tilespmem:v1+s15+$0x20 ss:$0x1], $0xffff;
	s14 =	sshrl.u32 s31, $0x5;
	[tilespmem:v0+s15+$0xFFFFFFA0 ss:$0x1] =	vst.idx.msk $0xffff, v58  }
0x1a: {  	s14 =	smul.u32 $0x2800, s14;
	[tilespmem:v0+s15+$0xFFFFFFB0 ss:$0x1] =	vst.idx.msk $0xffff, v59  }
0x1b: {  	[tilespmem:v0+s15+$0xFFFFFFC0 ss:$0x1] =	vst.idx.msk $0xffff, v60  }
0x1c: {  	[tilespmem:v0+s15+$0xFFFFFFD0 ss:$0x1] =	vst.idx.msk $0xffff, v61;
	s12 =	ssub.s32 s12, s14  }
0x1d: {  	[tilespmem:v0+s15+$0xFFFFFFE0 ss:$0x1] =	vst.idx.msk $0xffff, v62;
	s12 =	sshll.u32 s12, $0x4  }
0x1e: {  	[tilespmem:v0+s15+$0xFFFFFFF0 ss:$0x1] =	vst.idx.msk $0xffff, v63;
	s12 =	sadd.s32 s4, s12  }
0x1f: {  	[hbm4b:s12+s8] =	stream.linear.scatter [tilespmem:s13], [sflag:$0x2], $0x4000, $0x38;
	[tilespmem:$0x10000] =	vst v63  }
.LBB2_5:
0x20: {  	s14 =	sadd.s32 $0x1000, s10  }
0x21: {  	p2 =	sgt.s32 s14, $0x27FF  }
0x22: {  	s14 =	smov.u32 @p2 s2;
	p2 =	sne.s32 s11, s7  }
.Ltmp1:
0x23: {  	p1 =	slt.u32 s11, $0x2;
	(pc) =	sbr.rel @!p2 .LBB2_6-.Ltmp1, $4  }
0x24: {  	s13 =	simm.s32 @!p1 $0x2  }
0x25: {  	s15 =	sadd.s32 $0x1, s11;
	_ =	swait.ge @!p1 [sflag:s13], $0x4000  }
0x26: {  	s12 =	smov.u32 s10;
	s9 =	sadd.s32 $0x4000, s9;
	[sflag:s13] =	ssyncset.done @!p1 $0x0  }
0x27: {  	s11 =	smov.u32 s15;
	s10 =	smov.u32 s14;
	[sflag:s13] =	ssyncadd.s32 @!p1 $0xFFFFC000  }
.LBB2_1:
0x28: {  	p1 =	sge.u32 s11, s6  }
0x29: {  	s13 =	sand.u32 @!p1 $0x1FFFFFF, s10  }
0x2a: {  	s14 =	smulhi.u32 @!p1 $0xCCCCCD, s13;
	_ =	sdelay $0x1  }
0x2b: {  	s14 =	sshrl.u32 @!p1 s14, $0x5  }
0x2c: {  	s14 =	smul.u32 @!p1 $0x2800, s14;
	_ =	sdelay $0x1  }
0x2d: {  	s15 =	sxor.u32 @!p1 $0xFFFFFFFF, s11;
	s13 =	ssub.s32 @!p1 s13, s14  }
0x2e: {  	s31 =	sadd.s32 $0xFFFFFFFF, s11;
	s14 =	sshll.u32 @!p1 s15, $0xE;
	s13 =	sshll.u32 @!p1 s13, $0x4  }
0x2f: {  	s15 =	simm.s32 @!p1 $0x0;
	s14 =	sand.u32 @!p1 $0x4000, s14;
	s13 =	sadd.s32 @!p1 s3, s13  }
0x30: {  	[tilespmem:s14], [sflag:$0x1] =	stream.linear.gather @!p1 [hbm4b:s13+s15], $0x4000, $0x38;
	[tilespmem:$0x10000] =	vst v63  }
0x31: {  	p1 =	sge.u32 s31, s6  }
.Ltmp2:
0x32: {  	_ = 	snop;
	(pc) =	sbr.rel @p1 .LBB2_5-.Ltmp2, $1  }
0x33: {  	_ =	sdelay $0x3  }
0x34: {  	s13 =	sand.u32 $0x4000, s9  }
0x35: {  	s14 =	sor.u32 $0x40, s13  }
0x36: {  	v1 =	vmov s14;
	_ =	sdelay $0x1  }
0x37: {  	_ =	swait.ge [sflag:s5], $0x4000  }
0x38: {  	[sflag:s5] =	ssyncset.done $0x0  }
0x39: {  	[sflag:s5] =	ssyncadd.s32 $0xFFFFC000;
	s14 =	simm.s32 $0x0  }
0x3a: {  	s13 =	sor.u32 $0x8070, s13;
	v7 =	vld.idx.msk [tilespmem:v1+s14+$0x30 ss:$0x1], $0xffff  }
0x3b: {  	v0 =	vmov s13;
	v8 =	vld.idx.msk [tilespmem:v1+s14+$0xFFFFFFC0 ss:$0x1], $0xffff  }
0x3c: {  	v6 =	vld.idx.msk [tilespmem:v1+s14+$0xFFFFFFD0 ss:$0x1], $0xffff  }
0x3d: {  	v4 =	vld.idx.msk [tilespmem:v1+s14+$0xFFFFFFE0 ss:$0x1], $0xffff  }
0x3e: {  	v2 =	vld.idx.msk [tilespmem:v1+s14+$0xFFFFFFF0 ss:$0x1], $0xffff  }
0x3f: {  	s31 =	sshll.u32 s11, $0xE;
	v3 =	vld.idx.msk [tilespmem:v1+s14+$0x0 ss:$0x1], $0xffff  }
0x40: {  	s13 =	sand.u32 $0x4000, s31;
	v5 =	vld.idx.msk [tilespmem:v1+s14+$0x10 ss:$0x1], $0xffff;
	[tilespmem:v0+s14+$0x0 ss:$0x1] =	vst.idx.msk $0xffff, v7  }
0x41: {  	s15 =	simm.s32 $0x80;
	s16 =	simm.s32 $0x400;
	s13 =	sor.u32 $0x8000, s13;
	[tilespmem:v0+s14+$0xFFFFFF90 ss:$0x1] =	vst.idx.msk $0xffff, v8;
	v7 =	vld.idx.msk [tilespmem:v1+s14+$0x20 ss:$0x1], $0xffff  }
.LBB2_3:
0x42: {  	p1 =	sne.s32 s16, $0xFE00;
	v8 =	vld.idx.msk [tilespmem:v1+s15+$0x30 ss:$0x1], $0xffff;
	[tilespmem:v0+s14+$0xFFFFFFA0 ss:$0x1] =	vst.idx.msk $0xffff, v6  }
0x43: {  	v9 =	vld.idx.msk [tilespmem:v1+s15+$0xFFFFFFC0 ss:$0x1], $0xffff;
	[tilespmem:v0+s14+$0xFFFFFFB0 ss:$0x1] =	vst.idx.msk $0xffff, v4  }
0x44: {  	v6 =	vld.idx.msk [tilespmem:v1+s15+$0xFFFFFFD0 ss:$0x1], $0xffff;
	[tilespmem:v0+s14+$0xFFFFFFC0 ss:$0x1] =	vst.idx.msk $0xffff, v2  }
.Ltmp3:
0x45: {  	v4 =	vld.idx.msk [tilespmem:v1+s15+$0xFFFFFFE0 ss:$0x1], $0xffff;
	[tilespmem:v0+s14+$0xFFFFFFD0 ss:$0x1] =	vst.idx.msk $0xffff, v3;
	(pc) =	sbr.rel @p1 .LBB2_3-.Ltmp3, $4  }
0x46: {  	v2 =	vld.idx.msk [tilespmem:v1+s15+$0xFFFFFFF0 ss:$0x1], $0xffff;
	[tilespmem:v0+s14+$0xFFFFFFE0 ss:$0x1] =	vst.idx.msk $0xffff, v5  }
0x47: {  	v3 =	vld.idx.msk [tilespmem:v1+s15+$0x0 ss:$0x1], $0xffff;
	[tilespmem:v0+s14+$0xFFFFFFF0 ss:$0x1] =	vst.idx.msk $0xffff, v7;
	s14 =	smov.u32 s15  }
0x48: {  	v5 =	vld.idx.msk [tilespmem:v1+s14+$0x10 ss:$0x1], $0xffff;
	[tilespmem:v0+s14+$0x0 ss:$0x1] =	vst.idx.msk $0xffff, v8  }
0x49: {  	s15 =	sshra.s32 s16, $0x2;
	s16 =	sadd.s32 $0x200, s16;
	[tilespmem:v0+s14+$0xFFFFFF90 ss:$0x1] =	vst.idx.msk $0xffff, v9;
	v7 =	vld.idx.msk [tilespmem:v1+s14+$0x20 ss:$0x1], $0xffff  }
.Ltmp4:
0x4a: {  	_ = 	snop;
	(pc) =	sbr.rel .LBB2_4-.Ltmp4, $1  }
0x4b: {  	_ =	sdelay $0x3  }
.LBB2_6:
0x4c: {  	_ =	sfence.sel $0x180000  }
0x4d: {  	s2 =	simm.s32 $0x1;
	[bflag:$0x0] =	sbarrier.arrive $0xFFFF  }
0x4e: {  	s31 =	simm.s32 $0x2;
	[sflag:s2] =	ssyncpa.u1 $0x1  }
0x4f: {  	[sflag:s31] =	ssyncpa.u1 $0x1  }
0x50: {  	_ =	strace $0x90000059  }
0x51: {  	s0 =	sadd.s32 @!p0 $0x100000, s0;
	[bflag:$0x2] =	sbarrier.arrive $0xFFFF  }
0x52: {  	[sflag:s0] =	ssyncadd.tile.s32 @!p0 $0x1;
	s0 =	simm.s32 @!p0 $0x3F  }
0x53: {  	_ =	swait.ge @!p0 [sflag:s0], s1  }
0x54: {  	s1 =	ssub.s32 @!p0 $0x0, s1;
	[sflag:s0] =	ssyncset.done @!p0 $0x0  }
0x55: {  	[sflag:s0] =	ssyncadd.s32 @!p0 s1  }
0x56: {  	[bflag:$0x3] =	sbarrier.arrive $0xFFFF  }
0x57: {  	_ =	shalt  }
.Lfunc_end2:
execute1_lowered:
.L_overlay_start_2:
0x58: {  	(tag) =	ssettag $0x2  }
0x59: {  	s15 =	rddreg [dreg:$0x0]  }
0x5a: {  	s2 =	rddreg [dreg:$0x1];
	_ =	strace $0x8000005C;
	s0 =	simm.s32 $0x1  }
0x5b: {  	v0 =	vimm.s32 $0x0;
	[sflag:s0] =	ssyncpa.u1 $0x0;
	s0 =	simm.s32 $0x108  }
0x5c: {  	[tilespmem:s0+$0x70] =	vst v0  }
0x5d: {  	[tilespmem:s0+$0x60] =	vst v0  }
0x5e: {  	[tilespmem:s0+$0x50] =	vst v0  }
0x5f: {  	[tilespmem:s0+$0x40] =	vst v0  }
0x60: {  	[tilespmem:s0+$0x30] =	vst v0  }
0x61: {  	s3 =	simm.s32 $0x40;
	s1 =	sadd.s32 $0x2DA000, s15;
	[tilespmem:s0+$0x20] =	vst v0  }
0x62: {  	s6 =	sadd.s32 $0x41000, s15;
	s14 =	sadd.s32 $0x32200, s15;
	s5 =	sand.u32 $0x1, s2;
	[tilespmem:s0+$0x10] =	vst v0  }
.LBB3_1:
0x63: {  	s3 =	sadd.s32 $0x40, s3;
	[tilespmem:s0+$0x0] =	vst v0;
	s0 =	sadd.s32 $0x80, s0  }
0x64: {  	p0 =	slt.u32 s3, $0x3C40;
	[tilespmem:s0+$0x70] =	vst v0  }
0x65: {  	[tilespmem:s0+$0x60] =	vst v0  }
.Ltmp5:
0x66: {  	[tilespmem:s0+$0x50] =	vst v0;
	(pc) =	sbr.rel @p0 .LBB3_1-.Ltmp5, $4  }
0x67: {  	[tilespmem:s0+$0x40] =	vst v0  }
0x68: {  	[tilespmem:s0+$0x30] =	vst v0  }
0x69: {  	[tilespmem:s0+$0x20] =	vst v0  }
0x6a: {  	[tilespmem:s0+$0x10] =	vst v0  }
0x6b: {  	s9 =	stileid.u32  }
0x6c: {  	s2 =	smul.u32 $0x14, s9  }
0x6d: {  	s3 =	smin.u32 s9, $0xE  }
0x6e: {  	s2 =	sadd.s32 s3, s2  }
0x6f: {  	p0 =	slt.u32 s9, $0xE;
	s7 =	smul.u32 $0xF0, s2;
	s2 =	simm.s32 $0x13B0  }
0x70: {  	s2 =	simm.s32 @!p0 $0x12C0  }
0x71: {  	s2 =	sadd.s32 s2, s7  }
0x72: {  	s8 =	smin.u32 s2, $0x13880  }
0x73: {  	s2 =	ssub.s32 s8, s7  }
0x74: {  	p0 =	sgt.s32 s2, $0x0  }
0x75: {  	s29 =	simm.s32 $0x2;
	s10 =	simm.s32 $0x9;
	s2 =	simm.s32 @!p0 $0x0  }
0x76: {  	s4 =	simm.s32 $0xA;
	s11 =	simm.s32 $0xB;
	s28 =	smulhi.u32 $0x88888889, s2  }
0x77: {  	[dreg:$0x4] =	wrdreg s5;
	s31 =	smul.u32 $0x2710, s5;
	s12 =	simm.s32 $0x1  }
0x78: {  	s22 =	simm.s32 $0x0;
	s18 =	simm.s32 $0xC;
	s30 =	sshrl.u32 s28, $0x7  }
0x79: {  	s20 =	simm.s32 $0x0;
	s21 =	simm.s32 $0x0;
	s3 =	smul.u32 $0xF0, s30  }
.Ltmp6:
0x7a: {  	[tilespmem:s0+$0x0] =	vst v0;
	v0 =	vimm.s32 $0xFFFFFFFF;
	[sflag:s29] =	ssyncpa.u1 $0x0;
	s16 =	sshll.u32 s9, $0x8;
	(pc) =	sbr.rel .LBB3_3-.Ltmp6, $4  }
0x7b: {  	[tilespmem:$0xF208] =	vst v0;
	[sflag:s10] =	ssyncpa.u1 $0x0;
	p0 =	sne.s32 s2, s3;
	s2 =	simm.s32 $0x1  }
0x7c: {  	s14 =	sadd.s32 s31, s14;
	[sflag:s4] =	ssyncpa.u1 $0x0;
	s2 =	simm.s32 @!p0 $0x0  }
0x7d: {  	s15 =	sadd.s32 s31, s15;
	[sflag:s11] =	ssyncpa.u1 $0x0;
	s13 =	sadd.s32 s2, s30  }
0x7e: {  	v0 =	vlaneseq.u32;
	s19 =	smov.u32 s7;
	p0 =	por $0x0, $0x0;
	s17 =	sadd.s32 $0x1, s13  }
.LBB3_18:
0x7f: {  	s0 =	sshrl.u32 s31, $0x2  }
.LBB3_20:
0x80: {  	_ =	swait.ge [sflag:s18], s0  }
0x81: {  	s31 =	ssub.s32 $0x0, s0;
	v1 =	vmov s24;
	vm0 =	veq.s32 v0, $0x0;
	[sflag:s18] =	ssyncset.done $0x0  }
0x82: {  	vm15 =	veq.s32 v0, $0x2;
	v1 =	vsel vm0, s30, v1;
	[sflag:s18] =	ssyncadd.s32 s31  }
0x83: {  	v1 =	vsel vm15, s22, v1;
	[sflag:s18] =	ssyncpa.u1 $0x1  }
0x84: {  	[tilespmem:$0xF208] =	vst v1  }
.LBB3_21:
0x85: {  	s0 =	sadd.s32 $0xF0, s19  }
0x86: {  	s2 =	smov.u32 s7;
	p1 =	slt.s32 s0, s8  }
0x87: {  	s2 =	smov.u32 @p1 s0;
	p1 =	sne.s32 s21, s17  }
.Ltmp7:
0x88: {  	_ = 	snop;
	(pc) =	sbr.rel @!p1 .LBB3_22-.Ltmp7, $3  }
0x89: {  	_ =	sdelay $0x1  }
0x8a: {  	s22 =	smov.u32 s20;
	s31 =	sadd.s32 $0x1, s21;
	s20 =	smov.u32 s19  }
0x8b: {  	p0 =	por !p0, !p0;
	s21 =	smov.u32 s31;
	s19 =	smov.u32 s2  }
.LBB3_3:
0x8c: {  	p1 =	sge.u32 s21, s13  }
0x8d: {  	s0 =	smulhi.u32 @!p1 $0xAAAAAAAB, s21  }
0x8e: {  	s2 =	smov.u32 s19;
	p2 =	sgt.s32 @!p1 s19, $0x13790  }
0x8f: {  	s3 =	sshra.s32 @!p1 s19, $0x1F;
	p2 =	por !p2, p1;
	s0 =	sshrl.u32 @!p1 s0, $0x1  }
0x90: {  	s3 =	sand.u32 @!p1 s3, s19;
	s2 =	simm.s32 @p2 $0x13790;
	s0 =	smul.u32 @!p1 $0x3, s0  }
0x91: {  	s2 =	ssub.s32 @!p1 s2, s3  }
0x92: {  	s2 =	sadd.s32 @!p1 $0xFFFEC870, s2;
	s0 =	ssub.s32 @!p1 s21, s0  }
0x93: {  	s3 =	sshll.u32 @!p1 s2, $0x2;
	p2 =	sgt.s32 @!p1 s2, $0xEF;
	s0 =	smul.u32 @!p1 $0x3C0, s0  }
0x94: {  	s4 =	sand.u32 @!p1 $0x7, s19;
	s2 =	ssub.s32 @!p1 $0x3C0, s3;
	p2 =	por !p2, p1  }
0x95: {  	s3 =	sshrl.u32 @!p1 s19, $0x3;
	s2 =	sshrl.u32 @!p1 s2, $0x2;
	s0 =	sshrl.u32 @!p1 s0, $0x2  }
0x96: {  	s3 =	sadd.s32 @!p1 s3, s14;
	s2 =	simm.s32 @!p2 $0x0;
	s0 =	sadd.s32 @!p1 $0x10248, s0  }
0x97: {  	[tilespmem:s0], [sflag:$0xA] =	stream.linear.gather @!p1 [hbm4b:s3+s4], s2, $0x38;
	[tilespmem:$0x1F6F8] =	vst v63  }
0x98: {  	s0 =	sadd.s32 $0xFFFFFFFF, s21  }
0x99: {  	p1 =	sge.u32 s0, s13  }
0x9a: {  	p2 =	sgt.s32 @!p1 s20, $0x13790  }
0x9b: {  	s2 =	smov.u32 s20;
	s3 =	sshra.s32 @!p1 s20, $0x1F;
	p2 =	por !p2, p1  }
0x9c: {  	s3 =	sand.u32 @!p1 s3, s20;
	s2 =	simm.s32 @p2 $0x13790  }
0x9d: {  	s2 =	ssub.s32 @!p1 s2, s3  }
0x9e: {  	s2 =	sadd.s32 @!p1 $0xFFFEC870, s2  }
0x9f: {  	s4 =	sand.u32 @!p1 $0x1, s0;
	s3 =	sshll.u32 @!p1 s2, $0x2  }
0xa0: {  	p2 =	sgt.s32 @!p1 s2, $0xEF;
	s2 =	ssub.s32 @!p1 $0x3C0, s3;
	s3 =	smulhi.u32 @!p1 $0xAAAAAAAB, s0  }
0xa1: {  	s23 =	smul.u32 @!p1 $0x3C0, s4;
	p2 =	por !p2, p1;
	s2 =	sshrl.u32 @!p1 s2, $0x2  }
0xa2: {  	s5 =	simm.s32 @!p1 $0xA;
	s2 =	simm.s32 @!p2 $0x0;
	s3 =	sshrl.u32 @!p1 s3, $0x1  }
0xa3: {  	s23 =	sshrl.u32 @!p1 s23, $0x2;
	_ =	swait.ge @!p1 [sflag:s5], s2;
	s3 =	smul.u32 @!p1 $0x3, s3  }
0xa4: {  	s23 =	sadd.s32 @!p1 $0x10518, s23;
	s24 =	ssub.s32 @!p1 $0x0, s2;
	[sflag:s5] =	ssyncset.done @!p1 $0x0  }
0xa5: {  	[sflag:s5] =	ssyncadd.s32 @!p1 s24;
	s5 =	sshrl.u32 @!p1 s20, $0x3;
	s0 =	ssub.s32 @!p1 s0, s3  }
0xa6: {  	s24 =	sand.u32 @!p1 $0x7, s20;
	s5 =	sadd.s32 @!p1 s5, s15;
	s0 =	smul.u32 @!p1 $0x3C0, s0  }
0xa7: {  	[tilespmem:s23], [sflag:$0xB] =	stream.linear.gather @!p1 [hbm4b:s5+s24], s2, $0x38;
	[tilespmem:$0x1F6F8] =	vst v63  }
0xa8: {  	s3 =	ssub.s32 @!p1 $0x13880, s20;
	s2 =	smul.u32 @!p1 $0x1E000, s4  }
0xa9: {  	p2 =	slt.s32 @!p1 s3, $0xF0  }
0xaa: {  	p2 =	por !p2, p1;
	s0 =	sshrl.u32 @!p1 s0, $0x2;
	s2 =	sshrl.u32 @!p1 s2, $0x2  }
0xab: {  	s3 =	simm.s32 @p2 $0xF0;
	s0 =	sadd.s32 @!p1 $0x10248, s0;
	s2 =	sor.u32 @!p1 $0x106F8, s2  }
0xac: {  	[tilespmem:s2], [sflag:$0x9] =	stream.indirect.gather @!p1 [hbm4b:s6+s3], $0x80, s0, s3, $0xb8;
	[tilespmem:$0x1F6F8] =	vst v63  }
0xad: {  	p1 =	slt.u32 s21, $0x2  }
.Ltmp8:
0xae: {  	_ = 	snop;
	(pc) =	sbr.rel @p1 .LBB3_21-.Ltmp8, $1  }
0xaf: {  	_ =	sdelay $0x3  }
0xb0: {  	p1 =	sgt.s32 s22, $0x13790  }
0xb1: {  	s0 =	smov.u32 s22;
	s2 =	sshra.s32 s22, $0x1F;
	s3 =	ssub.s32 $0x13880, s22  }
0xb2: {  	s0 =	simm.s32 @!p1 $0x13790;
	s2 =	sand.u32 s2, s22;
	p1 =	slt.s32 s3, $0xF0  }
0xb3: {  	s0 =	ssub.s32 s0, s2;
	s3 =	simm.s32 @!p1 $0xF0  }
0xb4: {  	s0 =	sadd.s32 $0xFFFEC870, s0;
	s25 =	sshll.u32 s3, $0x7  }
0xb5: {  	s26 =	sshll.u32 s0, $0x2;
	s2 =	sand.u32 $0x3FFFFF80, s25  }
0xb6: {  	p1 =	sgt.s32 s0, $0xEF;
	s29 =	ssub.s32 $0x3C0, s26;
	_ =	swait.ge [sflag:s10], s2  }
0xb7: {  	s2 =	ssub.s32 $0x0, s2;
	[sflag:s10] =	ssyncset.done $0x0;
	s0 =	sshrl.u32 s29, $0x2  }
0xb8: {  	[sflag:s10] =	ssyncadd.s32 s2;
	s0 =	simm.s32 @p1 $0x0  }
0xb9: {  	_ =	swait.ge [sflag:s11], s0  }
0xba: {  	s0 =	ssub.s32 $0x0, s0;
	[sflag:s11] =	ssyncset.done $0x0  }
0xbb: {  	[sflag:s11] =	ssyncadd.s32 s0  }
0xbc: {  	v1 =	vld [tilespmem:$0xF208];
	_ =	sdelay $0x4  }
0xbd: {  	(v2sf) =	vpush v1, $0x0  }
0xbe: {  	(v2sf) =	vpush v1, $0x1  }
0xbf: {  	(v2sf) =	vpush v1, $0x2;
	_ =	sdelay $0x3  }
0xc0: {  	s0 =	sadd.s32 $0xF0, s22  }
0xc1: {  	s2 =	ssub.s32 $0x27100, s22;
	p1 =	slt.s32 s8, s0  }
0xc2: {  	s0 =	smov.u32 @p1 s8;
	p1 =	sgt.s32 s2, $0x0  }
0xc3: {  	s26 =	ssub.s32 s0, s22;
	s2 =	simm.s32 @!p1 $0x0  }
0xc4: {  	p1 =	slt.s32 s2, s26  }
0xc5: {  	s26 =	smov.u32 @p1 s2  }
0xc6: {  	s25 =	simm.s32 $0x1;
	p1 =	slt.s32 s26, $0x1  }
.Ltmp9:
0xc7: {  	s25 =	simm.s32 @!p0 $0x0;
	(pc) =	sbr.rel @p1 .LBB3_8-.Ltmp9, $4  }
0xc8: {  	s31 =	smul.u32 $0x3C0, s25  }
0xc9: {  	s28 =	spop (v2sf)  }
0xca: {  	s0 =	sshrl.u32 s31, $0x2;
	s30 =	spop (v2sf)  }
0xcb: {  	s23 =	sadd.s32 $0x10518, s0;
	s22 =	spop (v2sf)  }
0xcc: {  	s0 =	smin.u32 s26, $0x10  }
0xcd: {  	v1 =	vmov s0  }
0xce: {  	p2 =	sgt.s32 s26, $0x10;
	vm1 =	vgt.u32 v1, v0  }
.Ltmp10:
0xcf: {  	_ = 	snop;
	(pc) =	sbr.rel @!p2 .LBB3_7-.Ltmp10, $2  }
0xd0: {  	_ =	sdelay $0x2  }
0xd1: {  	s4 =	simm.s32 $0x10;
	s24 =	sadd.s32 $0xFFFFFFF0, s26;
	s0 =	smov.u32 s23;
	vm0 =	vmmov vm1  }
.LBB3_6:
0xd2: {  	s2 =	smin.u32 s24, $0x10;
	s4 =	sadd.s32 $0x10, s4;
	v1 =	vld.msk [tilespmem:s0+$0x0 ss:$0x1], vm1  }
0xd3: {  	v2 =	vmov s2;
	p2 =	slt.s32 s4, s26  }
0xd4: {  	vm1 =	vgt.u32 v2, v0  }
.Ltmp11:
0xd5: {  	(pc) =	sbr.rel @p2 .LBB3_6-.Ltmp11, $3  }
0xd6: {  	_ =	sdelay $0x1  }
0xd7: {  	v1 =	vshll.u32 v1, $0x4  }
0xd8: {  	s24 =	sadd.s32 $0xFFFFFFF0, s24;
	[tilespmem:s0+$0x0] =	vst.msk vm0, v1;
	s0 =	sadd.s32 $0x10, s0;
	vm0 =	vmmov vm1  }
.LBB3_7:
0xd9: {  	_ =	sdelay $0x4  }
0xda: {  	v1 =	vld.msk [tilespmem:s0+$0x0 ss:$0x1], vm1;
	_ =	sdelay $0x4  }
0xdb: {  	v1 =	vshll.u32 v1, $0x4  }
0xdc: {  	[tilespmem:s0+$0x0] =	vst.msk vm0, v1  }
.LBB3_8:
0xdd: {  	s0 =	sand.u32 $0x1, s21  }
0xde: {  	s0 =	smul.u32 $0xF0, s0  }
0xdf: {  	p2 =	sne.s32 s30, $0xFFFFFFFF  }
0xe0: {  	v1 =	vld.msk @!p2 [tilespmem:s0+$0x10518], $0x1;
	_ =	sdelay $0x4  }
0xe1: {  	(v2sf) =	vpush @!p2 v1, $0x0;
	_ =	sdelay $0xc  }
.Ltmp12:
0xe2: {  	_ = 	snop;
	(pc) =	sbr.rel @p1 .LBB3_19-.Ltmp12, $4  }
0xe3: {  	_ = 	snop  }
0xe4: {  	s29 =	spop @!p2 (v2sf)  }
0xe5: {  	s22 =	simm.s32 @!p2 $0x0;
	s24 =	smov.u32 s29  }
0xe6: {  	[sflag:s18] =	ssyncpa.u1 $0x0;
	s29 =	smov.u32 @p2 s28;
	s24 =	smov.u32 @p2 s30  }
0xe7: {  	v1 =	vld.msk [tilespmem:s23+$0x0], $0x1;
	_ =	sdelay $0x4  }
0xe8: {  	(v2sf) =	vpush v1, $0x0;
	_ =	sdelay $0xe  }
0xe9: {  	s2 =	smul.u32 $0x1E000, s25;
	s0 =	spop (v2sf)  }
0xea: {  	s26 =	ssub.s32 $0x0, s26;
	p1 =	seq.s32 s29, s0  }
0xeb: {  	s30 =	sadd.s32 $0x1, s26;
	s2 =	sshrl.u32 s2, $0x2;
	p2 =	sgt.s32 @!p1 s29, $0x0  }
0xec: {  	s25 =	sor.u32 $0x10738, s2;
	s2 =	smov.u32 s29;
	p2 =	por !p2, p1  }
0xed: {  	s2 =	simm.s32 @p2 $0x0;
	p2 =	seq.s32 s30, $0x0  }
.Ltmp13:
0xee: {  	_ = 	snop;
	(pc) =	sbr.rel @p2 .LBB3_11-.Ltmp13, $4  }
0xef: {  	_ = 	snop  }
0xf0: {  	s28 =	simm.s32 $0x0;
	s31 =	sadd.s32 $0x1, s23;
	s2 =	smin.u32 @!p1 s2, $0x27FF0  }
0xf1: {  	s4 =	simm.s32 @!p1 $0x1;
	s5 =	simm.s32 @!p1 $0x7988;
	s3 =	sand.u32 @!p1 $0x3FFF8, s2  }
0xf2: {  	s4 =	smov.u32 @p1 s28;
	s2 =	sand.u32 @!p1 $0x7, s2;
	s3 =	sadd.s32 @!p1 s1, s3  }
.LBB3_10:
0xf3: {  	s9 =	smov.u32 s4  }
0xf4: {  	[tilespmem:s5], [sflag:$0x2] =	stream.linear.gather @!p1 [hbm4b:s3+s2], $0x80, $0x38;
	[tilespmem:$0x1F6F8] =	vst v63  }
0xf5: {  	s30 =	sadd.s32 $0x1, s30;
	s2 =	smov.u32 s0;
	v1 =	vld.msk [tilespmem:s31+$0x0], $0x1  }
0xf6: {  	p2 =	seq.s32 s30, $0x0;
	_ =	sdelay $0x3  }
0xf7: {  	(v2sf) =	vpush v1, $0x0;
	_ =	sdelay $0xe  }
0xf8: {  	s0 =	spop (v2sf)  }
0xf9: {  	p1 =	seq.s32 s2, s0  }
0xfa: {  	p3 =	sgt.s32 @!p1 s2, $0x0;
	s3 =	sshll.u32 @!p1 s4, $0x9;
	s4 =	sadd.s32 @!p1 $0x1, s4  }
.Ltmp14:
0xfb: {  	p3 =	por !p3, p1;
	s3 =	sshra.s32 @!p1 s3, $0x2;
	(pc) =	sbr.rel @!p2 .LBB3_10-.Ltmp14, $4  }
0xfc: {  	s4 =	smov.u32 @p1 s9;
	s2 =	simm.s32 @p3 $0x0;
	s5 =	sadd.s32 @!p1 $0x7988, s3  }
0xfd: {  	s2 =	smin.u32 @!p1 s2, $0x27FF0  }
0xfe: {  	s3 =	sand.u32 @!p1 $0x3FFF8, s2;
	s2 =	sand.u32 @!p1 $0x7, s2  }
0xff: {  	s31 =	sadd.s32 $0x1, s31;
	s3 =	sadd.s32 @!p1 s1, s3  }
.LBB3_11:
0x100: {  	[tilespmem:s5], [sflag:$0x2] =	stream.linear.gather @!p1 [hbm4b:s3+s2], $0x80, $0x38;
	[tilespmem:$0x1F6F8] =	vst v63  }
.Ltmp15:
0x101: {  	s0 =	sshll.u32 s4, $0x7;
	(pc) =	sbr.rel .LBB3_12-.Ltmp15, $4  }
0x102: {  	s30 =	simm.s32 $0x2;
	s0 =	sand.u32 $0x3FFFFF80, s0  }
0x103: {  	_ =	swait.ge [sflag:s30], s0  }
0x104: {  	s0 =	ssub.s32 $0x0, s0;
	[sflag:s30] =	ssyncset.done $0x0  }
0x105: {  	s31 =	simm.s32 $0x0;
	[sflag:s30] =	ssyncadd.s32 s0  }
.LBB3_13:
0x106: {  	v1 =	vld [tilespmem:s25+$0xFFFFFFC0];
	_ =	sdelay $0x3  }
0x107: {  	s0 =	sshra.s32 s0, $0x2  }
0x108: {  	[tilespmem:s0+$0x108] =	vst.add.f32.msk $0xffff, v1  }
0x109: {  	v1 =	vld [tilespmem:s25+$0xFFFFFFD0];
	_ =	sdelay $0x4  }
0x10a: {  	[tilespmem:s0+$0x118] =	vst.add.f32.msk $0xffff, v1  }
0x10b: {  	v1 =	vld [tilespmem:s25+$0xFFFFFFE0];
	_ =	sdelay $0x4  }
0x10c: {  	[tilespmem:s0+$0x128] =	vst.add.f32.msk $0xffff, v1  }
0x10d: {  	v1 =	vld [tilespmem:s25+$0xFFFFFFF0];
	_ =	sdelay $0x4  }
0x10e: {  	[tilespmem:s0+$0x138] =	vst.add.f32.msk $0xffff, v1  }
0x10f: {  	v1 =	vld [tilespmem:s25+$0x0];
	_ =	sdelay $0x4  }
0x110: {  	[tilespmem:s0+$0x148] =	vst.add.f32.msk $0xffff, v1  }
0x111: {  	v1 =	vld [tilespmem:s25+$0x10];
	_ =	sdelay $0x4  }
0x112: {  	[tilespmem:s0+$0x158] =	vst.add.f32.msk $0xffff, v1  }
0x113: {  	v1 =	vld [tilespmem:s25+$0x20];
	_ =	sdelay $0x4  }
0x114: {  	[tilespmem:s0+$0x168] =	vst.add.f32.msk $0xffff, v1  }
0x115: {  	v1 =	vld [tilespmem:s25+$0x30];
	_ =	sdelay $0x4  }
0x116: {  	[tilespmem:s0+$0x178] =	vst.add.f32.msk $0xffff, v1  }
.LBB3_17:
0x117: {  	s26 =	sadd.s32 $0x1, s26  }
0x118: {  	p1 =	seq.s32 s26, $0x0  }
.Ltmp16:
0x119: {  	_ = 	snop;
	(pc) =	sbr.rel @p1 .LBB3_18-.Ltmp16, $2  }
0x11a: {  	_ =	sdelay $0x2  }
0x11b: {  	s23 =	sadd.s32 $0x1, s23;
	s25 =	sadd.s32 $0x80, s25;
	s29 =	smov.u32 s30  }
.LBB3_12:
0x11c: {  	v1 =	vld.msk [tilespmem:s23+$0x0], $0x1;
	_ =	sdelay $0x4  }
0x11d: {  	(v2sf) =	vpush v1, $0x0;
	_ =	sdelay $0xe  }
0x11e: {  	s30 =	spop (v2sf)  }
0x11f: {  	p1 =	sne.s32 s29, s30  }
.Ltmp17:
0x120: {  	_ = 	snop;
	(pc) =	sbr.rel @!p1 .LBB3_13-.Ltmp17, $2  }
0x121: {  	_ =	sdelay $0x2  }
0x122: {  	s0 =	sshll.u32 s22, $0x9  }
0x123: {  	p1 =	seq.s32 s29, s24  }
.Ltmp18:
0x124: {  	_ = 	snop;
	(pc) =	sbr.rel @!p1 .LBB3_15-.Ltmp18, $1  }
0x125: {  	_ =	sdelay $0x3  }
0x126: {  	s0 =	sshra.s32 s0, $0x2  }
.Ltmp19:
0x127: {  	s0 =	sadd.s32 $0x108, s0;
	(pc) =	sbr.rel .LBB3_16-.Ltmp19, $4  }
0x128: {  	[spmem:s16] =	stream.linear.scatter [tilespmem:s0], [sflag:$0x1], $0x80, $0x38;
	[tilespmem:$0x1F6F8] =	vst v63  }
0x129: {  	_ =	swait.ge [sflag:s12], $0x80  }
0x12a: {  	[sflag:s12] =	ssyncset.done $0x0  }
0x12b: {  	[sflag:s12] =	ssyncadd.s32 $0xFFFFFF80  }
.LBB3_15:
0x12c: {  	s2 =	sshll.u32 s28, $0x9  }
0x12d: {  	s2 =	sshra.s32 s2, $0x2  }
0x12e: {  	v1 =	vld [tilespmem:s2+$0x7988];
	_ =	sdelay $0x3  }
0x12f: {  	s0 =	sshra.s32 s0, $0x2  }
0x130: {  	[tilespmem:s0+$0x108] =	vst.add.f32.msk $0xffff, v1  }
0x131: {  	v1 =	vld [tilespmem:s2+$0x7998];
	_ =	sdelay $0x4  }
0x132: {  	[tilespmem:s0+$0x118] =	vst.add.f32.msk $0xffff, v1  }
0x133: {  	v1 =	vld [tilespmem:s2+$0x79A8];
	_ =	sdelay $0x4  }
0x134: {  	[tilespmem:s0+$0x128] =	vst.add.f32.msk $0xffff, v1  }
0x135: {  	v1 =	vld [tilespmem:s2+$0x79B8];
	_ =	sdelay $0x4  }
0x136: {  	[tilespmem:s0+$0x138] =	vst.add.f32.msk $0xffff, v1  }
0x137: {  	v1 =	vld [tilespmem:s2+$0x79C8];
	_ =	sdelay $0x4  }
0x138: {  	[tilespmem:s0+$0x148] =	vst.add.f32.msk $0xffff, v1  }
0x139: {  	v1 =	vld [tilespmem:s2+$0x79D8];
	_ =	sdelay $0x4  }
0x13a: {  	[tilespmem:s0+$0x158] =	vst.add.f32.msk $0xffff, v1  }
0x13b: {  	v1 =	vld [tilespmem:s2+$0x79E8];
	_ =	sdelay $0x4  }
0x13c: {  	[tilespmem:s0+$0x168] =	vst.add.f32.msk $0xffff, v1  }
0x13d: {  	v1 =	vld [tilespmem:s2+$0x79F8];
	_ =	sdelay $0x2  }
0x13e: {  	p1 =	sgt.u32 s29, $0x27FF0  }
0x13f: {  	s2 =	sand.u32 @!p1 $0x3FFF8, s29  }
0x140: {  	s3 =	sadd.s32 $0x108, s0;
	[tilespmem:s0+$0x178] =	vst.add.f32.msk $0xffff, v1;
	s0 =	sadd.s32 @!p1 s1, s2;
	s2 =	sand.u32 @!p1 $0x7, s29  }
0x141: {  	[hbm4b:s0+s2] =	stream.linear.scatter @!p1 [tilespmem:s3], [sflag:$0xC], $0x80, $0x38;
	[tilespmem:$0x1F6F8] =	vst v63  }
0x142: {  	s0 =	simm.s32 $0x0  }
0x143: {  	s0 =	simm.s32 @!p1 $0x200  }
0x144: {  	s31 =	sadd.s32 s0, s31  }
.LBB3_16:
0x145: {  	s0 =	sadd.s32 $0x1, s22  }
0x146: {  	s2 =	smulhi.u32 $0x88888889, s0;
	_ =	sdelay $0x1  }
0x147: {  	v1 =	vld [tilespmem:s25+$0xFFFFFFC0];
	s2 =	sshrl.u32 s2, $0x7  }
0x148: {  	s2 =	smul.u32 $0xF0, s2;
	_ =	sdelay $0x1  }
0x149: {  	s22 =	ssub.s32 s0, s2  }
0x14a: {  	s0 =	sshll.u32 s22, $0x7  }
0x14b: {  	[tilespmem:s0+$0x108] =	vst v1  }
0x14c: {  	v1 =	vld [tilespmem:s25+$0xFFFFFFD0];
	_ =	sdelay $0x4  }
0x14d: {  	[tilespmem:s0+$0x118] =	vst v1  }
0x14e: {  	v1 =	vld [tilespmem:s25+$0xFFFFFFE0];
	_ =	sdelay $0x4  }
0x14f: {  	[tilespmem:s0+$0x128] =	vst v1  }
0x150: {  	v1 =	vld [tilespmem:s25+$0xFFFFFFF0];
	_ =	sdelay $0x4  }
0x151: {  	[tilespmem:s0+$0x138] =	vst v1  }
0x152: {  	v1 =	vld [tilespmem:s25+$0x0];
	_ =	sdelay $0x4  }
0x153: {  	[tilespmem:s0+$0x148] =	vst v1  }
0x154: {  	v1 =	vld [tilespmem:s25+$0x10];
	_ =	sdelay $0x4  }
0x155: {  	[tilespmem:s0+$0x158] =	vst v1  }
0x156: {  	v1 =	vld [tilespmem:s25+$0x20];
	_ =	sdelay $0x4  }
0x157: {  	[tilespmem:s0+$0x168] =	vst v1  }
0x158: {  	v1 =	vld [tilespmem:s25+$0x30]  }
.Ltmp20:
0x159: {  	_ = 	snop;
	(pc) =	sbr.rel .LBB3_17-.Ltmp20, $2  }
0x15a: {  	_ =	sdelay $0x2  }
0x15b: {  	s28 =	sadd.s32 $0x1, s28;
	[tilespmem:s0+$0x178] =	vst v1  }
.LBB3_19:
.Ltmp21:
0x15c: {  	(pc) =	sbr.rel .LBB3_20-.Ltmp21, $4  }
0x15d: {  	_ = 	snop  }
0x15e: {  	s0 =	simm.s32 $0x2  }
0x15f: {  	_ =	swait.ge [sflag:s0], $0x0  }
0x160: {  	s30 =	smov.u32 s29;
	[sflag:s0] =	ssyncset.done $0x0;
	s0 =	simm.s32 $0x0  }
.LBB3_22:
0x161: {  	_ =	sfence.sel $0x180000  }
0x162: {  	s0 =	simm.s32 $0x9;
	[bflag:$0x0] =	sbarrier.arrive $0xFFFF  }
0x163: {  	s24 =	simm.s32 $0xA;
	[sflag:s0] =	ssyncpa.u1 $0x1  }
0x164: {  	s25 =	simm.s32 $0xB;
	[sflag:s24] =	ssyncpa.u1 $0x1  }
0x165: {  	s26 =	simm.s32 $0x2;
	[sflag:s25] =	ssyncpa.u1 $0x1  }
0x166: {  	[sflag:s26] =	ssyncpa.u1 $0x1  }
0x167: {  	v0 =	vld [tilespmem:$0xF208];
	_ =	sdelay $0x4  }
0x168: {  	(v2sf) =	vpush v0, $0x0  }
0x169: {  	(v2sf) =	vpush v0, $0x1;
	_ =	sdelay $0x1  }
0x16a: {  	(v2sf) =	vpush v0, $0x2;
	_ =	sdelay $0xb  }
0x16b: {  	s0 =	spop (v2sf)  }
0x16c: {  	s2 =	spop (v2sf)  }
0x16d: {  	s3 =	smov.u32 s0;
	p0 =	sne.s32 s0, s2  }
0x16e: {  	s4 =	spop (v2sf);
	s3 =	simm.s32 @!p0 $0xFFFFFFFF  }
0x16f: {  	v2 =	vimm.s32 $0x1;
	v3 =	vlaneseq.u32;
	p0 =	seq.s32 s4, $0xFFFFFFFF;
	v1 =	vmov s3  }
0x170: {  	s16 =	stileid.u32;
	v0 =	vperm.xlane v0, v2;
	p1 =	sne.s32 @!p0 s0, s2;
	v1 =	vperm.xlane v1, v3  }
0x171: {  	vm0 =	vcmask $0x3F04;
	s6 =	simm.s32 $0xF208;
	s0 =	simm.s32 @!p0 $0x1;
	p1 =	por !p1, p0  }
0x172: {  	s3 =	sshll.u32 s16, $0x1;
	s2 =	sshll.u32 @!p0 s4, $0x9;
	s0 =	simm.s32 @p1 $0x0;
	v0 =	vsel vm0, v1, v0  }
0x173: {  	s5 =	sor.u32 $0x1000, s3;
	s2 =	sshra.s32 @!p0 s2, $0x2;
	s0 =	sor.u32 @!p0 s0, s3;
	[tilespmem:$0xF208] =	vst v0  }
0x174: {  	[spmem:s5] =	stream.linear.scatter [tilespmem:s6], [sflag:$0x1], $0x2, $0x38;
	[tilespmem:$0x1F6F8] =	vst v63  }
0x175: {  	s2 =	sadd.s32 @!p0 $0x108, s2;
	s0 =	sshll.u32 @!p0 s0, $0x7  }
0x176: {  	[spmem:s0] =	stream.linear.scatter @!p0 [tilespmem:s2], [sflag:$0x1], $0x80, $0x38;
	[tilespmem:$0x1F6F8] =	vst v63  }
0x177: {  	s0 =	simm.s32 @!p0 $0x82  }
0x178: {  	s28 =	simm.s32 $0x1;
	s0 =	simm.s32 @p0 $0x2  }
0x179: {  	_ =	swait.ge [sflag:s28], s0  }
0x17a: {  	s0 =	ssub.s32 $0x0, s0;
	[sflag:s28] =	ssyncset.done $0x0  }
0x17b: {  	p0 =	sne.s32 s16, $0x0;
	[sflag:s28] =	ssyncadd.s32 s0  }
.Ltmp22:
0x17c: {  	_ =	sfence.stream.spmem;
	(pc) =	sbr.rel @p0 .LBB3_39-.Ltmp22, $4  }
0x17d: {  	s29 =	simm.s32 $0x3;
	[bflag:$0x0] =	sbarrier.arrive $0xFFFF  }
0x17e: {  	s30 =	simm.s32 $0x4;
	[sflag:s29] =	ssyncpa.u1 $0x1  }
0x17f: {  	s31 =	simm.s32 $0x3C;
	[sflag:s30] =	ssyncpa.u1 $0x1  }
0x180: {  	s15 =	rddreg [dreg:$0x4];
	[sflag:s31] =	ssyncpa.u1 $0x1  }
0x181: {  	_ =	sfence.stream.spmem;
	s0 =	simm.s32 $0x5  }
0x182: {  	s2 =	simm.s32 $0x1000;
	s3 =	simm.s32 $0xF218;
	[sflag:s0] =	ssyncpa.u1 $0x0  }
0x183: {  	[tilespmem:s3], [sflag:$0x5] =	stream.linear.gather [spmem:s2], $0x20, $0x38;
	[tilespmem:$0x1F6F8] =	vst v63  }
0x184: {  	s26 =	simm.s32 $0x0;
	s28 =	simm.s32 $0xF238  }
0x185: {  	[tilespmem:s28], [sflag:$0x5] =	stream.linear.gather [spmem:s26], $0x1000, $0x38;
	[tilespmem:$0x1F6F8] =	vst v63  }
0x186: {  	_ =	swait.ge [sflag:s0], $0x1020  }
0x187: {  	[sflag:s0] =	ssyncset.done $0x0  }
0x188: {  	s29 =	simm.s32 $0x0;
	[sflag:s0] =	ssyncadd.s32 $0xFFFFEFE0  }
0x189: {  	v0 =	vld.msk [tilespmem:s29+$0xF218], $0x1;
	_ =	sdelay $0x1  }
0x18a: {  	s30 =	simm.s32 $0x1  }
0x18b: {  	v1 =	vld.msk [tilespmem:s30+$0xF218], $0x1;
	_ =	sdelay $0x1  }
0x18c: {  	(v2sf) =	vpush v0, $0x0;
	_ =	sdelay $0x2  }
0x18d: {  	(v2sf) =	vpush v1, $0x0;
	_ =	sdelay $0x2  }
0x18e: {  	s31 =	simm.s32 $0x2  }
0x18f: {  	v0 =	vld.msk [tilespmem:s31+$0xF218], $0x1;
	_ =	sdelay $0x2  }
0x190: {  	s4 =	simm.s32 $0xFFFFFFFF;
	s5 =	simm.s32 $0xFFFFFFFF;
	s0 =	simm.s32 $0xC  }
.LBB3_24:
0x191: {  	s2 =	smov.u32 s5;
	s3 =	smov.u32 s4  }
0x192: {  	s4 =	sshra.s32 s0, $0x2;
	p1 =	sne.s32 s0, $0x7C;
	s0 =	sadd.s32 $0x4, s0;
	(v2sf) =	vpush v0, $0x0  }
0x193: {  	v0 =	vld.msk [tilespmem:s4+$0xF218], $0x1  }
.Ltmp23:
0x194: {  	(pc) =	sbr.rel @p1 .LBB3_24-.Ltmp23, $4  }
0x195: {  	s5 =	spop (v2sf)  }
0x196: {  	p2 =	sne.s32 s3, $0xFFFFFFFF;
	s4 =	smov.u32 s5  }
0x197: {  	p3 =	seq.s32 s5, $0xFFFFFFFF;
	s4 =	smov.u32 @p2 s3  }
0x198: {  	s5 =	smov.u32 @p3 s2;
	s4 =	smov.u32 @p3 s3  }
0x199: {  	(v2sf) =	vpush v0, $0x0;
	_ =	sdelay $0x8  }
0x19a: {  	s0 =	spop (v2sf)  }
0x19b: {  	p1 =	sne.s32 s4, $0xFFFFFFFF;
	s2 =	smov.u32 s0  }
0x19c: {  	s9 =	simm.s32 $0x6;
	p2 =	seq.s32 s0, $0xFFFFFFFF;
	s2 =	smov.u32 @p1 s4  }
0x19d: {  	s6 =	simm.s32 $0x0;
	s2 =	smov.u32 @p2 s4;
	s3 =	spop (v2sf)  }
0x19e: {  	s0 =	smov.u32 @p2 s5;
	p1 =	sne.s32 s2, $0xFFFFFFFF;
	s4 =	smov.u32 s3  }
.Ltmp24:
0x19f: {  	p2 =	seq.s32 s3, $0xFFFFFFFF;
	s4 =	smov.u32 @p1 s2;
	(pc) =	sbr.rel .LBB3_26-.Ltmp24, $4  }
0x1a0: {  	s10 =	simm.s32 $0xF188;
	s4 =	smov.u32 @p2 s2;
	s7 =	spop (v2sf)  }
0x1a1: {  	s11 =	simm.s32 $0x0;
	p1 =	sne.s32 s4, $0xFFFFFFFF;
	s8 =	smov.u32 s7  }
0x1a2: {  	s3 =	smov.u32 @p2 s0;
	p2 =	seq.s32 s7, $0xFFFFFFFF;
	s8 =	smov.u32 @p1 s4  }
0x1a3: {  	[sflag:s9] =	ssyncpa.u1 $0x0;
	s7 =	smov.u32 @p2 s3;
	s8 =	smov.u32 @p2 s4  }
.LBB3_32:
0x1a4: {  	p1 =	sgt.u32 s12, $0x27FF0  }
0x1a5: {  	p2 =	seq.s32 @!p1 s12, s8  }
0x1a6: {  	p1 =	por p1, p2  }
0x1a7: {  	p2 =	sne.s32 @!p1 s12, s7  }
0x1a8: {  	p1 =	por p1, !p2  }
0x1a9: {  	s0 =	sshll.u32 @p1 s11, $0x9  }
0x1aa: {  	s0 =	sand.u32 @!p1 $0x3FFF8, s12  }
0x1ab: {  	s2 =	sand.u32 @!p1 $0x7, s12;
	s0 =	sadd.s32 @!p1 s1, s0  }
0x1ac: {  	[tilespmem:s10], [sflag:$0x6] =	stream.linear.gather @!p1 [hbm4b:s0+s2], $0x80, $0x38;
	[tilespmem:$0x1F6F8] =	vst v63  }
0x1ad: {  	_ =	swait.ge @!p1 [sflag:s9], $0x80  }
0x1ae: {  	[sflag:s9] =	ssyncset.done @!p1 $0x0  }
0x1af: {  	[sflag:s9] =	ssyncadd.s32 @!p1 $0xFFFFFF80  }
0x1b0: {  	v1 =	vld @!p1 [tilespmem:$0xF188];
	_ =	sdelay $0x2  }
0x1b1: {  	s0 =	sshll.u32 @!p1 s11, $0x9  }
0x1b2: {  	s2 =	sshrl.u32 @!p1 s0, $0x2  }
0x1b3: {  	[tilespmem:s2+$0xF238] =	vst.add.f32.msk @!p1 $0xffff, v1  }
0x1b4: {  	v1 =	vld @!p1 [tilespmem:$0xF198];
	_ =	sdelay $0x4  }
0x1b5: {  	[tilespmem:s2+$0xF248] =	vst.add.f32.msk @!p1 $0xffff, v1  }
0x1b6: {  	v1 =	vld @!p1 [tilespmem:$0xF1A8];
	_ =	sdelay $0x4  }
0x1b7: {  	[tilespmem:s2+$0xF258] =	vst.add.f32.msk @!p1 $0xffff, v1  }
0x1b8: {  	v1 =	vld @!p1 [tilespmem:$0xF1B8];
	_ =	sdelay $0x4  }
0x1b9: {  	[tilespmem:s2+$0xF268] =	vst.add.f32.msk @!p1 $0xffff, v1  }
0x1ba: {  	v1 =	vld @!p1 [tilespmem:$0xF1C8];
	_ =	sdelay $0x4  }
0x1bb: {  	[tilespmem:s2+$0xF278] =	vst.add.f32.msk @!p1 $0xffff, v1  }
0x1bc: {  	v1 =	vld @!p1 [tilespmem:$0xF1D8];
	_ =	sdelay $0x4  }
0x1bd: {  	[tilespmem:s2+$0xF288] =	vst.add.f32.msk @!p1 $0xffff, v1  }
0x1be: {  	v1 =	vld @!p1 [tilespmem:$0xF1E8];
	_ =	sdelay $0x4  }
0x1bf: {  	[tilespmem:s2+$0xF298] =	vst.add.f32.msk @!p1 $0xffff, v1  }
0x1c0: {  	v1 =	vld @!p1 [tilespmem:$0xF1F8];
	_ =	sdelay $0x4  }
0x1c1: {  	[tilespmem:s2+$0xF2A8] =	vst.add.f32.msk @!p1 $0xffff, v1  }
0x1c2: {  	s0 =	sshrl.u32 s0, $0x2;
	[tilespmem:s6+$0xF218] =	vst.msk $0x1, v0  }
0x1c3: {  	v0 =	vld [tilespmem:s0+$0xF238];
	_ =	sdelay $0x2  }
0x1c4: {  	s31 =	sshll.u32 s6, $0x9  }
0x1c5: {  	s2 =	sshra.s32 s31, $0x2  }
0x1c6: {  	[tilespmem:s2+$0xF238] =	vst v0  }
0x1c7: {  	v0 =	vld [tilespmem:s0+$0xF248];
	_ =	sdelay $0x4  }
0x1c8: {  	[tilespmem:s2+$0xF248] =	vst v0  }
0x1c9: {  	v0 =	vld [tilespmem:s0+$0xF258];
	_ =	sdelay $0x4  }
0x1ca: {  	[tilespmem:s2+$0xF258] =	vst v0  }
0x1cb: {  	v0 =	vld [tilespmem:s0+$0xF268];
	_ =	sdelay $0x4  }
0x1cc: {  	[tilespmem:s2+$0xF268] =	vst v0  }
0x1cd: {  	v0 =	vld [tilespmem:s0+$0xF278];
	_ =	sdelay $0x4  }
0x1ce: {  	[tilespmem:s2+$0xF278] =	vst v0  }
0x1cf: {  	v0 =	vld [tilespmem:s0+$0xF288];
	_ =	sdelay $0x4  }
0x1d0: {  	[tilespmem:s2+$0xF288] =	vst v0  }
0x1d1: {  	v0 =	vld [tilespmem:s0+$0xF298];
	_ =	sdelay $0x4  }
0x1d2: {  	[tilespmem:s2+$0xF298] =	vst v0  }
0x1d3: {  	v0 =	vld [tilespmem:s0+$0xF2A8];
	_ =	sdelay $0x4  }
0x1d4: {  	s6 =	sadd.s32 $0x1, s6;
	[tilespmem:s2+$0xF2A8] =	vst v0  }
.LBB3_33:
0x1d5: {  	s11 =	sadd.s32 $0x1, s11  }
0x1d6: {  	p1 =	sne.s32 s11, $0x20  }
.Ltmp25:
0x1d7: {  	_ = 	snop;
	(pc) =	sbr.rel @!p1 .LBB3_34-.Ltmp25, $1  }
0x1d8: {  	_ =	sdelay $0x3  }
.LBB3_26:
0x1d9: {  	v0 =	vld.msk [tilespmem:s11+$0xF218], $0x1;
	_ =	sdelay $0x4  }
0x1da: {  	(v2sf) =	vpush v0, $0x0;
	_ =	sdelay $0xe  }
0x1db: {  	s12 =	spop (v2sf)  }
0x1dc: {  	p1 =	seq.s32 s12, $0xFFFFFFFF  }
.Ltmp26:
0x1dd: {  	_ = 	snop;
	(pc) =	sbr.rel @p1 .LBB3_33-.Ltmp26, $1  }
0x1de: {  	_ =	sdelay $0x3  }
0x1df: {  	p1 =	slt.s32 s6, $0x1  }
.Ltmp27:
0x1e0: {  	_ = 	snop;
	(pc) =	sbr.rel @p1 .LBB3_32-.Ltmp27, $1  }
0x1e1: {  	_ =	sdelay $0x3  }
0x1e2: {  	s13 =	simm.s32 $0xF218;
	p1 =	por $0x0, $0x0  }
0x1e3: {  	v1 =	vld.msk @!p1 [tilespmem:s13+$0x0], $0x1;
	_ =	sdelay $0x4  }
0x1e4: {  	(v2sf) =	vpush @!p1 v1, $0x0;
	_ =	sdelay $0xd  }
0x1e5: {  	p3 =	sne.s32 s6, $0x1  }
.Ltmp28:
0x1e6: {  	s0 =	spop @!p1 (v2sf);
	(pc) =	sbr.rel @!p3 .LBB3_30-.Ltmp28, $4  }
0x1e7: {  	p2 =	seq.s32 @!p1 s12, s0  }
0x1e8: {  	s14 =	simm.s32 $0x0;
	p2 =	por !p2, p1  }
0x1e9: {  	s2 =	simm.s32 $0xFFFFFFFF;
	s14 =	simm.s32 @p2 $0xFFFFFFFF  }
0x1ea: {  	s0 =	simm.s32 $0x1;
	s14 =	smov.u32 @p1 s2  }
.LBB3_29:
0x1eb: {  	s2 =	smov.u32 s14;
	p1 =	sne.s32 s14, $0xFFFFFFFF  }
0x1ec: {  	s13 =	sadd.s32 $0x1, s13;
	s14 =	smov.u32 s0;
	s0 =	sadd.s32 $0x1, s0  }
0x1ed: {  	p2 =	sne.s32 s6, s0;
	v1 =	vld.msk @!p1 [tilespmem:s13+$0x0], $0x1;
	_ =	sdelay $0x4  }
0x1ee: {  	(v2sf) =	vpush @!p1 v1, $0x0;
	_ =	sdelay $0xe  }
.Ltmp29:
0x1ef: {  	s3 =	spop @!p1 (v2sf);
	(pc) =	sbr.rel @p2 .LBB3_29-.Ltmp29, $4  }
0x1f0: {  	p3 =	seq.s32 @!p1 s12, s3  }
0x1f1: {  	p3 =	por !p3, p1  }
0x1f2: {  	s14 =	simm.s32 @p3 $0xFFFFFFFF  }
0x1f3: {  	s14 =	smov.u32 @p1 s2  }
.LBB3_30:
0x1f4: {  	p1 =	seq.s32 s14, $0xFFFFFFFF  }
.Ltmp30:
0x1f5: {  	_ = 	snop;
	(pc) =	sbr.rel @p1 .LBB3_32-.Ltmp30, $1  }
0x1f6: {  	_ =	sdelay $0x3  }
0x1f7: {  	s0 =	sshll.u32 s11, $0x7  }
0x1f8: {  	s0 =	sand.u32 $0x3FFFFF80, s0  }
0x1f9: {  	v0 =	vld [tilespmem:s0+$0xF238];
	_ =	sdelay $0x2  }
0x1fa: {  	s2 =	sshll.u32 s14, $0x9  }
0x1fb: {  	s2 =	sshra.s32 s2, $0x2  }
0x1fc: {  	[tilespmem:s2+$0xF238] =	vst.add.f32.msk $0xffff, v0  }
0x1fd: {  	v0 =	vld [tilespmem:s0+$0xF248];
	_ =	sdelay $0x4  }
0x1fe: {  	[tilespmem:s2+$0xF248] =	vst.add.f32.msk $0xffff, v0  }
0x1ff: {  	v0 =	vld [tilespmem:s0+$0xF258];
	_ =	sdelay $0x4  }
0x200: {  	[tilespmem:s2+$0xF258] =	vst.add.f32.msk $0xffff, v0  }
0x201: {  	v0 =	vld [tilespmem:s0+$0xF268];
	_ =	sdelay $0x4  }
0x202: {  	[tilespmem:s2+$0xF268] =	vst.add.f32.msk $0xffff, v0  }
0x203: {  	v0 =	vld [tilespmem:s0+$0xF278];
	_ =	sdelay $0x4  }
0x204: {  	[tilespmem:s2+$0xF278] =	vst.add.f32.msk $0xffff, v0  }
0x205: {  	v0 =	vld [tilespmem:s0+$0xF288];
	_ =	sdelay $0x4  }
0x206: {  	[tilespmem:s2+$0xF288] =	vst.add.f32.msk $0xffff, v0  }
0x207: {  	v0 =	vld [tilespmem:s0+$0xF298];
	_ =	sdelay $0x4  }
0x208: {  	[tilespmem:s2+$0xF298] =	vst.add.f32.msk $0xffff, v0  }
0x209: {  	v0 =	vld [tilespmem:s0+$0xF2A8]  }
.Ltmp31:
0x20a: {  	_ = 	snop;
	(pc) =	sbr.rel .LBB3_33-.Ltmp31, $2  }
0x20b: {  	_ =	sdelay $0x2  }
0x20c: {  	[tilespmem:s2+$0xF2A8] =	vst.add.f32.msk $0xffff, v0  }
.LBB3_34:
0x20d: {  	s0 =	simm.s32 $0x6;
	p1 =	seq.s32 s6, $0x0  }
0x20e: {  	[sflag:s0] =	ssyncpa.u1 $0x1;
	v0 =	vimm.s32 @p1 $0xFFFFFFFF  }
0x20f: {  	s9 =	sadd.s32 $0xFFFFFFFF, s6;
	[tilespmem:$0x10238] =	vst @p1 v0  }
0x210: {  	v0 =	vld.msk @!p1 [tilespmem:s9+$0xF218], $0x1;
	_ =	sdelay $0x1  }
0x211: {  	v1 =	vld.msk @!p1 [tilespmem:$0xF218], $0x1;
	_ =	sdelay $0x2  }
0x212: {  	p2 =	seq.s32 @!p1 s9, $0x0;
	v0 =	vbroadcast @!p1 v0, $0x0  }
0x213: {  	vm0 =	vmmov @!p1 $0x1;
	p2 =	por !p2, p1  }
0x214: {  	v1 =	vnsel @!p1 vm0, $0xFFFFFFFF, v1;
	vm0 =	vcmask @!p1 $0x308;
	v0 =	vpsel !p2, $0xFFFFFFFF, v0  }
0x215: {  	p2 =	sne.s32 @!p1 s8, s7;
	v0 =	vsel @!p1 vm0, v1, v0  }
0x216: {  	s0 =	simm.s32 @!p1 $0xF238;
	s2 =	simm.s32 @!p1 $0x0;
	p3 =	por !p2, p1;
	[tilespmem:$0x10238] =	vst @!p1 v0  }
0x217: {  	[spmem:s2] =	stream.linear.scatter @!p1 [tilespmem:s0], [sflag:$0x1], $0x80, $0x38;
	[tilespmem:$0x1F6F8] =	vst v63  }
0x218: {  	s0 =	sshll.u32 @!p3 s9, $0x9  }
0x219: {  	s0 =	sshra.s32 @!p3 s0, $0x2  }
0x21a: {  	s2 =	simm.s32 @!p3 $0x80;
	s0 =	sadd.s32 @!p3 $0xF238, s0  }
0x21b: {  	[spmem:s2] =	stream.linear.scatter @!p3 [tilespmem:s0], [sflag:$0x1], $0x80, $0x38;
	[tilespmem:$0x1F6F8] =	vst v63  }
0x21c: {  	s0 =	simm.s32 @!p3 $0x1  }
0x21d: {  	_ =	swait.ge @!p3 [sflag:s0], $0x100  }
0x21e: {  	p1 =	por p2, p1;
	[sflag:s0] =	ssyncset.done @!p3 $0x0  }
0x21f: {  	[sflag:s0] =	ssyncadd.s32 @!p3 $0xFFFFFF00;
	s0 =	simm.s32 @!p1 $0x1  }
0x220: {  	_ =	swait.ge @!p1 [sflag:s0], $0x80  }
0x221: {  	s29 =	simm.s32 $0x10238;
	[sflag:s0] =	ssyncset.done @!p1 $0x0  }
0x222: {  	s30 =	simm.s32 $0x1000;
	s31 =	simm.s32 $0x1;
	[sflag:s0] =	ssyncadd.s32 @!p1 $0xFFFFFF80  }
0x223: {  	[spmem:s30] =	stream.linear.scatter [tilespmem:s29], [sflag:$0x1], $0x10, $0x38;
	[tilespmem:$0x1F6F8] =	vst v63  }
0x224: {  	_ =	swait.ge [sflag:s31], $0x10  }
0x225: {  	[sflag:s31] =	ssyncset.done $0x0  }
0x226: {  	p1 =	seq.s32 s15, $0x0;
	s8 =	rddreg [dreg:$0x1];
	[sflag:s31] =	ssyncadd.s32 $0xFFFFFFF0  }
0x227: {  	s2 =	sshll.u32 @p1 s8, $0xE;
	s7 =	rddreg [dreg:$0x2]  }
0x228: {  	s0 =	sadd.s32 @p1 $0x15C3C, s2;
	s2 =	sshll.u32 @p1 s7, $0x11  }
0x229: {  	_ =	sfence.stream.spmem;
	s0 =	sor.u32 @p1 s2, s0  }
0x22a: {  	[sflag:s0] =	ssyncadd.remote.s32 @p1 $0x1;
	s0 =	simm.s32 @p1 $0x4  }
0x22b: {  	s3 =	simm.s32 @!p1 $0x3C;
	s2 =	sand.u32 $0xFFFFFFFE, s8;
	_ =	swait.ge @p1 [sflag:s0], $0x22  }
0x22c: {  	s4 =	simm.s32 @!p1 $0x0;
	s2 =	sadd.s32 @!p1 $0x4, s2;
	[sflag:s0] =	ssyncset.done @p1 $0x0  }
0x22d: {  	s5 =	simm.s32 @!p1 $0x100;
	[sflag:s0] =	ssyncadd.s32 @p1 $0xFFFFFFDE;
	s0 =	sshll.u32 @!p1 s2, $0x1A  }
0x22e: {  	s2 =	sshll.u32 @!p1 s2, $0xD;
	s0 =	sor.u32 @!p1 s0, s7;
	_ =	swait.eq @!p1 [sflag:s3], $0x1  }
0x22f: {  	s2 =	sor.u32 @!p1 $0x1C04, s2;
	s3 =	simm.s32 @!p1 $0x1C03;
	s0 =	sor.u32 @!p1 $0x80004000, s0  }
0x230: {  	[spmem:s5], [sflag:s2] =	dma.general @!p1 [spmem:s4], [sflag:s3], length:$0x20, [dreg:$0x0], stride_count:$0x0, ici_dest:s0, dma_misc:DstOpCode:WRITE  }
0x231: {  	p2 =	slt.s32 s9, $0x2;
	s4 =	simm.s32 @!p1 $0x200;
	s5 =	simm.s32 @!p1 $0x202  }
0x232: {  	[spmem:s5], [sflag:s2] =	dma.general @!p1 [spmem:s4], [sflag:s3], length:$0x2, [dreg:$0x0], stride_count:$0x0, ici_dest:s0, dma_misc:DstOpCode:WRITE  }
.Ltmp32:
0x233: {  	s0 =	simm.s32 @!p1 $0x3;
	(pc) =	sbr.rel @p2 .LBB3_38-.Ltmp32, $4  }
0x234: {  	s2 =	sshll.u32 @!p1 s8, $0xE;
	_ =	swait.ge @!p1 [sflag:s0], $0x22  }
0x235: {  	s3 =	sshll.u32 @!p1 s7, $0x11;
	s2 =	sadd.s32 @!p1 $0x11C3C, s2;
	[sflag:s0] =	ssyncset.done @!p1 $0x0  }
0x236: {  	[sflag:s0] =	ssyncadd.s32 @!p1 $0xFFFFFFDE;
	s0 =	sor.u32 @!p1 s3, s2  }
0x237: {  	[sflag:s0] =	ssyncadd.remote.s32 @!p1 $0xFFFFFFFF;
	s0 =	simm.s32 $0x0  }
0x238: {  	s0 =	simm.s32 $0xF219  }
0x239: {  	v0 =	vld.msk [tilespmem:s0+$0x0], $0x1;
	_ =	sdelay $0x4  }
0x23a: {  	(v2sf) =	vpush v0, $0x0;
	_ =	sdelay $0xb  }
0x23b: {  	s31 =	sadd.s32 $0xFFFFFFFE, s6  }
0x23c: {  	s0 =	sadd.s32 $0xFFFFFFFF, s31  }
0x23d: {  	p2 =	sne.s32 s0, $0x0  }
.Ltmp33:
0x23e: {  	s2 =	spop (v2sf);
	(pc) =	sbr.rel @!p2 .LBB3_37-.Ltmp33, $4  }
0x23f: {  	s4 =	simm.s32 $0xF2B8;
	s7 =	simm.s32 $0x0;
	p1 =	sgt.u32 s2, $0x27FF0  }
0x240: {  	s5 =	simm.s32 $0x0;
	s6 =	simm.s32 $0xF21A;
	s3 =	sand.u32 @!p1 $0x3FFF8, s2  }
0x241: {  	s2 =	sand.u32 @!p1 $0x7, s2;
	s7 =	simm.s32 @!p1 $0x200;
	s3 =	sadd.s32 @!p1 s1, s3  }
0x242: {  	[hbm4b:s3+s2] =	stream.linear.scatter @!p1 [tilespmem:s4], [sflag:$0x5], $0x80, $0x38;
	[tilespmem:$0x1F6F8] =	vst v63  }
.LBB3_36:
0x243: {  	v0 =	vld.msk [tilespmem:s6+$0x0], $0x1;
	s0 =	sadd.s32 $0xFFFFFFFF, s0;
	s5 =	sadd.s32 s5, s7  }
0x244: {  	p1 =	sne.s32 s0, $0x0;
	_ =	sdelay $0x3  }
0x245: {  	(v2sf) =	vpush v0, $0x0;
	_ =	sdelay $0xe  }
.Ltmp34:
0x246: {  	s2 =	spop (v2sf);
	(pc) =	sbr.rel @p1 .LBB3_36-.Ltmp34, $4  }
0x247: {  	s7 =	simm.s32 $0x0;
	p2 =	sgt.u32 s2, $0x27FF0  }
0x248: {  	s4 =	sadd.s32 $0x80, s4;
	s7 =	simm.s32 @!p2 $0x200;
	s3 =	sand.u32 @!p2 $0x3FFF8, s2  }
0x249: {  	s6 =	sadd.s32 $0x1, s6;
	s2 =	sand.u32 @!p2 $0x7, s2;
	s3 =	sadd.s32 @!p2 s1, s3  }
0x24a: {  	[hbm4b:s3+s2] =	stream.linear.scatter @!p2 [tilespmem:s4], [sflag:$0x5], $0x80, $0x38;
	[tilespmem:$0x1F6F8] =	vst v63  }
.LBB3_37:
0x24b: {  	s0 =	sadd.s32 s5, s7  }
0x24c: {  	s0 =	sshrl.u32 s0, $0x2  }
.LBB3_38:
0x24d: {  	s2 =	simm.s32 $0x5  }
0x24e: {  	_ =	swait.ge [sflag:s2], s0  }
0x24f: {  	s31 =	ssub.s32 $0x0, s0;
	[sflag:s2] =	ssyncset.done $0x0  }
0x250: {  	[sflag:s2] =	ssyncadd.s32 s31  }
0x251: {  	[sflag:s2] =	ssyncpa.u1 $0x1  }
.LBB3_39:
0x252: {  	s0 =	sor.u32 s15, s16  }
0x253: {  	p1 =	sne.s32 s0, $0x0  }
.Ltmp35:
0x254: {  	_ = 	snop;
	(pc) =	sbr.rel @p1 .LBB3_54-.Ltmp35, $3  }
0x255: {  	_ =	sdelay $0x1  }
0x256: {  	[bflag:$0x0] =	sbarrier.arrive $0xFFFF  }
0x257: {  	_ =	sfence  }
0x258: {  	s0 =	simm.s32 $0x7  }
0x259: {  	s2 =	simm.s32 $0x1000;
	s3 =	simm.s32 $0xF218;
	[sflag:s0] =	ssyncpa.u1 $0x0  }
0x25a: {  	[tilespmem:s3], [sflag:$0x7] =	stream.linear.gather [spmem:s2], $0x20, $0x38;
	[tilespmem:$0x1F6F8] =	vst v63  }
0x25b: {  	s30 =	simm.s32 $0xF238;
	s2 =	simm.s32 $0x0  }
0x25c: {  	[tilespmem:s30], [sflag:$0x7] =	stream.linear.gather [spmem:s2], $0x1000, $0x38;
	[tilespmem:$0x1F6F8] =	vst v63  }
.Ltmp36:
0x25d: {  	_ = 	snop;
	(pc) =	sbr.rel .LBB3_41-.Ltmp36, $4  }
0x25e: {  	_ =	swait.ge [sflag:s0], $0x1020  }
0x25f: {  	[sflag:s0] =	ssyncset.done $0x0  }
0x260: {  	s31 =	simm.s32 $0x8;
	[sflag:s0] =	ssyncadd.s32 $0xFFFFEFE0  }
0x261: {  	s3 =	simm.s32 $0x0;
	[sflag:s31] =	ssyncpa.u1 $0x0  }
.LBB3_47:
0x262: {  	p1 =	slt.u32 s4, $0x27FF1  }
0x263: {  	s0 =	sand.u32 @p1 $0x3FFF8, s4  }
0x264: {  	s4 =	sand.u32 @p1 $0x7, s4;
	s5 =	simm.s32 @p1 $0xF188;
	s0 =	sadd.s32 @p1 s1, s0  }
0x265: {  	[tilespmem:s5], [sflag:$0x8] =	stream.linear.gather @p1 [hbm4b:s0+s4], $0x80, $0x38;
	[tilespmem:$0x1F6F8] =	vst v63  }
0x266: {  	s0 =	simm.s32 @p1 $0x8  }
0x267: {  	_ =	swait.ge @p1 [sflag:s0], $0x80  }
0x268: {  	[sflag:s0] =	ssyncset.done @p1 $0x0  }
0x269: {  	[sflag:s0] =	ssyncadd.s32 @p1 $0xFFFFFF80  }
0x26a: {  	v1 =	vld @p1 [tilespmem:$0xF188];
	_ =	sdelay $0x2  }
0x26b: {  	s0 =	sshll.u32 @p1 s3, $0x9  }
0x26c: {  	s4 =	sshrl.u32 @p1 s0, $0x2  }
0x26d: {  	[tilespmem:s4+$0xF238] =	vst.add.f32.msk @p1 $0xffff, v1  }
0x26e: {  	v1 =	vld @p1 [tilespmem:$0xF198];
	_ =	sdelay $0x4  }
0x26f: {  	[tilespmem:s4+$0xF248] =	vst.add.f32.msk @p1 $0xffff, v1  }
0x270: {  	v1 =	vld @p1 [tilespmem:$0xF1A8];
	_ =	sdelay $0x4  }
0x271: {  	[tilespmem:s4+$0xF258] =	vst.add.f32.msk @p1 $0xffff, v1  }
0x272: {  	v1 =	vld @p1 [tilespmem:$0xF1B8];
	_ =	sdelay $0x4  }
0x273: {  	[tilespmem:s4+$0xF268] =	vst.add.f32.msk @p1 $0xffff, v1  }
0x274: {  	v1 =	vld @p1 [tilespmem:$0xF1C8];
	_ =	sdelay $0x4  }
0x275: {  	[tilespmem:s4+$0xF278] =	vst.add.f32.msk @p1 $0xffff, v1  }
0x276: {  	v1 =	vld @p1 [tilespmem:$0xF1D8];
	_ =	sdelay $0x4  }
0x277: {  	[tilespmem:s4+$0xF288] =	vst.add.f32.msk @p1 $0xffff, v1  }
0x278: {  	v1 =	vld @p1 [tilespmem:$0xF1E8];
	_ =	sdelay $0x4  }
0x279: {  	[tilespmem:s4+$0xF298] =	vst.add.f32.msk @p1 $0xffff, v1  }
0x27a: {  	v1 =	vld @p1 [tilespmem:$0xF1F8];
	_ =	sdelay $0x3  }
0x27b: {  	s5 =	sshll.u32 @!p1 s3, $0x9  }
0x27c: {  	s5 =	smov.u32 @p1 s0;
	[tilespmem:s4+$0xF2A8] =	vst.add.f32.msk @p1 $0xffff, v1  }
0x27d: {  	s0 =	sshrl.u32 s5, $0x2;
	[tilespmem:s2+$0xF218] =	vst.msk $0x1, v0  }
0x27e: {  	v0 =	vld [tilespmem:s0+$0xF238];
	_ =	sdelay $0x2  }
0x27f: {  	s31 =	sshll.u32 s2, $0x9  }
0x280: {  	s4 =	sshra.s32 s31, $0x2  }
0x281: {  	[tilespmem:s4+$0xF238] =	vst v0  }
0x282: {  	v0 =	vld [tilespmem:s0+$0xF248];
	_ =	sdelay $0x4  }
0x283: {  	[tilespmem:s4+$0xF248] =	vst v0  }
0x284: {  	v0 =	vld [tilespmem:s0+$0xF258];
	_ =	sdelay $0x4  }
0x285: {  	[tilespmem:s4+$0xF258] =	vst v0  }
0x286: {  	v0 =	vld [tilespmem:s0+$0xF268];
	_ =	sdelay $0x4  }
0x287: {  	[tilespmem:s4+$0xF268] =	vst v0  }
0x288: {  	v0 =	vld [tilespmem:s0+$0xF278];
	_ =	sdelay $0x4  }
0x289: {  	[tilespmem:s4+$0xF278] =	vst v0  }
0x28a: {  	v0 =	vld [tilespmem:s0+$0xF288];
	_ =	sdelay $0x4  }
0x28b: {  	[tilespmem:s4+$0xF288] =	vst v0  }
0x28c: {  	v0 =	vld [tilespmem:s0+$0xF298];
	_ =	sdelay $0x4  }
0x28d: {  	[tilespmem:s4+$0xF298] =	vst v0  }
0x28e: {  	v0 =	vld [tilespmem:s0+$0xF2A8];
	_ =	sdelay $0x4  }
0x28f: {  	s2 =	sadd.s32 $0x1, s2;
	[tilespmem:s4+$0xF2A8] =	vst v0  }
.LBB3_48:
0x290: {  	s3 =	sadd.s32 $0x1, s3  }
0x291: {  	p1 =	sne.s32 s3, $0x20  }
.Ltmp37:
0x292: {  	_ = 	snop;
	(pc) =	sbr.rel @!p1 .LBB3_49-.Ltmp37, $1  }
0x293: {  	_ =	sdelay $0x3  }
.LBB3_41:
0x294: {  	v0 =	vld.msk [tilespmem:s3+$0xF218], $0x1;
	_ =	sdelay $0x4  }
0x295: {  	(v2sf) =	vpush v0, $0x0;
	_ =	sdelay $0xe  }
0x296: {  	s4 =	spop (v2sf)  }
0x297: {  	p1 =	seq.s32 s4, $0xFFFFFFFF  }
.Ltmp38:
0x298: {  	_ = 	snop;
	(pc) =	sbr.rel @p1 .LBB3_48-.Ltmp38, $1  }
0x299: {  	_ =	sdelay $0x3  }
0x29a: {  	p1 =	slt.s32 s2, $0x1  }
.Ltmp39:
0x29b: {  	_ = 	snop;
	(pc) =	sbr.rel @p1 .LBB3_47-.Ltmp39, $1  }
0x29c: {  	_ =	sdelay $0x3  }
0x29d: {  	s5 =	simm.s32 $0xF218;
	p1 =	por $0x0, $0x0  }
0x29e: {  	v1 =	vld.msk @!p1 [tilespmem:s5+$0x0], $0x1;
	_ =	sdelay $0x4  }
0x29f: {  	(v2sf) =	vpush @!p1 v1, $0x0;
	_ =	sdelay $0xd  }
0x2a0: {  	p3 =	sne.s32 s2, $0x1  }
.Ltmp40:
0x2a1: {  	s0 =	spop @!p1 (v2sf);
	(pc) =	sbr.rel @!p3 .LBB3_45-.Ltmp40, $4  }
0x2a2: {  	p2 =	seq.s32 @!p1 s4, s0  }
0x2a3: {  	s6 =	simm.s32 $0x0;
	p2 =	por !p2, p1  }
0x2a4: {  	s7 =	simm.s32 $0xFFFFFFFF;
	s6 =	simm.s32 @p2 $0xFFFFFFFF  }
0x2a5: {  	s0 =	simm.s32 $0x1;
	s6 =	smov.u32 @p1 s7  }
.LBB3_44:
0x2a6: {  	s7 =	smov.u32 s6;
	p1 =	sne.s32 s6, $0xFFFFFFFF  }
0x2a7: {  	s5 =	sadd.s32 $0x1, s5;
	s6 =	smov.u32 s0;
	s0 =	sadd.s32 $0x1, s0  }
0x2a8: {  	p2 =	sne.s32 s2, s0;
	v1 =	vld.msk @!p1 [tilespmem:s5+$0x0], $0x1;
	_ =	sdelay $0x4  }
0x2a9: {  	(v2sf) =	vpush @!p1 v1, $0x0;
	_ =	sdelay $0xe  }
.Ltmp41:
0x2aa: {  	s8 =	spop @!p1 (v2sf);
	(pc) =	sbr.rel @p2 .LBB3_44-.Ltmp41, $4  }
0x2ab: {  	p3 =	seq.s32 @!p1 s4, s8  }
0x2ac: {  	p3 =	por !p3, p1  }
0x2ad: {  	s6 =	simm.s32 @p3 $0xFFFFFFFF  }
0x2ae: {  	s6 =	smov.u32 @p1 s7  }
.LBB3_45:
0x2af: {  	p1 =	seq.s32 s6, $0xFFFFFFFF  }
.Ltmp42:
0x2b0: {  	_ = 	snop;
	(pc) =	sbr.rel @p1 .LBB3_47-.Ltmp42, $1  }
0x2b1: {  	_ =	sdelay $0x3  }
0x2b2: {  	s0 =	sshll.u32 s3, $0x7  }
0x2b3: {  	s0 =	sand.u32 $0x3FFFFF80, s0  }
0x2b4: {  	v0 =	vld [tilespmem:s0+$0xF238];
	_ =	sdelay $0x2  }
0x2b5: {  	s4 =	sshll.u32 s6, $0x9  }
0x2b6: {  	s4 =	sshra.s32 s4, $0x2  }
0x2b7: {  	[tilespmem:s4+$0xF238] =	vst.add.f32.msk $0xffff, v0  }
0x2b8: {  	v0 =	vld [tilespmem:s0+$0xF248];
	_ =	sdelay $0x4  }
0x2b9: {  	[tilespmem:s4+$0xF248] =	vst.add.f32.msk $0xffff, v0  }
0x2ba: {  	v0 =	vld [tilespmem:s0+$0xF258];
	_ =	sdelay $0x4  }
0x2bb: {  	[tilespmem:s4+$0xF258] =	vst.add.f32.msk $0xffff, v0  }
0x2bc: {  	v0 =	vld [tilespmem:s0+$0xF268];
	_ =	sdelay $0x4  }
0x2bd: {  	[tilespmem:s4+$0xF268] =	vst.add.f32.msk $0xffff, v0  }
0x2be: {  	v0 =	vld [tilespmem:s0+$0xF278];
	_ =	sdelay $0x4  }
0x2bf: {  	[tilespmem:s4+$0xF278] =	vst.add.f32.msk $0xffff, v0  }
0x2c0: {  	v0 =	vld [tilespmem:s0+$0xF288];
	_ =	sdelay $0x4  }
0x2c1: {  	[tilespmem:s4+$0xF288] =	vst.add.f32.msk $0xffff, v0  }
0x2c2: {  	v0 =	vld [tilespmem:s0+$0xF298];
	_ =	sdelay $0x4  }
0x2c3: {  	[tilespmem:s4+$0xF298] =	vst.add.f32.msk $0xffff, v0  }
0x2c4: {  	v0 =	vld [tilespmem:s0+$0xF2A8]  }
.Ltmp43:
0x2c5: {  	_ = 	snop;
	(pc) =	sbr.rel .LBB3_48-.Ltmp43, $2  }
0x2c6: {  	_ =	sdelay $0x2  }
0x2c7: {  	[tilespmem:s4+$0xF2A8] =	vst.add.f32.msk $0xffff, v0  }
.LBB3_49:
0x2c8: {  	p1 =	slt.s32 s2, $0x1  }
.Ltmp44:
0x2c9: {  	_ = 	snop;
	(pc) =	sbr.rel @p1 .LBB3_53-.Ltmp44, $3  }
0x2ca: {  	_ =	sdelay $0x1  }
0x2cb: {  	s0 =	simm.s32 $0x8  }
0x2cc: {  	s3 =	simm.s32 $0x0;
	[sflag:s0] =	ssyncpa.u1 $0x1  }
0x2cd: {  	s0 =	simm.s32 $0xF218  }
0x2ce: {  	v0 =	vld.msk [tilespmem:s0+$0x0], $0x1;
	_ =	sdelay $0x4  }
0x2cf: {  	(v2sf) =	vpush v0, $0x0;
	_ =	sdelay $0xe  }
0x2d0: {  	s0 =	sadd.s32 $0xFFFFFFFF, s2;
	s5 =	spop (v2sf)  }
0x2d1: {  	p2 =	sne.s32 s0, $0x0;
	p1 =	sgt.u32 s5, $0x27FF0  }
.Ltmp45:
0x2d2: {  	s6 =	sand.u32 @!p1 $0x3FFF8, s5;
	(pc) =	sbr.rel @!p2 .LBB3_52-.Ltmp45, $4  }
0x2d3: {  	s4 =	simm.s32 $0xF238;
	s5 =	sand.u32 @!p1 $0x7, s5;
	s2 =	sadd.s32 @!p1 s1, s6  }
0x2d4: {  	[hbm4b:s2+s5] =	stream.linear.scatter @!p1 [tilespmem:s4], [sflag:$0x7], $0x80, $0x38;
	[tilespmem:$0x1F6F8] =	vst v63  }
0x2d5: {  	s5 =	simm.s32 $0x0  }
0x2d6: {  	s2 =	simm.s32 $0xF219;
	s5 =	simm.s32 @!p1 $0x200  }
.LBB3_51:
0x2d7: {  	v0 =	vld.msk [tilespmem:s2+$0x0], $0x1;
	s0 =	sadd.s32 $0xFFFFFFFF, s0;
	s3 =	sadd.s32 s3, s5  }
0x2d8: {  	p1 =	sne.s32 s0, $0x0;
	_ =	sdelay $0x3  }
0x2d9: {  	(v2sf) =	vpush v0, $0x0;
	_ =	sdelay $0xe  }
.Ltmp46:
0x2da: {  	s6 =	spop (v2sf);
	(pc) =	sbr.rel @p1 .LBB3_51-.Ltmp46, $4  }
0x2db: {  	s5 =	simm.s32 $0x0;
	p2 =	sgt.u32 s6, $0x27FF0  }
0x2dc: {  	s4 =	sadd.s32 $0x80, s4;
	s5 =	simm.s32 @!p2 $0x200;
	s7 =	sand.u32 @!p2 $0x3FFF8, s6  }
0x2dd: {  	s2 =	sadd.s32 $0x1, s2;
	s6 =	sand.u32 @!p2 $0x7, s6;
	s7 =	sadd.s32 @!p2 s1, s7  }
0x2de: {  	[hbm4b:s7+s6] =	stream.linear.scatter @!p2 [tilespmem:s4], [sflag:$0x7], $0x80, $0x38;
	[tilespmem:$0x1F6F8] =	vst v63  }
.LBB3_52:
0x2df: {  	s0 =	sadd.s32 s3, s5  }
0x2e0: {  	s3 =	sshrl.u32 s0, $0x2  }
.LBB3_53:
0x2e1: {  	s0 =	simm.s32 $0x7  }
0x2e2: {  	_ =	swait.ge [sflag:s0], s3  }
0x2e3: {  	s1 =	ssub.s32 $0x0, s3;
	[sflag:s0] =	ssyncset.done $0x0  }
0x2e4: {  	[sflag:s0] =	ssyncadd.s32 s1  }
0x2e5: {  	[sflag:s0] =	ssyncpa.u1 $0x1  }
.LBB3_54:
0x2e6: {  	_ =	sfence;
	s0 =	simm.s32 $0x1  }
0x2e7: {  	[sflag:s0] =	ssyncpa.u1 $0x1  }
0x2e8: {  	_ =	strace $0x9000005C  }
0x2e9: {  	[bflag:$0x2] =	sbarrier.arrive $0xFFFF  }
0x2ea: {  	s0 =	rddreg [dreg:$0x3]  }
0x2eb: {  	s0 =	sadd.s32 @!p0 $0x100000, s0  }
0x2ec: {  	[sflag:s0] =	ssyncadd.tile.s32 @!p0 $0x1;
	_ =	shalt  }
.Lfunc_end3:
_tile_overlayer_lowered:
.L_overlay_start_3:
0x2ed: {  	(tag) =	ssettag $0x3  }
0x2ee: {  	s0 =	rddreg [dreg:$0x0];
	s2 =	stileid.u32  }
0x2ef: {  	s1 =	rddreg [dreg:$0x1];
	p0 =	sne.s32 s2, $0x0  }
0x2f0: {  	s3 =	rddreg [dreg:$0x2];
	[bflag:$0x3] =	sbarrier.arrive $0xFFFF;
	s2 =	simm.s32 @!p0 $0x1C01  }
0x2f1: {  	[timem:s3], [sflag:s2] =	dma.local @!p0 [hbm:s0], s1  }
0x2f2: {  	s0 =	simm.s32 @!p0 $0x1  }
0x2f3: {  	_ =	swait.ge @!p0 [sflag:s0], s1  }
0x2f4: {  	s1 =	ssub.s32 @!p0 $0x0, s1;
	[sflag:s0] =	ssyncset.done @!p0 $0x0  }
0x2f5: {  	[sflag:s0] =	ssyncadd.s32 @!p0 s1  }
0x2f6: {  	[bflag:$0x3] =	sbarrier.arrive $0xFFFF  }
0x2f7: {  	_ =	shalt  }

// kernel: scatter_offload_async_start.2
scs
__scs_entry_jumppad:
0x0: {  	(pc) =	sbr.rel $0x88, $3  }
0x1: {  	(tag) =	ssettag $0x0;
	lr =	simm.s32 $0x1  }
0x2: {  	[smem:$0x3F80] =	sst lr;
	_ =	strace $0xD0000000  }
0x3: {  	_ = 	snop  }
0x4: {  	_ = 	snop  }
0x5: {  	_ = 	snop  }
0x6: {  	_ = 	snop  }
0x7: {  	_ = 	snop  }
__scs_overlays_trampoline_lowered:
0x8: {  	[smem:$0x3F8F] =	sst s0  }
0x9: {  	[smem:$0x3F90] =	sst s1  }
0xa: {  	[smem:$0x3F91] =	sst s2  }
0xb: {  	[smem:$0x3F92] =	sst s3  }
0xc: {  	[smem:$0x3F93] =	sst s4  }
0xd: {  	[smem:$0x3F94] =	sst s5  }
0xe: {  	[smem:$0x3F95] =	sst s6  }
0xf: {  	[smem:$0x3F96] =	sst s7  }
0x10: {  	[smem:$0x3F97] =	sst s8  }
0x11: {  	[smem:$0x3F98] =	sst s9;
	s0 =	simm.s32 @!p0 $0x0  }
0x12: {  	s1 =	sld [smem:$0x3F7E];
	s0 =	simm.s32 @p0 $0x1  }
0x13: {  	[smem:$0x3F99] =	sst s0;
	s0 =	simm.s32 @!p1 $0x0  }
0x14: {  	s2 =	sld [smem:$0x3F7D];
	s0 =	simm.s32 @p1 $0x1  }
0x15: {  	[smem:$0x3F9A] =	sst s0;
	s0 =	simm.s32 @!p2 $0x0  }
0x16: {  	s3 =	sld [smem:$0x3FDB];
	s0 =	simm.s32 @p2 $0x1  }
0x17: {  	s4 =	simm.s32 $0x1BF5;
	[smem:$0x3F9C] =	sst s0  }
0x18: {  	s0 =	sld [smem:$0x3F7F];
	_ =	swait.ge [sflag:s4], $0x0  }
0x19: {  	s7 =	sld [smem:$0x3F80]  }
0x1a: {  	s8 =	sadd.s32 $0xFFFFE003, lr  }
0x1b: {  	s9 =	sadd.s32 $0xFFFFFEF7, lr;
	s5 =	simm.s32 $0xFFFFFFFF;
	p2 =	slt.u32 s8, $0xFFFFF086  }
0x1c: {  	p1 =	slt.u32 s9, $0xF7A;
	s5 =	simm.s32 @!p2 $0x0  }
0x1d: {  	s5 =	simm.s32 @p1 $0x1;
	p0 =	seq.s32 s7, s2  }
0x1e: {  	s7 =	smul.u32 @!p0 $0xF7A, s2;
	p2 =	seq.s32 @!p0 s5, $0x0  }
0x1f: {  	s9 =	smul.u32 $0xF7A, s1;
	s8 =	simm.s32 @!p0 $0x1BF5;
	p2 =	por !p2, p0  }
0x20: {  	[sflag:s8] =	ssyncset.s32 @!p0 $0xFFFFF086;
	s6 =	sadd.s32 @!p0 s3, s7;
	s7 =	simm.s32 @!p0 $0x108  }
0x21: {  	s3 =	sadd.s32 s3, s9;
	s6 =	sadd.s32 @!p0 $0x88, s6;
	s7 =	simm.s32 @p2 $0x1082  }
0x22: {  	[simem:s7], [sflag:s8] =	dma.local @!p0 [hbm:s6], $0xF7A  }
0x23: {  	s9 =	sor.u32 $0xD0000000, s2;
	s6 =	simm.s32 $0x108;
	_ =	swait.ge @!p0 [sflag:s8], $0x0  }
0x24: {  	s3 =	sadd.s32 $0x88, s3;
	s6 =	simm.s32 @!p1 $0x1082;
	[sflag:s4] =	ssyncset.s32 $0xFFFFF086  }
0x25: {  	[simem:s6], [sflag:s4] =	dma.local [hbm:s3], $0xF7A  }
0x26: {  	[smem:$0x3F80] =	sst s1;
	(tag) =	ssettag s2;
	_ =	strace s9  }
0x27: {  	s1 =	sld [smem:$0x3F90]  }
0x28: {  	s2 =	sld [smem:$0x3F91]  }
0x29: {  	s4 =	sld [smem:$0x3F93]  }
0x2a: {  	p0 =	seq.s32 s5, $0x0;
	s5 =	sld [smem:$0x3F94]  }
0x2b: {  	s6 =	sld [smem:$0x3F95]  }
0x2c: {  	s7 =	sld [smem:$0x3F96]  }
0x2d: {  	s3 =	simm.s32 $0x108;
	s8 =	sld [smem:$0x3F97]  }
0x2e: {  	s3 =	simm.s32 @!p0 $0x1082;
	s9 =	sld [smem:$0x3F98]  }
0x2f: {  	lr =	sadd.s32 s0, s3;
	s0 =	sld [smem:$0x3F8F]  }
0x30: {  	s3 =	sld [smem:$0x3F92]  }
0x31: {  	[smem:$0x3F9B] =	sst s10  }
0x32: {  	s10 =	sld [smem:$0x3F99];
	_ =	sdelay $0x3  }
0x33: {  	p0 =	seq.s32 s10, $0x1;
	s10 =	sld [smem:$0x3F9B];
	_ =	sdelay $0x3  }
0x34: {  	[smem:$0x3F9B] =	sst s10  }
0x35: {  	s10 =	sld [smem:$0x3F9A];
	_ =	sdelay $0x3  }
0x36: {  	p1 =	seq.s32 s10, $0x1;
	s10 =	sld [smem:$0x3F9B];
	_ =	sdelay $0x3  }
0x37: {  	[smem:$0x3F9B] =	sst s10  }
0x38: {  	s10 =	sld [smem:$0x3F9C]  }
0x39: {  	_ = 	snop;
	(pc) =	sbr.ind lr, $3  }
0x3a: {  	_ = 	snop  }
0x3b: {  	_ = 	snop  }
0x3c: {  	p2 =	seq.s32 s10, $0x1;
	s10 =	sld [smem:$0x3F9B]  }
0x3d: {  	_ =	shalt  }
0x3e: {  	_ =	shalt  }
0x3f: {  	_ =	shalt  }
0x40: {  	_ =	shalt  }
0x41: {  	_ =	shalt  }
0x42: {  	_ =	shalt  }
0x43: {  	_ =	shalt  }
0x44: {  	_ =	shalt  }
0x45: {  	_ =	shalt  }
0x46: {  	_ =	shalt  }
0x47: {  	_ =	shalt  }
0x48: {  	_ =	shalt  }
0x49: {  	_ =	shalt  }
0x4a: {  	_ =	shalt  }
0x4b: {  	_ =	shalt  }
0x4c: {  	_ =	shalt  }
0x4d: {  	_ =	shalt  }
0x4e: {  	_ =	shalt  }
0x4f: {  	_ =	shalt  }
0x50: {  	_ =	shalt  }
0x51: {  	_ =	shalt  }
0x52: {  	_ =	shalt  }
0x53: {  	_ =	shalt  }
0x54: {  	_ =	shalt  }
0x55: {  	_ =	shalt  }
0x56: {  	_ =	shalt  }
0x57: {  	_ =	shalt  }
0x58: {  	_ =	shalt  }
0x59: {  	_ =	shalt  }
0x5a: {  	_ =	shalt  }
0x5b: {  	_ =	shalt  }
0x5c: {  	_ =	shalt  }
0x5d: {  	_ =	shalt  }
0x5e: {  	_ =	shalt  }
0x5f: {  	_ =	shalt  }
0x60: {  	_ =	shalt  }
0x61: {  	_ =	shalt  }
0x62: {  	_ =	shalt  }
0x63: {  	_ =	shalt  }
0x64: {  	_ =	shalt  }
0x65: {  	_ =	shalt  }
0x66: {  	_ =	shalt  }
0x67: {  	_ =	shalt  }
0x68: {  	_ =	shalt  }
0x69: {  	_ =	shalt  }
0x6a: {  	_ =	shalt  }
0x6b: {  	_ =	shalt  }
0x6c: {  	_ =	shalt  }
0x6d: {  	_ =	shalt  }
0x6e: {  	_ =	shalt  }
0x6f: {  	_ =	shalt  }
0x70: {  	_ =	shalt  }
0x71: {  	_ =	shalt  }
0x72: {  	_ =	shalt  }
0x73: {  	_ =	shalt  }
0x74: {  	_ =	shalt  }
0x75: {  	_ =	shalt  }
0x76: {  	_ =	shalt  }
0x77: {  	_ =	shalt  }
0x78: {  	_ =	shalt  }
0x79: {  	_ =	shalt  }
0x7a: {  	_ =	shalt  }
0x7b: {  	_ =	shalt  }
0x7c: {  	_ =	shalt  }
0x7d: {  	_ =	shalt  }
0x7e: {  	_ =	shalt  }
0x7f: {  	_ =	shalt  }
0x80: {  	_ =	shalt  }
0x81: {  	_ =	shalt  }
0x82: {  	_ =	shalt  }
0x83: {  	_ =	shalt  }
0x84: {  	_ =	shalt  }
0x85: {  	_ =	shalt  }
0x86: {  	_ =	shalt  }
0x87: {  	_ =	shalt  }
.Lfunc_end0:
.L_simem_size_0:
called_computation.2_lowered:
.L_overlay_start_0:
0x88: {  	s2 =	sld [smem:$0x3FD9]  }
0x89: {  	s3 =	sld [smem:$0x3FFE];
	_ =	sdelay $0x1  }
0x8a: {  	s1 =	srdreg.scid  }
0x8b: {  	s0 =	sand.u32 $0x1, s1  }
0x8c: {  	s12 =	sshll.u32 s0, $0xA;
	s2 =	sadd.s32 s3, s2  }
0x8d: {  	s2 =	sadd.s32 s2, s12  }
0x8e: {  	[smem:$0x3FA7] =	sst s2  }
0x8f: {  	_ = 	snop  }
0x90: {  	(tm) =	ssettm $0x1  }
0x91: {  	s13 =	sld [smem:$0x3FFB];
	_ =	sdelay $0x3  }
0x92: {  	_ =	strace s13  }
0x93: {  	s2 =	sld [smem:$0x3FFC];
	_ =	sdelay $0x3  }
0x94: {  	_ =	strace s2  }
0x95: {  	s2 =	sld [smem:$0x3FFD];
	_ =	sdelay $0x3  }
0x96: {  	_ =	strace s2  }
0x97: {  	_ =	strace $0x8FFFFFFF  }
0x98: {  	s14 =	sld [smem:$0x3FDB];
	_ =	sdelay $0x1  }
0x99: {  	s15 =	simm.s32 $_scs_section_size  }
0x9a: {  	s4 =	simm.s32 $_size__tile_overlayer_lowered;
	s5 =	simm.s32 $_tile_overlayer_lowered  }
0x9b: {  	s19 =	simm.s32 $0x1BFF;
	s17 =	sshll.u32 s5, $0x1;
	s6 =	sadd.s32 s15, s14  }
0x9c: {  	s20 =	simm.s32 $0x0;
	s16 =	sshll.u32 s4, $0x1;
	s18 =	sadd.s32 s17, s6  }
0x9d: {  	[timem:s20], [sflag:s19] =	dma.local [hbm:s18], s16  }
0x9e: {  	_ =	swait.ge [sflag:s19], s16  }
0x9f: {  	s3 =	ssub.s32 $0x0, s16;
	[sflag:s19] =	ssyncset.done $0x0  }
0xa0: {  	[sflag:s19] =	ssyncadd.s32 s3;
	_ =	sdelay $0x1  }
0xa1: {  	s21 =	simm.s32 $0x1B8B  }
0xa2: {  	_ =	swait.ge [sflag:s21], $0x1  }
0xa3: {  	[sflag:s21] =	ssyncset.done $0x0  }
0xa4: {  	[sflag:s21] =	ssyncadd.s32 $0xFFFFFFFF  }
0xa5: {  	s3 =	sld [smem:$0x0]  }
0xa6: {  	s4 =	sand.u32 $0xFFFFFFFE, s1  }
0xa7: {  	p0 =	sne.s32 s1, s4  }
0xa8: {  	s4 =	sshll.u32 @p0 s4, $0xE  }
0xa9: {  	s5 =	sadd.s32 @p0 $0x11B8D, s4;
	s7 =	sshll.u32 @p0 s3, $0x11  }
0xaa: {  	s5 =	sor.u32 @p0 s7, s5  }
0xab: {  	[sflag:s5] =	ssyncadd.remote.s32 @p0 $0x1;
	_ =	sdelay $0x1  }
0xac: {  	s5 =	simm.s32 @p0 $0x1B8D  }
0xad: {  	_ =	swait.eq @p0 [sflag:s5], $0x1  }
0xae: {  	[sflag:s5] =	ssyncadd.s32 @p0 $0xFFFFFFFF  }
0xaf: {  	s7 =	sshll.u32 @!p0 s1, $0xE  }
0xb0: {  	s7 =	sor.u32 @!p0 $0x4000, s7;
	s5 =	simm.s32 @!p0 $0x1B8D  }
0xb1: {  	s9 =	sshll.u32 @!p0 s3, $0x11;
	s8 =	sadd.s32 @!p0 $0x11B8D, s7;
	_ =	swait.eq @!p0 [sflag:s5], $0x1  }
0xb2: {  	[sflag:s5] =	ssyncadd.s32 @!p0 $0xFFFFFFFF;
	s5 =	sor.u32 @!p0 s9, s8  }
0xb3: {  	s23 =	simm.s32 $0x1B8E;
	s22 =	sld [smem:$0x3FFE];
	[sflag:s5] =	ssyncadd.remote.s32 @!p0 $0x1  }
0xb4: {  	s24 =	simm.s32 $execute0_lowered;
	[smem:$0x3FD2] =	sst s23  }
0xb5: {  	s8 =	sshll.u32 s24, $0x1;
	_ =	strace $0x8000005E;
	[dreg:$0x1] =	wrdreg $0xFFFFFFFF  }
0xb6: {  	s25 =	simm.s32 $_size_execute0_lowered;
	s8 =	sadd.s32 s6, s8;
	[dreg:$0x0] =	wrdreg $0x0  }
0xb7: {  	s9 =	sshll.u32 s25, $0x1;
	[dreg:$0x2] =	wrdreg s8  }
0xb8: {  	[dreg:$0x3] =	wrdreg s9  }
0xb9: {  	[dreg:$0x4] =	wrdreg $0xC0  }
0xba: {  	s26 =	simm.s32 $execute1_lowered;
	_ =	task [dreg:s20], $0x5FFFF  }
0xbb: {  	s8 =	sshll.u32 s26, $0x1;
	[dreg:$0x1] =	wrdreg $0xFFFFFFFF  }
0xbc: {  	s6 =	sadd.s32 s6, s8;
	[dreg:$0x0] =	wrdreg $0x60  }
0xbd: {  	[dreg:$0x2] =	wrdreg s6  }
0xbe: {  	[dreg:$0x3] =	wrdreg s22  }
0xbf: {  	[dreg:$0x4] =	wrdreg $0xD  }
0xc0: {  	_ =	task.clear_ibuf [dreg:s20], $0x5FFFF;
	_ =	strace $0x9000005E  }
0xc1: {  	s28 =	simm.s32 $0xD;
	_ =	strace $0x80000060  }
0xc2: {  	_ =	swait.ge [sflag:s28], $0x1  }
0xc3: {  	[sflag:s28] =	ssyncadd.s32 $0xFFFFFFFF  }
0xc4: {  	_ =	strace $0x90000060  }
0xc5: {  	s6 =	sld [smem:$0x0];
	_ =	sdelay $0x3  }
0xc6: {  	s4 =	sadd.s32 @p0 $0x11BF3, s4;
	s8 =	sshll.u32 @p0 s6, $0x11  }
0xc7: {  	s4 =	sor.u32 @p0 s8, s4  }
0xc8: {  	[sflag:s4] =	ssyncadd.remote.s32 @p0 $0x1;
	_ =	sdelay $0x1  }
0xc9: {  	s4 =	simm.s32 @p0 $0x1BF3  }
0xca: {  	_ =	swait.eq @p0 [sflag:s4], $0x1  }
0xcb: {  	[sflag:s4] =	ssyncadd.s32 @p0 $0xFFFFFFFF;
	_ =	sdelay $0x1  }
0xcc: {  	s4 =	simm.s32 @!p0 $0x1BF3  }
0xcd: {  	s7 =	sadd.s32 @!p0 $0x11BF3, s7;
	s6 =	sshll.u32 @!p0 s6, $0x11;
	_ =	swait.eq @!p0 [sflag:s4], $0x1  }
0xce: {  	[sflag:s4] =	ssyncadd.s32 @!p0 $0xFFFFFFFF;
	s4 =	sor.u32 @!p0 s6, s7  }
0xcf: {  	[sflag:s4] =	ssyncadd.remote.s32 @!p0 $0x1  }
0xd0: {  	_ =	strace $0x80000061;
	[dreg:$0x1] =	wrdreg $0xFFFFFFFF  }
0xd1: {  	[dreg:$0x0] =	wrdreg $0x2030  }
0xd2: {  	[dreg:$0x2] =	wrdreg s22  }
0xd3: {  	[dreg:$0x3] =	wrdreg s1  }
0xd4: {  	[dreg:$0x4] =	wrdreg s3  }
0xd5: {  	[dreg:$0x5] =	wrdreg $0xE  }
0xd6: {  	_ =	task.clear_ibuf [dreg:s20], $0x6FFFF;
	_ =	strace $0x90000061  }
0xd7: {  	s29 =	simm.s32 $0xE;
	_ =	strace $0x80000063  }
0xd8: {  	_ =	swait.ge [sflag:s29], $0x1  }
0xd9: {  	[sflag:s29] =	ssyncadd.s32 $0xFFFFFFFF  }
0xda: {  	_ =	strace $0x90000063  }
0xdb: {  	_ =	sfence  }
0xdc: {  	s30 =	sld [smem:$0x0];
	_ =	sdelay $0x2  }
0xdd: {  	s31 =	sshll.u32 s1, $0xD;
	s1 =	sshrl.u32 s1, $0x2  }
0xde: {  	s4 =	sand.u32 $0x4000, s31;
	s1 =	sadd.s32 s1, s30  }
0xdf: {  	s0 =	sor.u32 s4, s0;
	s1 =	sshll.u32 s1, $0x11  }
0xe0: {  	s0 =	sor.u32 s1, s0  }
0xe1: {  	s0 =	sadd.s32 $0x8F2B, s0  }
0xe2: {  	[sflag:s0] =	ssyncadd.remote.s32 $0x1  }
0xe3: {  	_ =	sfence.sel $0xFFFF  }
0xe4: {  	[dreg:$0x0] =	wrdreg $0xFFFFFFFF;
	(pc) =	sbr.abs _section_cstart, $3  }
0xe5: {  	[dreg:$0x1] =	wrdreg $0xFFFFFFFF  }
0xe6: {  	_ =	task.clear_ibuf [dreg:s20], $0x2FFFF;
	_ =	strace $0x9FFFFFFF  }
0xe7: {  	(tm) =	ssettm $0x7FFFFFFF  }
tec
execute0_lowered:
.L_overlay_start_1:
0x0: {  	(tag) =	ssettag $0x1  }
0x1: {  	s2 =	rddreg [dreg:$0x0]  }
0x2: {  	s4 =	rddreg [dreg:$0x1]  }
0x3: {  	s0 =	rddreg [dreg:$0x2];
	s3 =	stileid.u32;
	[bflag:$0x3] =	sbarrier.arrive $0xFFFF  }
0x4: {  	s1 =	simm.s32 $_size_execute1_lowered;
	s29 =	srdreg.scid;
	p0 =	sne.s32 s3, $0x0  }
0x5: {  	s1 =	sshll.u32 s1, $0x1;
	s5 =	simm.s32 @!p0 $0x1C3F;
	s6 =	simm.s32 @!p0 $0x4060  }
0x6: {  	[timem:s6], [sflag:s5] =	dma.local @!p0 [hbm:s2], s1  }
0x7: {  	s2 =	sshll.u32 s29, $0x7  }
0x8: {  	s7 =	simm.s32 $0x1;
	s3 =	sshll.u32 s3, $0x8;
	s2 =	sand.u32 $0x80, s2  }
0x9: {  	s8 =	simm.s32 $0x2;
	s9 =	simm.s32 $0x0;
	s2 =	sor.u32 s3, s2  }
0xa: {  	s12 =	simm.s32 $0x0;
	s11 =	simm.s32 $0x0;
	s30 =	ssub.s32 $0x2800, s2  }
.Ltmp0:
0xb: {  	s5 =	simm.s32 $0x1;
	s31 =	sand.u32 $0xF80, s30;
	(pc) =	sbr.rel .LBB2_1-.Ltmp0, $4  }
0xc: {  	_ =	strace $0x8000005F;
	s3 =	sadd.s32 $0x2B2000, s4;
	p1 =	sne.s32 s31, $0x0  }
0xd: {  	[sflag:s5] =	ssyncpa.u1 $0x0;
	s6 =	sshrl.u32 s30, $0xC;
	s7 =	simm.s32 @!p1 $0x0  }
0xe: {  	s4 =	sadd.s32 $0x578000, s4;
	[sflag:s8] =	ssyncpa.u1 $0x0;
	s6 =	sadd.s32 s7, s6  }
0xf: {  	s8 =	simm.s32 $0x0;
	s10 =	smov.u32 s2;
	s7 =	sadd.s32 $0x1, s6  }
.LBB2_4:
0x10: {  	_ =	sdelay $0x3  }
0x11: {  	[tilespmem:v0+s14+$0xFFFFFFA0 ss:$0x1] =	vst.idx.msk $0xffff, v6  }
0x12: {  	v56 =	vld.idx.msk [tilespmem:v1+s15+$0x30 ss:$0x1], $0xffff;
	[tilespmem:v0+s14+$0xFFFFFFB0 ss:$0x1] =	vst.idx.msk $0xffff, v4  }
0x13: {  	v57 =	vld.idx.msk [tilespmem:v1+s15+$0xFFFFFFC0 ss:$0x1], $0xffff;
	[tilespmem:v0+s14+$0xFFFFFFC0 ss:$0x1] =	vst.idx.msk $0xffff, v2  }
0x14: {  	v58 =	vld.idx.msk [tilespmem:v1+s15+$0xFFFFFFD0 ss:$0x1], $0xffff;
	[tilespmem:v0+s14+$0xFFFFFFD0 ss:$0x1] =	vst.idx.msk $0xffff, v3  }
0x15: {  	v59 =	vld.idx.msk [tilespmem:v1+s15+$0xFFFFFFE0 ss:$0x1], $0xffff;
	[tilespmem:v0+s14+$0xFFFFFFE0 ss:$0x1] =	vst.idx.msk $0xffff, v5  }
0x16: {  	v60 =	vld.idx.msk [tilespmem:v1+s15+$0xFFFFFFF0 ss:$0x1], $0xffff;
	[tilespmem:v0+s14+$0xFFFFFFF0 ss:$0x1] =	vst.idx.msk $0xffff, v7;
	s12 =	sand.u32 $0x1FFFFFF, s12  }
0x17: {  	v61 =	vld.idx.msk [tilespmem:v1+s15+$0x0 ss:$0x1], $0xffff;
	s31 =	smulhi.u32 $0xCCCCCD, s12;
	[tilespmem:v0+s15+$0x0 ss:$0x1] =	vst.idx.msk $0xffff, v56  }
0x18: {  	v62 =	vld.idx.msk [tilespmem:v1+s15+$0x10 ss:$0x1], $0xffff;
	[tilespmem:v0+s15+$0xFFFFFF90 ss:$0x1] =	vst.idx.msk $0xffff, v57  }
0x19: {  	v63 =	vld.idx.msk [tilespmem:v1+s15+$0x20 ss:$0x1], $0xffff;
	s14 =	sshrl.u32 s31, $0x5;
	[tilespmem:v0+s15+$0xFFFFFFA0 ss:$0x1] =	vst.idx.msk $0xffff, v58  }
0x1a: {  	s14 =	smul.u32 $0x2800, s14;
	[tilespmem:v0+s15+$0xFFFFFFB0 ss:$0x1] =	vst.idx.msk $0xffff, v59  }
0x1b: {  	[tilespmem:v0+s15+$0xFFFFFFC0 ss:$0x1] =	vst.idx.msk $0xffff, v60  }
0x1c: {  	[tilespmem:v0+s15+$0xFFFFFFD0 ss:$0x1] =	vst.idx.msk $0xffff, v61;
	s12 =	ssub.s32 s12, s14  }
0x1d: {  	[tilespmem:v0+s15+$0xFFFFFFE0 ss:$0x1] =	vst.idx.msk $0xffff, v62;
	s12 =	sshll.u32 s12, $0x4  }
0x1e: {  	[tilespmem:v0+s15+$0xFFFFFFF0 ss:$0x1] =	vst.idx.msk $0xffff, v63;
	s12 =	sadd.s32 s4, s12  }
0x1f: {  	[hbm4b:s12+s8] =	stream.linear.scatter [tilespmem:s13], [sflag:$0x2], $0x4000, $0x38;
	[tilespmem:$0x10000] =	vst v63  }
.LBB2_5:
0x20: {  	s14 =	sadd.s32 $0x1000, s10  }
0x21: {  	p2 =	sgt.s32 s14, $0x27FF  }
0x22: {  	s14 =	smov.u32 @p2 s2;
	p2 =	sne.s32 s11, s7  }
.Ltmp1:
0x23: {  	p1 =	slt.u32 s11, $0x2;
	(pc) =	sbr.rel @!p2 .LBB2_6-.Ltmp1, $4  }
0x24: {  	s13 =	simm.s32 @!p1 $0x2  }
0x25: {  	s15 =	sadd.s32 $0x1, s11;
	_ =	swait.ge @!p1 [sflag:s13], $0x4000  }
0x26: {  	s12 =	smov.u32 s10;
	s9 =	sadd.s32 $0x4000, s9;
	[sflag:s13] =	ssyncset.done @!p1 $0x0  }
0x27: {  	s11 =	smov.u32 s15;
	s10 =	smov.u32 s14;
	[sflag:s13] =	ssyncadd.s32 @!p1 $0xFFFFC000  }
.LBB2_1:
0x28: {  	p1 =	sge.u32 s11, s6  }
0x29: {  	s13 =	sand.u32 @!p1 $0x1FFFFFF, s10  }
0x2a: {  	s14 =	smulhi.u32 @!p1 $0xCCCCCD, s13;
	_ =	sdelay $0x1  }
0x2b: {  	s14 =	sshrl.u32 @!p1 s14, $0x5  }
0x2c: {  	s14 =	smul.u32 @!p1 $0x2800, s14;
	_ =	sdelay $0x1  }
0x2d: {  	s15 =	sxor.u32 @!p1 $0xFFFFFFFF, s11;
	s13 =	ssub.s32 @!p1 s13, s14  }
0x2e: {  	s31 =	sadd.s32 $0xFFFFFFFF, s11;
	s14 =	sshll.u32 @!p1 s15, $0xE;
	s13 =	sshll.u32 @!p1 s13, $0x4  }
0x2f: {  	s15 =	simm.s32 @!p1 $0x0;
	s14 =	sand.u32 @!p1 $0x4000, s14;
	s13 =	sadd.s32 @!p1 s3, s13  }
0x30: {  	[tilespmem:s14], [sflag:$0x1] =	stream.linear.gather @!p1 [hbm4b:s13+s15], $0x4000, $0x38;
	[tilespmem:$0x10000] =	vst v63  }
0x31: {  	p1 =	sge.u32 s31, s6  }
.Ltmp2:
0x32: {  	_ = 	snop;
	(pc) =	sbr.rel @p1 .LBB2_5-.Ltmp2, $1  }
0x33: {  	_ =	sdelay $0x3  }
0x34: {  	s13 =	sand.u32 $0x4000, s9  }
0x35: {  	s14 =	sor.u32 $0x40, s13  }
0x36: {  	v1 =	vmov s14;
	_ =	sdelay $0x1  }
0x37: {  	_ =	swait.ge [sflag:s5], $0x4000  }
0x38: {  	[sflag:s5] =	ssyncset.done $0x0  }
0x39: {  	[sflag:s5] =	ssyncadd.s32 $0xFFFFC000;
	s14 =	simm.s32 $0x0  }
0x3a: {  	s13 =	sor.u32 $0x8070, s13;
	v7 =	vld.idx.msk [tilespmem:v1+s14+$0x30 ss:$0x1], $0xffff  }
0x3b: {  	v0 =	vmov s13;
	v8 =	vld.idx.msk [tilespmem:v1+s14+$0xFFFFFFC0 ss:$0x1], $0xffff  }
0x3c: {  	v6 =	vld.idx.msk [tilespmem:v1+s14+$0xFFFFFFD0 ss:$0x1], $0xffff  }
0x3d: {  	v4 =	vld.idx.msk [tilespmem:v1+s14+$0xFFFFFFE0 ss:$0x1], $0xffff  }
0x3e: {  	v2 =	vld.idx.msk [tilespmem:v1+s14+$0xFFFFFFF0 ss:$0x1], $0xffff  }
0x3f: {  	s31 =	sshll.u32 s11, $0xE;
	v3 =	vld.idx.msk [tilespmem:v1+s14+$0x0 ss:$0x1], $0xffff  }
0x40: {  	s13 =	sand.u32 $0x4000, s31;
	v5 =	vld.idx.msk [tilespmem:v1+s14+$0x10 ss:$0x1], $0xffff;
	[tilespmem:v0+s14+$0x0 ss:$0x1] =	vst.idx.msk $0xffff, v7  }
0x41: {  	s15 =	simm.s32 $0x80;
	s16 =	simm.s32 $0x400;
	s13 =	sor.u32 $0x8000, s13;
	[tilespmem:v0+s14+$0xFFFFFF90 ss:$0x1] =	vst.idx.msk $0xffff, v8;
	v7 =	vld.idx.msk [tilespmem:v1+s14+$0x20 ss:$0x1], $0xffff  }
.LBB2_3:
0x42: {  	p1 =	sne.s32 s16, $0xFE00;
	v8 =	vld.idx.msk [tilespmem:v1+s15+$0x30 ss:$0x1], $0xffff;
	[tilespmem:v0+s14+$0xFFFFFFA0 ss:$0x1] =	vst.idx.msk $0xffff, v6  }
0x43: {  	v9 =	vld.idx.msk [tilespmem:v1+s15+$0xFFFFFFC0 ss:$0x1], $0xffff;
	[tilespmem:v0+s14+$0xFFFFFFB0 ss:$0x1] =	vst.idx.msk $0xffff, v4  }
0x44: {  	v6 =	vld.idx.msk [tilespmem:v1+s15+$0xFFFFFFD0 ss:$0x1], $0xffff;
	[tilespmem:v0+s14+$0xFFFFFFC0 ss:$0x1] =	vst.idx.msk $0xffff, v2  }
.Ltmp3:
0x45: {  	v4 =	vld.idx.msk [tilespmem:v1+s15+$0xFFFFFFE0 ss:$0x1], $0xffff;
	[tilespmem:v0+s14+$0xFFFFFFD0 ss:$0x1] =	vst.idx.msk $0xffff, v3;
	(pc) =	sbr.rel @p1 .LBB2_3-.Ltmp3, $4  }
0x46: {  	v2 =	vld.idx.msk [tilespmem:v1+s15+$0xFFFFFFF0 ss:$0x1], $0xffff;
	[tilespmem:v0+s14+$0xFFFFFFE0 ss:$0x1] =	vst.idx.msk $0xffff, v5  }
0x47: {  	v3 =	vld.idx.msk [tilespmem:v1+s15+$0x0 ss:$0x1], $0xffff;
	[tilespmem:v0+s14+$0xFFFFFFF0 ss:$0x1] =	vst.idx.msk $0xffff, v7;
	s14 =	smov.u32 s15  }
0x48: {  	v5 =	vld.idx.msk [tilespmem:v1+s14+$0x10 ss:$0x1], $0xffff;
	[tilespmem:v0+s14+$0x0 ss:$0x1] =	vst.idx.msk $0xffff, v8  }
0x49: {  	s15 =	sshra.s32 s16, $0x2;
	s16 =	sadd.s32 $0x200, s16;
	[tilespmem:v0+s14+$0xFFFFFF90 ss:$0x1] =	vst.idx.msk $0xffff, v9;
	v7 =	vld.idx.msk [tilespmem:v1+s14+$0x20 ss:$0x1], $0xffff  }
.Ltmp4:
0x4a: {  	_ = 	snop;
	(pc) =	sbr.rel .LBB2_4-.Ltmp4, $1  }
0x4b: {  	_ =	sdelay $0x3  }
.LBB2_6:
0x4c: {  	_ =	sfence.sel $0x180000  }
0x4d: {  	s2 =	simm.s32 $0x1;
	[bflag:$0x0] =	sbarrier.arrive $0xFFFF  }
0x4e: {  	s31 =	simm.s32 $0x2;
	[sflag:s2] =	ssyncpa.u1 $0x1  }
0x4f: {  	[sflag:s31] =	ssyncpa.u1 $0x1  }
0x50: {  	_ =	strace $0x9000005F  }
0x51: {  	s0 =	sadd.s32 @!p0 $0x100000, s0;
	[bflag:$0x2] =	sbarrier.arrive $0xFFFF  }
0x52: {  	[sflag:s0] =	ssyncadd.tile.s32 @!p0 $0x1;
	s0 =	simm.s32 @!p0 $0x3F  }
0x53: {  	_ =	swait.ge @!p0 [sflag:s0], s1  }
0x54: {  	s1 =	ssub.s32 @!p0 $0x0, s1;
	[sflag:s0] =	ssyncset.done @!p0 $0x0  }
0x55: {  	[sflag:s0] =	ssyncadd.s32 @!p0 s1  }
0x56: {  	[bflag:$0x3] =	sbarrier.arrive $0xFFFF  }
0x57: {  	_ =	shalt  }
.Lfunc_end2:
execute1_lowered:
.L_overlay_start_2:
0x58: {  	(tag) =	ssettag $0x2  }
0x59: {  	s2 =	rddreg [dreg:$0x0]  }
0x5a: {  	s3 =	rddreg [dreg:$0x1];
	_ =	strace $0x80000062;
	s0 =	simm.s32 $0x1  }
0x5b: {  	v0 =	vimm.s32 $0x0;
	[sflag:s0] =	ssyncpa.u1 $0x0;
	s0 =	simm.s32 $0x108  }
0x5c: {  	[tilespmem:s0+$0x70] =	vst v0  }
0x5d: {  	[tilespmem:s0+$0x60] =	vst v0  }
0x5e: {  	[tilespmem:s0+$0x50] =	vst v0  }
0x5f: {  	[tilespmem:s0+$0x40] =	vst v0  }
0x60: {  	[tilespmem:s0+$0x30] =	vst v0  }
0x61: {  	s1 =	sadd.s32 $0x578000, s2;
	s15 =	sadd.s32 $0x5000, s2;
	s6 =	sadd.s32 $0x307000, s2;
	[tilespmem:s0+$0x20] =	vst v0  }
0x62: {  	s14 =	sadd.s32 $0x302000, s2;
	s5 =	sand.u32 $0x1, s3;
	s3 =	simm.s32 $0x40;
	[tilespmem:s0+$0x10] =	vst v0  }
.LBB3_1:
0x63: {  	s3 =	sadd.s32 $0x40, s3;
	[tilespmem:s0+$0x0] =	vst v0;
	s0 =	sadd.s32 $0x80, s0  }
0x64: {  	p0 =	slt.u32 s3, $0x3C40;
	[tilespmem:s0+$0x70] =	vst v0  }
0x65: {  	[tilespmem:s0+$0x60] =	vst v0  }
.Ltmp5:
0x66: {  	[tilespmem:s0+$0x50] =	vst v0;
	(pc) =	sbr.rel @p0 .LBB3_1-.Ltmp5, $4  }
0x67: {  	[tilespmem:s0+$0x40] =	vst v0  }
0x68: {  	[tilespmem:s0+$0x30] =	vst v0  }
0x69: {  	[tilespmem:s0+$0x20] =	vst v0  }
0x6a: {  	[tilespmem:s0+$0x10] =	vst v0  }
0x6b: {  	s9 =	stileid.u32  }
0x6c: {  	s2 =	smul.u32 $0x14, s9  }
0x6d: {  	s3 =	smin.u32 s9, $0xE  }
0x6e: {  	s2 =	sadd.s32 s3, s2  }
0x6f: {  	p0 =	slt.u32 s9, $0xE;
	s7 =	smul.u32 $0xF0, s2;
	s2 =	simm.s32 $0x13B0  }
0x70: {  	s2 =	simm.s32 @!p0 $0x12C0  }
0x71: {  	s2 =	sadd.s32 s2, s7  }
0x72: {  	s8 =	smin.u32 s2, $0x13880  }
0x73: {  	s2 =	ssub.s32 s8, s7  }
0x74: {  	p0 =	sgt.s32 s2, $0x0  }
0x75: {  	s29 =	simm.s32 $0x2;
	s10 =	simm.s32 $0x9;
	s2 =	simm.s32 @!p0 $0x0  }
0x76: {  	s4 =	simm.s32 $0xA;
	s11 =	simm.s32 $0xB;
	s28 =	smulhi.u32 $0x88888889, s2  }
0x77: {  	[dreg:$0x4] =	wrdreg s5;
	s31 =	smul.u32 $0x2710, s5;
	s12 =	simm.s32 $0x1  }
0x78: {  	s22 =	simm.s32 $0x0;
	s18 =	simm.s32 $0xC;
	s30 =	sshrl.u32 s28, $0x7  }
0x79: {  	s20 =	simm.s32 $0x0;
	s21 =	simm.s32 $0x0;
	s3 =	smul.u32 $0xF0, s30  }
.Ltmp6:
0x7a: {  	[tilespmem:s0+$0x0] =	vst v0;
	v0 =	vimm.s32 $0xFFFFFFFF;
	[sflag:s29] =	ssyncpa.u1 $0x0;
	s16 =	sshll.u32 s9, $0x8;
	(pc) =	sbr.rel .LBB3_3-.Ltmp6, $4  }
0x7b: {  	[tilespmem:$0xF208] =	vst v0;
	[sflag:s10] =	ssyncpa.u1 $0x0;
	p0 =	sne.s32 s2, s3;
	s2 =	simm.s32 $0x1  }
0x7c: {  	s14 =	sadd.s32 s31, s14;
	[sflag:s4] =	ssyncpa.u1 $0x0;
	s2 =	simm.s32 @!p0 $0x0  }
0x7d: {  	s15 =	sadd.s32 s31, s15;
	[sflag:s11] =	ssyncpa.u1 $0x0;
	s13 =	sadd.s32 s2, s30  }
0x7e: {  	v0 =	vlaneseq.u32;
	s19 =	smov.u32 s7;
	p0 =	por $0x0, $0x0;
	s17 =	sadd.s32 $0x1, s13  }
.LBB3_18:
0x7f: {  	s0 =	sshrl.u32 s31, $0x2  }
.LBB3_20:
0x80: {  	_ =	swait.ge [sflag:s18], s0  }
0x81: {  	s31 =	ssub.s32 $0x0, s0;
	v1 =	vmov s24;
	vm0 =	veq.s32 v0, $0x0;
	[sflag:s18] =	ssyncset.done $0x0  }
0x82: {  	vm15 =	veq.s32 v0, $0x2;
	v1 =	vsel vm0, s30, v1;
	[sflag:s18] =	ssyncadd.s32 s31  }
0x83: {  	v1 =	vsel vm15, s22, v1;
	[sflag:s18] =	ssyncpa.u1 $0x1  }
0x84: {  	[tilespmem:$0xF208] =	vst v1  }
.LBB3_21:
0x85: {  	s0 =	sadd.s32 $0xF0, s19  }
0x86: {  	s2 =	smov.u32 s7;
	p1 =	slt.s32 s0, s8  }
0x87: {  	s2 =	smov.u32 @p1 s0;
	p1 =	sne.s32 s21, s17  }
.Ltmp7:
0x88: {  	_ = 	snop;
	(pc) =	sbr.rel @!p1 .LBB3_22-.Ltmp7, $3  }
0x89: {  	_ =	sdelay $0x1  }
0x8a: {  	s22 =	smov.u32 s20;
	s31 =	sadd.s32 $0x1, s21;
	s20 =	smov.u32 s19  }
0x8b: {  	p0 =	por !p0, !p0;
	s21 =	smov.u32 s31;
	s19 =	smov.u32 s2  }
.LBB3_3:
0x8c: {  	p1 =	sge.u32 s21, s13  }
0x8d: {  	s0 =	smulhi.u32 @!p1 $0xAAAAAAAB, s21  }
0x8e: {  	s2 =	smov.u32 s19;
	p2 =	sgt.s32 @!p1 s19, $0x13790  }
0x8f: {  	s3 =	sshra.s32 @!p1 s19, $0x1F;
	p2 =	por !p2, p1;
	s0 =	sshrl.u32 @!p1 s0, $0x1  }
0x90: {  	s3 =	sand.u32 @!p1 s3, s19;
	s2 =	simm.s32 @p2 $0x13790;
	s0 =	smul.u32 @!p1 $0x3, s0  }
0x91: {  	s2 =	ssub.s32 @!p1 s2, s3  }
0x92: {  	s2 =	sadd.s32 @!p1 $0xFFFEC870, s2;
	s0 =	ssub.s32 @!p1 s21, s0  }
0x93: {  	s3 =	sshll.u32 @!p1 s2, $0x2;
	p2 =	sgt.s32 @!p1 s2, $0xEF;
	s0 =	smul.u32 @!p1 $0x3C0, s0  }
0x94: {  	s4 =	sand.u32 @!p1 $0x7, s19;
	s2 =	ssub.s32 @!p1 $0x3C0, s3;
	p2 =	por !p2, p1  }
0x95: {  	s3 =	sshrl.u32 @!p1 s19, $0x3;
	s2 =	sshrl.u32 @!p1 s2, $0x2;
	s0 =	sshrl.u32 @!p1 s0, $0x2  }
0x96: {  	s3 =	sadd.s32 @!p1 s3, s14;
	s2 =	simm.s32 @!p2 $0x0;
	s0 =	sadd.s32 @!p1 $0x10248, s0  }
0x97: {  	[tilespmem:s0], [sflag:$0xA] =	stream.linear.gather @!p1 [hbm4b:s3+s4], s2, $0x38;
	[tilespmem:$0x1F6F8] =	vst v63  }
0x98: {  	s0 =	sadd.s32 $0xFFFFFFFF, s21  }
0x99: {  	p1 =	sge.u32 s0, s13  }
0x9a: {  	p2 =	sgt.s32 @!p1 s20, $0x13790  }
0x9b: {  	s2 =	smov.u32 s20;
	s3 =	sshra.s32 @!p1 s20, $0x1F;
	p2 =	por !p2, p1  }
0x9c: {  	s3 =	sand.u32 @!p1 s3, s20;
	s2 =	simm.s32 @p2 $0x13790  }
0x9d: {  	s2 =	ssub.s32 @!p1 s2, s3  }
0x9e: {  	s2 =	sadd.s32 @!p1 $0xFFFEC870, s2  }
0x9f: {  	s4 =	sand.u32 @!p1 $0x1, s0;
	s3 =	sshll.u32 @!p1 s2, $0x2  }
0xa0: {  	p2 =	sgt.s32 @!p1 s2, $0xEF;
	s2 =	ssub.s32 @!p1 $0x3C0, s3;
	s3 =	smulhi.u32 @!p1 $0xAAAAAAAB, s0  }
0xa1: {  	s23 =	smul.u32 @!p1 $0x3C0, s4;
	p2 =	por !p2, p1;
	s2 =	sshrl.u32 @!p1 s2, $0x2  }
0xa2: {  	s5 =	simm.s32 @!p1 $0xA;
	s2 =	simm.s32 @!p2 $0x0;
	s3 =	sshrl.u32 @!p1 s3, $0x1  }
0xa3: {  	s23 =	sshrl.u32 @!p1 s23, $0x2;
	_ =	swait.ge @!p1 [sflag:s5], s2;
	s3 =	smul.u32 @!p1 $0x3, s3  }
0xa4: {  	s23 =	sadd.s32 @!p1 $0x10518, s23;
	s24 =	ssub.s32 @!p1 $0x0, s2;
	[sflag:s5] =	ssyncset.done @!p1 $0x0  }
0xa5: {  	[sflag:s5] =	ssyncadd.s32 @!p1 s24;
	s5 =	sshrl.u32 @!p1 s20, $0x3;
	s0 =	ssub.s32 @!p1 s0, s3  }
0xa6: {  	s24 =	sand.u32 @!p1 $0x7, s20;
	s5 =	sadd.s32 @!p1 s5, s15;
	s0 =	smul.u32 @!p1 $0x3C0, s0  }
0xa7: {  	[tilespmem:s23], [sflag:$0xB] =	stream.linear.gather @!p1 [hbm4b:s5+s24], s2, $0x38;
	[tilespmem:$0x1F6F8] =	vst v63  }
0xa8: {  	s3 =	ssub.s32 @!p1 $0x13880, s20;
	s2 =	smul.u32 @!p1 $0x1E000, s4  }
0xa9: {  	p2 =	slt.s32 @!p1 s3, $0xF0  }
0xaa: {  	p2 =	por !p2, p1;
	s0 =	sshrl.u32 @!p1 s0, $0x2;
	s2 =	sshrl.u32 @!p1 s2, $0x2  }
0xab: {  	s3 =	simm.s32 @p2 $0xF0;
	s0 =	sadd.s32 @!p1 $0x10248, s0;
	s2 =	sor.u32 @!p1 $0x106F8, s2  }
0xac: {  	[tilespmem:s2], [sflag:$0x9] =	stream.indirect.gather @!p1 [hbm4b:s6+s3], $0x80, s0, s3, $0xb8;
	[tilespmem:$0x1F6F8] =	vst v63  }
0xad: {  	p1 =	slt.u32 s21, $0x2  }
.Ltmp8:
0xae: {  	_ = 	snop;
	(pc) =	sbr.rel @p1 .LBB3_21-.Ltmp8, $1  }
0xaf: {  	_ =	sdelay $0x3  }
0xb0: {  	p1 =	sgt.s32 s22, $0x13790  }
0xb1: {  	s0 =	smov.u32 s22;
	s2 =	sshra.s32 s22, $0x1F;
	s3 =	ssub.s32 $0x13880, s22  }
0xb2: {  	s0 =	simm.s32 @!p1 $0x13790;
	s2 =	sand.u32 s2, s22;
	p1 =	slt.s32 s3, $0xF0  }
0xb3: {  	s0 =	ssub.s32 s0, s2;
	s3 =	simm.s32 @!p1 $0xF0  }
0xb4: {  	s0 =	sadd.s32 $0xFFFEC870, s0;
	s25 =	sshll.u32 s3, $0x7  }
0xb5: {  	s26 =	sshll.u32 s0, $0x2;
	s2 =	sand.u32 $0x3FFFFF80, s25  }
0xb6: {  	p1 =	sgt.s32 s0, $0xEF;
	s29 =	ssub.s32 $0x3C0, s26;
	_ =	swait.ge [sflag:s10], s2  }
0xb7: {  	s2 =	ssub.s32 $0x0, s2;
	[sflag:s10] =	ssyncset.done $0x0;
	s0 =	sshrl.u32 s29, $0x2  }
0xb8: {  	[sflag:s10] =	ssyncadd.s32 s2;
	s0 =	simm.s32 @p1 $0x0  }
0xb9: {  	_ =	swait.ge [sflag:s11], s0  }
0xba: {  	s0 =	ssub.s32 $0x0, s0;
	[sflag:s11] =	ssyncset.done $0x0  }
0xbb: {  	[sflag:s11] =	ssyncadd.s32 s0  }
0xbc: {  	v1 =	vld [tilespmem:$0xF208];
	_ =	sdelay $0x4  }
0xbd: {  	(v2sf) =	vpush v1, $0x0  }
0xbe: {  	(v2sf) =	vpush v1, $0x1  }
0xbf: {  	(v2sf) =	vpush v1, $0x2;
	_ =	sdelay $0x3  }
0xc0: {  	s0 =	sadd.s32 $0xF0, s22  }
0xc1: {  	s2 =	ssub.s32 $0x27100, s22;
	p1 =	slt.s32 s8, s0  }
0xc2: {  	s0 =	smov.u32 @p1 s8;
	p1 =	sgt.s32 s2, $0x0  }
0xc3: {  	s26 =	ssub.s32 s0, s22;
	s2 =	simm.s32 @!p1 $0x0  }
0xc4: {  	p1 =	slt.s32 s2, s26  }
0xc5: {  	s26 =	smov.u32 @p1 s2  }
0xc6: {  	s25 =	simm.s32 $0x1;
	p1 =	slt.s32 s26, $0x1  }
.Ltmp9:
0xc7: {  	s25 =	simm.s32 @!p0 $0x0;
	(pc) =	sbr.rel @p1 .LBB3_8-.Ltmp9, $4  }
0xc8: {  	s31 =	smul.u32 $0x3C0, s25  }
0xc9: {  	s28 =	spop (v2sf)  }
0xca: {  	s0 =	sshrl.u32 s31, $0x2;
	s30 =	spop (v2sf)  }
0xcb: {  	s23 =	sadd.s32 $0x10518, s0;
	s22 =	spop (v2sf)  }
0xcc: {  	s0 =	smin.u32 s26, $0x10  }
0xcd: {  	v1 =	vmov s0  }
0xce: {  	p2 =	sgt.s32 s26, $0x10;
	vm1 =	vgt.u32 v1, v0  }
.Ltmp10:
0xcf: {  	_ = 	snop;
	(pc) =	sbr.rel @!p2 .LBB3_7-.Ltmp10, $2  }
0xd0: {  	_ =	sdelay $0x2  }
0xd1: {  	s4 =	simm.s32 $0x10;
	s24 =	sadd.s32 $0xFFFFFFF0, s26;
	s0 =	smov.u32 s23;
	vm0 =	vmmov vm1  }
.LBB3_6:
0xd2: {  	s2 =	smin.u32 s24, $0x10;
	s4 =	sadd.s32 $0x10, s4;
	v1 =	vld.msk [tilespmem:s0+$0x0 ss:$0x1], vm1  }
0xd3: {  	v2 =	vmov s2;
	p2 =	slt.s32 s4, s26  }
0xd4: {  	vm1 =	vgt.u32 v2, v0  }
.Ltmp11:
0xd5: {  	(pc) =	sbr.rel @p2 .LBB3_6-.Ltmp11, $3  }
0xd6: {  	_ =	sdelay $0x1  }
0xd7: {  	v1 =	vshll.u32 v1, $0x4  }
0xd8: {  	s24 =	sadd.s32 $0xFFFFFFF0, s24;
	[tilespmem:s0+$0x0] =	vst.msk vm0, v1;
	s0 =	sadd.s32 $0x10, s0;
	vm0 =	vmmov vm1  }
.LBB3_7:
0xd9: {  	_ =	sdelay $0x4  }
0xda: {  	v1 =	vld.msk [tilespmem:s0+$0x0 ss:$0x1], vm1;
	_ =	sdelay $0x4  }
0xdb: {  	v1 =	vshll.u32 v1, $0x4  }
0xdc: {  	[tilespmem:s0+$0x0] =	vst.msk vm0, v1  }
.LBB3_8:
0xdd: {  	s0 =	sand.u32 $0x1, s21  }
0xde: {  	s0 =	smul.u32 $0xF0, s0  }
0xdf: {  	p2 =	sne.s32 s30, $0xFFFFFFFF  }
0xe0: {  	v1 =	vld.msk @!p2 [tilespmem:s0+$0x10518], $0x1;
	_ =	sdelay $0x4  }
0xe1: {  	(v2sf) =	vpush @!p2 v1, $0x0;
	_ =	sdelay $0xc  }
.Ltmp12:
0xe2: {  	_ = 	snop;
	(pc) =	sbr.rel @p1 .LBB3_19-.Ltmp12, $4  }
0xe3: {  	_ = 	snop  }
0xe4: {  	s29 =	spop @!p2 (v2sf)  }
0xe5: {  	s22 =	simm.s32 @!p2 $0x0;
	s24 =	smov.u32 s29  }
0xe6: {  	[sflag:s18] =	ssyncpa.u1 $0x0;
	s29 =	smov.u32 @p2 s28;
	s24 =	smov.u32 @p2 s30  }
0xe7: {  	v1 =	vld.msk [tilespmem:s23+$0x0], $0x1;
	_ =	sdelay $0x4  }
0xe8: {  	(v2sf) =	vpush v1, $0x0;
	_ =	sdelay $0xe  }
0xe9: {  	s2 =	smul.u32 $0x1E000, s25;
	s0 =	spop (v2sf)  }
0xea: {  	s26 =	ssub.s32 $0x0, s26;
	p1 =	seq.s32 s29, s0  }
0xeb: {  	s30 =	sadd.s32 $0x1, s26;
	s2 =	sshrl.u32 s2, $0x2;
	p2 =	sgt.s32 @!p1 s29, $0x0  }
0xec: {  	s25 =	sor.u32 $0x10738, s2;
	s2 =	smov.u32 s29;
	p2 =	por !p2, p1  }
0xed: {  	s2 =	simm.s32 @p2 $0x0;
	p2 =	seq.s32 s30, $0x0  }
.Ltmp13:
0xee: {  	_ = 	snop;
	(pc) =	sbr.rel @p2 .LBB3_11-.Ltmp13, $4  }
0xef: {  	_ = 	snop  }
0xf0: {  	s28 =	simm.s32 $0x0;
	s31 =	sadd.s32 $0x1, s23;
	s2 =	smin.u32 @!p1 s2, $0x27FF0  }
0xf1: {  	s4 =	simm.s32 @!p1 $0x1;
	s5 =	simm.s32 @!p1 $0x7988;
	s3 =	sand.u32 @!p1 $0x3FFF8, s2  }
0xf2: {  	s4 =	smov.u32 @p1 s28;
	s2 =	sand.u32 @!p1 $0x7, s2;
	s3 =	sadd.s32 @!p1 s1, s3  }
.LBB3_10:
0xf3: {  	s9 =	smov.u32 s4  }
0xf4: {  	[tilespmem:s5], [sflag:$0x2] =	stream.linear.gather @!p1 [hbm4b:s3+s2], $0x80, $0x38;
	[tilespmem:$0x1F6F8] =	vst v63  }
0xf5: {  	s30 =	sadd.s32 $0x1, s30;
	s2 =	smov.u32 s0;
	v1 =	vld.msk [tilespmem:s31+$0x0], $0x1  }
0xf6: {  	p2 =	seq.s32 s30, $0x0;
	_ =	sdelay $0x3  }
0xf7: {  	(v2sf) =	vpush v1, $0x0;
	_ =	sdelay $0xe  }
0xf8: {  	s0 =	spop (v2sf)  }
0xf9: {  	p1 =	seq.s32 s2, s0  }
0xfa: {  	p3 =	sgt.s32 @!p1 s2, $0x0;
	s3 =	sshll.u32 @!p1 s4, $0x9;
	s4 =	sadd.s32 @!p1 $0x1, s4  }
.Ltmp14:
0xfb: {  	p3 =	por !p3, p1;
	s3 =	sshra.s32 @!p1 s3, $0x2;
	(pc) =	sbr.rel @!p2 .LBB3_10-.Ltmp14, $4  }
0xfc: {  	s4 =	smov.u32 @p1 s9;
	s2 =	simm.s32 @p3 $0x0;
	s5 =	sadd.s32 @!p1 $0x7988, s3  }
0xfd: {  	s2 =	smin.u32 @!p1 s2, $0x27FF0  }
0xfe: {  	s3 =	sand.u32 @!p1 $0x3FFF8, s2;
	s2 =	sand.u32 @!p1 $0x7, s2  }
0xff: {  	s31 =	sadd.s32 $0x1, s31;
	s3 =	sadd.s32 @!p1 s1, s3  }
.LBB3_11:
0x100: {  	[tilespmem:s5], [sflag:$0x2] =	stream.linear.gather @!p1 [hbm4b:s3+s2], $0x80, $0x38;
	[tilespmem:$0x1F6F8] =	vst v63  }
.Ltmp15:
0x101: {  	s0 =	sshll.u32 s4, $0x7;
	(pc) =	sbr.rel .LBB3_12-.Ltmp15, $4  }
0x102: {  	s30 =	simm.s32 $0x2;
	s0 =	sand.u32 $0x3FFFFF80, s0  }
0x103: {  	_ =	swait.ge [sflag:s30], s0  }
0x104: {  	s0 =	ssub.s32 $0x0, s0;
	[sflag:s30] =	ssyncset.done $0x0  }
0x105: {  	s31 =	simm.s32 $0x0;
	[sflag:s30] =	ssyncadd.s32 s0  }
.LBB3_13:
0x106: {  	v1 =	vld [tilespmem:s25+$0xFFFFFFC0];
	_ =	sdelay $0x3  }
0x107: {  	s0 =	sshra.s32 s0, $0x2  }
0x108: {  	[tilespmem:s0+$0x108] =	vst.add.f32.msk $0xffff, v1  }
0x109: {  	v1 =	vld [tilespmem:s25+$0xFFFFFFD0];
	_ =	sdelay $0x4  }
0x10a: {  	[tilespmem:s0+$0x118] =	vst.add.f32.msk $0xffff, v1  }
0x10b: {  	v1 =	vld [tilespmem:s25+$0xFFFFFFE0];
	_ =	sdelay $0x4  }
0x10c: {  	[tilespmem:s0+$0x128] =	vst.add.f32.msk $0xffff, v1  }
0x10d: {  	v1 =	vld [tilespmem:s25+$0xFFFFFFF0];
	_ =	sdelay $0x4  }
0x10e: {  	[tilespmem:s0+$0x138] =	vst.add.f32.msk $0xffff, v1  }
0x10f: {  	v1 =	vld [tilespmem:s25+$0x0];
	_ =	sdelay $0x4  }
0x110: {  	[tilespmem:s0+$0x148] =	vst.add.f32.msk $0xffff, v1  }
0x111: {  	v1 =	vld [tilespmem:s25+$0x10];
	_ =	sdelay $0x4  }
0x112: {  	[tilespmem:s0+$0x158] =	vst.add.f32.msk $0xffff, v1  }
0x113: {  	v1 =	vld [tilespmem:s25+$0x20];
	_ =	sdelay $0x4  }
0x114: {  	[tilespmem:s0+$0x168] =	vst.add.f32.msk $0xffff, v1  }
0x115: {  	v1 =	vld [tilespmem:s25+$0x30];
	_ =	sdelay $0x4  }
0x116: {  	[tilespmem:s0+$0x178] =	vst.add.f32.msk $0xffff, v1  }
.LBB3_17:
0x117: {  	s26 =	sadd.s32 $0x1, s26  }
0x118: {  	p1 =	seq.s32 s26, $0x0  }
.Ltmp16:
0x119: {  	_ = 	snop;
	(pc) =	sbr.rel @p1 .LBB3_18-.Ltmp16, $2  }
0x11a: {  	_ =	sdelay $0x2  }
0x11b: {  	s23 =	sadd.s32 $0x1, s23;
	s25 =	sadd.s32 $0x80, s25;
	s29 =	smov.u32 s30  }
.LBB3_12:
0x11c: {  	v1 =	vld.msk [tilespmem:s23+$0x0], $0x1;
	_ =	sdelay $0x4  }
0x11d: {  	(v2sf) =	vpush v1, $0x0;
	_ =	sdelay $0xe  }
0x11e: {  	s30 =	spop (v2sf)  }
0x11f: {  	p1 =	sne.s32 s29, s30  }
.Ltmp17:
0x120: {  	_ = 	snop;
	(pc) =	sbr.rel @!p1 .LBB3_13-.Ltmp17, $2  }
0x121: {  	_ =	sdelay $0x2  }
0x122: {  	s0 =	sshll.u32 s22, $0x9  }
0x123: {  	p1 =	seq.s32 s29, s24  }
.Ltmp18:
0x124: {  	_ = 	snop;
	(pc) =	sbr.rel @!p1 .LBB3_15-.Ltmp18, $1  }
0x125: {  	_ =	sdelay $0x3  }
0x126: {  	s0 =	sshra.s32 s0, $0x2  }
.Ltmp19:
0x127: {  	s0 =	sadd.s32 $0x108, s0;
	(pc) =	sbr.rel .LBB3_16-.Ltmp19, $4  }
0x128: {  	[spmem:s16] =	stream.linear.scatter [tilespmem:s0], [sflag:$0x1], $0x80, $0x38;
	[tilespmem:$0x1F6F8] =	vst v63  }
0x129: {  	_ =	swait.ge [sflag:s12], $0x80  }
0x12a: {  	[sflag:s12] =	ssyncset.done $0x0  }
0x12b: {  	[sflag:s12] =	ssyncadd.s32 $0xFFFFFF80  }
.LBB3_15:
0x12c: {  	s2 =	sshll.u32 s28, $0x9  }
0x12d: {  	s2 =	sshra.s32 s2, $0x2  }
0x12e: {  	v1 =	vld [tilespmem:s2+$0x7988];
	_ =	sdelay $0x3  }
0x12f: {  	s0 =	sshra.s32 s0, $0x2  }
0x130: {  	[tilespmem:s0+$0x108] =	vst.add.f32.msk $0xffff, v1  }
0x131: {  	v1 =	vld [tilespmem:s2+$0x7998];
	_ =	sdelay $0x4  }
0x132: {  	[tilespmem:s0+$0x118] =	vst.add.f32.msk $0xffff, v1  }
0x133: {  	v1 =	vld [tilespmem:s2+$0x79A8];
	_ =	sdelay $0x4  }
0x134: {  	[tilespmem:s0+$0x128] =	vst.add.f32.msk $0xffff, v1  }
0x135: {  	v1 =	vld [tilespmem:s2+$0x79B8];
	_ =	sdelay $0x4  }
0x136: {  	[tilespmem:s0+$0x138] =	vst.add.f32.msk $0xffff, v1  }
0x137: {  	v1 =	vld [tilespmem:s2+$0x79C8];
	_ =	sdelay $0x4  }
0x138: {  	[tilespmem:s0+$0x148] =	vst.add.f32.msk $0xffff, v1  }
0x139: {  	v1 =	vld [tilespmem:s2+$0x79D8];
	_ =	sdelay $0x4  }
0x13a: {  	[tilespmem:s0+$0x158] =	vst.add.f32.msk $0xffff, v1  }
0x13b: {  	v1 =	vld [tilespmem:s2+$0x79E8];
	_ =	sdelay $0x4  }
0x13c: {  	[tilespmem:s0+$0x168] =	vst.add.f32.msk $0xffff, v1  }
0x13d: {  	v1 =	vld [tilespmem:s2+$0x79F8];
	_ =	sdelay $0x2  }
0x13e: {  	p1 =	sgt.u32 s29, $0x27FF0  }
0x13f: {  	s2 =	sand.u32 @!p1 $0x3FFF8, s29  }
0x140: {  	s3 =	sadd.s32 $0x108, s0;
	[tilespmem:s0+$0x178] =	vst.add.f32.msk $0xffff, v1;
	s0 =	sadd.s32 @!p1 s1, s2;
	s2 =	sand.u32 @!p1 $0x7, s29  }
0x141: {  	[hbm4b:s0+s2] =	stream.linear.scatter @!p1 [tilespmem:s3], [sflag:$0xC], $0x80, $0x38;
	[tilespmem:$0x1F6F8] =	vst v63  }
0x142: {  	s0 =	simm.s32 $0x0  }
0x143: {  	s0 =	simm.s32 @!p1 $0x200  }
0x144: {  	s31 =	sadd.s32 s0, s31  }
.LBB3_16:
0x145: {  	s0 =	sadd.s32 $0x1, s22  }
0x146: {  	s2 =	smulhi.u32 $0x88888889, s0;
	_ =	sdelay $0x1  }
0x147: {  	v1 =	vld [tilespmem:s25+$0xFFFFFFC0];
	s2 =	sshrl.u32 s2, $0x7  }
0x148: {  	s2 =	smul.u32 $0xF0, s2;
	_ =	sdelay $0x1  }
0x149: {  	s22 =	ssub.s32 s0, s2  }
0x14a: {  	s0 =	sshll.u32 s22, $0x7  }
0x14b: {  	[tilespmem:s0+$0x108] =	vst v1  }
0x14c: {  	v1 =	vld [tilespmem:s25+$0xFFFFFFD0];
	_ =	sdelay $0x4  }
0x14d: {  	[tilespmem:s0+$0x118] =	vst v1  }
0x14e: {  	v1 =	vld [tilespmem:s25+$0xFFFFFFE0];
	_ =	sdelay $0x4  }
0x14f: {  	[tilespmem:s0+$0x128] =	vst v1  }
0x150: {  	v1 =	vld [tilespmem:s25+$0xFFFFFFF0];
	_ =	sdelay $0x4  }
0x151: {  	[tilespmem:s0+$0x138] =	vst v1  }
0x152: {  	v1 =	vld [tilespmem:s25+$0x0];
	_ =	sdelay $0x4  }
0x153: {  	[tilespmem:s0+$0x148] =	vst v1  }
0x154: {  	v1 =	vld [tilespmem:s25+$0x10];
	_ =	sdelay $0x4  }
0x155: {  	[tilespmem:s0+$0x158] =	vst v1  }
0x156: {  	v1 =	vld [tilespmem:s25+$0x20];
	_ =	sdelay $0x4  }
0x157: {  	[tilespmem:s0+$0x168] =	vst v1  }
0x158: {  	v1 =	vld [tilespmem:s25+$0x30]  }
.Ltmp20:
0x159: {  	_ = 	snop;
	(pc) =	sbr.rel .LBB3_17-.Ltmp20, $2  }
0x15a: {  	_ =	sdelay $0x2  }
0x15b: {  	s28 =	sadd.s32 $0x1, s28;
	[tilespmem:s0+$0x178] =	vst v1  }
.LBB3_19:
.Ltmp21:
0x15c: {  	(pc) =	sbr.rel .LBB3_20-.Ltmp21, $4  }
0x15d: {  	_ = 	snop  }
0x15e: {  	s0 =	simm.s32 $0x2  }
0x15f: {  	_ =	swait.ge [sflag:s0], $0x0  }
0x160: {  	s30 =	smov.u32 s29;
	[sflag:s0] =	ssyncset.done $0x0;
	s0 =	simm.s32 $0x0  }
.LBB3_22:
0x161: {  	_ =	sfence.sel $0x180000  }
0x162: {  	s0 =	simm.s32 $0x9;
	[bflag:$0x0] =	sbarrier.arrive $0xFFFF  }
0x163: {  	s24 =	simm.s32 $0xA;
	[sflag:s0] =	ssyncpa.u1 $0x1  }
0x164: {  	s25 =	simm.s32 $0xB;
	[sflag:s24] =	ssyncpa.u1 $0x1  }
0x165: {  	s26 =	simm.s32 $0x2;
	[sflag:s25] =	ssyncpa.u1 $0x1  }
0x166: {  	[sflag:s26] =	ssyncpa.u1 $0x1  }
0x167: {  	v0 =	vld [tilespmem:$0xF208];
	_ =	sdelay $0x4  }
0x168: {  	(v2sf) =	vpush v0, $0x0  }
0x169: {  	(v2sf) =	vpush v0, $0x1;
	_ =	sdelay $0x1  }
0x16a: {  	(v2sf) =	vpush v0, $0x2;
	_ =	sdelay $0xb  }
0x16b: {  	s0 =	spop (v2sf)  }
0x16c: {  	s2 =	spop (v2sf)  }
0x16d: {  	s3 =	smov.u32 s0;
	p0 =	sne.s32 s0, s2  }
0x16e: {  	s4 =	spop (v2sf);
	s3 =	simm.s32 @!p0 $0xFFFFFFFF  }
0x16f: {  	v2 =	vimm.s32 $0x1;
	v3 =	vlaneseq.u32;
	p0 =	seq.s32 s4, $0xFFFFFFFF;
	v1 =	vmov s3  }
0x170: {  	s16 =	stileid.u32;
	v0 =	vperm.xlane v0, v2;
	p1 =	sne.s32 @!p0 s0, s2;
	v1 =	vperm.xlane v1, v3  }
0x171: {  	vm0 =	vcmask $0x3F04;
	s6 =	simm.s32 $0xF208;
	s0 =	simm.s32 @!p0 $0x1;
	p1 =	por !p1, p0  }
0x172: {  	s3 =	sshll.u32 s16, $0x1;
	s2 =	sshll.u32 @!p0 s4, $0x9;
	s0 =	simm.s32 @p1 $0x0;
	v0 =	vsel vm0, v1, v0  }
0x173: {  	s5 =	sor.u32 $0x1000, s3;
	s2 =	sshra.s32 @!p0 s2, $0x2;
	s0 =	sor.u32 @!p0 s0, s3;
	[tilespmem:$0xF208] =	vst v0  }
0x174: {  	[spmem:s5] =	stream.linear.scatter [tilespmem:s6], [sflag:$0x1], $0x2, $0x38;
	[tilespmem:$0x1F6F8] =	vst v63  }
0x175: {  	s2 =	sadd.s32 @!p0 $0x108, s2;
	s0 =	sshll.u32 @!p0 s0, $0x7  }
0x176: {  	[spmem:s0] =	stream.linear.scatter @!p0 [tilespmem:s2], [sflag:$0x1], $0x80, $0x38;
	[tilespmem:$0x1F6F8] =	vst v63  }
0x177: {  	s0 =	simm.s32 @!p0 $0x82  }
0x178: {  	s28 =	simm.s32 $0x1;
	s0 =	simm.s32 @p0 $0x2  }
0x179: {  	_ =	swait.ge [sflag:s28], s0  }
0x17a: {  	s0 =	ssub.s32 $0x0, s0;
	[sflag:s28] =	ssyncset.done $0x0  }
0x17b: {  	p0 =	sne.s32 s16, $0x0;
	[sflag:s28] =	ssyncadd.s32 s0  }
.Ltmp22:
0x17c: {  	_ =	sfence.stream.spmem;
	(pc) =	sbr.rel @p0 .LBB3_39-.Ltmp22, $4  }
0x17d: {  	s29 =	simm.s32 $0x3;
	[bflag:$0x0] =	sbarrier.arrive $0xFFFF  }
0x17e: {  	s30 =	simm.s32 $0x4;
	[sflag:s29] =	ssyncpa.u1 $0x1  }
0x17f: {  	s31 =	simm.s32 $0x3C;
	[sflag:s30] =	ssyncpa.u1 $0x1  }
0x180: {  	s15 =	rddreg [dreg:$0x4];
	[sflag:s31] =	ssyncpa.u1 $0x1  }
0x181: {  	_ =	sfence.stream.spmem;
	s0 =	simm.s32 $0x5  }
0x182: {  	s2 =	simm.s32 $0x1000;
	s3 =	simm.s32 $0xF218;
	[sflag:s0] =	ssyncpa.u1 $0x0  }
0x183: {  	[tilespmem:s3], [sflag:$0x5] =	stream.linear.gather [spmem:s2], $0x20, $0x38;
	[tilespmem:$0x1F6F8] =	vst v63  }
0x184: {  	s26 =	simm.s32 $0x0;
	s28 =	simm.s32 $0xF238  }
0x185: {  	[tilespmem:s28], [sflag:$0x5] =	stream.linear.gather [spmem:s26], $0x1000, $0x38;
	[tilespmem:$0x1F6F8] =	vst v63  }
0x186: {  	_ =	swait.ge [sflag:s0], $0x1020  }
0x187: {  	[sflag:s0] =	ssyncset.done $0x0  }
0x188: {  	s29 =	simm.s32 $0x0;
	[sflag:s0] =	ssyncadd.s32 $0xFFFFEFE0  }
0x189: {  	v0 =	vld.msk [tilespmem:s29+$0xF218], $0x1;
	_ =	sdelay $0x1  }
0x18a: {  	s30 =	simm.s32 $0x1  }
0x18b: {  	v1 =	vld.msk [tilespmem:s30+$0xF218], $0x1;
	_ =	sdelay $0x1  }
0x18c: {  	(v2sf) =	vpush v0, $0x0;
	_ =	sdelay $0x2  }
0x18d: {  	(v2sf) =	vpush v1, $0x0;
	_ =	sdelay $0x2  }
0x18e: {  	s31 =	simm.s32 $0x2  }
0x18f: {  	v0 =	vld.msk [tilespmem:s31+$0xF218], $0x1;
	_ =	sdelay $0x2  }
0x190: {  	s4 =	simm.s32 $0xFFFFFFFF;
	s5 =	simm.s32 $0xFFFFFFFF;
	s0 =	simm.s32 $0xC  }
.LBB3_24:
0x191: {  	s2 =	smov.u32 s5;
	s3 =	smov.u32 s4  }
0x192: {  	s4 =	sshra.s32 s0, $0x2;
	p1 =	sne.s32 s0, $0x7C;
	s0 =	sadd.s32 $0x4, s0;
	(v2sf) =	vpush v0, $0x0  }
0x193: {  	v0 =	vld.msk [tilespmem:s4+$0xF218], $0x1  }
.Ltmp23:
0x194: {  	(pc) =	sbr.rel @p1 .LBB3_24-.Ltmp23, $4  }
0x195: {  	s5 =	spop (v2sf)  }
0x196: {  	p2 =	sne.s32 s3, $0xFFFFFFFF;
	s4 =	smov.u32 s5  }
0x197: {  	p3 =	seq.s32 s5, $0xFFFFFFFF;
	s4 =	smov.u32 @p2 s3  }
0x198: {  	s5 =	smov.u32 @p3 s2;
	s4 =	smov.u32 @p3 s3  }
0x199: {  	(v2sf) =	vpush v0, $0x0;
	_ =	sdelay $0x8  }
0x19a: {  	s0 =	spop (v2sf)  }
0x19b: {  	p1 =	sne.s32 s4, $0xFFFFFFFF;
	s2 =	smov.u32 s0  }
0x19c: {  	s9 =	simm.s32 $0x6;
	p2 =	seq.s32 s0, $0xFFFFFFFF;
	s2 =	smov.u32 @p1 s4  }
0x19d: {  	s6 =	simm.s32 $0x0;
	s2 =	smov.u32 @p2 s4;
	s3 =	spop (v2sf)  }
0x19e: {  	s0 =	smov.u32 @p2 s5;
	p1 =	sne.s32 s2, $0xFFFFFFFF;
	s4 =	smov.u32 s3  }
.Ltmp24:
0x19f: {  	p2 =	seq.s32 s3, $0xFFFFFFFF;
	s4 =	smov.u32 @p1 s2;
	(pc) =	sbr.rel .LBB3_26-.Ltmp24, $4  }
0x1a0: {  	s10 =	simm.s32 $0xF188;
	s4 =	smov.u32 @p2 s2;
	s7 =	spop (v2sf)  }
0x1a1: {  	s11 =	simm.s32 $0x0;
	p1 =	sne.s32 s4, $0xFFFFFFFF;
	s8 =	smov.u32 s7  }
0x1a2: {  	s3 =	smov.u32 @p2 s0;
	p2 =	seq.s32 s7, $0xFFFFFFFF;
	s8 =	smov.u32 @p1 s4  }
0x1a3: {  	[sflag:s9] =	ssyncpa.u1 $0x0;
	s7 =	smov.u32 @p2 s3;
	s8 =	smov.u32 @p2 s4  }
.LBB3_32:
0x1a4: {  	p1 =	sgt.u32 s12, $0x27FF0  }
0x1a5: {  	p2 =	seq.s32 @!p1 s12, s8  }
0x1a6: {  	p1 =	por p1, p2  }
0x1a7: {  	p2 =	sne.s32 @!p1 s12, s7  }
0x1a8: {  	p1 =	por p1, !p2  }
0x1a9: {  	s0 =	sshll.u32 @p1 s11, $0x9  }
0x1aa: {  	s0 =	sand.u32 @!p1 $0x3FFF8, s12  }
0x1ab: {  	s2 =	sand.u32 @!p1 $0x7, s12;
	s0 =	sadd.s32 @!p1 s1, s0  }
0x1ac: {  	[tilespmem:s10], [sflag:$0x6] =	stream.linear.gather @!p1 [hbm4b:s0+s2], $0x80, $0x38;
	[tilespmem:$0x1F6F8] =	vst v63  }
0x1ad: {  	_ =	swait.ge @!p1 [sflag:s9], $0x80  }
0x1ae: {  	[sflag:s9] =	ssyncset.done @!p1 $0x0  }
0x1af: {  	[sflag:s9] =	ssyncadd.s32 @!p1 $0xFFFFFF80  }
0x1b0: {  	v1 =	vld @!p1 [tilespmem:$0xF188];
	_ =	sdelay $0x2  }
0x1b1: {  	s0 =	sshll.u32 @!p1 s11, $0x9  }
0x1b2: {  	s2 =	sshrl.u32 @!p1 s0, $0x2  }
0x1b3: {  	[tilespmem:s2+$0xF238] =	vst.add.f32.msk @!p1 $0xffff, v1  }
0x1b4: {  	v1 =	vld @!p1 [tilespmem:$0xF198];
	_ =	sdelay $0x4  }
0x1b5: {  	[tilespmem:s2+$0xF248] =	vst.add.f32.msk @!p1 $0xffff, v1  }
0x1b6: {  	v1 =	vld @!p1 [tilespmem:$0xF1A8];
	_ =	sdelay $0x4  }
0x1b7: {  	[tilespmem:s2+$0xF258] =	vst.add.f32.msk @!p1 $0xffff, v1  }
0x1b8: {  	v1 =	vld @!p1 [tilespmem:$0xF1B8];
	_ =	sdelay $0x4  }
0x1b9: {  	[tilespmem:s2+$0xF268] =	vst.add.f32.msk @!p1 $0xffff, v1  }
0x1ba: {  	v1 =	vld @!p1 [tilespmem:$0xF1C8];
	_ =	sdelay $0x4  }
0x1bb: {  	[tilespmem:s2+$0xF278] =	vst.add.f32.msk @!p1 $0xffff, v1  }
0x1bc: {  	v1 =	vld @!p1 [tilespmem:$0xF1D8];
	_ =	sdelay $0x4  }
0x1bd: {  	[tilespmem:s2+$0xF288] =	vst.add.f32.msk @!p1 $0xffff, v1  }
0x1be: {  	v1 =	vld @!p1 [tilespmem:$0xF1E8];
	_ =	sdelay $0x4  }
0x1bf: {  	[tilespmem:s2+$0xF298] =	vst.add.f32.msk @!p1 $0xffff, v1  }
0x1c0: {  	v1 =	vld @!p1 [tilespmem:$0xF1F8];
	_ =	sdelay $0x4  }
0x1c1: {  	[tilespmem:s2+$0xF2A8] =	vst.add.f32.msk @!p1 $0xffff, v1  }
0x1c2: {  	s0 =	sshrl.u32 s0, $0x2;
	[tilespmem:s6+$0xF218] =	vst.msk $0x1, v0  }
0x1c3: {  	v0 =	vld [tilespmem:s0+$0xF238];
	_ =	sdelay $0x2  }
0x1c4: {  	s31 =	sshll.u32 s6, $0x9  }
0x1c5: {  	s2 =	sshra.s32 s31, $0x2  }
0x1c6: {  	[tilespmem:s2+$0xF238] =	vst v0  }
0x1c7: {  	v0 =	vld [tilespmem:s0+$0xF248];
	_ =	sdelay $0x4  }
0x1c8: {  	[tilespmem:s2+$0xF248] =	vst v0  }
0x1c9: {  	v0 =	vld [tilespmem:s0+$0xF258];
	_ =	sdelay $0x4  }
0x1ca: {  	[tilespmem:s2+$0xF258] =	vst v0  }
0x1cb: {  	v0 =	vld [tilespmem:s0+$0xF268];
	_ =	sdelay $0x4  }
0x1cc: {  	[tilespmem:s2+$0xF268] =	vst v0  }
0x1cd: {  	v0 =	vld [tilespmem:s0+$0xF278];
	_ =	sdelay $0x4  }
0x1ce: {  	[tilespmem:s2+$0xF278] =	vst v0  }
0x1cf: {  	v0 =	vld [tilespmem:s0+$0xF288];
	_ =	sdelay $0x4  }
0x1d0: {  	[tilespmem:s2+$0xF288] =	vst v0  }
0x1d1: {  	v0 =	vld [tilespmem:s0+$0xF298];
	_ =	sdelay $0x4  }
0x1d2: {  	[tilespmem:s2+$0xF298] =	vst v0  }
0x1d3: {  	v0 =	vld [tilespmem:s0+$0xF2A8];
	_ =	sdelay $0x4  }
0x1d4: {  	s6 =	sadd.s32 $0x1, s6;
	[tilespmem:s2+$0xF2A8] =	vst v0  }
.LBB3_33:
0x1d5: {  	s11 =	sadd.s32 $0x1, s11  }
0x1d6: {  	p1 =	sne.s32 s11, $0x20  }
.Ltmp25:
0x1d7: {  	_ = 	snop;
	(pc) =	sbr.rel @!p1 .LBB3_34-.Ltmp25, $1  }
0x1d8: {  	_ =	sdelay $0x3  }
.LBB3_26:
0x1d9: {  	v0 =	vld.msk [tilespmem:s11+$0xF218], $0x1;
	_ =	sdelay $0x4  }
0x1da: {  	(v2sf) =	vpush v0, $0x0;
	_ =	sdelay $0xe  }
0x1db: {  	s12 =	spop (v2sf)  }
0x1dc: {  	p1 =	seq.s32 s12, $0xFFFFFFFF  }
.Ltmp26:
0x1dd: {  	_ = 	snop;
	(pc) =	sbr.rel @p1 .LBB3_33-.Ltmp26, $1  }
0x1de: {  	_ =	sdelay $0x3  }
0x1df: {  	p1 =	slt.s32 s6, $0x1  }
.Ltmp27:
0x1e0: {  	_ = 	snop;
	(pc) =	sbr.rel @p1 .LBB3_32-.Ltmp27, $1  }
0x1e1: {  	_ =	sdelay $0x3  }
0x1e2: {  	s13 =	simm.s32 $0xF218;
	p1 =	por $0x0, $0x0  }
0x1e3: {  	v1 =	vld.msk @!p1 [tilespmem:s13+$0x0], $0x1;
	_ =	sdelay $0x4  }
0x1e4: {  	(v2sf) =	vpush @!p1 v1, $0x0;
	_ =	sdelay $0xd  }
0x1e5: {  	p3 =	sne.s32 s6, $0x1  }
.Ltmp28:
0x1e6: {  	s0 =	spop @!p1 (v2sf);
	(pc) =	sbr.rel @!p3 .LBB3_30-.Ltmp28, $4  }
0x1e7: {  	p2 =	seq.s32 @!p1 s12, s0  }
0x1e8: {  	s14 =	simm.s32 $0x0;
	p2 =	por !p2, p1  }
0x1e9: {  	s2 =	simm.s32 $0xFFFFFFFF;
	s14 =	simm.s32 @p2 $0xFFFFFFFF  }
0x1ea: {  	s0 =	simm.s32 $0x1;
	s14 =	smov.u32 @p1 s2  }
.LBB3_29:
0x1eb: {  	s2 =	smov.u32 s14;
	p1 =	sne.s32 s14, $0xFFFFFFFF  }
0x1ec: {  	s13 =	sadd.s32 $0x1, s13;
	s14 =	smov.u32 s0;
	s0 =	sadd.s32 $0x1, s0  }
0x1ed: {  	p2 =	sne.s32 s6, s0;
	v1 =	vld.msk @!p1 [tilespmem:s13+$0x0], $0x1;
	_ =	sdelay $0x4  }
0x1ee: {  	(v2sf) =	vpush @!p1 v1, $0x0;
	_ =	sdelay $0xe  }
.Ltmp29:
0x1ef: {  	s3 =	spop @!p1 (v2sf);
	(pc) =	sbr.rel @p2 .LBB3_29-.Ltmp29, $4  }
0x1f0: {  	p3 =	seq.s32 @!p1 s12, s3  }
0x1f1: {  	p3 =	por !p3, p1  }
0x1f2: {  	s14 =	simm.s32 @p3 $0xFFFFFFFF  }
0x1f3: {  	s14 =	smov.u32 @p1 s2  }
.LBB3_30:
0x1f4: {  	p1 =	seq.s32 s14, $0xFFFFFFFF  }
.Ltmp30:
0x1f5: {  	_ = 	snop;
	(pc) =	sbr.rel @p1 .LBB3_32-.Ltmp30, $1  }
0x1f6: {  	_ =	sdelay $0x3  }
0x1f7: {  	s0 =	sshll.u32 s11, $0x7  }
0x1f8: {  	s0 =	sand.u32 $0x3FFFFF80, s0  }
0x1f9: {  	v0 =	vld [tilespmem:s0+$0xF238];
	_ =	sdelay $0x2  }
0x1fa: {  	s2 =	sshll.u32 s14, $0x9  }
0x1fb: {  	s2 =	sshra.s32 s2, $0x2  }
0x1fc: {  	[tilespmem:s2+$0xF238] =	vst.add.f32.msk $0xffff, v0  }
0x1fd: {  	v0 =	vld [tilespmem:s0+$0xF248];
	_ =	sdelay $0x4  }
0x1fe: {  	[tilespmem:s2+$0xF248] =	vst.add.f32.msk $0xffff, v0  }
0x1ff: {  	v0 =	vld [tilespmem:s0+$0xF258];
	_ =	sdelay $0x4  }
0x200: {  	[tilespmem:s2+$0xF258] =	vst.add.f32.msk $0xffff, v0  }
0x201: {  	v0 =	vld [tilespmem:s0+$0xF268];
	_ =	sdelay $0x4  }
0x202: {  	[tilespmem:s2+$0xF268] =	vst.add.f32.msk $0xffff, v0  }
0x203: {  	v0 =	vld [tilespmem:s0+$0xF278];
	_ =	sdelay $0x4  }
0x204: {  	[tilespmem:s2+$0xF278] =	vst.add.f32.msk $0xffff, v0  }
0x205: {  	v0 =	vld [tilespmem:s0+$0xF288];
	_ =	sdelay $0x4  }
0x206: {  	[tilespmem:s2+$0xF288] =	vst.add.f32.msk $0xffff, v0  }
0x207: {  	v0 =	vld [tilespmem:s0+$0xF298];
	_ =	sdelay $0x4  }
0x208: {  	[tilespmem:s2+$0xF298] =	vst.add.f32.msk $0xffff, v0  }
0x209: {  	v0 =	vld [tilespmem:s0+$0xF2A8]  }
.Ltmp31:
0x20a: {  	_ = 	snop;
	(pc) =	sbr.rel .LBB3_33-.Ltmp31, $2  }
0x20b: {  	_ =	sdelay $0x2  }
0x20c: {  	[tilespmem:s2+$0xF2A8] =	vst.add.f32.msk $0xffff, v0  }
.LBB3_34:
0x20d: {  	s0 =	simm.s32 $0x6;
	p1 =	seq.s32 s6, $0x0  }
0x20e: {  	[sflag:s0] =	ssyncpa.u1 $0x1;
	v0 =	vimm.s32 @p1 $0xFFFFFFFF  }
0x20f: {  	s9 =	sadd.s32 $0xFFFFFFFF, s6;
	[tilespmem:$0x10238] =	vst @p1 v0  }
0x210: {  	v0 =	vld.msk @!p1 [tilespmem:s9+$0xF218], $0x1;
	_ =	sdelay $0x1  }
0x211: {  	v1 =	vld.msk @!p1 [tilespmem:$0xF218], $0x1;
	_ =	sdelay $0x2  }
0x212: {  	p2 =	seq.s32 @!p1 s9, $0x0;
	v0 =	vbroadcast @!p1 v0, $0x0  }
0x213: {  	vm0 =	vmmov @!p1 $0x1;
	p2 =	por !p2, p1  }
0x214: {  	v1 =	vnsel @!p1 vm0, $0xFFFFFFFF, v1;
	vm0 =	vcmask @!p1 $0x308;
	v0 =	vpsel !p2, $0xFFFFFFFF, v0  }
0x215: {  	p2 =	sne.s32 @!p1 s8, s7;
	v0 =	vsel @!p1 vm0, v1, v0  }
0x216: {  	s0 =	simm.s32 @!p1 $0xF238;
	s2 =	simm.s32 @!p1 $0x0;
	p3 =	por !p2, p1;
	[tilespmem:$0x10238] =	vst @!p1 v0  }
0x217: {  	[spmem:s2] =	stream.linear.scatter @!p1 [tilespmem:s0], [sflag:$0x1], $0x80, $0x38;
	[tilespmem:$0x1F6F8] =	vst v63  }
0x218: {  	s0 =	sshll.u32 @!p3 s9, $0x9  }
0x219: {  	s0 =	sshra.s32 @!p3 s0, $0x2  }
0x21a: {  	s2 =	simm.s32 @!p3 $0x80;
	s0 =	sadd.s32 @!p3 $0xF238, s0  }
0x21b: {  	[spmem:s2] =	stream.linear.scatter @!p3 [tilespmem:s0], [sflag:$0x1], $0x80, $0x38;
	[tilespmem:$0x1F6F8] =	vst v63  }
0x21c: {  	s0 =	simm.s32 @!p3 $0x1  }
0x21d: {  	_ =	swait.ge @!p3 [sflag:s0], $0x100  }
0x21e: {  	p1 =	por p2, p1;
	[sflag:s0] =	ssyncset.done @!p3 $0x0  }
0x21f: {  	[sflag:s0] =	ssyncadd.s32 @!p3 $0xFFFFFF00;
	s0 =	simm.s32 @!p1 $0x1  }
0x220: {  	_ =	swait.ge @!p1 [sflag:s0], $0x80  }
0x221: {  	s29 =	simm.s32 $0x10238;
	[sflag:s0] =	ssyncset.done @!p1 $0x0  }
0x222: {  	s30 =	simm.s32 $0x1000;
	s31 =	simm.s32 $0x1;
	[sflag:s0] =	ssyncadd.s32 @!p1 $0xFFFFFF80  }
0x223: {  	[spmem:s30] =	stream.linear.scatter [tilespmem:s29], [sflag:$0x1], $0x10, $0x38;
	[tilespmem:$0x1F6F8] =	vst v63  }
0x224: {  	_ =	swait.ge [sflag:s31], $0x10  }
0x225: {  	[sflag:s31] =	ssyncset.done $0x0  }
0x226: {  	p1 =	seq.s32 s15, $0x0;
	s8 =	rddreg [dreg:$0x1];
	[sflag:s31] =	ssyncadd.s32 $0xFFFFFFF0  }
0x227: {  	s2 =	sshll.u32 @p1 s8, $0xE;
	s7 =	rddreg [dreg:$0x2]  }
0x228: {  	s0 =	sadd.s32 @p1 $0x15C3C, s2;
	s2 =	sshll.u32 @p1 s7, $0x11  }
0x229: {  	_ =	sfence.stream.spmem;
	s0 =	sor.u32 @p1 s2, s0  }
0x22a: {  	[sflag:s0] =	ssyncadd.remote.s32 @p1 $0x1;
	s0 =	simm.s32 @p1 $0x4  }
0x22b: {  	s3 =	simm.s32 @!p1 $0x3C;
	s2 =	sand.u32 $0xFFFFFFFE, s8;
	_ =	swait.ge @p1 [sflag:s0], $0x22  }
0x22c: {  	s4 =	simm.s32 @!p1 $0x0;
	s2 =	sadd.s32 @!p1 $0x4, s2;
	[sflag:s0] =	ssyncset.done @p1 $0x0  }
0x22d: {  	s5 =	simm.s32 @!p1 $0x100;
	[sflag:s0] =	ssyncadd.s32 @p1 $0xFFFFFFDE;
	s0 =	sshll.u32 @!p1 s2, $0x1A  }
0x22e: {  	s2 =	sshll.u32 @!p1 s2, $0xD;
	s0 =	sor.u32 @!p1 s0, s7;
	_ =	swait.eq @!p1 [sflag:s3], $0x1  }
0x22f: {  	s2 =	sor.u32 @!p1 $0x1C04, s2;
	s3 =	simm.s32 @!p1 $0x1C03;
	s0 =	sor.u32 @!p1 $0x80004000, s0  }
0x230: {  	[spmem:s5], [sflag:s2] =	dma.general @!p1 [spmem:s4], [sflag:s3], length:$0x20, [dreg:$0x0], stride_count:$0x0, ici_dest:s0, dma_misc:DstOpCode:WRITE  }
0x231: {  	p2 =	slt.s32 s9, $0x2;
	s4 =	simm.s32 @!p1 $0x200;
	s5 =	simm.s32 @!p1 $0x202  }
0x232: {  	[spmem:s5], [sflag:s2] =	dma.general @!p1 [spmem:s4], [sflag:s3], length:$0x2, [dreg:$0x0], stride_count:$0x0, ici_dest:s0, dma_misc:DstOpCode:WRITE  }
.Ltmp32:
0x233: {  	s0 =	simm.s32 @!p1 $0x3;
	(pc) =	sbr.rel @p2 .LBB3_38-.Ltmp32, $4  }
0x234: {  	s2 =	sshll.u32 @!p1 s8, $0xE;
	_ =	swait.ge @!p1 [sflag:s0], $0x22  }
0x235: {  	s3 =	sshll.u32 @!p1 s7, $0x11;
	s2 =	sadd.s32 @!p1 $0x11C3C, s2;
	[sflag:s0] =	ssyncset.done @!p1 $0x0  }
0x236: {  	[sflag:s0] =	ssyncadd.s32 @!p1 $0xFFFFFFDE;
	s0 =	sor.u32 @!p1 s3, s2  }
0x237: {  	[sflag:s0] =	ssyncadd.remote.s32 @!p1 $0xFFFFFFFF;
	s0 =	simm.s32 $0x0  }
0x238: {  	s0 =	simm.s32 $0xF219  }
0x239: {  	v0 =	vld.msk [tilespmem:s0+$0x0], $0x1;
	_ =	sdelay $0x4  }
0x23a: {  	(v2sf) =	vpush v0, $0x0;
	_ =	sdelay $0xb  }
0x23b: {  	s31 =	sadd.s32 $0xFFFFFFFE, s6  }
0x23c: {  	s0 =	sadd.s32 $0xFFFFFFFF, s31  }
0x23d: {  	p2 =	sne.s32 s0, $0x0  }
.Ltmp33:
0x23e: {  	s2 =	spop (v2sf);
	(pc) =	sbr.rel @!p2 .LBB3_37-.Ltmp33, $4  }
0x23f: {  	s4 =	simm.s32 $0xF2B8;
	s7 =	simm.s32 $0x0;
	p1 =	sgt.u32 s2, $0x27FF0  }
0x240: {  	s5 =	simm.s32 $0x0;
	s6 =	simm.s32 $0xF21A;
	s3 =	sand.u32 @!p1 $0x3FFF8, s2  }
0x241: {  	s2 =	sand.u32 @!p1 $0x7, s2;
	s7 =	simm.s32 @!p1 $0x200;
	s3 =	sadd.s32 @!p1 s1, s3  }
0x242: {  	[hbm4b:s3+s2] =	stream.linear.scatter @!p1 [tilespmem:s4], [sflag:$0x5], $0x80, $0x38;
	[tilespmem:$0x1F6F8] =	vst v63  }
.LBB3_36:
0x243: {  	v0 =	vld.msk [tilespmem:s6+$0x0], $0x1;
	s0 =	sadd.s32 $0xFFFFFFFF, s0;
	s5 =	sadd.s32 s5, s7  }
0x244: {  	p1 =	sne.s32 s0, $0x0;
	_ =	sdelay $0x3  }
0x245: {  	(v2sf) =	vpush v0, $0x0;
	_ =	sdelay $0xe  }
.Ltmp34:
0x246: {  	s2 =	spop (v2sf);
	(pc) =	sbr.rel @p1 .LBB3_36-.Ltmp34, $4  }
0x247: {  	s7 =	simm.s32 $0x0;
	p2 =	sgt.u32 s2, $0x27FF0  }
0x248: {  	s4 =	sadd.s32 $0x80, s4;
	s7 =	simm.s32 @!p2 $0x200;
	s3 =	sand.u32 @!p2 $0x3FFF8, s2  }
0x249: {  	s6 =	sadd.s32 $0x1, s6;
	s2 =	sand.u32 @!p2 $0x7, s2;
	s3 =	sadd.s32 @!p2 s1, s3  }
0x24a: {  	[hbm4b:s3+s2] =	stream.linear.scatter @!p2 [tilespmem:s4], [sflag:$0x5], $0x80, $0x38;
	[tilespmem:$0x1F6F8] =	vst v63  }
.LBB3_37:
0x24b: {  	s0 =	sadd.s32 s5, s7  }
0x24c: {  	s0 =	sshrl.u32 s0, $0x2  }
.LBB3_38:
0x24d: {  	s2 =	simm.s32 $0x5  }
0x24e: {  	_ =	swait.ge [sflag:s2], s0  }
0x24f: {  	s31 =	ssub.s32 $0x0, s0;
	[sflag:s2] =	ssyncset.done $0x0  }
0x250: {  	[sflag:s2] =	ssyncadd.s32 s31  }
0x251: {  	[sflag:s2] =	ssyncpa.u1 $0x1  }
.LBB3_39:
0x252: {  	s0 =	sor.u32 s15, s16  }
0x253: {  	p1 =	sne.s32 s0, $0x0  }
.Ltmp35:
0x254: {  	_ = 	snop;
	(pc) =	sbr.rel @p1 .LBB3_54-.Ltmp35, $3  }
0x255: {  	_ =	sdelay $0x1  }
0x256: {  	[bflag:$0x0] =	sbarrier.arrive $0xFFFF  }
0x257: {  	_ =	sfence  }
0x258: {  	s0 =	simm.s32 $0x7  }
0x259: {  	s2 =	simm.s32 $0x1000;
	s3 =	simm.s32 $0xF218;
	[sflag:s0] =	ssyncpa.u1 $0x0  }
0x25a: {  	[tilespmem:s3], [sflag:$0x7] =	stream.linear.gather [spmem:s2], $0x20, $0x38;
	[tilespmem:$0x1F6F8] =	vst v63  }
0x25b: {  	s30 =	simm.s32 $0xF238;
	s2 =	simm.s32 $0x0  }
0x25c: {  	[tilespmem:s30], [sflag:$0x7] =	stream.linear.gather [spmem:s2], $0x1000, $0x38;
	[tilespmem:$0x1F6F8] =	vst v63  }
.Ltmp36:
0x25d: {  	_ = 	snop;
	(pc) =	sbr.rel .LBB3_41-.Ltmp36, $4  }
0x25e: {  	_ =	swait.ge [sflag:s0], $0x1020  }
0x25f: {  	[sflag:s0] =	ssyncset.done $0x0  }
0x260: {  	s31 =	simm.s32 $0x8;
	[sflag:s0] =	ssyncadd.s32 $0xFFFFEFE0  }
0x261: {  	s3 =	simm.s32 $0x0;
	[sflag:s31] =	ssyncpa.u1 $0x0  }
.LBB3_47:
0x262: {  	p1 =	slt.u32 s4, $0x27FF1  }
0x263: {  	s0 =	sand.u32 @p1 $0x3FFF8, s4  }
0x264: {  	s4 =	sand.u32 @p1 $0x7, s4;
	s5 =	simm.s32 @p1 $0xF188;
	s0 =	sadd.s32 @p1 s1, s0  }
0x265: {  	[tilespmem:s5], [sflag:$0x8] =	stream.linear.gather @p1 [hbm4b:s0+s4], $0x80, $0x38;
	[tilespmem:$0x1F6F8] =	vst v63  }
0x266: {  	s0 =	simm.s32 @p1 $0x8  }
0x267: {  	_ =	swait.ge @p1 [sflag:s0], $0x80  }
0x268: {  	[sflag:s0] =	ssyncset.done @p1 $0x0  }
0x269: {  	[sflag:s0] =	ssyncadd.s32 @p1 $0xFFFFFF80  }
0x26a: {  	v1 =	vld @p1 [tilespmem:$0xF188];
	_ =	sdelay $0x2  }
0x26b: {  	s0 =	sshll.u32 @p1 s3, $0x9  }
0x26c: {  	s4 =	sshrl.u32 @p1 s0, $0x2  }
0x26d: {  	[tilespmem:s4+$0xF238] =	vst.add.f32.msk @p1 $0xffff, v1  }
0x26e: {  	v1 =	vld @p1 [tilespmem:$0xF198];
	_ =	sdelay $0x4  }
0x26f: {  	[tilespmem:s4+$0xF248] =	vst.add.f32.msk @p1 $0xffff, v1  }
0x270: {  	v1 =	vld @p1 [tilespmem:$0xF1A8];
	_ =	sdelay $0x4  }
0x271: {  	[tilespmem:s4+$0xF258] =	vst.add.f32.msk @p1 $0xffff, v1  }
0x272: {  	v1 =	vld @p1 [tilespmem:$0xF1B8];
	_ =	sdelay $0x4  }
0x273: {  	[tilespmem:s4+$0xF268] =	vst.add.f32.msk @p1 $0xffff, v1  }
0x274: {  	v1 =	vld @p1 [tilespmem:$0xF1C8];
	_ =	sdelay $0x4  }
0x275: {  	[tilespmem:s4+$0xF278] =	vst.add.f32.msk @p1 $0xffff, v1  }
0x276: {  	v1 =	vld @p1 [tilespmem:$0xF1D8];
	_ =	sdelay $0x4  }
0x277: {  	[tilespmem:s4+$0xF288] =	vst.add.f32.msk @p1 $0xffff, v1  }
0x278: {  	v1 =	vld @p1 [tilespmem:$0xF1E8];
	_ =	sdelay $0x4  }
0x279: {  	[tilespmem:s4+$0xF298] =	vst.add.f32.msk @p1 $0xffff, v1  }
0x27a: {  	v1 =	vld @p1 [tilespmem:$0xF1F8];
	_ =	sdelay $0x3  }
0x27b: {  	s5 =	sshll.u32 @!p1 s3, $0x9  }
0x27c: {  	s5 =	smov.u32 @p1 s0;
	[tilespmem:s4+$0xF2A8] =	vst.add.f32.msk @p1 $0xffff, v1  }
0x27d: {  	s0 =	sshrl.u32 s5, $0x2;
	[tilespmem:s2+$0xF218] =	vst.msk $0x1, v0  }
0x27e: {  	v0 =	vld [tilespmem:s0+$0xF238];
	_ =	sdelay $0x2  }
0x27f: {  	s31 =	sshll.u32 s2, $0x9  }
0x280: {  	s4 =	sshra.s32 s31, $0x2  }
0x281: {  	[tilespmem:s4+$0xF238] =	vst v0  }
0x282: {  	v0 =	vld [tilespmem:s0+$0xF248];
	_ =	sdelay $0x4  }
0x283: {  	[tilespmem:s4+$0xF248] =	vst v0  }
0x284: {  	v0 =	vld [tilespmem:s0+$0xF258];
	_ =	sdelay $0x4  }
0x285: {  	[tilespmem:s4+$0xF258] =	vst v0  }
0x286: {  	v0 =	vld [tilespmem:s0+$0xF268];
	_ =	sdelay $0x4  }
0x287: {  	[tilespmem:s4+$0xF268] =	vst v0  }
0x288: {  	v0 =	vld [tilespmem:s0+$0xF278];
	_ =	sdelay $0x4  }
0x289: {  	[tilespmem:s4+$0xF278] =	vst v0  }
0x28a: {  	v0 =	vld [tilespmem:s0+$0xF288];
	_ =	sdelay $0x4  }
0x28b: {  	[tilespmem:s4+$0xF288] =	vst v0  }
0x28c: {  	v0 =	vld [tilespmem:s0+$0xF298];
	_ =	sdelay $0x4  }
0x28d: {  	[tilespmem:s4+$0xF298] =	vst v0  }
0x28e: {  	v0 =	vld [tilespmem:s0+$0xF2A8];
	_ =	sdelay $0x4  }
0x28f: {  	s2 =	sadd.s32 $0x1, s2;
	[tilespmem:s4+$0xF2A8] =	vst v0  }
.LBB3_48:
0x290: {  	s3 =	sadd.s32 $0x1, s3  }
0x291: {  	p1 =	sne.s32 s3, $0x20  }
.Ltmp37:
0x292: {  	_ = 	snop;
	(pc) =	sbr.rel @!p1 .LBB3_49-.Ltmp37, $1  }
0x293: {  	_ =	sdelay $0x3  }
.LBB3_41:
0x294: {  	v0 =	vld.msk [tilespmem:s3+$0xF218], $0x1;
	_ =	sdelay $0x4  }
0x295: {  	(v2sf) =	vpush v0, $0x0;
	_ =	sdelay $0xe  }
0x296: {  	s4 =	spop (v2sf)  }
0x297: {  	p1 =	seq.s32 s4, $0xFFFFFFFF  }
.Ltmp38:
0x298: {  	_ = 	snop;
	(pc) =	sbr.rel @p1 .LBB3_48-.Ltmp38, $1  }
0x299: {  	_ =	sdelay $0x3  }
0x29a: {  	p1 =	slt.s32 s2, $0x1  }
.Ltmp39:
0x29b: {  	_ = 	snop;
	(pc) =	sbr.rel @p1 .LBB3_47-.Ltmp39, $1  }
0x29c: {  	_ =	sdelay $0x3  }
0x29d: {  	s5 =	simm.s32 $0xF218;
	p1 =	por $0x0, $0x0  }
0x29e: {  	v1 =	vld.msk @!p1 [tilespmem:s5+$0x0], $0x1;
	_ =	sdelay $0x4  }
0x29f: {  	(v2sf) =	vpush @!p1 v1, $0x0;
	_ =	sdelay $0xd  }
0x2a0: {  	p3 =	sne.s32 s2, $0x1  }
.Ltmp40:
0x2a1: {  	s0 =	spop @!p1 (v2sf);
	(pc) =	sbr.rel @!p3 .LBB3_45-.Ltmp40, $4  }
0x2a2: {  	p2 =	seq.s32 @!p1 s4, s0  }
0x2a3: {  	s6 =	simm.s32 $0x0;
	p2 =	por !p2, p1  }
0x2a4: {  	s7 =	simm.s32 $0xFFFFFFFF;
	s6 =	simm.s32 @p2 $0xFFFFFFFF  }
0x2a5: {  	s0 =	simm.s32 $0x1;
	s6 =	smov.u32 @p1 s7  }
.LBB3_44:
0x2a6: {  	s7 =	smov.u32 s6;
	p1 =	sne.s32 s6, $0xFFFFFFFF  }
0x2a7: {  	s5 =	sadd.s32 $0x1, s5;
	s6 =	smov.u32 s0;
	s0 =	sadd.s32 $0x1, s0  }
0x2a8: {  	p2 =	sne.s32 s2, s0;
	v1 =	vld.msk @!p1 [tilespmem:s5+$0x0], $0x1;
	_ =	sdelay $0x4  }
0x2a9: {  	(v2sf) =	vpush @!p1 v1, $0x0;
	_ =	sdelay $0xe  }
.Ltmp41:
0x2aa: {  	s8 =	spop @!p1 (v2sf);
	(pc) =	sbr.rel @p2 .LBB3_44-.Ltmp41, $4  }
0x2ab: {  	p3 =	seq.s32 @!p1 s4, s8  }
0x2ac: {  	p3 =	por !p3, p1  }
0x2ad: {  	s6 =	simm.s32 @p3 $0xFFFFFFFF  }
0x2ae: {  	s6 =	smov.u32 @p1 s7  }
.LBB3_45:
0x2af: {  	p1 =	seq.s32 s6, $0xFFFFFFFF  }
.Ltmp42:
0x2b0: {  	_ = 	snop;
	(pc) =	sbr.rel @p1 .LBB3_47-.Ltmp42, $1  }
0x2b1: {  	_ =	sdelay $0x3  }
0x2b2: {  	s0 =	sshll.u32 s3, $0x7  }
0x2b3: {  	s0 =	sand.u32 $0x3FFFFF80, s0  }
0x2b4: {  	v0 =	vld [tilespmem:s0+$0xF238];
	_ =	sdelay $0x2  }
0x2b5: {  	s4 =	sshll.u32 s6, $0x9  }
0x2b6: {  	s4 =	sshra.s32 s4, $0x2  }
0x2b7: {  	[tilespmem:s4+$0xF238] =	vst.add.f32.msk $0xffff, v0  }
0x2b8: {  	v0 =	vld [tilespmem:s0+$0xF248];
	_ =	sdelay $0x4  }
0x2b9: {  	[tilespmem:s4+$0xF248] =	vst.add.f32.msk $0xffff, v0  }
0x2ba: {  	v0 =	vld [tilespmem:s0+$0xF258];
	_ =	sdelay $0x4  }
0x2bb: {  	[tilespmem:s4+$0xF258] =	vst.add.f32.msk $0xffff, v0  }
0x2bc: {  	v0 =	vld [tilespmem:s0+$0xF268];
	_ =	sdelay $0x4  }
0x2bd: {  	[tilespmem:s4+$0xF268] =	vst.add.f32.msk $0xffff, v0  }
0x2be: {  	v0 =	vld [tilespmem:s0+$0xF278];
	_ =	sdelay $0x4  }
0x2bf: {  	[tilespmem:s4+$0xF278] =	vst.add.f32.msk $0xffff, v0  }
0x2c0: {  	v0 =	vld [tilespmem:s0+$0xF288];
	_ =	sdelay $0x4  }
0x2c1: {  	[tilespmem:s4+$0xF288] =	vst.add.f32.msk $0xffff, v0  }
0x2c2: {  	v0 =	vld [tilespmem:s0+$0xF298];
	_ =	sdelay $0x4  }
0x2c3: {  	[tilespmem:s4+$0xF298] =	vst.add.f32.msk $0xffff, v0  }
0x2c4: {  	v0 =	vld [tilespmem:s0+$0xF2A8]  }
.Ltmp43:
0x2c5: {  	_ = 	snop;
	(pc) =	sbr.rel .LBB3_48-.Ltmp43, $2  }
0x2c6: {  	_ =	sdelay $0x2  }
0x2c7: {  	[tilespmem:s4+$0xF2A8] =	vst.add.f32.msk $0xffff, v0  }
.LBB3_49:
0x2c8: {  	p1 =	slt.s32 s2, $0x1  }
.Ltmp44:
0x2c9: {  	_ = 	snop;
	(pc) =	sbr.rel @p1 .LBB3_53-.Ltmp44, $3  }
0x2ca: {  	_ =	sdelay $0x1  }
0x2cb: {  	s0 =	simm.s32 $0x8  }
0x2cc: {  	s3 =	simm.s32 $0x0;
	[sflag:s0] =	ssyncpa.u1 $0x1  }
0x2cd: {  	s0 =	simm.s32 $0xF218  }
0x2ce: {  	v0 =	vld.msk [tilespmem:s0+$0x0], $0x1;
	_ =	sdelay $0x4  }
0x2cf: {  	(v2sf) =	vpush v0, $0x0;
	_ =	sdelay $0xe  }
0x2d0: {  	s0 =	sadd.s32 $0xFFFFFFFF, s2;
	s5 =	spop (v2sf)  }
0x2d1: {  	p2 =	sne.s32 s0, $0x0;
	p1 =	sgt.u32 s5, $0x27FF0  }
.Ltmp45:
0x2d2: {  	s6 =	sand.u32 @!p1 $0x3FFF8, s5;
	(pc) =	sbr.rel @!p2 .LBB3_52-.Ltmp45, $4  }
0x2d3: {  	s4 =	simm.s32 $0xF238;
	s5 =	sand.u32 @!p1 $0x7, s5;
	s2 =	sadd.s32 @!p1 s1, s6  }
0x2d4: {  	[hbm4b:s2+s5] =	stream.linear.scatter @!p1 [tilespmem:s4], [sflag:$0x7], $0x80, $0x38;
	[tilespmem:$0x1F6F8] =	vst v63  }
0x2d5: {  	s5 =	simm.s32 $0x0  }
0x2d6: {  	s2 =	simm.s32 $0xF219;
	s5 =	simm.s32 @!p1 $0x200  }
.LBB3_51:
0x2d7: {  	v0 =	vld.msk [tilespmem:s2+$0x0], $0x1;
	s0 =	sadd.s32 $0xFFFFFFFF, s0;
	s3 =	sadd.s32 s3, s5  }
0x2d8: {  	p1 =	sne.s32 s0, $0x0;
	_ =	sdelay $0x3  }
0x2d9: {  	(v2sf) =	vpush v0, $0x0;
	_ =	sdelay $0xe  }
.Ltmp46:
0x2da: {  	s6 =	spop (v2sf);
	(pc) =	sbr.rel @p1 .LBB3_51-.Ltmp46, $4  }
0x2db: {  	s5 =	simm.s32 $0x0;
	p2 =	sgt.u32 s6, $0x27FF0  }
0x2dc: {  	s4 =	sadd.s32 $0x80, s4;
	s5 =	simm.s32 @!p2 $0x200;
	s7 =	sand.u32 @!p2 $0x3FFF8, s6  }
0x2dd: {  	s2 =	sadd.s32 $0x1, s2;
	s6 =	sand.u32 @!p2 $0x7, s6;
	s7 =	sadd.s32 @!p2 s1, s7  }
0x2de: {  	[hbm4b:s7+s6] =	stream.linear.scatter @!p2 [tilespmem:s4], [sflag:$0x7], $0x80, $0x38;
	[tilespmem:$0x1F6F8] =	vst v63  }
.LBB3_52:
0x2df: {  	s0 =	sadd.s32 s3, s5  }
0x2e0: {  	s3 =	sshrl.u32 s0, $0x2  }
.LBB3_53:
0x2e1: {  	s0 =	simm.s32 $0x7  }
0x2e2: {  	_ =	swait.ge [sflag:s0], s3  }
0x2e3: {  	s1 =	ssub.s32 $0x0, s3;
	[sflag:s0] =	ssyncset.done $0x0  }
0x2e4: {  	[sflag:s0] =	ssyncadd.s32 s1  }
0x2e5: {  	[sflag:s0] =	ssyncpa.u1 $0x1  }
.LBB3_54:
0x2e6: {  	_ =	sfence;
	s0 =	simm.s32 $0x1  }
0x2e7: {  	[sflag:s0] =	ssyncpa.u1 $0x1  }
0x2e8: {  	_ =	strace $0x90000062  }
0x2e9: {  	[bflag:$0x2] =	sbarrier.arrive $0xFFFF  }
0x2ea: {  	s0 =	rddreg [dreg:$0x3]  }
0x2eb: {  	s0 =	sadd.s32 @!p0 $0x100000, s0  }
0x2ec: {  	[sflag:s0] =	ssyncadd.tile.s32 @!p0 $0x1;
	_ =	shalt  }
.Lfunc_end3:
_tile_overlayer_lowered:
.L_overlay_start_3:
0x2ed: {  	(tag) =	ssettag $0x3  }
0x2ee: {  	s0 =	rddreg [dreg:$0x0];
	s2 =	stileid.u32  }
0x2ef: {  	s1 =	rddreg [dreg:$0x1];
	p0 =	sne.s32 s2, $0x0  }
0x2f0: {  	s3 =	rddreg [dreg:$0x2];
	[bflag:$0x3] =	sbarrier.arrive $0xFFFF;
	s2 =	simm.s32 @!p0 $0x1C01  }
0x2f1: {  	[timem:s3], [sflag:s2] =	dma.local @!p0 [hbm:s0], s1  }
0x2f2: {  	s0 =	simm.s32 @!p0 $0x1  }
0x2f3: {  	_ =	swait.ge @!p0 [sflag:s0], s1  }
0x2f4: {  	s1 =	ssub.s32 @!p0 $0x0, s1;
	[sflag:s0] =	ssyncset.done @!p0 $0x0  }
0x2f5: {  	[sflag:s0] =	ssyncadd.s32 @!p0 s1  }
0x2f6: {  	[bflag:$0x3] =	sbarrier.arrive $0xFFFF  }
0x2f7: {  	_ =	shalt  }

// kernel: scatter_offload_async_start.3
scs
__scs_entry_jumppad:
0x0: {  	(pc) =	sbr.rel $0x88, $3  }
0x1: {  	(tag) =	ssettag $0x0;
	lr =	simm.s32 $0x1  }
0x2: {  	[smem:$0x3F80] =	sst lr;
	_ =	strace $0xD0000000  }
0x3: {  	_ = 	snop  }
0x4: {  	_ = 	snop  }
0x5: {  	_ = 	snop  }
0x6: {  	_ = 	snop  }
0x7: {  	_ = 	snop  }
__scs_overlays_trampoline_lowered:
0x8: {  	[smem:$0x3F8F] =	sst s0  }
0x9: {  	[smem:$0x3F90] =	sst s1  }
0xa: {  	[smem:$0x3F91] =	sst s2  }
0xb: {  	[smem:$0x3F92] =	sst s3  }
0xc: {  	[smem:$0x3F93] =	sst s4  }
0xd: {  	[smem:$0x3F94] =	sst s5  }
0xe: {  	[smem:$0x3F95] =	sst s6  }
0xf: {  	[smem:$0x3F96] =	sst s7  }
0x10: {  	[smem:$0x3F97] =	sst s8  }
0x11: {  	[smem:$0x3F98] =	sst s9;
	s0 =	simm.s32 @!p0 $0x0  }
0x12: {  	s1 =	sld [smem:$0x3F7E];
	s0 =	simm.s32 @p0 $0x1  }
0x13: {  	[smem:$0x3F99] =	sst s0;
	s0 =	simm.s32 @!p1 $0x0  }
0x14: {  	s2 =	sld [smem:$0x3F7D];
	s0 =	simm.s32 @p1 $0x1  }
0x15: {  	[smem:$0x3F9A] =	sst s0;
	s0 =	simm.s32 @!p2 $0x0  }
0x16: {  	s3 =	sld [smem:$0x3FDB];
	s0 =	simm.s32 @p2 $0x1  }
0x17: {  	s4 =	simm.s32 $0x1BF5;
	[smem:$0x3F9C] =	sst s0  }
0x18: {  	s0 =	sld [smem:$0x3F7F];
	_ =	swait.ge [sflag:s4], $0x0  }
0x19: {  	s7 =	sld [smem:$0x3F80]  }
0x1a: {  	s8 =	sadd.s32 $0xFFFFE003, lr  }
0x1b: {  	s9 =	sadd.s32 $0xFFFFFEF7, lr;
	s5 =	simm.s32 $0xFFFFFFFF;
	p2 =	slt.u32 s8, $0xFFFFF086  }
0x1c: {  	p1 =	slt.u32 s9, $0xF7A;
	s5 =	simm.s32 @!p2 $0x0  }
0x1d: {  	s5 =	simm.s32 @p1 $0x1;
	p0 =	seq.s32 s7, s2  }
0x1e: {  	s7 =	smul.u32 @!p0 $0xF7A, s2;
	p2 =	seq.s32 @!p0 s5, $0x0  }
0x1f: {  	s9 =	smul.u32 $0xF7A, s1;
	s8 =	simm.s32 @!p0 $0x1BF5;
	p2 =	por !p2, p0  }
0x20: {  	[sflag:s8] =	ssyncset.s32 @!p0 $0xFFFFF086;
	s6 =	sadd.s32 @!p0 s3, s7;
	s7 =	simm.s32 @!p0 $0x108  }
0x21: {  	s3 =	sadd.s32 s3, s9;
	s6 =	sadd.s32 @!p0 $0x88, s6;
	s7 =	simm.s32 @p2 $0x1082  }
0x22: {  	[simem:s7], [sflag:s8] =	dma.local @!p0 [hbm:s6], $0xF7A  }
0x23: {  	s9 =	sor.u32 $0xD0000000, s2;
	s6 =	simm.s32 $0x108;
	_ =	swait.ge @!p0 [sflag:s8], $0x0  }
0x24: {  	s3 =	sadd.s32 $0x88, s3;
	s6 =	simm.s32 @!p1 $0x1082;
	[sflag:s4] =	ssyncset.s32 $0xFFFFF086  }
0x25: {  	[simem:s6], [sflag:s4] =	dma.local [hbm:s3], $0xF7A  }
0x26: {  	[smem:$0x3F80] =	sst s1;
	(tag) =	ssettag s2;
	_ =	strace s9  }
0x27: {  	s1 =	sld [smem:$0x3F90]  }
0x28: {  	s2 =	sld [smem:$0x3F91]  }
0x29: {  	s4 =	sld [smem:$0x3F93]  }
0x2a: {  	p0 =	seq.s32 s5, $0x0;
	s5 =	sld [smem:$0x3F94]  }
0x2b: {  	s6 =	sld [smem:$0x3F95]  }
0x2c: {  	s7 =	sld [smem:$0x3F96]  }
0x2d: {  	s3 =	simm.s32 $0x108;
	s8 =	sld [smem:$0x3F97]  }
0x2e: {  	s3 =	simm.s32 @!p0 $0x1082;
	s9 =	sld [smem:$0x3F98]  }
0x2f: {  	lr =	sadd.s32 s0, s3;
	s0 =	sld [smem:$0x3F8F]  }
0x30: {  	s3 =	sld [smem:$0x3F92]  }
0x31: {  	[smem:$0x3F9B] =	sst s10  }
0x32: {  	s10 =	sld [smem:$0x3F99];
	_ =	sdelay $0x3  }
0x33: {  	p0 =	seq.s32 s10, $0x1;
	s10 =	sld [smem:$0x3F9B];
	_ =	sdelay $0x3  }
0x34: {  	[smem:$0x3F9B] =	sst s10  }
0x35: {  	s10 =	sld [smem:$0x3F9A];
	_ =	sdelay $0x3  }
0x36: {  	p1 =	seq.s32 s10, $0x1;
	s10 =	sld [smem:$0x3F9B];
	_ =	sdelay $0x3  }
0x37: {  	[smem:$0x3F9B] =	sst s10  }
0x38: {  	s10 =	sld [smem:$0x3F9C]  }
0x39: {  	_ = 	snop;
	(pc) =	sbr.ind lr, $3  }
0x3a: {  	_ = 	snop  }
0x3b: {  	_ = 	snop  }
0x3c: {  	p2 =	seq.s32 s10, $0x1;
	s10 =	sld [smem:$0x3F9B]  }
0x3d: {  	_ =	shalt  }
0x3e: {  	_ =	shalt  }
0x3f: {  	_ =	shalt  }
0x40: {  	_ =	shalt  }
0x41: {  	_ =	shalt  }
0x42: {  	_ =	shalt  }
0x43: {  	_ =	shalt  }
0x44: {  	_ =	shalt  }
0x45: {  	_ =	shalt  }
0x46: {  	_ =	shalt  }
0x47: {  	_ =	shalt  }
0x48: {  	_ =	shalt  }
0x49: {  	_ =	shalt  }
0x4a: {  	_ =	shalt  }
0x4b: {  	_ =	shalt  }
0x4c: {  	_ =	shalt  }
0x4d: {  	_ =	shalt  }
0x4e: {  	_ =	shalt  }
0x4f: {  	_ =	shalt  }
0x50: {  	_ =	shalt  }
0x51: {  	_ =	shalt  }
0x52: {  	_ =	shalt  }
0x53: {  	_ =	shalt  }
0x54: {  	_ =	shalt  }
0x55: {  	_ =	shalt  }
0x56: {  	_ =	shalt  }
0x57: {  	_ =	shalt  }
0x58: {  	_ =	shalt  }
0x59: {  	_ =	shalt  }
0x5a: {  	_ =	shalt  }
0x5b: {  	_ =	shalt  }
0x5c: {  	_ =	shalt  }
0x5d: {  	_ =	shalt  }
0x5e: {  	_ =	shalt  }
0x5f: {  	_ =	shalt  }
0x60: {  	_ =	shalt  }
0x61: {  	_ =	shalt  }
0x62: {  	_ =	shalt  }
0x63: {  	_ =	shalt  }
0x64: {  	_ =	shalt  }
0x65: {  	_ =	shalt  }
0x66: {  	_ =	shalt  }
0x67: {  	_ =	shalt  }
0x68: {  	_ =	shalt  }
0x69: {  	_ =	shalt  }
0x6a: {  	_ =	shalt  }
0x6b: {  	_ =	shalt  }
0x6c: {  	_ =	shalt  }
0x6d: {  	_ =	shalt  }
0x6e: {  	_ =	shalt  }
0x6f: {  	_ =	shalt  }
0x70: {  	_ =	shalt  }
0x71: {  	_ =	shalt  }
0x72: {  	_ =	shalt  }
0x73: {  	_ =	shalt  }
0x74: {  	_ =	shalt  }
0x75: {  	_ =	shalt  }
0x76: {  	_ =	shalt  }
0x77: {  	_ =	shalt  }
0x78: {  	_ =	shalt  }
0x79: {  	_ =	shalt  }
0x7a: {  	_ =	shalt  }
0x7b: {  	_ =	shalt  }
0x7c: {  	_ =	shalt  }
0x7d: {  	_ =	shalt  }
0x7e: {  	_ =	shalt  }
0x7f: {  	_ =	shalt  }
0x80: {  	_ =	shalt  }
0x81: {  	_ =	shalt  }
0x82: {  	_ =	shalt  }
0x83: {  	_ =	shalt  }
0x84: {  	_ =	shalt  }
0x85: {  	_ =	shalt  }
0x86: {  	_ =	shalt  }
0x87: {  	_ =	shalt  }
.Lfunc_end0:
.L_simem_size_0:
called_computation.3_lowered:
.L_overlay_start_0:
0x88: {  	s2 =	sld [smem:$0x3FD9]  }
0x89: {  	s3 =	sld [smem:$0x3FFE];
	_ =	sdelay $0x1  }
0x8a: {  	s1 =	srdreg.scid  }
0x8b: {  	s0 =	sand.u32 $0x1, s1  }
0x8c: {  	s15 =	sshll.u32 s0, $0xA;
	s2 =	sadd.s32 s3, s2  }
0x8d: {  	s2 =	sadd.s32 s2, s15  }
0x8e: {  	[smem:$0x3FA7] =	sst s2  }
0x8f: {  	_ = 	snop  }
0x90: {  	(tm) =	ssettm $0x1  }
0x91: {  	s16 =	sld [smem:$0x3FFB];
	_ =	sdelay $0x3  }
0x92: {  	_ =	strace s16  }
0x93: {  	s2 =	sld [smem:$0x3FFC];
	_ =	sdelay $0x3  }
0x94: {  	_ =	strace s2  }
0x95: {  	s2 =	sld [smem:$0x3FFD];
	_ =	sdelay $0x3  }
0x96: {  	_ =	strace s2  }
0x97: {  	_ =	strace $0x8FFFFFFF  }
0x98: {  	s17 =	sld [smem:$0x3FDB];
	_ =	sdelay $0x1  }
0x99: {  	s18 =	simm.s32 $_scs_section_size  }
0x9a: {  	s4 =	simm.s32 $_size__tile_overlayer_lowered;
	s5 =	simm.s32 $_tile_overlayer_lowered  }
0x9b: {  	s21 =	simm.s32 $0x1BFF;
	s20 =	sshll.u32 s5, $0x1;
	s2 =	sadd.s32 s18, s17  }
0x9c: {  	s6 =	simm.s32 $0x0;
	s19 =	sshll.u32 s4, $0x1;
	s4 =	sadd.s32 s20, s2  }
0x9d: {  	[timem:s6], [sflag:s21] =	dma.local [hbm:s4], s19  }
0x9e: {  	_ =	swait.ge [sflag:s21], s19  }
0x9f: {  	s3 =	ssub.s32 $0x0, s19;
	[sflag:s21] =	ssyncset.done $0x0  }
0xa0: {  	[sflag:s21] =	ssyncadd.s32 s3;
	_ =	sdelay $0x1  }
0xa1: {  	s22 =	simm.s32 $0x1B8B  }
0xa2: {  	_ =	swait.ge [sflag:s22], $0x1  }
0xa3: {  	[sflag:s22] =	ssyncset.done $0x0  }
0xa4: {  	s23 =	sld [smem:$0x3FFE];
	[sflag:s22] =	ssyncadd.s32 $0xFFFFFFFF  }
0xa5: {  	s25 =	simm.s32 $0x1B8E;
	s24 =	sld [smem:$0x0]  }
0xa6: {  	s26 =	simm.s32 $execute0_lowered;
	[smem:$0x3FD2] =	sst s25  }
0xa7: {  	s5 =	sshll.u32 s26, $0x1;
	_ =	strace $0x8000006A;
	[dreg:$0x1] =	wrdreg $0xFFFFFFFF  }
0xa8: {  	s28 =	simm.s32 $_size_execute0_lowered;
	s2 =	sadd.s32 s2, s5;
	[dreg:$0x0] =	wrdreg $0x0  }
0xa9: {  	s5 =	sshll.u32 s28, $0x1;
	[dreg:$0x2] =	wrdreg s2  }
0xaa: {  	[dreg:$0x3] =	wrdreg s5  }
0xab: {  	[dreg:$0x4] =	wrdreg $0xC0  }
0xac: {  	_ =	task [dreg:s6], $0x5FFFF  }
0xad: {  	[dreg:$0x1] =	wrdreg $0xFFFFFFFF  }
0xae: {  	[dreg:$0x0] =	wrdreg $0x60  }
0xaf: {  	[dreg:$0x2] =	wrdreg s23  }
0xb0: {  	[dreg:$0x3] =	wrdreg s1  }
0xb1: {  	[dreg:$0x4] =	wrdreg s24  }
0xb2: {  	[dreg:$0x5] =	wrdreg $0x9  }
0xb3: {  	_ =	task.clear_ibuf [dreg:s6], $0x6FFFF;
	_ =	strace $0x9000006A  }
0xb4: {  	s29 =	simm.s32 $0x9;
	_ =	strace $0x8000006C  }
0xb5: {  	_ =	swait.ge [sflag:s29], $0x1  }
0xb6: {  	[sflag:s29] =	ssyncadd.s32 $0xFFFFFFFF  }
0xb7: {  	_ =	strace $0x9000006C  }
0xb8: {  	_ =	sfence  }
0xb9: {  	s30 =	sld [smem:$0x0];
	_ =	sdelay $0x2  }
0xba: {  	s31 =	sshll.u32 s1, $0xD;
	s1 =	sshrl.u32 s1, $0x2  }
0xbb: {  	s3 =	sand.u32 $0x4000, s31;
	s1 =	sadd.s32 s1, s30  }
0xbc: {  	s0 =	sor.u32 s3, s0;
	s1 =	sshll.u32 s1, $0x11  }
0xbd: {  	s0 =	sor.u32 s1, s0  }
0xbe: {  	s0 =	sadd.s32 $0x8F2B, s0  }
0xbf: {  	[sflag:s0] =	ssyncadd.remote.s32 $0x1  }
0xc0: {  	_ =	sfence.sel $0xFFFF  }
0xc1: {  	[dreg:$0x0] =	wrdreg $0xFFFFFFFF;
	(pc) =	sbr.abs _section_cstart, $3  }
0xc2: {  	[dreg:$0x1] =	wrdreg $0xFFFFFFFF  }
0xc3: {  	_ =	task.clear_ibuf [dreg:s6], $0x2FFFF;
	_ =	strace $0x9FFFFFFF  }
0xc4: {  	(tm) =	ssettm $0x7FFFFFFF  }
0xc5: {  	_ =	shalt  }
tec
execute0_lowered:
.L_overlay_start_1:
0x0: {  	(tag) =	ssettag $0x1  }
0x1: {  	s2 =	rddreg [dreg:$0x0]  }
0x2: {  	s3 =	rddreg [dreg:$0x1];
	_ =	strace $0x8000006B;
	s0 =	simm.s32 $0x1  }
0x3: {  	v0 =	vimm.s32 $0x0;
	[sflag:s0] =	ssyncpa.u1 $0x0;
	s0 =	simm.s32 $0x108  }
0x4: {  	[tilespmem:s0+$0x70] =	vst v0  }
0x5: {  	[tilespmem:s0+$0x60] =	vst v0  }
0x6: {  	[tilespmem:s0+$0x50] =	vst v0  }
0x7: {  	[tilespmem:s0+$0x40] =	vst v0  }
0x8: {  	[tilespmem:s0+$0x30] =	vst v0  }
0x9: {  	s1 =	sadd.s32 $0x2B2000, s2;
	s15 =	sadd.s32 $0x5A0000, s2;
	s6 =	sadd.s32 $0x5B3C00, s2;
	[tilespmem:s0+$0x20] =	vst v0  }
0xa: {  	s14 =	sadd.s32 $0x5A9E00, s2;
	s5 =	sand.u32 $0x1, s3;
	s3 =	simm.s32 $0x40;
	[tilespmem:s0+$0x10] =	vst v0  }
.LBB2_1:
0xb: {  	s3 =	sadd.s32 $0x40, s3;
	[tilespmem:s0+$0x0] =	vst v0;
	s0 =	sadd.s32 $0x80, s0  }
0xc: {  	p0 =	slt.u32 s3, $0x3C40;
	[tilespmem:s0+$0x70] =	vst v0  }
0xd: {  	[tilespmem:s0+$0x60] =	vst v0  }
.Ltmp0:
0xe: {  	[tilespmem:s0+$0x50] =	vst v0;
	(pc) =	sbr.rel @p0 .LBB2_1-.Ltmp0, $4  }
0xf: {  	[tilespmem:s0+$0x40] =	vst v0  }
0x10: {  	[tilespmem:s0+$0x30] =	vst v0  }
0x11: {  	[tilespmem:s0+$0x20] =	vst v0  }
0x12: {  	[tilespmem:s0+$0x10] =	vst v0  }
0x13: {  	s9 =	stileid.u32  }
0x14: {  	s2 =	smul.u32 $0x29, s9  }
0x15: {  	s3 =	smin.u32 s9, $0xB  }
0x16: {  	s2 =	sadd.s32 s3, s2  }
0x17: {  	p0 =	slt.u32 s9, $0xB;
	s7 =	smul.u32 $0xF0, s2;
	s2 =	simm.s32 $0x2760  }
0x18: {  	s2 =	simm.s32 @!p0 $0x2670  }
0x19: {  	s2 =	sadd.s32 s2, s7  }
0x1a: {  	s8 =	smin.u32 s2, $0x27100  }
0x1b: {  	s2 =	ssub.s32 s8, s7  }
0x1c: {  	p0 =	sgt.s32 s2, $0x0  }
0x1d: {  	s29 =	simm.s32 $0x2;
	s10 =	simm.s32 $0x9;
	s2 =	simm.s32 @!p0 $0x0  }
0x1e: {  	s4 =	simm.s32 $0xA;
	s11 =	simm.s32 $0xB;
	s28 =	smulhi.u32 $0x88888889, s2  }
0x1f: {  	[dreg:$0x4] =	wrdreg s5;
	s31 =	smul.u32 $0x4E20, s5;
	s12 =	simm.s32 $0x1  }
0x20: {  	s22 =	simm.s32 $0x0;
	s18 =	simm.s32 $0xC;
	s30 =	sshrl.u32 s28, $0x7  }
0x21: {  	s20 =	simm.s32 $0x0;
	s21 =	simm.s32 $0x0;
	s3 =	smul.u32 $0xF0, s30  }
.Ltmp1:
0x22: {  	[tilespmem:s0+$0x0] =	vst v0;
	v0 =	vimm.s32 $0xFFFFFFFF;
	[sflag:s29] =	ssyncpa.u1 $0x0;
	s16 =	sshll.u32 s9, $0x8;
	(pc) =	sbr.rel .LBB2_3-.Ltmp1, $4  }
0x23: {  	[tilespmem:$0xF208] =	vst v0;
	[sflag:s10] =	ssyncpa.u1 $0x0;
	p0 =	sne.s32 s2, s3;
	s2 =	simm.s32 $0x1  }
0x24: {  	s14 =	sadd.s32 s31, s14;
	[sflag:s4] =	ssyncpa.u1 $0x0;
	s2 =	simm.s32 @!p0 $0x0  }
0x25: {  	s15 =	sadd.s32 s31, s15;
	[sflag:s11] =	ssyncpa.u1 $0x0;
	s13 =	sadd.s32 s2, s30  }
0x26: {  	v0 =	vlaneseq.u32;
	s19 =	smov.u32 s7;
	p0 =	por $0x0, $0x0;
	s17 =	sadd.s32 $0x1, s13  }
.LBB2_18:
0x27: {  	s0 =	sshrl.u32 s31, $0x2  }
.LBB2_20:
0x28: {  	_ =	swait.ge [sflag:s18], s0  }
0x29: {  	s31 =	ssub.s32 $0x0, s0;
	v1 =	vmov s24;
	vm0 =	veq.s32 v0, $0x0;
	[sflag:s18] =	ssyncset.done $0x0  }
0x2a: {  	vm15 =	veq.s32 v0, $0x2;
	v1 =	vsel vm0, s30, v1;
	[sflag:s18] =	ssyncadd.s32 s31  }
0x2b: {  	v1 =	vsel vm15, s22, v1;
	[sflag:s18] =	ssyncpa.u1 $0x1  }
0x2c: {  	[tilespmem:$0xF208] =	vst v1  }
.LBB2_21:
0x2d: {  	s0 =	sadd.s32 $0xF0, s19  }
0x2e: {  	s2 =	smov.u32 s7;
	p1 =	slt.s32 s0, s8  }
0x2f: {  	s2 =	smov.u32 @p1 s0;
	p1 =	sne.s32 s21, s17  }
.Ltmp2:
0x30: {  	_ = 	snop;
	(pc) =	sbr.rel @!p1 .LBB2_22-.Ltmp2, $3  }
0x31: {  	_ =	sdelay $0x1  }
0x32: {  	s22 =	smov.u32 s20;
	s31 =	sadd.s32 $0x1, s21;
	s20 =	smov.u32 s19  }
0x33: {  	p0 =	por !p0, !p0;
	s21 =	smov.u32 s31;
	s19 =	smov.u32 s2  }
.LBB2_3:
0x34: {  	p1 =	sge.u32 s21, s13  }
0x35: {  	s0 =	smulhi.u32 @!p1 $0xAAAAAAAB, s21  }
0x36: {  	s2 =	smov.u32 s19;
	p2 =	sgt.s32 @!p1 s19, $0x27010  }
0x37: {  	s3 =	sshra.s32 @!p1 s19, $0x1F;
	p2 =	por !p2, p1;
	s0 =	sshrl.u32 @!p1 s0, $0x1  }
0x38: {  	s3 =	sand.u32 @!p1 s3, s19;
	s2 =	simm.s32 @p2 $0x27010;
	s0 =	smul.u32 @!p1 $0x3, s0  }
0x39: {  	s2 =	ssub.s32 @!p1 s2, s3  }
0x3a: {  	s2 =	sadd.s32 @!p1 $0xFFFD8FF0, s2;
	s0 =	ssub.s32 @!p1 s21, s0  }
0x3b: {  	s3 =	sshll.u32 @!p1 s2, $0x2;
	p2 =	sgt.s32 @!p1 s2, $0xEF;
	s0 =	smul.u32 @!p1 $0x3C0, s0  }
0x3c: {  	s4 =	sand.u32 @!p1 $0x7, s19;
	s2 =	ssub.s32 @!p1 $0x3C0, s3;
	p2 =	por !p2, p1  }
0x3d: {  	s3 =	sshrl.u32 @!p1 s19, $0x3;
	s2 =	sshrl.u32 @!p1 s2, $0x2;
	s0 =	sshrl.u32 @!p1 s0, $0x2  }
0x3e: {  	s3 =	sadd.s32 @!p1 s3, s14;
	s2 =	simm.s32 @!p2 $0x0;
	s0 =	sadd.s32 @!p1 $0x10248, s0  }
0x3f: {  	[tilespmem:s0], [sflag:$0xA] =	stream.linear.gather @!p1 [hbm4b:s3+s4], s2, $0x38;
	[tilespmem:$0x1F6F8] =	vst v63  }
0x40: {  	s0 =	sadd.s32 $0xFFFFFFFF, s21  }
0x41: {  	p1 =	sge.u32 s0, s13  }
0x42: {  	p2 =	sgt.s32 @!p1 s20, $0x27010  }
0x43: {  	s2 =	smov.u32 s20;
	s3 =	sshra.s32 @!p1 s20, $0x1F;
	p2 =	por !p2, p1  }
0x44: {  	s3 =	sand.u32 @!p1 s3, s20;
	s2 =	simm.s32 @p2 $0x27010  }
0x45: {  	s2 =	ssub.s32 @!p1 s2, s3  }
0x46: {  	s2 =	sadd.s32 @!p1 $0xFFFD8FF0, s2  }
0x47: {  	s4 =	sand.u32 @!p1 $0x1, s0;
	s3 =	sshll.u32 @!p1 s2, $0x2  }
0x48: {  	p2 =	sgt.s32 @!p1 s2, $0xEF;
	s2 =	ssub.s32 @!p1 $0x3C0, s3;
	s3 =	smulhi.u32 @!p1 $0xAAAAAAAB, s0  }
0x49: {  	s23 =	smul.u32 @!p1 $0x3C0, s4;
	p2 =	por !p2, p1;
	s2 =	sshrl.u32 @!p1 s2, $0x2  }
0x4a: {  	s5 =	simm.s32 @!p1 $0xA;
	s2 =	simm.s32 @!p2 $0x0;
	s3 =	sshrl.u32 @!p1 s3, $0x1  }
0x4b: {  	s23 =	sshrl.u32 @!p1 s23, $0x2;
	_ =	swait.ge @!p1 [sflag:s5], s2;
	s3 =	smul.u32 @!p1 $0x3, s3  }
0x4c: {  	s23 =	sadd.s32 @!p1 $0x10518, s23;
	s24 =	ssub.s32 @!p1 $0x0, s2;
	[sflag:s5] =	ssyncset.done @!p1 $0x0  }
0x4d: {  	[sflag:s5] =	ssyncadd.s32 @!p1 s24;
	s5 =	sshrl.u32 @!p1 s20, $0x3;
	s0 =	ssub.s32 @!p1 s0, s3  }
0x4e: {  	s24 =	sand.u32 @!p1 $0x7, s20;
	s5 =	sadd.s32 @!p1 s5, s15;
	s0 =	smul.u32 @!p1 $0x3C0, s0  }
0x4f: {  	[tilespmem:s23], [sflag:$0xB] =	stream.linear.gather @!p1 [hbm4b:s5+s24], s2, $0x38;
	[tilespmem:$0x1F6F8] =	vst v63  }
0x50: {  	s3 =	ssub.s32 @!p1 $0x27100, s20;
	s2 =	smul.u32 @!p1 $0x1E000, s4  }
0x51: {  	p2 =	slt.s32 @!p1 s3, $0xF0  }
0x52: {  	p2 =	por !p2, p1;
	s0 =	sshrl.u32 @!p1 s0, $0x2;
	s2 =	sshrl.u32 @!p1 s2, $0x2  }
0x53: {  	s3 =	simm.s32 @p2 $0xF0;
	s0 =	sadd.s32 @!p1 $0x10248, s0;
	s2 =	sor.u32 @!p1 $0x106F8, s2  }
0x54: {  	[tilespmem:s2], [sflag:$0x9] =	stream.indirect.gather @!p1 [hbm4b:s6+s3], $0x80, s0, s3, $0xb8;
	[tilespmem:$0x1F6F8] =	vst v63  }
0x55: {  	p1 =	slt.u32 s21, $0x2  }
.Ltmp3:
0x56: {  	_ = 	snop;
	(pc) =	sbr.rel @p1 .LBB2_21-.Ltmp3, $1  }
0x57: {  	_ =	sdelay $0x3  }
0x58: {  	p1 =	sgt.s32 s22, $0x27010  }
0x59: {  	s0 =	smov.u32 s22;
	s2 =	sshra.s32 s22, $0x1F;
	s3 =	ssub.s32 $0x27100, s22  }
0x5a: {  	s0 =	simm.s32 @!p1 $0x27010;
	s2 =	sand.u32 s2, s22;
	p1 =	slt.s32 s3, $0xF0  }
0x5b: {  	s0 =	ssub.s32 s0, s2;
	s3 =	simm.s32 @!p1 $0xF0  }
0x5c: {  	s0 =	sadd.s32 $0xFFFD8FF0, s0;
	s25 =	sshll.u32 s3, $0x7  }
0x5d: {  	s26 =	sshll.u32 s0, $0x2;
	s2 =	sand.u32 $0x3FFFFF80, s25  }
0x5e: {  	p1 =	sgt.s32 s0, $0xEF;
	s29 =	ssub.s32 $0x3C0, s26;
	_ =	swait.ge [sflag:s10], s2  }
0x5f: {  	s2 =	ssub.s32 $0x0, s2;
	[sflag:s10] =	ssyncset.done $0x0;
	s0 =	sshrl.u32 s29, $0x2  }
0x60: {  	[sflag:s10] =	ssyncadd.s32 s2;
	s0 =	simm.s32 @p1 $0x0  }
0x61: {  	_ =	swait.ge [sflag:s11], s0  }
0x62: {  	s0 =	ssub.s32 $0x0, s0;
	[sflag:s11] =	ssyncset.done $0x0  }
0x63: {  	[sflag:s11] =	ssyncadd.s32 s0  }
0x64: {  	v1 =	vld [tilespmem:$0xF208];
	_ =	sdelay $0x4  }
0x65: {  	(v2sf) =	vpush v1, $0x0  }
0x66: {  	(v2sf) =	vpush v1, $0x1  }
0x67: {  	(v2sf) =	vpush v1, $0x2;
	_ =	sdelay $0x3  }
0x68: {  	s0 =	sadd.s32 $0xF0, s22  }
0x69: {  	s2 =	ssub.s32 $0x4E200, s22;
	p1 =	slt.s32 s8, s0  }
0x6a: {  	s0 =	smov.u32 @p1 s8;
	p1 =	sgt.s32 s2, $0x0  }
0x6b: {  	s26 =	ssub.s32 s0, s22;
	s2 =	simm.s32 @!p1 $0x0  }
0x6c: {  	p1 =	slt.s32 s2, s26  }
0x6d: {  	s26 =	smov.u32 @p1 s2  }
0x6e: {  	s25 =	simm.s32 $0x1;
	p1 =	slt.s32 s26, $0x1  }
.Ltmp4:
0x6f: {  	s25 =	simm.s32 @!p0 $0x0;
	(pc) =	sbr.rel @p1 .LBB2_8-.Ltmp4, $4  }
0x70: {  	s31 =	smul.u32 $0x3C0, s25  }
0x71: {  	s28 =	spop (v2sf)  }
0x72: {  	s0 =	sshrl.u32 s31, $0x2;
	s30 =	spop (v2sf)  }
0x73: {  	s23 =	sadd.s32 $0x10518, s0;
	s22 =	spop (v2sf)  }
0x74: {  	s0 =	smin.u32 s26, $0x10  }
0x75: {  	v1 =	vmov s0  }
0x76: {  	p2 =	sgt.s32 s26, $0x10;
	vm1 =	vgt.u32 v1, v0  }
.Ltmp5:
0x77: {  	_ = 	snop;
	(pc) =	sbr.rel @!p2 .LBB2_7-.Ltmp5, $2  }
0x78: {  	_ =	sdelay $0x2  }
0x79: {  	s4 =	simm.s32 $0x10;
	s24 =	sadd.s32 $0xFFFFFFF0, s26;
	s0 =	smov.u32 s23;
	vm0 =	vmmov vm1  }
.LBB2_6:
0x7a: {  	s2 =	smin.u32 s24, $0x10;
	s4 =	sadd.s32 $0x10, s4;
	v1 =	vld.msk [tilespmem:s0+$0x0 ss:$0x1], vm1  }
0x7b: {  	v2 =	vmov s2;
	p2 =	slt.s32 s4, s26  }
0x7c: {  	vm1 =	vgt.u32 v2, v0  }
.Ltmp6:
0x7d: {  	(pc) =	sbr.rel @p2 .LBB2_6-.Ltmp6, $3  }
0x7e: {  	_ =	sdelay $0x1  }
0x7f: {  	v1 =	vshll.u32 v1, $0x4  }
0x80: {  	s24 =	sadd.s32 $0xFFFFFFF0, s24;
	[tilespmem:s0+$0x0] =	vst.msk vm0, v1;
	s0 =	sadd.s32 $0x10, s0;
	vm0 =	vmmov vm1  }
.LBB2_7:
0x81: {  	_ =	sdelay $0x4  }
0x82: {  	v1 =	vld.msk [tilespmem:s0+$0x0 ss:$0x1], vm1;
	_ =	sdelay $0x4  }
0x83: {  	v1 =	vshll.u32 v1, $0x4  }
0x84: {  	[tilespmem:s0+$0x0] =	vst.msk vm0, v1  }
.LBB2_8:
0x85: {  	s0 =	sand.u32 $0x1, s21  }
0x86: {  	s0 =	smul.u32 $0xF0, s0  }
0x87: {  	p2 =	sne.s32 s30, $0xFFFFFFFF  }
0x88: {  	v1 =	vld.msk @!p2 [tilespmem:s0+$0x10518], $0x1;
	_ =	sdelay $0x4  }
0x89: {  	(v2sf) =	vpush @!p2 v1, $0x0;
	_ =	sdelay $0xc  }
.Ltmp7:
0x8a: {  	_ = 	snop;
	(pc) =	sbr.rel @p1 .LBB2_19-.Ltmp7, $4  }
0x8b: {  	_ = 	snop  }
0x8c: {  	s29 =	spop @!p2 (v2sf)  }
0x8d: {  	s22 =	simm.s32 @!p2 $0x0;
	s24 =	smov.u32 s29  }
0x8e: {  	[sflag:s18] =	ssyncpa.u1 $0x0;
	s29 =	smov.u32 @p2 s28;
	s24 =	smov.u32 @p2 s30  }
0x8f: {  	v1 =	vld.msk [tilespmem:s23+$0x0], $0x1;
	_ =	sdelay $0x4  }
0x90: {  	(v2sf) =	vpush v1, $0x0;
	_ =	sdelay $0xe  }
0x91: {  	s2 =	smul.u32 $0x1E000, s25;
	s0 =	spop (v2sf)  }
0x92: {  	s26 =	ssub.s32 $0x0, s26;
	p1 =	seq.s32 s29, s0  }
0x93: {  	s30 =	sadd.s32 $0x1, s26;
	s2 =	sshrl.u32 s2, $0x2;
	p2 =	sgt.s32 @!p1 s29, $0x0  }
0x94: {  	s25 =	sor.u32 $0x10738, s2;
	s2 =	smov.u32 s29;
	p2 =	por !p2, p1  }
0x95: {  	s2 =	simm.s32 @p2 $0x0;
	p2 =	seq.s32 s30, $0x0  }
.Ltmp8:
0x96: {  	_ = 	snop;
	(pc) =	sbr.rel @p2 .LBB2_11-.Ltmp8, $4  }
0x97: {  	_ = 	snop  }
0x98: {  	s28 =	simm.s32 $0x0;
	s31 =	sadd.s32 $0x1, s23;
	s2 =	smin.u32 @!p1 s2, $0x27FF0  }
0x99: {  	s4 =	simm.s32 @!p1 $0x1;
	s5 =	simm.s32 @!p1 $0x7988;
	s3 =	sand.u32 @!p1 $0x3FFF8, s2  }
0x9a: {  	s4 =	smov.u32 @p1 s28;
	s2 =	sand.u32 @!p1 $0x7, s2;
	s3 =	sadd.s32 @!p1 s1, s3  }
.LBB2_10:
0x9b: {  	s9 =	smov.u32 s4  }
0x9c: {  	[tilespmem:s5], [sflag:$0x2] =	stream.linear.gather @!p1 [hbm4b:s3+s2], $0x80, $0x38;
	[tilespmem:$0x1F6F8] =	vst v63  }
0x9d: {  	s30 =	sadd.s32 $0x1, s30;
	s2 =	smov.u32 s0;
	v1 =	vld.msk [tilespmem:s31+$0x0], $0x1  }
0x9e: {  	p2 =	seq.s32 s30, $0x0;
	_ =	sdelay $0x3  }
0x9f: {  	(v2sf) =	vpush v1, $0x0;
	_ =	sdelay $0xe  }
0xa0: {  	s0 =	spop (v2sf)  }
0xa1: {  	p1 =	seq.s32 s2, s0  }
0xa2: {  	p3 =	sgt.s32 @!p1 s2, $0x0;
	s3 =	sshll.u32 @!p1 s4, $0x9;
	s4 =	sadd.s32 @!p1 $0x1, s4  }
.Ltmp9:
0xa3: {  	p3 =	por !p3, p1;
	s3 =	sshra.s32 @!p1 s3, $0x2;
	(pc) =	sbr.rel @!p2 .LBB2_10-.Ltmp9, $4  }
0xa4: {  	s4 =	smov.u32 @p1 s9;
	s2 =	simm.s32 @p3 $0x0;
	s5 =	sadd.s32 @!p1 $0x7988, s3  }
0xa5: {  	s2 =	smin.u32 @!p1 s2, $0x27FF0  }
0xa6: {  	s3 =	sand.u32 @!p1 $0x3FFF8, s2;
	s2 =	sand.u32 @!p1 $0x7, s2  }
0xa7: {  	s31 =	sadd.s32 $0x1, s31;
	s3 =	sadd.s32 @!p1 s1, s3  }
.LBB2_11:
0xa8: {  	[tilespmem:s5], [sflag:$0x2] =	stream.linear.gather @!p1 [hbm4b:s3+s2], $0x80, $0x38;
	[tilespmem:$0x1F6F8] =	vst v63  }
.Ltmp10:
0xa9: {  	s0 =	sshll.u32 s4, $0x7;
	(pc) =	sbr.rel .LBB2_12-.Ltmp10, $4  }
0xaa: {  	s30 =	simm.s32 $0x2;
	s0 =	sand.u32 $0x3FFFFF80, s0  }
0xab: {  	_ =	swait.ge [sflag:s30], s0  }
0xac: {  	s0 =	ssub.s32 $0x0, s0;
	[sflag:s30] =	ssyncset.done $0x0  }
0xad: {  	s31 =	simm.s32 $0x0;
	[sflag:s30] =	ssyncadd.s32 s0  }
.LBB2_13:
0xae: {  	v1 =	vld [tilespmem:s25+$0xFFFFFFC0];
	_ =	sdelay $0x3  }
0xaf: {  	s0 =	sshra.s32 s0, $0x2  }
0xb0: {  	[tilespmem:s0+$0x108] =	vst.add.f32.msk $0xffff, v1  }
0xb1: {  	v1 =	vld [tilespmem:s25+$0xFFFFFFD0];
	_ =	sdelay $0x4  }
0xb2: {  	[tilespmem:s0+$0x118] =	vst.add.f32.msk $0xffff, v1  }
0xb3: {  	v1 =	vld [tilespmem:s25+$0xFFFFFFE0];
	_ =	sdelay $0x4  }
0xb4: {  	[tilespmem:s0+$0x128] =	vst.add.f32.msk $0xffff, v1  }
0xb5: {  	v1 =	vld [tilespmem:s25+$0xFFFFFFF0];
	_ =	sdelay $0x4  }
0xb6: {  	[tilespmem:s0+$0x138] =	vst.add.f32.msk $0xffff, v1  }
0xb7: {  	v1 =	vld [tilespmem:s25+$0x0];
	_ =	sdelay $0x4  }
0xb8: {  	[tilespmem:s0+$0x148] =	vst.add.f32.msk $0xffff, v1  }
0xb9: {  	v1 =	vld [tilespmem:s25+$0x10];
	_ =	sdelay $0x4  }
0xba: {  	[tilespmem:s0+$0x158] =	vst.add.f32.msk $0xffff, v1  }
0xbb: {  	v1 =	vld [tilespmem:s25+$0x20];
	_ =	sdelay $0x4  }
0xbc: {  	[tilespmem:s0+$0x168] =	vst.add.f32.msk $0xffff, v1  }
0xbd: {  	v1 =	vld [tilespmem:s25+$0x30];
	_ =	sdelay $0x4  }
0xbe: {  	[tilespmem:s0+$0x178] =	vst.add.f32.msk $0xffff, v1  }
.LBB2_17:
0xbf: {  	s26 =	sadd.s32 $0x1, s26  }
0xc0: {  	p1 =	seq.s32 s26, $0x0  }
.Ltmp11:
0xc1: {  	_ = 	snop;
	(pc) =	sbr.rel @p1 .LBB2_18-.Ltmp11, $2  }
0xc2: {  	_ =	sdelay $0x2  }
0xc3: {  	s23 =	sadd.s32 $0x1, s23;
	s25 =	sadd.s32 $0x80, s25;
	s29 =	smov.u32 s30  }
.LBB2_12:
0xc4: {  	v1 =	vld.msk [tilespmem:s23+$0x0], $0x1;
	_ =	sdelay $0x4  }
0xc5: {  	(v2sf) =	vpush v1, $0x0;
	_ =	sdelay $0xe  }
0xc6: {  	s30 =	spop (v2sf)  }
0xc7: {  	p1 =	sne.s32 s29, s30  }
.Ltmp12:
0xc8: {  	_ = 	snop;
	(pc) =	sbr.rel @!p1 .LBB2_13-.Ltmp12, $2  }
0xc9: {  	_ =	sdelay $0x2  }
0xca: {  	s0 =	sshll.u32 s22, $0x9  }
0xcb: {  	p1 =	seq.s32 s29, s24  }
.Ltmp13:
0xcc: {  	_ = 	snop;
	(pc) =	sbr.rel @!p1 .LBB2_15-.Ltmp13, $1  }
0xcd: {  	_ =	sdelay $0x3  }
0xce: {  	s0 =	sshra.s32 s0, $0x2  }
.Ltmp14:
0xcf: {  	s0 =	sadd.s32 $0x108, s0;
	(pc) =	sbr.rel .LBB2_16-.Ltmp14, $4  }
0xd0: {  	[spmem:s16] =	stream.linear.scatter [tilespmem:s0], [sflag:$0x1], $0x80, $0x38;
	[tilespmem:$0x1F6F8] =	vst v63  }
0xd1: {  	_ =	swait.ge [sflag:s12], $0x80  }
0xd2: {  	[sflag:s12] =	ssyncset.done $0x0  }
0xd3: {  	[sflag:s12] =	ssyncadd.s32 $0xFFFFFF80  }
.LBB2_15:
0xd4: {  	s2 =	sshll.u32 s28, $0x9  }
0xd5: {  	s2 =	sshra.s32 s2, $0x2  }
0xd6: {  	v1 =	vld [tilespmem:s2+$0x7988];
	_ =	sdelay $0x3  }
0xd7: {  	s0 =	sshra.s32 s0, $0x2  }
0xd8: {  	[tilespmem:s0+$0x108] =	vst.add.f32.msk $0xffff, v1  }
0xd9: {  	v1 =	vld [tilespmem:s2+$0x7998];
	_ =	sdelay $0x4  }
0xda: {  	[tilespmem:s0+$0x118] =	vst.add.f32.msk $0xffff, v1  }
0xdb: {  	v1 =	vld [tilespmem:s2+$0x79A8];
	_ =	sdelay $0x4  }
0xdc: {  	[tilespmem:s0+$0x128] =	vst.add.f32.msk $0xffff, v1  }
0xdd: {  	v1 =	vld [tilespmem:s2+$0x79B8];
	_ =	sdelay $0x4  }
0xde: {  	[tilespmem:s0+$0x138] =	vst.add.f32.msk $0xffff, v1  }
0xdf: {  	v1 =	vld [tilespmem:s2+$0x79C8];
	_ =	sdelay $0x4  }
0xe0: {  	[tilespmem:s0+$0x148] =	vst.add.f32.msk $0xffff, v1  }
0xe1: {  	v1 =	vld [tilespmem:s2+$0x79D8];
	_ =	sdelay $0x4  }
0xe2: {  	[tilespmem:s0+$0x158] =	vst.add.f32.msk $0xffff, v1  }
0xe3: {  	v1 =	vld [tilespmem:s2+$0x79E8];
	_ =	sdelay $0x4  }
0xe4: {  	[tilespmem:s0+$0x168] =	vst.add.f32.msk $0xffff, v1  }
0xe5: {  	v1 =	vld [tilespmem:s2+$0x79F8];
	_ =	sdelay $0x2  }
0xe6: {  	p1 =	sgt.u32 s29, $0x27FF0  }
0xe7: {  	s2 =	sand.u32 @!p1 $0x3FFF8, s29  }
0xe8: {  	s3 =	sadd.s32 $0x108, s0;
	[tilespmem:s0+$0x178] =	vst.add.f32.msk $0xffff, v1;
	s0 =	sadd.s32 @!p1 s1, s2;
	s2 =	sand.u32 @!p1 $0x7, s29  }
0xe9: {  	[hbm4b:s0+s2] =	stream.linear.scatter @!p1 [tilespmem:s3], [sflag:$0xC], $0x80, $0x38;
	[tilespmem:$0x1F6F8] =	vst v63  }
0xea: {  	s0 =	simm.s32 $0x0  }
0xeb: {  	s0 =	simm.s32 @!p1 $0x200  }
0xec: {  	s31 =	sadd.s32 s0, s31  }
.LBB2_16:
0xed: {  	s0 =	sadd.s32 $0x1, s22  }
0xee: {  	s2 =	smulhi.u32 $0x88888889, s0;
	_ =	sdelay $0x1  }
0xef: {  	v1 =	vld [tilespmem:s25+$0xFFFFFFC0];
	s2 =	sshrl.u32 s2, $0x7  }
0xf0: {  	s2 =	smul.u32 $0xF0, s2;
	_ =	sdelay $0x1  }
0xf1: {  	s22 =	ssub.s32 s0, s2  }
0xf2: {  	s0 =	sshll.u32 s22, $0x7  }
0xf3: {  	[tilespmem:s0+$0x108] =	vst v1  }
0xf4: {  	v1 =	vld [tilespmem:s25+$0xFFFFFFD0];
	_ =	sdelay $0x4  }
0xf5: {  	[tilespmem:s0+$0x118] =	vst v1  }
0xf6: {  	v1 =	vld [tilespmem:s25+$0xFFFFFFE0];
	_ =	sdelay $0x4  }
0xf7: {  	[tilespmem:s0+$0x128] =	vst v1  }
0xf8: {  	v1 =	vld [tilespmem:s25+$0xFFFFFFF0];
	_ =	sdelay $0x4  }
0xf9: {  	[tilespmem:s0+$0x138] =	vst v1  }
0xfa: {  	v1 =	vld [tilespmem:s25+$0x0];
	_ =	sdelay $0x4  }
0xfb: {  	[tilespmem:s0+$0x148] =	vst v1  }
0xfc: {  	v1 =	vld [tilespmem:s25+$0x10];
	_ =	sdelay $0x4  }
0xfd: {  	[tilespmem:s0+$0x158] =	vst v1  }
0xfe: {  	v1 =	vld [tilespmem:s25+$0x20];
	_ =	sdelay $0x4  }
0xff: {  	[tilespmem:s0+$0x168] =	vst v1  }
0x100: {  	v1 =	vld [tilespmem:s25+$0x30]  }
.Ltmp15:
0x101: {  	_ = 	snop;
	(pc) =	sbr.rel .LBB2_17-.Ltmp15, $2  }
0x102: {  	_ =	sdelay $0x2  }
0x103: {  	s28 =	sadd.s32 $0x1, s28;
	[tilespmem:s0+$0x178] =	vst v1  }
.LBB2_19:
.Ltmp16:
0x104: {  	(pc) =	sbr.rel .LBB2_20-.Ltmp16, $4  }
0x105: {  	_ = 	snop  }
0x106: {  	s0 =	simm.s32 $0x2  }
0x107: {  	_ =	swait.ge [sflag:s0], $0x0  }
0x108: {  	s30 =	smov.u32 s29;
	[sflag:s0] =	ssyncset.done $0x0;
	s0 =	simm.s32 $0x0  }
.LBB2_22:
0x109: {  	_ =	sfence.sel $0x180000  }
0x10a: {  	s0 =	simm.s32 $0x9;
	[bflag:$0x0] =	sbarrier.arrive $0xFFFF  }
0x10b: {  	s24 =	simm.s32 $0xA;
	[sflag:s0] =	ssyncpa.u1 $0x1  }
0x10c: {  	s25 =	simm.s32 $0xB;
	[sflag:s24] =	ssyncpa.u1 $0x1  }
0x10d: {  	s26 =	simm.s32 $0x2;
	[sflag:s25] =	ssyncpa.u1 $0x1  }
0x10e: {  	[sflag:s26] =	ssyncpa.u1 $0x1  }
0x10f: {  	v0 =	vld [tilespmem:$0xF208];
	_ =	sdelay $0x4  }
0x110: {  	(v2sf) =	vpush v0, $0x0  }
0x111: {  	(v2sf) =	vpush v0, $0x1;
	_ =	sdelay $0x1  }
0x112: {  	(v2sf) =	vpush v0, $0x2;
	_ =	sdelay $0xb  }
0x113: {  	s0 =	spop (v2sf)  }
0x114: {  	s2 =	spop (v2sf)  }
0x115: {  	s3 =	smov.u32 s0;
	p0 =	sne.s32 s0, s2  }
0x116: {  	s4 =	spop (v2sf);
	s3 =	simm.s32 @!p0 $0xFFFFFFFF  }
0x117: {  	v2 =	vimm.s32 $0x1;
	v3 =	vlaneseq.u32;
	p0 =	seq.s32 s4, $0xFFFFFFFF;
	v1 =	vmov s3  }
0x118: {  	s16 =	stileid.u32;
	v0 =	vperm.xlane v0, v2;
	p1 =	sne.s32 @!p0 s0, s2;
	v1 =	vperm.xlane v1, v3  }
0x119: {  	vm0 =	vcmask $0x3F04;
	s6 =	simm.s32 $0xF208;
	s0 =	simm.s32 @!p0 $0x1;
	p1 =	por !p1, p0  }
0x11a: {  	s3 =	sshll.u32 s16, $0x1;
	s2 =	sshll.u32 @!p0 s4, $0x9;
	s0 =	simm.s32 @p1 $0x0;
	v0 =	vsel vm0, v1, v0  }
0x11b: {  	s5 =	sor.u32 $0x1000, s3;
	s2 =	sshra.s32 @!p0 s2, $0x2;
	s0 =	sor.u32 @!p0 s0, s3;
	[tilespmem:$0xF208] =	vst v0  }
0x11c: {  	[spmem:s5] =	stream.linear.scatter [tilespmem:s6], [sflag:$0x1], $0x2, $0x38;
	[tilespmem:$0x1F6F8] =	vst v63  }
0x11d: {  	s2 =	sadd.s32 @!p0 $0x108, s2;
	s0 =	sshll.u32 @!p0 s0, $0x7  }
0x11e: {  	[spmem:s0] =	stream.linear.scatter @!p0 [tilespmem:s2], [sflag:$0x1], $0x80, $0x38;
	[tilespmem:$0x1F6F8] =	vst v63  }
0x11f: {  	s0 =	simm.s32 @!p0 $0x82  }
0x120: {  	s28 =	simm.s32 $0x1;
	s0 =	simm.s32 @p0 $0x2  }
0x121: {  	_ =	swait.ge [sflag:s28], s0  }
0x122: {  	s0 =	ssub.s32 $0x0, s0;
	[sflag:s28] =	ssyncset.done $0x0  }
0x123: {  	p0 =	sne.s32 s16, $0x0;
	[sflag:s28] =	ssyncadd.s32 s0  }
.Ltmp17:
0x124: {  	_ =	sfence.stream.spmem;
	(pc) =	sbr.rel @p0 .LBB2_39-.Ltmp17, $4  }
0x125: {  	s29 =	simm.s32 $0x3;
	[bflag:$0x0] =	sbarrier.arrive $0xFFFF  }
0x126: {  	s30 =	simm.s32 $0x4;
	[sflag:s29] =	ssyncpa.u1 $0x1  }
0x127: {  	s31 =	simm.s32 $0x3C;
	[sflag:s30] =	ssyncpa.u1 $0x1  }
0x128: {  	s15 =	rddreg [dreg:$0x4];
	[sflag:s31] =	ssyncpa.u1 $0x1  }
0x129: {  	_ =	sfence.stream.spmem;
	s0 =	simm.s32 $0x5  }
0x12a: {  	s2 =	simm.s32 $0x1000;
	s3 =	simm.s32 $0xF218;
	[sflag:s0] =	ssyncpa.u1 $0x0  }
0x12b: {  	[tilespmem:s3], [sflag:$0x5] =	stream.linear.gather [spmem:s2], $0x20, $0x38;
	[tilespmem:$0x1F6F8] =	vst v63  }
0x12c: {  	s26 =	simm.s32 $0x0;
	s28 =	simm.s32 $0xF238  }
0x12d: {  	[tilespmem:s28], [sflag:$0x5] =	stream.linear.gather [spmem:s26], $0x1000, $0x38;
	[tilespmem:$0x1F6F8] =	vst v63  }
0x12e: {  	_ =	swait.ge [sflag:s0], $0x1020  }
0x12f: {  	[sflag:s0] =	ssyncset.done $0x0  }
0x130: {  	s29 =	simm.s32 $0x0;
	[sflag:s0] =	ssyncadd.s32 $0xFFFFEFE0  }
0x131: {  	v0 =	vld.msk [tilespmem:s29+$0xF218], $0x1;
	_ =	sdelay $0x1  }
0x132: {  	s30 =	simm.s32 $0x1  }
0x133: {  	v1 =	vld.msk [tilespmem:s30+$0xF218], $0x1;
	_ =	sdelay $0x1  }
0x134: {  	(v2sf) =	vpush v0, $0x0;
	_ =	sdelay $0x2  }
0x135: {  	(v2sf) =	vpush v1, $0x0;
	_ =	sdelay $0x2  }
0x136: {  	s31 =	simm.s32 $0x2  }
0x137: {  	v0 =	vld.msk [tilespmem:s31+$0xF218], $0x1;
	_ =	sdelay $0x2  }
0x138: {  	s4 =	simm.s32 $0xFFFFFFFF;
	s5 =	simm.s32 $0xFFFFFFFF;
	s0 =	simm.s32 $0xC  }
.LBB2_24:
0x139: {  	s2 =	smov.u32 s5;
	s3 =	smov.u32 s4  }
0x13a: {  	s4 =	sshra.s32 s0, $0x2;
	p1 =	sne.s32 s0, $0x7C;
	s0 =	sadd.s32 $0x4, s0;
	(v2sf) =	vpush v0, $0x0  }
0x13b: {  	v0 =	vld.msk [tilespmem:s4+$0xF218], $0x1  }
.Ltmp18:
0x13c: {  	(pc) =	sbr.rel @p1 .LBB2_24-.Ltmp18, $4  }
0x13d: {  	s5 =	spop (v2sf)  }
0x13e: {  	p2 =	sne.s32 s3, $0xFFFFFFFF;
	s4 =	smov.u32 s5  }
0x13f: {  	p3 =	seq.s32 s5, $0xFFFFFFFF;
	s4 =	smov.u32 @p2 s3  }
0x140: {  	s5 =	smov.u32 @p3 s2;
	s4 =	smov.u32 @p3 s3  }
0x141: {  	(v2sf) =	vpush v0, $0x0;
	_ =	sdelay $0x8  }
0x142: {  	s0 =	spop (v2sf)  }
0x143: {  	p1 =	sne.s32 s4, $0xFFFFFFFF;
	s2 =	smov.u32 s0  }
0x144: {  	s9 =	simm.s32 $0x6;
	p2 =	seq.s32 s0, $0xFFFFFFFF;
	s2 =	smov.u32 @p1 s4  }
0x145: {  	s6 =	simm.s32 $0x0;
	s2 =	smov.u32 @p2 s4;
	s3 =	spop (v2sf)  }
0x146: {  	s0 =	smov.u32 @p2 s5;
	p1 =	sne.s32 s2, $0xFFFFFFFF;
	s4 =	smov.u32 s3  }
.Ltmp19:
0x147: {  	p2 =	seq.s32 s3, $0xFFFFFFFF;
	s4 =	smov.u32 @p1 s2;
	(pc) =	sbr.rel .LBB2_26-.Ltmp19, $4  }
0x148: {  	s10 =	simm.s32 $0xF188;
	s4 =	smov.u32 @p2 s2;
	s7 =	spop (v2sf)  }
0x149: {  	s11 =	simm.s32 $0x0;
	p1 =	sne.s32 s4, $0xFFFFFFFF;
	s8 =	smov.u32 s7  }
0x14a: {  	s3 =	smov.u32 @p2 s0;
	p2 =	seq.s32 s7, $0xFFFFFFFF;
	s8 =	smov.u32 @p1 s4  }
0x14b: {  	[sflag:s9] =	ssyncpa.u1 $0x0;
	s7 =	smov.u32 @p2 s3;
	s8 =	smov.u32 @p2 s4  }
.LBB2_32:
0x14c: {  	p1 =	sgt.u32 s12, $0x27FF0  }
0x14d: {  	p2 =	seq.s32 @!p1 s12, s8  }
0x14e: {  	p1 =	por p1, p2  }
0x14f: {  	p2 =	sne.s32 @!p1 s12, s7  }
0x150: {  	p1 =	por p1, !p2  }
0x151: {  	s0 =	sshll.u32 @p1 s11, $0x9  }
0x152: {  	s0 =	sand.u32 @!p1 $0x3FFF8, s12  }
0x153: {  	s2 =	sand.u32 @!p1 $0x7, s12;
	s0 =	sadd.s32 @!p1 s1, s0  }
0x154: {  	[tilespmem:s10], [sflag:$0x6] =	stream.linear.gather @!p1 [hbm4b:s0+s2], $0x80, $0x38;
	[tilespmem:$0x1F6F8] =	vst v63  }
0x155: {  	_ =	swait.ge @!p1 [sflag:s9], $0x80  }
0x156: {  	[sflag:s9] =	ssyncset.done @!p1 $0x0  }
0x157: {  	[sflag:s9] =	ssyncadd.s32 @!p1 $0xFFFFFF80  }
0x158: {  	v1 =	vld @!p1 [tilespmem:$0xF188];
	_ =	sdelay $0x2  }
0x159: {  	s0 =	sshll.u32 @!p1 s11, $0x9  }
0x15a: {  	s2 =	sshrl.u32 @!p1 s0, $0x2  }
0x15b: {  	[tilespmem:s2+$0xF238] =	vst.add.f32.msk @!p1 $0xffff, v1  }
0x15c: {  	v1 =	vld @!p1 [tilespmem:$0xF198];
	_ =	sdelay $0x4  }
0x15d: {  	[tilespmem:s2+$0xF248] =	vst.add.f32.msk @!p1 $0xffff, v1  }
0x15e: {  	v1 =	vld @!p1 [tilespmem:$0xF1A8];
	_ =	sdelay $0x4  }
0x15f: {  	[tilespmem:s2+$0xF258] =	vst.add.f32.msk @!p1 $0xffff, v1  }
0x160: {  	v1 =	vld @!p1 [tilespmem:$0xF1B8];
	_ =	sdelay $0x4  }
0x161: {  	[tilespmem:s2+$0xF268] =	vst.add.f32.msk @!p1 $0xffff, v1  }
0x162: {  	v1 =	vld @!p1 [tilespmem:$0xF1C8];
	_ =	sdelay $0x4  }
0x163: {  	[tilespmem:s2+$0xF278] =	vst.add.f32.msk @!p1 $0xffff, v1  }
0x164: {  	v1 =	vld @!p1 [tilespmem:$0xF1D8];
	_ =	sdelay $0x4  }
0x165: {  	[tilespmem:s2+$0xF288] =	vst.add.f32.msk @!p1 $0xffff, v1  }
0x166: {  	v1 =	vld @!p1 [tilespmem:$0xF1E8];
	_ =	sdelay $0x4  }
0x167: {  	[tilespmem:s2+$0xF298] =	vst.add.f32.msk @!p1 $0xffff, v1  }
0x168: {  	v1 =	vld @!p1 [tilespmem:$0xF1F8];
	_ =	sdelay $0x4  }
0x169: {  	[tilespmem:s2+$0xF2A8] =	vst.add.f32.msk @!p1 $0xffff, v1  }
0x16a: {  	s0 =	sshrl.u32 s0, $0x2;
	[tilespmem:s6+$0xF218] =	vst.msk $0x1, v0  }
0x16b: {  	v0 =	vld [tilespmem:s0+$0xF238];
	_ =	sdelay $0x2  }
0x16c: {  	s31 =	sshll.u32 s6, $0x9  }
0x16d: {  	s2 =	sshra.s32 s31, $0x2  }
0x16e: {  	[tilespmem:s2+$0xF238] =	vst v0  }
0x16f: {  	v0 =	vld [tilespmem:s0+$0xF248];
	_ =	sdelay $0x4  }
0x170: {  	[tilespmem:s2+$0xF248] =	vst v0  }
0x171: {  	v0 =	vld [tilespmem:s0+$0xF258];
	_ =	sdelay $0x4  }
0x172: {  	[tilespmem:s2+$0xF258] =	vst v0  }
0x173: {  	v0 =	vld [tilespmem:s0+$0xF268];
	_ =	sdelay $0x4  }
0x174: {  	[tilespmem:s2+$0xF268] =	vst v0  }
0x175: {  	v0 =	vld [tilespmem:s0+$0xF278];
	_ =	sdelay $0x4  }
0x176: {  	[tilespmem:s2+$0xF278] =	vst v0  }
0x177: {  	v0 =	vld [tilespmem:s0+$0xF288];
	_ =	sdelay $0x4  }
0x178: {  	[tilespmem:s2+$0xF288] =	vst v0  }
0x179: {  	v0 =	vld [tilespmem:s0+$0xF298];
	_ =	sdelay $0x4  }
0x17a: {  	[tilespmem:s2+$0xF298] =	vst v0  }
0x17b: {  	v0 =	vld [tilespmem:s0+$0xF2A8];
	_ =	sdelay $0x4  }
0x17c: {  	s6 =	sadd.s32 $0x1, s6;
	[tilespmem:s2+$0xF2A8] =	vst v0  }
.LBB2_33:
0x17d: {  	s11 =	sadd.s32 $0x1, s11  }
0x17e: {  	p1 =	sne.s32 s11, $0x20  }
.Ltmp20:
0x17f: {  	_ = 	snop;
	(pc) =	sbr.rel @!p1 .LBB2_34-.Ltmp20, $1  }
0x180: {  	_ =	sdelay $0x3  }
.LBB2_26:
0x181: {  	v0 =	vld.msk [tilespmem:s11+$0xF218], $0x1;
	_ =	sdelay $0x4  }
0x182: {  	(v2sf) =	vpush v0, $0x0;
	_ =	sdelay $0xe  }
0x183: {  	s12 =	spop (v2sf)  }
0x184: {  	p1 =	seq.s32 s12, $0xFFFFFFFF  }
.Ltmp21:
0x185: {  	_ = 	snop;
	(pc) =	sbr.rel @p1 .LBB2_33-.Ltmp21, $1  }
0x186: {  	_ =	sdelay $0x3  }
0x187: {  	p1 =	slt.s32 s6, $0x1  }
.Ltmp22:
0x188: {  	_ = 	snop;
	(pc) =	sbr.rel @p1 .LBB2_32-.Ltmp22, $1  }
0x189: {  	_ =	sdelay $0x3  }
0x18a: {  	s13 =	simm.s32 $0xF218;
	p1 =	por $0x0, $0x0  }
0x18b: {  	v1 =	vld.msk @!p1 [tilespmem:s13+$0x0], $0x1;
	_ =	sdelay $0x4  }
0x18c: {  	(v2sf) =	vpush @!p1 v1, $0x0;
	_ =	sdelay $0xd  }
0x18d: {  	p3 =	sne.s32 s6, $0x1  }
.Ltmp23:
0x18e: {  	s0 =	spop @!p1 (v2sf);
	(pc) =	sbr.rel @!p3 .LBB2_30-.Ltmp23, $4  }
0x18f: {  	p2 =	seq.s32 @!p1 s12, s0  }
0x190: {  	s14 =	simm.s32 $0x0;
	p2 =	por !p2, p1  }
0x191: {  	s2 =	simm.s32 $0xFFFFFFFF;
	s14 =	simm.s32 @p2 $0xFFFFFFFF  }
0x192: {  	s0 =	simm.s32 $0x1;
	s14 =	smov.u32 @p1 s2  }
.LBB2_29:
0x193: {  	s2 =	smov.u32 s14;
	p1 =	sne.s32 s14, $0xFFFFFFFF  }
0x194: {  	s13 =	sadd.s32 $0x1, s13;
	s14 =	smov.u32 s0;
	s0 =	sadd.s32 $0x1, s0  }
0x195: {  	p2 =	sne.s32 s6, s0;
	v1 =	vld.msk @!p1 [tilespmem:s13+$0x0], $0x1;
	_ =	sdelay $0x4  }
0x196: {  	(v2sf) =	vpush @!p1 v1, $0x0;
	_ =	sdelay $0xe  }
.Ltmp24:
0x197: {  	s3 =	spop @!p1 (v2sf);
	(pc) =	sbr.rel @p2 .LBB2_29-.Ltmp24, $4  }
0x198: {  	p3 =	seq.s32 @!p1 s12, s3  }
0x199: {  	p3 =	por !p3, p1  }
0x19a: {  	s14 =	simm.s32 @p3 $0xFFFFFFFF  }
0x19b: {  	s14 =	smov.u32 @p1 s2  }
.LBB2_30:
0x19c: {  	p1 =	seq.s32 s14, $0xFFFFFFFF  }
.Ltmp25:
0x19d: {  	_ = 	snop;
	(pc) =	sbr.rel @p1 .LBB2_32-.Ltmp25, $1  }
0x19e: {  	_ =	sdelay $0x3  }
0x19f: {  	s0 =	sshll.u32 s11, $0x7  }
0x1a0: {  	s0 =	sand.u32 $0x3FFFFF80, s0  }
0x1a1: {  	v0 =	vld [tilespmem:s0+$0xF238];
	_ =	sdelay $0x2  }
0x1a2: {  	s2 =	sshll.u32 s14, $0x9  }
0x1a3: {  	s2 =	sshra.s32 s2, $0x2  }
0x1a4: {  	[tilespmem:s2+$0xF238] =	vst.add.f32.msk $0xffff, v0  }
0x1a5: {  	v0 =	vld [tilespmem:s0+$0xF248];
	_ =	sdelay $0x4  }
0x1a6: {  	[tilespmem:s2+$0xF248] =	vst.add.f32.msk $0xffff, v0  }
0x1a7: {  	v0 =	vld [tilespmem:s0+$0xF258];
	_ =	sdelay $0x4  }
0x1a8: {  	[tilespmem:s2+$0xF258] =	vst.add.f32.msk $0xffff, v0  }
0x1a9: {  	v0 =	vld [tilespmem:s0+$0xF268];
	_ =	sdelay $0x4  }
0x1aa: {  	[tilespmem:s2+$0xF268] =	vst.add.f32.msk $0xffff, v0  }
0x1ab: {  	v0 =	vld [tilespmem:s0+$0xF278];
	_ =	sdelay $0x4  }
0x1ac: {  	[tilespmem:s2+$0xF278] =	vst.add.f32.msk $0xffff, v0  }
0x1ad: {  	v0 =	vld [tilespmem:s0+$0xF288];
	_ =	sdelay $0x4  }
0x1ae: {  	[tilespmem:s2+$0xF288] =	vst.add.f32.msk $0xffff, v0  }
0x1af: {  	v0 =	vld [tilespmem:s0+$0xF298];
	_ =	sdelay $0x4  }
0x1b0: {  	[tilespmem:s2+$0xF298] =	vst.add.f32.msk $0xffff, v0  }
0x1b1: {  	v0 =	vld [tilespmem:s0+$0xF2A8]  }
.Ltmp26:
0x1b2: {  	_ = 	snop;
	(pc) =	sbr.rel .LBB2_33-.Ltmp26, $2  }
0x1b3: {  	_ =	sdelay $0x2  }
0x1b4: {  	[tilespmem:s2+$0xF2A8] =	vst.add.f32.msk $0xffff, v0  }
.LBB2_34:
0x1b5: {  	s0 =	simm.s32 $0x6;
	p1 =	seq.s32 s6, $0x0  }
0x1b6: {  	[sflag:s0] =	ssyncpa.u1 $0x1;
	v0 =	vimm.s32 @p1 $0xFFFFFFFF  }
0x1b7: {  	s9 =	sadd.s32 $0xFFFFFFFF, s6;
	[tilespmem:$0x10238] =	vst @p1 v0  }
0x1b8: {  	v0 =	vld.msk @!p1 [tilespmem:s9+$0xF218], $0x1;
	_ =	sdelay $0x1  }
0x1b9: {  	v1 =	vld.msk @!p1 [tilespmem:$0xF218], $0x1;
	_ =	sdelay $0x2  }
0x1ba: {  	p2 =	seq.s32 @!p1 s9, $0x0;
	v0 =	vbroadcast @!p1 v0, $0x0  }
0x1bb: {  	vm0 =	vmmov @!p1 $0x1;
	p2 =	por !p2, p1  }
0x1bc: {  	v1 =	vnsel @!p1 vm0, $0xFFFFFFFF, v1;
	vm0 =	vcmask @!p1 $0x308;
	v0 =	vpsel !p2, $0xFFFFFFFF, v0  }
0x1bd: {  	p2 =	sne.s32 @!p1 s8, s7;
	v0 =	vsel @!p1 vm0, v1, v0  }
0x1be: {  	s0 =	simm.s32 @!p1 $0xF238;
	s2 =	simm.s32 @!p1 $0x0;
	p3 =	por !p2, p1;
	[tilespmem:$0x10238] =	vst @!p1 v0  }
0x1bf: {  	[spmem:s2] =	stream.linear.scatter @!p1 [tilespmem:s0], [sflag:$0x1], $0x80, $0x38;
	[tilespmem:$0x1F6F8] =	vst v63  }
0x1c0: {  	s0 =	sshll.u32 @!p3 s9, $0x9  }
0x1c1: {  	s0 =	sshra.s32 @!p3 s0, $0x2  }
0x1c2: {  	s2 =	simm.s32 @!p3 $0x80;
	s0 =	sadd.s32 @!p3 $0xF238, s0  }
0x1c3: {  	[spmem:s2] =	stream.linear.scatter @!p3 [tilespmem:s0], [sflag:$0x1], $0x80, $0x38;
	[tilespmem:$0x1F6F8] =	vst v63  }
0x1c4: {  	s0 =	simm.s32 @!p3 $0x1  }
0x1c5: {  	_ =	swait.ge @!p3 [sflag:s0], $0x100  }
0x1c6: {  	p1 =	por p2, p1;
	[sflag:s0] =	ssyncset.done @!p3 $0x0  }
0x1c7: {  	[sflag:s0] =	ssyncadd.s32 @!p3 $0xFFFFFF00;
	s0 =	simm.s32 @!p1 $0x1  }
0x1c8: {  	_ =	swait.ge @!p1 [sflag:s0], $0x80  }
0x1c9: {  	s29 =	simm.s32 $0x10238;
	[sflag:s0] =	ssyncset.done @!p1 $0x0  }
0x1ca: {  	s30 =	simm.s32 $0x1000;
	s31 =	simm.s32 $0x1;
	[sflag:s0] =	ssyncadd.s32 @!p1 $0xFFFFFF80  }
0x1cb: {  	[spmem:s30] =	stream.linear.scatter [tilespmem:s29], [sflag:$0x1], $0x10, $0x38;
	[tilespmem:$0x1F6F8] =	vst v63  }
0x1cc: {  	_ =	swait.ge [sflag:s31], $0x10  }
0x1cd: {  	[sflag:s31] =	ssyncset.done $0x0  }
0x1ce: {  	p1 =	seq.s32 s15, $0x0;
	s8 =	rddreg [dreg:$0x1];
	[sflag:s31] =	ssyncadd.s32 $0xFFFFFFF0  }
0x1cf: {  	s2 =	sshll.u32 @p1 s8, $0xE;
	s7 =	rddreg [dreg:$0x2]  }
0x1d0: {  	s0 =	sadd.s32 @p1 $0x15C3C, s2;
	s2 =	sshll.u32 @p1 s7, $0x11  }
0x1d1: {  	_ =	sfence.stream.spmem;
	s0 =	sor.u32 @p1 s2, s0  }
0x1d2: {  	[sflag:s0] =	ssyncadd.remote.s32 @p1 $0x1;
	s0 =	simm.s32 @p1 $0x4  }
0x1d3: {  	s3 =	simm.s32 @!p1 $0x3C;
	s2 =	sand.u32 $0xFFFFFFFE, s8;
	_ =	swait.ge @p1 [sflag:s0], $0x22  }
0x1d4: {  	s4 =	simm.s32 @!p1 $0x0;
	s2 =	sadd.s32 @!p1 $0x4, s2;
	[sflag:s0] =	ssyncset.done @p1 $0x0  }
0x1d5: {  	s5 =	simm.s32 @!p1 $0x100;
	[sflag:s0] =	ssyncadd.s32 @p1 $0xFFFFFFDE;
	s0 =	sshll.u32 @!p1 s2, $0x1A  }
0x1d6: {  	s2 =	sshll.u32 @!p1 s2, $0xD;
	s0 =	sor.u32 @!p1 s0, s7;
	_ =	swait.eq @!p1 [sflag:s3], $0x1  }
0x1d7: {  	s2 =	sor.u32 @!p1 $0x1C04, s2;
	s3 =	simm.s32 @!p1 $0x1C03;
	s0 =	sor.u32 @!p1 $0x80004000, s0  }
0x1d8: {  	[spmem:s5], [sflag:s2] =	dma.general @!p1 [spmem:s4], [sflag:s3], length:$0x20, [dreg:$0x0], stride_count:$0x0, ici_dest:s0, dma_misc:DstOpCode:WRITE  }
0x1d9: {  	p2 =	slt.s32 s9, $0x2;
	s4 =	simm.s32 @!p1 $0x200;
	s5 =	simm.s32 @!p1 $0x202  }
0x1da: {  	[spmem:s5], [sflag:s2] =	dma.general @!p1 [spmem:s4], [sflag:s3], length:$0x2, [dreg:$0x0], stride_count:$0x0, ici_dest:s0, dma_misc:DstOpCode:WRITE  }
.Ltmp27:
0x1db: {  	s0 =	simm.s32 @!p1 $0x3;
	(pc) =	sbr.rel @p2 .LBB2_38-.Ltmp27, $4  }
0x1dc: {  	s2 =	sshll.u32 @!p1 s8, $0xE;
	_ =	swait.ge @!p1 [sflag:s0], $0x22  }
0x1dd: {  	s3 =	sshll.u32 @!p1 s7, $0x11;
	s2 =	sadd.s32 @!p1 $0x11C3C, s2;
	[sflag:s0] =	ssyncset.done @!p1 $0x0  }
0x1de: {  	[sflag:s0] =	ssyncadd.s32 @!p1 $0xFFFFFFDE;
	s0 =	sor.u32 @!p1 s3, s2  }
0x1df: {  	[sflag:s0] =	ssyncadd.remote.s32 @!p1 $0xFFFFFFFF;
	s0 =	simm.s32 $0x0  }
0x1e0: {  	s0 =	simm.s32 $0xF219  }
0x1e1: {  	v0 =	vld.msk [tilespmem:s0+$0x0], $0x1;
	_ =	sdelay $0x4  }
0x1e2: {  	(v2sf) =	vpush v0, $0x0;
	_ =	sdelay $0xb  }
0x1e3: {  	s31 =	sadd.s32 $0xFFFFFFFE, s6  }
0x1e4: {  	s0 =	sadd.s32 $0xFFFFFFFF, s31  }
0x1e5: {  	p2 =	sne.s32 s0, $0x0  }
.Ltmp28:
0x1e6: {  	s2 =	spop (v2sf);
	(pc) =	sbr.rel @!p2 .LBB2_37-.Ltmp28, $4  }
0x1e7: {  	s4 =	simm.s32 $0xF2B8;
	s7 =	simm.s32 $0x0;
	p1 =	sgt.u32 s2, $0x27FF0  }
0x1e8: {  	s5 =	simm.s32 $0x0;
	s6 =	simm.s32 $0xF21A;
	s3 =	sand.u32 @!p1 $0x3FFF8, s2  }
0x1e9: {  	s2 =	sand.u32 @!p1 $0x7, s2;
	s7 =	simm.s32 @!p1 $0x200;
	s3 =	sadd.s32 @!p1 s1, s3  }
0x1ea: {  	[hbm4b:s3+s2] =	stream.linear.scatter @!p1 [tilespmem:s4], [sflag:$0x5], $0x80, $0x38;
	[tilespmem:$0x1F6F8] =	vst v63  }
.LBB2_36:
0x1eb: {  	v0 =	vld.msk [tilespmem:s6+$0x0], $0x1;
	s0 =	sadd.s32 $0xFFFFFFFF, s0;
	s5 =	sadd.s32 s5, s7  }
0x1ec: {  	p1 =	sne.s32 s0, $0x0;
	_ =	sdelay $0x3  }
0x1ed: {  	(v2sf) =	vpush v0, $0x0;
	_ =	sdelay $0xe  }
.Ltmp29:
0x1ee: {  	s2 =	spop (v2sf);
	(pc) =	sbr.rel @p1 .LBB2_36-.Ltmp29, $4  }
0x1ef: {  	s7 =	simm.s32 $0x0;
	p2 =	sgt.u32 s2, $0x27FF0  }
0x1f0: {  	s4 =	sadd.s32 $0x80, s4;
	s7 =	simm.s32 @!p2 $0x200;
	s3 =	sand.u32 @!p2 $0x3FFF8, s2  }
0x1f1: {  	s6 =	sadd.s32 $0x1, s6;
	s2 =	sand.u32 @!p2 $0x7, s2;
	s3 =	sadd.s32 @!p2 s1, s3  }
0x1f2: {  	[hbm4b:s3+s2] =	stream.linear.scatter @!p2 [tilespmem:s4], [sflag:$0x5], $0x80, $0x38;
	[tilespmem:$0x1F6F8] =	vst v63  }
.LBB2_37:
0x1f3: {  	s0 =	sadd.s32 s5, s7  }
0x1f4: {  	s0 =	sshrl.u32 s0, $0x2  }
.LBB2_38:
0x1f5: {  	s2 =	simm.s32 $0x5  }
0x1f6: {  	_ =	swait.ge [sflag:s2], s0  }
0x1f7: {  	s31 =	ssub.s32 $0x0, s0;
	[sflag:s2] =	ssyncset.done $0x0  }
0x1f8: {  	[sflag:s2] =	ssyncadd.s32 s31  }
0x1f9: {  	[sflag:s2] =	ssyncpa.u1 $0x1  }
.LBB2_39:
0x1fa: {  	s0 =	sor.u32 s15, s16  }
0x1fb: {  	p1 =	sne.s32 s0, $0x0  }
.Ltmp30:
0x1fc: {  	_ = 	snop;
	(pc) =	sbr.rel @p1 .LBB2_54-.Ltmp30, $3  }
0x1fd: {  	_ =	sdelay $0x1  }
0x1fe: {  	[bflag:$0x0] =	sbarrier.arrive $0xFFFF  }
0x1ff: {  	_ =	sfence  }
0x200: {  	s0 =	simm.s32 $0x7  }
0x201: {  	s2 =	simm.s32 $0x1000;
	s3 =	simm.s32 $0xF218;
	[sflag:s0] =	ssyncpa.u1 $0x0  }
0x202: {  	[tilespmem:s3], [sflag:$0x7] =	stream.linear.gather [spmem:s2], $0x20, $0x38;
	[tilespmem:$0x1F6F8] =	vst v63  }
0x203: {  	s30 =	simm.s32 $0xF238;
	s2 =	simm.s32 $0x0  }
0x204: {  	[tilespmem:s30], [sflag:$0x7] =	stream.linear.gather [spmem:s2], $0x1000, $0x38;
	[tilespmem:$0x1F6F8] =	vst v63  }
.Ltmp31:
0x205: {  	_ = 	snop;
	(pc) =	sbr.rel .LBB2_41-.Ltmp31, $4  }
0x206: {  	_ =	swait.ge [sflag:s0], $0x1020  }
0x207: {  	[sflag:s0] =	ssyncset.done $0x0  }
0x208: {  	s31 =	simm.s32 $0x8;
	[sflag:s0] =	ssyncadd.s32 $0xFFFFEFE0  }
0x209: {  	s3 =	simm.s32 $0x0;
	[sflag:s31] =	ssyncpa.u1 $0x0  }
.LBB2_47:
0x20a: {  	p1 =	slt.u32 s4, $0x27FF1  }
0x20b: {  	s0 =	sand.u32 @p1 $0x3FFF8, s4  }
0x20c: {  	s4 =	sand.u32 @p1 $0x7, s4;
	s5 =	simm.s32 @p1 $0xF188;
	s0 =	sadd.s32 @p1 s1, s0  }
0x20d: {  	[tilespmem:s5], [sflag:$0x8] =	stream.linear.gather @p1 [hbm4b:s0+s4], $0x80, $0x38;
	[tilespmem:$0x1F6F8] =	vst v63  }
0x20e: {  	s0 =	simm.s32 @p1 $0x8  }
0x20f: {  	_ =	swait.ge @p1 [sflag:s0], $0x80  }
0x210: {  	[sflag:s0] =	ssyncset.done @p1 $0x0  }
0x211: {  	[sflag:s0] =	ssyncadd.s32 @p1 $0xFFFFFF80  }
0x212: {  	v1 =	vld @p1 [tilespmem:$0xF188];
	_ =	sdelay $0x2  }
0x213: {  	s0 =	sshll.u32 @p1 s3, $0x9  }
0x214: {  	s4 =	sshrl.u32 @p1 s0, $0x2  }
0x215: {  	[tilespmem:s4+$0xF238] =	vst.add.f32.msk @p1 $0xffff, v1  }
0x216: {  	v1 =	vld @p1 [tilespmem:$0xF198];
	_ =	sdelay $0x4  }
0x217: {  	[tilespmem:s4+$0xF248] =	vst.add.f32.msk @p1 $0xffff, v1  }
0x218: {  	v1 =	vld @p1 [tilespmem:$0xF1A8];
	_ =	sdelay $0x4  }
0x219: {  	[tilespmem:s4+$0xF258] =	vst.add.f32.msk @p1 $0xffff, v1  }
0x21a: {  	v1 =	vld @p1 [tilespmem:$0xF1B8];
	_ =	sdelay $0x4  }
0x21b: {  	[tilespmem:s4+$0xF268] =	vst.add.f32.msk @p1 $0xffff, v1  }
0x21c: {  	v1 =	vld @p1 [tilespmem:$0xF1C8];
	_ =	sdelay $0x4  }
0x21d: {  	[tilespmem:s4+$0xF278] =	vst.add.f32.msk @p1 $0xffff, v1  }
0x21e: {  	v1 =	vld @p1 [tilespmem:$0xF1D8];
	_ =	sdelay $0x4  }
0x21f: {  	[tilespmem:s4+$0xF288] =	vst.add.f32.msk @p1 $0xffff, v1  }
0x220: {  	v1 =	vld @p1 [tilespmem:$0xF1E8];
	_ =	sdelay $0x4  }
0x221: {  	[tilespmem:s4+$0xF298] =	vst.add.f32.msk @p1 $0xffff, v1  }
0x222: {  	v1 =	vld @p1 [tilespmem:$0xF1F8];
	_ =	sdelay $0x3  }
0x223: {  	s5 =	sshll.u32 @!p1 s3, $0x9  }
0x224: {  	s5 =	smov.u32 @p1 s0;
	[tilespmem:s4+$0xF2A8] =	vst.add.f32.msk @p1 $0xffff, v1  }
0x225: {  	s0 =	sshrl.u32 s5, $0x2;
	[tilespmem:s2+$0xF218] =	vst.msk $0x1, v0  }
0x226: {  	v0 =	vld [tilespmem:s0+$0xF238];
	_ =	sdelay $0x2  }
0x227: {  	s31 =	sshll.u32 s2, $0x9  }
0x228: {  	s4 =	sshra.s32 s31, $0x2  }
0x229: {  	[tilespmem:s4+$0xF238] =	vst v0  }
0x22a: {  	v0 =	vld [tilespmem:s0+$0xF248];
	_ =	sdelay $0x4  }
0x22b: {  	[tilespmem:s4+$0xF248] =	vst v0  }
0x22c: {  	v0 =	vld [tilespmem:s0+$0xF258];
	_ =	sdelay $0x4  }
0x22d: {  	[tilespmem:s4+$0xF258] =	vst v0  }
0x22e: {  	v0 =	vld [tilespmem:s0+$0xF268];
	_ =	sdelay $0x4  }
0x22f: {  	[tilespmem:s4+$0xF268] =	vst v0  }
0x230: {  	v0 =	vld [tilespmem:s0+$0xF278];
	_ =	sdelay $0x4  }
0x231: {  	[tilespmem:s4+$0xF278] =	vst v0  }
0x232: {  	v0 =	vld [tilespmem:s0+$0xF288];
	_ =	sdelay $0x4  }
0x233: {  	[tilespmem:s4+$0xF288] =	vst v0  }
0x234: {  	v0 =	vld [tilespmem:s0+$0xF298];
	_ =	sdelay $0x4  }
0x235: {  	[tilespmem:s4+$0xF298] =	vst v0  }
0x236: {  	v0 =	vld [tilespmem:s0+$0xF2A8];
	_ =	sdelay $0x4  }
0x237: {  	s2 =	sadd.s32 $0x1, s2;
	[tilespmem:s4+$0xF2A8] =	vst v0  }
.LBB2_48:
0x238: {  	s3 =	sadd.s32 $0x1, s3  }
0x239: {  	p1 =	sne.s32 s3, $0x20  }
.Ltmp32:
0x23a: {  	_ = 	snop;
	(pc) =	sbr.rel @!p1 .LBB2_49-.Ltmp32, $1  }
0x23b: {  	_ =	sdelay $0x3  }
.LBB2_41:
0x23c: {  	v0 =	vld.msk [tilespmem:s3+$0xF218], $0x1;
	_ =	sdelay $0x4  }
0x23d: {  	(v2sf) =	vpush v0, $0x0;
	_ =	sdelay $0xe  }
0x23e: {  	s4 =	spop (v2sf)  }
0x23f: {  	p1 =	seq.s32 s4, $0xFFFFFFFF  }
.Ltmp33:
0x240: {  	_ = 	snop;
	(pc) =	sbr.rel @p1 .LBB2_48-.Ltmp33, $1  }
0x241: {  	_ =	sdelay $0x3  }
0x242: {  	p1 =	slt.s32 s2, $0x1  }
.Ltmp34:
0x243: {  	_ = 	snop;
	(pc) =	sbr.rel @p1 .LBB2_47-.Ltmp34, $1  }
0x244: {  	_ =	sdelay $0x3  }
0x245: {  	s5 =	simm.s32 $0xF218;
	p1 =	por $0x0, $0x0  }
0x246: {  	v1 =	vld.msk @!p1 [tilespmem:s5+$0x0], $0x1;
	_ =	sdelay $0x4  }
0x247: {  	(v2sf) =	vpush @!p1 v1, $0x0;
	_ =	sdelay $0xd  }
0x248: {  	p3 =	sne.s32 s2, $0x1  }
.Ltmp35:
0x249: {  	s0 =	spop @!p1 (v2sf);
	(pc) =	sbr.rel @!p3 .LBB2_45-.Ltmp35, $4  }
0x24a: {  	p2 =	seq.s32 @!p1 s4, s0  }
0x24b: {  	s6 =	simm.s32 $0x0;
	p2 =	por !p2, p1  }
0x24c: {  	s7 =	simm.s32 $0xFFFFFFFF;
	s6 =	simm.s32 @p2 $0xFFFFFFFF  }
0x24d: {  	s0 =	simm.s32 $0x1;
	s6 =	smov.u32 @p1 s7  }
.LBB2_44:
0x24e: {  	s7 =	smov.u32 s6;
	p1 =	sne.s32 s6, $0xFFFFFFFF  }
0x24f: {  	s5 =	sadd.s32 $0x1, s5;
	s6 =	smov.u32 s0;
	s0 =	sadd.s32 $0x1, s0  }
0x250: {  	p2 =	sne.s32 s2, s0;
	v1 =	vld.msk @!p1 [tilespmem:s5+$0x0], $0x1;
	_ =	sdelay $0x4  }
0x251: {  	(v2sf) =	vpush @!p1 v1, $0x0;
	_ =	sdelay $0xe  }
.Ltmp36:
0x252: {  	s8 =	spop @!p1 (v2sf);
	(pc) =	sbr.rel @p2 .LBB2_44-.Ltmp36, $4  }
0x253: {  	p3 =	seq.s32 @!p1 s4, s8  }
0x254: {  	p3 =	por !p3, p1  }
0x255: {  	s6 =	simm.s32 @p3 $0xFFFFFFFF  }
0x256: {  	s6 =	smov.u32 @p1 s7  }
.LBB2_45:
0x257: {  	p1 =	seq.s32 s6, $0xFFFFFFFF  }
.Ltmp37:
0x258: {  	_ = 	snop;
	(pc) =	sbr.rel @p1 .LBB2_47-.Ltmp37, $1  }
0x259: {  	_ =	sdelay $0x3  }
0x25a: {  	s0 =	sshll.u32 s3, $0x7  }
0x25b: {  	s0 =	sand.u32 $0x3FFFFF80, s0  }
0x25c: {  	v0 =	vld [tilespmem:s0+$0xF238];
	_ =	sdelay $0x2  }
0x25d: {  	s4 =	sshll.u32 s6, $0x9  }
0x25e: {  	s4 =	sshra.s32 s4, $0x2  }
0x25f: {  	[tilespmem:s4+$0xF238] =	vst.add.f32.msk $0xffff, v0  }
0x260: {  	v0 =	vld [tilespmem:s0+$0xF248];
	_ =	sdelay $0x4  }
0x261: {  	[tilespmem:s4+$0xF248] =	vst.add.f32.msk $0xffff, v0  }
0x262: {  	v0 =	vld [tilespmem:s0+$0xF258];
	_ =	sdelay $0x4  }
0x263: {  	[tilespmem:s4+$0xF258] =	vst.add.f32.msk $0xffff, v0  }
0x264: {  	v0 =	vld [tilespmem:s0+$0xF268];
	_ =	sdelay $0x4  }
0x265: {  	[tilespmem:s4+$0xF268] =	vst.add.f32.msk $0xffff, v0  }
0x266: {  	v0 =	vld [tilespmem:s0+$0xF278];
	_ =	sdelay $0x4  }
0x267: {  	[tilespmem:s4+$0xF278] =	vst.add.f32.msk $0xffff, v0  }
0x268: {  	v0 =	vld [tilespmem:s0+$0xF288];
	_ =	sdelay $0x4  }
0x269: {  	[tilespmem:s4+$0xF288] =	vst.add.f32.msk $0xffff, v0  }
0x26a: {  	v0 =	vld [tilespmem:s0+$0xF298];
	_ =	sdelay $0x4  }
0x26b: {  	[tilespmem:s4+$0xF298] =	vst.add.f32.msk $0xffff, v0  }
0x26c: {  	v0 =	vld [tilespmem:s0+$0xF2A8]  }
.Ltmp38:
0x26d: {  	_ = 	snop;
	(pc) =	sbr.rel .LBB2_48-.Ltmp38, $2  }
0x26e: {  	_ =	sdelay $0x2  }
0x26f: {  	[tilespmem:s4+$0xF2A8] =	vst.add.f32.msk $0xffff, v0  }
.LBB2_49:
0x270: {  	p1 =	slt.s32 s2, $0x1  }
.Ltmp39:
0x271: {  	_ = 	snop;
	(pc) =	sbr.rel @p1 .LBB2_53-.Ltmp39, $3  }
0x272: {  	_ =	sdelay $0x1  }
0x273: {  	s0 =	simm.s32 $0x8  }
0x274: {  	s3 =	simm.s32 $0x0;
	[sflag:s0] =	ssyncpa.u1 $0x1  }
0x275: {  	s0 =	simm.s32 $0xF218  }
0x276: {  	v0 =	vld.msk [tilespmem:s0+$0x0], $0x1;
	_ =	sdelay $0x4  }
0x277: {  	(v2sf) =	vpush v0, $0x0;
	_ =	sdelay $0xe  }
0x278: {  	s0 =	sadd.s32 $0xFFFFFFFF, s2;
	s5 =	spop (v2sf)  }
0x279: {  	p2 =	sne.s32 s0, $0x0;
	p1 =	sgt.u32 s5, $0x27FF0  }
.Ltmp40:
0x27a: {  	s6 =	sand.u32 @!p1 $0x3FFF8, s5;
	(pc) =	sbr.rel @!p2 .LBB2_52-.Ltmp40, $4  }
0x27b: {  	s4 =	simm.s32 $0xF238;
	s5 =	sand.u32 @!p1 $0x7, s5;
	s2 =	sadd.s32 @!p1 s1, s6  }
0x27c: {  	[hbm4b:s2+s5] =	stream.linear.scatter @!p1 [tilespmem:s4], [sflag:$0x7], $0x80, $0x38;
	[tilespmem:$0x1F6F8] =	vst v63  }
0x27d: {  	s5 =	simm.s32 $0x0  }
0x27e: {  	s2 =	simm.s32 $0xF219;
	s5 =	simm.s32 @!p1 $0x200  }
.LBB2_51:
0x27f: {  	v0 =	vld.msk [tilespmem:s2+$0x0], $0x1;
	s0 =	sadd.s32 $0xFFFFFFFF, s0;
	s3 =	sadd.s32 s3, s5  }
0x280: {  	p1 =	sne.s32 s0, $0x0;
	_ =	sdelay $0x3  }
0x281: {  	(v2sf) =	vpush v0, $0x0;
	_ =	sdelay $0xe  }
.Ltmp41:
0x282: {  	s6 =	spop (v2sf);
	(pc) =	sbr.rel @p1 .LBB2_51-.Ltmp41, $4  }
0x283: {  	s5 =	simm.s32 $0x0;
	p2 =	sgt.u32 s6, $0x27FF0  }
0x284: {  	s4 =	sadd.s32 $0x80, s4;
	s5 =	simm.s32 @!p2 $0x200;
	s7 =	sand.u32 @!p2 $0x3FFF8, s6  }
0x285: {  	s2 =	sadd.s32 $0x1, s2;
	s6 =	sand.u32 @!p2 $0x7, s6;
	s7 =	sadd.s32 @!p2 s1, s7  }
0x286: {  	[hbm4b:s7+s6] =	stream.linear.scatter @!p2 [tilespmem:s4], [sflag:$0x7], $0x80, $0x38;
	[tilespmem:$0x1F6F8] =	vst v63  }
.LBB2_52:
0x287: {  	s0 =	sadd.s32 s3, s5  }
0x288: {  	s3 =	sshrl.u32 s0, $0x2  }
.LBB2_53:
0x289: {  	s0 =	simm.s32 $0x7  }
0x28a: {  	_ =	swait.ge [sflag:s0], s3  }
0x28b: {  	s1 =	ssub.s32 $0x0, s3;
	[sflag:s0] =	ssyncset.done $0x0  }
0x28c: {  	[sflag:s0] =	ssyncadd.s32 s1  }
0x28d: {  	[sflag:s0] =	ssyncpa.u1 $0x1  }
.LBB2_54:
0x28e: {  	_ =	sfence;
	s0 =	simm.s32 $0x1  }
0x28f: {  	[sflag:s0] =	ssyncpa.u1 $0x1  }
0x290: {  	_ =	strace $0x9000006B  }
0x291: {  	[bflag:$0x2] =	sbarrier.arrive $0xFFFF  }
0x292: {  	s0 =	rddreg [dreg:$0x3]  }
0x293: {  	s0 =	sadd.s32 @!p0 $0x100000, s0  }
0x294: {  	[sflag:s0] =	ssyncadd.tile.s32 @!p0 $0x1;
	_ =	shalt  }
.Lfunc_end2:
_tile_overlayer_lowered:
.L_overlay_start_2:
0x295: {  	(tag) =	ssettag $0x2  }
0x296: {  	s0 =	rddreg [dreg:$0x0];
	s2 =	stileid.u32  }
0x297: {  	s1 =	rddreg [dreg:$0x1];
	p0 =	sne.s32 s2, $0x0  }
0x298: {  	s3 =	rddreg [dreg:$0x2];
	[bflag:$0x3] =	sbarrier.arrive $0xFFFF;
	s2 =	simm.s32 @!p0 $0x1C01  }
0x299: {  	[timem:s3], [sflag:s2] =	dma.local @!p0 [hbm:s0], s1  }
0x29a: {  	s0 =	simm.s32 @!p0 $0x1  }
0x29b: {  	_ =	swait.ge @!p0 [sflag:s0], s1  }
0x29c: {  	s1 =	ssub.s32 @!p0 $0x0, s1;
	[sflag:s0] =	ssyncset.done @!p0 $0x0  }
0x29d: {  	[sflag:s0] =	ssyncadd.s32 @!p0 s1  }
0x29e: {  	[bflag:$0x3] =	sbarrier.arrive $0xFFFF  }
0x29f: {  	_ =	shalt  }

// kernel: scatter_offload_async_start.4
scs
__scs_entry_jumppad:
0x0: {  	(pc) =	sbr.rel $0x88, $3  }
0x1: {  	(tag) =	ssettag $0x0;
	lr =	simm.s32 $0x1  }
0x2: {  	[smem:$0x3F80] =	sst lr;
	_ =	strace $0xD0000000  }
0x3: {  	_ = 	snop  }
0x4: {  	_ = 	snop  }
0x5: {  	_ = 	snop  }
0x6: {  	_ = 	snop  }
0x7: {  	_ = 	snop  }
__scs_overlays_trampoline_lowered:
0x8: {  	[smem:$0x3F8F] =	sst s0  }
0x9: {  	[smem:$0x3F90] =	sst s1  }
0xa: {  	[smem:$0x3F91] =	sst s2  }
0xb: {  	[smem:$0x3F92] =	sst s3  }
0xc: {  	[smem:$0x3F93] =	sst s4  }
0xd: {  	[smem:$0x3F94] =	sst s5  }
0xe: {  	[smem:$0x3F95] =	sst s6  }
0xf: {  	[smem:$0x3F96] =	sst s7  }
0x10: {  	[smem:$0x3F97] =	sst s8  }
0x11: {  	[smem:$0x3F98] =	sst s9;
	s0 =	simm.s32 @!p0 $0x0  }
0x12: {  	s1 =	sld [smem:$0x3F7E];
	s0 =	simm.s32 @p0 $0x1  }
0x13: {  	[smem:$0x3F99] =	sst s0;
	s0 =	simm.s32 @!p1 $0x0  }
0x14: {  	s2 =	sld [smem:$0x3F7D];
	s0 =	simm.s32 @p1 $0x1  }
0x15: {  	[smem:$0x3F9A] =	sst s0;
	s0 =	simm.s32 @!p2 $0x0  }
0x16: {  	s3 =	sld [smem:$0x3FDB];
	s0 =	simm.s32 @p2 $0x1  }
0x17: {  	s4 =	simm.s32 $0x1BF5;
	[smem:$0x3F9C] =	sst s0  }
0x18: {  	s0 =	sld [smem:$0x3F7F];
	_ =	swait.ge [sflag:s4], $0x0  }
0x19: {  	s7 =	sld [smem:$0x3F80]  }
0x1a: {  	s8 =	sadd.s32 $0xFFFFE003, lr  }
0x1b: {  	s9 =	sadd.s32 $0xFFFFFEF7, lr;
	s5 =	simm.s32 $0xFFFFFFFF;
	p2 =	slt.u32 s8, $0xFFFFF086  }
0x1c: {  	p1 =	slt.u32 s9, $0xF7A;
	s5 =	simm.s32 @!p2 $0x0  }
0x1d: {  	s5 =	simm.s32 @p1 $0x1;
	p0 =	seq.s32 s7, s2  }
0x1e: {  	s7 =	smul.u32 @!p0 $0xF7A, s2;
	p2 =	seq.s32 @!p0 s5, $0x0  }
0x1f: {  	s9 =	smul.u32 $0xF7A, s1;
	s8 =	simm.s32 @!p0 $0x1BF5;
	p2 =	por !p2, p0  }
0x20: {  	[sflag:s8] =	ssyncset.s32 @!p0 $0xFFFFF086;
	s6 =	sadd.s32 @!p0 s3, s7;
	s7 =	simm.s32 @!p0 $0x108  }
0x21: {  	s3 =	sadd.s32 s3, s9;
	s6 =	sadd.s32 @!p0 $0x88, s6;
	s7 =	simm.s32 @p2 $0x1082  }
0x22: {  	[simem:s7], [sflag:s8] =	dma.local @!p0 [hbm:s6], $0xF7A  }
0x23: {  	s9 =	sor.u32 $0xD0000000, s2;
	s6 =	simm.s32 $0x108;
	_ =	swait.ge @!p0 [sflag:s8], $0x0  }
0x24: {  	s3 =	sadd.s32 $0x88, s3;
	s6 =	simm.s32 @!p1 $0x1082;
	[sflag:s4] =	ssyncset.s32 $0xFFFFF086  }
0x25: {  	[simem:s6], [sflag:s4] =	dma.local [hbm:s3], $0xF7A  }
0x26: {  	[smem:$0x3F80] =	sst s1;
	(tag) =	ssettag s2;
	_ =	strace s9  }
0x27: {  	s1 =	sld [smem:$0x3F90]  }
0x28: {  	s2 =	sld [smem:$0x3F91]  }
0x29: {  	s4 =	sld [smem:$0x3F93]  }
0x2a: {  	p0 =	seq.s32 s5, $0x0;
	s5 =	sld [smem:$0x3F94]  }
0x2b: {  	s6 =	sld [smem:$0x3F95]  }
0x2c: {  	s7 =	sld [smem:$0x3F96]  }
0x2d: {  	s3 =	simm.s32 $0x108;
	s8 =	sld [smem:$0x3F97]  }
0x2e: {  	s3 =	simm.s32 @!p0 $0x1082;
	s9 =	sld [smem:$0x3F98]  }
0x2f: {  	lr =	sadd.s32 s0, s3;
	s0 =	sld [smem:$0x3F8F]  }
0x30: {  	s3 =	sld [smem:$0x3F92]  }
0x31: {  	[smem:$0x3F9B] =	sst s10  }
0x32: {  	s10 =	sld [smem:$0x3F99];
	_ =	sdelay $0x3  }
0x33: {  	p0 =	seq.s32 s10, $0x1;
	s10 =	sld [smem:$0x3F9B];
	_ =	sdelay $0x3  }
0x34: {  	[smem:$0x3F9B] =	sst s10  }
0x35: {  	s10 =	sld [smem:$0x3F9A];
	_ =	sdelay $0x3  }
0x36: {  	p1 =	seq.s32 s10, $0x1;
	s10 =	sld [smem:$0x3F9B];
	_ =	sdelay $0x3  }
0x37: {  	[smem:$0x3F9B] =	sst s10  }
0x38: {  	s10 =	sld [smem:$0x3F9C]  }
0x39: {  	_ = 	snop;
	(pc) =	sbr.ind lr, $3  }
0x3a: {  	_ = 	snop  }
0x3b: {  	_ = 	snop  }
0x3c: {  	p2 =	seq.s32 s10, $0x1;
	s10 =	sld [smem:$0x3F9B]  }
0x3d: {  	_ =	shalt  }
0x3e: {  	_ =	shalt  }
0x3f: {  	_ =	shalt  }
0x40: {  	_ =	shalt  }
0x41: {  	_ =	shalt  }
0x42: {  	_ =	shalt  }
0x43: {  	_ =	shalt  }
0x44: {  	_ =	shalt  }
0x45: {  	_ =	shalt  }
0x46: {  	_ =	shalt  }
0x47: {  	_ =	shalt  }
0x48: {  	_ =	shalt  }
0x49: {  	_ =	shalt  }
0x4a: {  	_ =	shalt  }
0x4b: {  	_ =	shalt  }
0x4c: {  	_ =	shalt  }
0x4d: {  	_ =	shalt  }
0x4e: {  	_ =	shalt  }
0x4f: {  	_ =	shalt  }
0x50: {  	_ =	shalt  }
0x51: {  	_ =	shalt  }
0x52: {  	_ =	shalt  }
0x53: {  	_ =	shalt  }
0x54: {  	_ =	shalt  }
0x55: {  	_ =	shalt  }
0x56: {  	_ =	shalt  }
0x57: {  	_ =	shalt  }
0x58: {  	_ =	shalt  }
0x59: {  	_ =	shalt  }
0x5a: {  	_ =	shalt  }
0x5b: {  	_ =	shalt  }
0x5c: {  	_ =	shalt  }
0x5d: {  	_ =	shalt  }
0x5e: {  	_ =	shalt  }
0x5f: {  	_ =	shalt  }
0x60: {  	_ =	shalt  }
0x61: {  	_ =	shalt  }
0x62: {  	_ =	shalt  }
0x63: {  	_ =	shalt  }
0x64: {  	_ =	shalt  }
0x65: {  	_ =	shalt  }
0x66: {  	_ =	shalt  }
0x67: {  	_ =	shalt  }
0x68: {  	_ =	shalt  }
0x69: {  	_ =	shalt  }
0x6a: {  	_ =	shalt  }
0x6b: {  	_ =	shalt  }
0x6c: {  	_ =	shalt  }
0x6d: {  	_ =	shalt  }
0x6e: {  	_ =	shalt  }
0x6f: {  	_ =	shalt  }
0x70: {  	_ =	shalt  }
0x71: {  	_ =	shalt  }
0x72: {  	_ =	shalt  }
0x73: {  	_ =	shalt  }
0x74: {  	_ =	shalt  }
0x75: {  	_ =	shalt  }
0x76: {  	_ =	shalt  }
0x77: {  	_ =	shalt  }
0x78: {  	_ =	shalt  }
0x79: {  	_ =	shalt  }
0x7a: {  	_ =	shalt  }
0x7b: {  	_ =	shalt  }
0x7c: {  	_ =	shalt  }
0x7d: {  	_ =	shalt  }
0x7e: {  	_ =	shalt  }
0x7f: {  	_ =	shalt  }
0x80: {  	_ =	shalt  }
0x81: {  	_ =	shalt  }
0x82: {  	_ =	shalt  }
0x83: {  	_ =	shalt  }
0x84: {  	_ =	shalt  }
0x85: {  	_ =	shalt  }
0x86: {  	_ =	shalt  }
0x87: {  	_ =	shalt  }
.Lfunc_end0:
.L_simem_size_0:
called_computation.4_lowered:
.L_overlay_start_0:
0x88: {  	s0 =	sld [smem:$0x3FD9]  }
0x89: {  	s1 =	sld [smem:$0x3FFE];
	_ =	sdelay $0x3  }
0x8a: {  	s0 =	sadd.s32 s1, s0  }
0x8b: {  	[smem:$0x3FA7] =	sst s0  }
0x8c: {  	_ = 	snop  }
0x8d: {  	s14 =	sld [smem:$0x3FD0];
	_ =	sdelay $0x2  }
0x8e: {  	s2 =	simm.s32 $0x15;
	s15 =	simm.s32 $0x10  }
0x8f: {  	[smem:s15], [sflag:s2] =	dma.local [hbm:s14], $0x1  }
0x90: {  	_ =	swait.eq [sflag:s2], $0x1  }
0x91: {  	[sflag:s2] =	ssyncset.done $0x0  }
0x92: {  	[sflag:s2] =	ssyncadd.s32 $0xFFFFFFFF  }
0x93: {  	s2 =	sld [smem:$0x11]  }
0x94: {  	s3 =	sld [smem:$0x12];
	(tm) =	ssettm $0x1  }
0x95: {  	s16 =	sld [smem:$0x3FFB];
	_ =	sdelay $0x3  }
0x96: {  	_ =	strace s16  }
0x97: {  	s1 =	sld [smem:$0x3FFC];
	_ =	sdelay $0x3  }
0x98: {  	_ =	strace s1  }
0x99: {  	s1 =	sld [smem:$0x3FFD];
	_ =	sdelay $0x3  }
0x9a: {  	_ =	strace s1  }
0x9b: {  	_ =	strace $0x8FFFFFFF  }
0x9c: {  	s17 =	sld [smem:$0x3FDB];
	_ =	sdelay $0x1  }
0x9d: {  	s4 =	simm.s32 $_scs_section_size  }
0x9e: {  	s5 =	simm.s32 $_size__tile_overlayer_lowered;
	s6 =	simm.s32 $_tile_overlayer_lowered  }
0x9f: {  	s7 =	simm.s32 $0x1BFF;
	s18 =	sshll.u32 s6, $0x1;
	s4 =	sadd.s32 s4, s17  }
0xa0: {  	s19 =	simm.s32 $0x0;
	s5 =	sshll.u32 s5, $0x1;
	s6 =	sadd.s32 s18, s4  }
0xa1: {  	[timem:s19], [sflag:s7] =	dma.local [hbm:s6], s5  }
0xa2: {  	_ =	swait.ge [sflag:s7], s5  }
0xa3: {  	s5 =	ssub.s32 $0x0, s5;
	[sflag:s7] =	ssyncset.done $0x0  }
0xa4: {  	[sflag:s7] =	ssyncadd.s32 s5;
	_ =	sdelay $0x1  }
0xa5: {  	s20 =	simm.s32 $0x1B8B  }
0xa6: {  	_ =	swait.ge [sflag:s20], $0x1  }
0xa7: {  	[sflag:s20] =	ssyncset.done $0x0  }
0xa8: {  	s22 =	simm.s32 $0x1B8E;
	s21 =	sld [smem:$0x3FFE];
	[sflag:s20] =	ssyncadd.s32 $0xFFFFFFFF  }
0xa9: {  	s23 =	simm.s32 $execute0_lowered;
	[smem:$0x3FD2] =	sst s22  }
0xaa: {  	s6 =	sshll.u32 s23, $0x1;
	_ =	strace $0x80000052;
	[dreg:$0x1] =	wrdreg $0xFFFFFFFF  }
0xab: {  	s24 =	simm.s32 $_size_execute0_lowered;
	s6 =	sadd.s32 s4, s6;
	[dreg:$0x0] =	wrdreg $0x0  }
0xac: {  	s7 =	sshll.u32 s24, $0x1;
	[dreg:$0x2] =	wrdreg s6  }
0xad: {  	[dreg:$0x3] =	wrdreg s7  }
0xae: {  	[dreg:$0x4] =	wrdreg $0xC0  }
0xaf: {  	s25 =	simm.s32 $execute1_lowered;
	_ =	task [dreg:s19], $0x5FFFF  }
0xb0: {  	s6 =	sshll.u32 s25, $0x1;
	[dreg:$0x1] =	wrdreg $0xFFFFFFFF  }
0xb1: {  	s4 =	sadd.s32 s4, s6;
	[dreg:$0x0] =	wrdreg $0x60  }
0xb2: {  	[dreg:$0x2] =	wrdreg s4  }
0xb3: {  	[dreg:$0x3] =	wrdreg s3  }
0xb4: {  	[dreg:$0x4] =	wrdreg s2  }
0xb5: {  	[dreg:$0x5] =	wrdreg $0xF  }
0xb6: {  	_ =	task.clear_ibuf [dreg:s19], $0x6FFFF;
	_ =	strace $0x90000052  }
0xb7: {  	s26 =	simm.s32 $0xF;
	_ =	strace $0x80000054  }
0xb8: {  	_ =	swait.ge [sflag:s26], $0x1  }
0xb9: {  	[sflag:s26] =	ssyncadd.s32 $0xFFFFFFFF  }
0xba: {  	_ =	strace $0x90000054  }
0xbb: {  	_ =	strace $0x80000055;
	[dreg:$0x1] =	wrdreg $0xFFFFFFFF  }
0xbc: {  	[dreg:$0x0] =	wrdreg $0x2030  }
0xbd: {  	[dreg:$0x2] =	wrdreg s2  }
0xbe: {  	[dreg:$0x3] =	wrdreg s21  }
0xbf: {  	[dreg:$0x4] =	wrdreg $0x10  }
0xc0: {  	_ =	task.clear_ibuf [dreg:s19], $0x5FFFF;
	_ =	strace $0x90000055  }
0xc1: {  	_ =	strace $0x80000057  }
0xc2: {  	_ =	swait.ge [sflag:s15], $0x1  }
0xc3: {  	[sflag:s15] =	ssyncadd.s32 $0xFFFFFFFF  }
0xc4: {  	_ =	strace $0x90000057  }
0xc5: {  	_ =	sfence  }
0xc6: {  	s28 =	sld [smem:$0x0];
	_ =	sdelay $0x1  }
0xc7: {  	s29 =	srdreg.scid  }
0xc8: {  	s30 =	sshll.u32 s29, $0xD;
	s31 =	sshrl.u32 s29, $0x2  }
0xc9: {  	s3 =	sand.u32 $0x4000, s30;
	s2 =	sand.u32 $0x1, s29;
	s0 =	sadd.s32 s31, s28  }
0xca: {  	s2 =	sor.u32 s3, s2;
	s0 =	sshll.u32 s0, $0x11  }
0xcb: {  	s0 =	sor.u32 s0, s2  }
0xcc: {  	s0 =	sadd.s32 $0x8F2B, s0  }
0xcd: {  	[sflag:s0] =	ssyncadd.remote.s32 $0x1  }
0xce: {  	_ =	sfence.sel $0xFFFF  }
0xcf: {  	[dreg:$0x0] =	wrdreg $0xFFFFFFFF;
	(pc) =	sbr.abs _section_cstart, $3  }
0xd0: {  	[dreg:$0x1] =	wrdreg $0xFFFFFFFF  }
0xd1: {  	_ =	task.clear_ibuf [dreg:s19], $0x2FFFF;
	_ =	strace $0x9FFFFFFF  }
0xd2: {  	(tm) =	ssettm $0x7FFFFFFF  }
0xd3: {  	_ =	shalt  }
tec
execute0_lowered:
.L_overlay_start_1:
0x0: {  	(tag) =	ssettag $0x1  }
0x1: {  	s3 =	rddreg [dreg:$0x0]  }
0x2: {  	s7 =	rddreg [dreg:$0x1]  }
0x3: {  	s2 =	rddreg [dreg:$0x2]  }
0x4: {  	s0 =	rddreg [dreg:$0x3]  }
0x5: {  	s5 =	stileid.u32;
	[bflag:$0x3] =	sbarrier.arrive $0xFFFF;
	s1 =	simm.s32 $_size_execute1_lowered  }
0x6: {  	s9 =	simm.s32 $0x1;
	p0 =	sne.s32 s5, $0x0;
	s1 =	sshll.u32 s1, $0x1  }
0x7: {  	p1 =	seq.s32 s5, $0x0;
	s4 =	simm.s32 @!p0 $0x1C3F;
	s6 =	simm.s32 @!p0 $0x4060  }
0x8: {  	[timem:s6], [sflag:s4] =	dma.local @!p0 [hbm:s3], s1  }
0x9: {  	s31 =	simm.s32 $0x2;
	s9 =	simm.s32 @!p1 $0x0;
	s4 =	smul.u32 $0x280, s5  }
0xa: {  	s6 =	simm.s32 @!p0 $0x2800;
	s3 =	simm.s32 $0x0;
	s5 =	simm.s32 $0x1  }
.Ltmp0:
0xb: {  	s6 =	simm.s32 @p0 $0x0;
	s8 =	ssub.s32 $0x2800, s4;
	(pc) =	sbr.rel .LBB2_1-.Ltmp0, $4  }
0xc: {  	_ =	strace $0x80000053;
	p1 =	sne.s32 s8, s6;
	s6 =	simm.s32 $0x1  }
0xd: {  	[sflag:s5] =	ssyncpa.u1 $0x0;
	s10 =	sshrl.u32 s4, $0x3;
	s6 =	simm.s32 @!p1 $0x0  }
0xe: {  	[sflag:s31] =	ssyncpa.u1 $0x0;
	s7 =	sadd.s32 s10, s7;
	s6 =	sadd.s32 s9, s6  }
0xf: {  	s10 =	simm.s32 $0x0;
	s9 =	simm.s32 $0x0;
	s8 =	sadd.s32 $0x1, s6  }
.LBB2_7:
0x10: {  	p2 =	sne.s32 s9, s8  }
.Ltmp1:
0x11: {  	p1 =	slt.u32 s9, $0x2;
	(pc) =	sbr.rel @!p2 .LBB2_8-.Ltmp1, $4  }
0x12: {  	s10 =	simm.s32 @!p1 $0x2  }
0x13: {  	_ =	swait.ge @!p1 [sflag:s10], $0x280  }
0x14: {  	s11 =	sadd.s32 $0x1, s9;
	[sflag:s10] =	ssyncset.done @!p1 $0x0  }
0x15: {  	s9 =	smov.u32 s11;
	[sflag:s10] =	ssyncadd.s32 @!p1 $0xFFFFFD80;
	s10 =	smov.u32 s4  }
.LBB2_1:
0x16: {  	p1 =	sge.u32 s9, s6  }
0x17: {  	s11 =	sxor.u32 @!p1 $0x1, s9  }
0x18: {  	s11 =	smul.u32 @!p1 $0xA00, s11;
	_ =	sdelay $0x1  }
0x19: {  	s31 =	sadd.s32 $0xFFFFFFFF, s9;
	s12 =	simm.s32 @!p1 $0x0;
	s11 =	sshra.s32 @!p1 s11, $0x2  }
0x1a: {  	[tilespmem:s11], [sflag:$0x1] =	stream.linear.gather @!p1 [hbm4b:s7+s12], $0x280, $0x38;
	[tilespmem:$0xA00] =	vst v63  }
0x1b: {  	p1 =	sge.u32 s31, s6  }
.Ltmp2:
0x1c: {  	_ = 	snop;
	(pc) =	sbr.rel @p1 .LBB2_7-.Ltmp2, $1  }
0x1d: {  	_ =	sdelay $0x3  }
0x1e: {  	s11 =	sand.u32 $0x1, s9  }
0x1f: {  	s12 =	simm.s32 $0x280;
	p1 =	seq.s32 s11, $0x1  }
0x20: {  	s12 =	simm.s32 @!p1 $0x0  }
0x21: {  	v0 =	vmov s12  }
0x22: {  	_ =	swait.ge [sflag:s5], $0x280  }
0x23: {  	[sflag:s5] =	ssyncset.done $0x0;
	s11 =	sor.u32 $0x500, s12  }
0x24: {  	s13 =	simm.s32 $0x0;
	[sflag:s5] =	ssyncadd.s32 $0xFFFFFD80;
	p1 =	por $0x1, $0x1;
	v1 =	vmov s11  }
.LBB2_3:
0x25: {  	s14 =	sor.u32 $0x10, s13  }
0x26: {  	v2 =	vld.idx.msk [tilespmem:v0+s14+$0x0 ss:$0x1], $0xffff  }
0x27: {  	s15 =	sor.u32 $0x20, s13;
	v60 =	vld.idx.msk [tilespmem:v0+s13+$0x0 ss:$0x1], $0xffff  }
0x28: {  	s16 =	sor.u32 $0x30, s13;
	v3 =	vld.idx.msk [tilespmem:v0+s15+$0x0 ss:$0x1], $0xffff  }
0x29: {  	s17 =	sor.u32 $0x40, s13;
	v4 =	vld.idx.msk [tilespmem:v0+s16+$0x0 ss:$0x1], $0xffff  }
0x2a: {  	s19 =	sor.u32 $0x60, s13;
	v5 =	vld.idx.msk [tilespmem:v0+s17+$0x0 ss:$0x1], $0xffff  }
0x2b: {  	s18 =	sor.u32 $0x50, s13;
	[tilespmem:v1+s14+$0x0 ss:$0x1] =	vst.idx.msk $0xffff, v2;
	v2 =	vld.idx.msk [tilespmem:v0+s19+$0x0 ss:$0x1], $0xffff  }
0x2c: {  	s23 =	sor.u32 $0x80, s13;
	v6 =	vld.idx.msk [tilespmem:v0+s18+$0x0 ss:$0x1], $0xffff;
	[tilespmem:v1+s13+$0x0 ss:$0x1] =	vst.idx.msk $0xffff, v60  }
0x2d: {  	s24 =	sor.u32 $0x90, s13;
	v58 =	vld.idx.msk [tilespmem:v0+s23+$0x0 ss:$0x1], $0xffff;
	[tilespmem:v1+s15+$0x0 ss:$0x1] =	vst.idx.msk $0xffff, v3  }
0x2e: {  	s22 =	sor.u32 $0x70, s13;
	v59 =	vld.idx.msk [tilespmem:v0+s24+$0x0 ss:$0x1], $0xffff;
	[tilespmem:v1+s16+$0x0 ss:$0x1] =	vst.idx.msk $0xffff, v4  }
0x2f: {  	s25 =	sor.u32 $0xA0, s13;
	v3 =	vld.idx.msk [tilespmem:v0+s22+$0x0 ss:$0x1], $0xffff;
	[tilespmem:v1+s17+$0x0 ss:$0x1] =	vst.idx.msk $0xffff, v5  }
0x30: {  	s28 =	sor.u32 $0xC0, s13;
	[tilespmem:v1+s19+$0x0 ss:$0x1] =	vst.idx.msk $0xffff, v2;
	v2 =	vld.idx.msk [tilespmem:v0+s25+$0x0 ss:$0x1], $0xffff  }
0x31: {  	s29 =	sor.u32 $0xD0, s13;
	v61 =	vld.idx.msk [tilespmem:v0+s28+$0x0 ss:$0x1], $0xffff;
	[tilespmem:v1+s18+$0x0 ss:$0x1] =	vst.idx.msk $0xffff, v6  }
0x32: {  	s30 =	sor.u32 $0xE0, s13;
	v62 =	vld.idx.msk [tilespmem:v0+s29+$0x0 ss:$0x1], $0xffff;
	[tilespmem:v1+s23+$0x0 ss:$0x1] =	vst.idx.msk $0xffff, v58  }
0x33: {  	s26 =	sor.u32 $0xB0, s13;
	v63 =	vld.idx.msk [tilespmem:v0+s30+$0x0 ss:$0x1], $0xffff;
	[tilespmem:v1+s24+$0x0 ss:$0x1] =	vst.idx.msk $0xffff, v59  }
0x34: {  	s31 =	sor.u32 $0xF0, s13;
	[tilespmem:v1+s22+$0x0 ss:$0x1] =	vst.idx.msk $0xffff, v3;
	v3 =	vld.idx.msk [tilespmem:v0+s26+$0x0 ss:$0x1], $0xffff  }
0x35: {  	p2 =	por p1, p1;
	[tilespmem:v1+s25+$0x0 ss:$0x1] =	vst.idx.msk $0xffff, v2;
	v2 =	vld.idx.msk [tilespmem:v0+s31+$0x0 ss:$0x1], $0xffff  }
.Ltmp3:
0x36: {  	[tilespmem:v1+s28+$0x0 ss:$0x1] =	vst.idx.msk $0xffff, v61;
	(pc) =	sbr.rel @p2 .LBB2_3-.Ltmp3, $4  }
0x37: {  	[tilespmem:v1+s29+$0x0 ss:$0x1] =	vst.idx.msk $0xffff, v62  }
0x38: {  	[tilespmem:v1+s30+$0x0 ss:$0x1] =	vst.idx.msk $0xffff, v63  }
0x39: {  	[tilespmem:v1+s26+$0x0 ss:$0x1] =	vst.idx.msk $0xffff, v3  }
0x3a: {  	p1 =	por $0x0, $0x0;
	s13 =	simm.s32 $0x100;
	[tilespmem:v1+s31+$0x0 ss:$0x1] =	vst.idx.msk $0xffff, v2  }
0x3b: {  	s13 =	sadd.s32 $0x700, s12;
	s12 =	sadd.s32 $0x200, s12;
	s14 =	simm.s32 $0x1F0  }
.LBB2_5:
0x3c: {  	s14 =	sadd.s32 $0x10, s14  }
0x3d: {  	v0 =	vld [tilespmem:s12+$0x0];
	p1 =	slt.u32 s14, $0x270  }
.Ltmp4:
0x3e: {  	_ = 	snop;
	(pc) =	sbr.rel @p1 .LBB2_5-.Ltmp4, $2  }
0x3f: {  	_ =	sdelay $0x2  }
0x40: {  	s12 =	sadd.s32 $0x10, s12;
	[tilespmem:s13+$0x0] =	vst v0;
	s13 =	sadd.s32 $0x10, s13  }
.Ltmp5:
0x41: {  	(pc) =	sbr.rel .LBB2_7-.Ltmp5, $4  }
0x42: {  	_ = 	snop  }
0x43: {  	s10 =	sshrl.u32 s10, $0x3  }
0x44: {  	s10 =	sadd.s32 s2, s10  }
0x45: {  	[hbm4b:s10+s3] =	stream.linear.scatter [tilespmem:s11], [sflag:$0x2], $0x280, $0x38;
	[tilespmem:$0xA00] =	vst v63  }
.LBB2_8:
0x46: {  	_ =	sfence.sel $0x180000  }
0x47: {  	s2 =	simm.s32 $0x1;
	[bflag:$0x0] =	sbarrier.arrive $0xFFFF  }
0x48: {  	s31 =	simm.s32 $0x2;
	[sflag:s2] =	ssyncpa.u1 $0x1  }
0x49: {  	[sflag:s31] =	ssyncpa.u1 $0x1  }
0x4a: {  	_ =	strace $0x90000053  }
0x4b: {  	s0 =	sadd.s32 @!p0 $0x100000, s0;
	[bflag:$0x2] =	sbarrier.arrive $0xFFFF  }
0x4c: {  	[sflag:s0] =	ssyncadd.tile.s32 @!p0 $0x1;
	s0 =	simm.s32 @!p0 $0x3F  }
0x4d: {  	_ =	swait.ge @!p0 [sflag:s0], s1  }
0x4e: {  	s1 =	ssub.s32 @!p0 $0x0, s1;
	[sflag:s0] =	ssyncset.done @!p0 $0x0  }
0x4f: {  	[sflag:s0] =	ssyncadd.s32 @!p0 s1  }
0x50: {  	[bflag:$0x3] =	sbarrier.arrive $0xFFFF  }
0x51: {  	_ =	shalt  }
.Lfunc_end2:
execute1_lowered:
.L_overlay_start_2:
0x52: {  	(tag) =	ssettag $0x2  }
0x53: {  	s1 =	rddreg [dreg:$0x0]  }
0x54: {  	s0 =	rddreg [dreg:$0x1];
	_ =	strace $0x80000056;
	s15 =	stileid.u32  }
0x55: {  	s2 =	simm.s32 $0x1;
	s4 =	smin.u32 s15, $0x8;
	s3 =	sshll.u32 s15, $0x1  }
0x56: {  	v1 =	vimm.s32 $0xFFFFFFFF;
	[sflag:s2] =	ssyncpa.u1 $0x0;
	s4 =	sadd.s32 s4, s3  }
0x57: {  	s5 =	simm.s32 $0x5DC0;
	p0 =	slt.u32 s15, $0x8;
	[tilespmem:$0x10] =	vst v1;
	s4 =	smul.u32 $0x1F40, s4  }
0x58: {  	v0 =	vimm.f32 $0.0e+00;
	[tilespmem:$0x20] =	vst v1;
	s5 =	simm.s32 @!p0 $0x3E80  }
0x59: {  	[tilespmem:$0x30] =	vst v0;
	s5 =	sadd.s32 s5, s4  }
0x5a: {  	[tilespmem:$0x40] =	vst v0;
	s5 =	smin.u32 s5, $0x4E200  }
0x5b: {  	s7 =	simm.s32 $0x2;
	[tilespmem:$0x50] =	vst v0;
	s9 =	ssub.s32 s5, s4  }
0x5c: {  	s8 =	simm.s32 $0x8;
	s31 =	simm.s32 $0x9;
	[tilespmem:$0x60] =	vst v1;
	p0 =	sgt.s32 s9, $0x0  }
0x5d: {  	s16 =	simm.s32 $0x0;
	s17 =	simm.s32 $0xF0;
	[tilespmem:$0x70] =	vst v1;
	s9 =	simm.s32 @!p0 $0x0  }
0x5e: {  	s18 =	simm.s32 $0xFFFFFFFF;
	s19 =	simm.s32 $0xFFFFC280;
	[tilespmem:$0x80] =	vst v1;
	s6 =	smulhi.u32 $0x10624DD3, s9  }
0x5f: {  	s20 =	simm.s32 $0xFFFFFFFE;
	s21 =	simm.s32 $0xF;
	s25 =	simm.s32 $0x0;
	v1 =	vimm.s32 $0x0;
	[tilespmem:$0xB0] =	vst v0  }
0x60: {  	s24 =	simm.s32 $0x0;
	s15 =	sshllo.u32 s15, $0x1;
	[tilespmem:$0x90] =	vst v1;
	s10 =	sshrl.u32 s6, $0x9  }
0x61: {  	[tilespmem:$0xA0] =	vst v1;
	[sflag:s7] =	ssyncpa.u1 $0x0;
	s7 =	simm.s32 $0x7;
	s11 =	smul.u32 $0x1F40, s10  }
.Ltmp6:
0x62: {  	s13 =	sor.u32 $0x80, s3;
	[sflag:s7] =	ssyncpa.u1 $0x0;
	(pc) =	sbr.rel .LBB3_1-.Ltmp6, $4  }
0x63: {  	s14 =	sor.u32 $0x81, s3;
	[sflag:s8] =	ssyncpa.u1 $0x0;
	p0 =	sne.s32 s9, s11  }
0x64: {  	s23 =	smov.u32 s4;
	[sflag:s31] =	ssyncpa.u1 $0x0;
	s2 =	simm.s32 @!p0 $0x0  }
0x65: {  	vm0 =	vmmov $0xffff;
	v2 =	vlaneseq.u32;
	s6 =	sadd.s32 $0x13E00, s0;
	s9 =	sadd.s32 $0x37200, s0;
	s10 =	sadd.s32 s2, s10  }
0x66: {  	vm1 =	vmxor vm1, vm1;
	vm2 =	vmmov $0x1;
	vm3 =	vcmask $0x3F3C;
	p0 =	por $0x0, $0x0;
	s11 =	sadd.s32 $0x1, s10;
	s12 =	sadd.s32 $0x2, s10  }
.LBB3_9:
0x67: {  	p1 =	slt.u32 s24, $0x3  }
0x68: {  	s0 =	simm.s32 @!p1 $0x2  }
0x69: {  	_ =	swait.ge @!p1 [sflag:s0], $0x1F40  }
0x6a: {  	[sflag:s0] =	ssyncset.done @!p1 $0x0  }
0x6b: {  	[sflag:s0] =	ssyncadd.s32 @!p1 $0xFFFFE0C0;
	s0 =	simm.s32 @!p1 $0x9  }
0x6c: {  	_ =	swait.ge @!p1 [sflag:s0], $0x10  }
0x6d: {  	[sflag:s0] =	ssyncset.done @!p1 $0x0  }
0x6e: {  	[sflag:s0] =	ssyncadd.s32 @!p1 $0xFFFFFFF0;
	p1 =	sne.s32 s24, s12  }
.Ltmp7:
0x6f: {  	s2 =	sadd.s32 $0x1F40, s23;
	(pc) =	sbr.rel @!p1 .LBB3_10-.Ltmp7, $4  }
0x70: {  	s22 =	smov.u32 s4;
	s31 =	sadd.s32 $0x1, s24;
	s17 =	sadd.s32 $0x1F40, s17  }
0x71: {  	s18 =	sadd.s32 $0x1, s18;
	s25 =	smov.u32 s23;
	p2 =	slt.s32 s2, s5  }
0x72: {  	p0 =	por !p0, !p0;
	s19 =	sadd.s32 $0x1F40, s19;
	s22 =	smov.u32 @p2 s2  }
0x73: {  	s20 =	sadd.s32 $0x1, s20;
	s23 =	smov.u32 s22;
	s24 =	smov.u32 s31  }
.LBB3_1:
0x74: {  	p1 =	sge.u32 s24, s10  }
0x75: {  	s0 =	smulhi.u32 @!p1 $0xAAAAAAAB, s24;
	_ =	sdelay $0x1  }
0x76: {  	s0 =	sshrl.u32 @!p1 s0, $0x1  }
0x77: {  	s0 =	smul.u32 @!p1 $0x3, s0;
	_ =	sdelay $0x1  }
0x78: {  	s0 =	ssub.s32 @!p1 s24, s0  }
0x79: {  	s0 =	smul.u32 @!p1 $0x7D00, s0;
	_ =	sdelay $0x1  }
0x7a: {  	s2 =	sshrl.u32 @!p1 s23, $0x3;
	s0 =	sshrl.u32 @!p1 s0, $0x2  }
0x7b: {  	s22 =	sand.u32 @!p1 $0x7, s23;
	s2 =	sadd.s32 @!p1 s6, s2;
	s0 =	sadd.s32 @!p1 $0x100, s0  }
0x7c: {  	[tilespmem:s0], [sflag:$0x7] =	stream.linear.gather @!p1 [hbm4b:s2+s22], $0x1F40, $0x38;
	[tilespmem:$0x11A60] =	vst v63  }
0x7d: {  	s0 =	sadd.s32 $0xFFFFFFFF, s24  }
0x7e: {  	p1 =	sge.u32 s0, s10  }
.Ltmp8:
0x7f: {  	_ = 	snop;
	(pc) =	sbr.rel @p1 .LBB3_5-.Ltmp8, $1  }
0x80: {  	_ =	sdelay $0x3  }
0x81: {  	s2 =	smulhi.u32 $0xAAAAAAAB, s0;
	_ =	sdelay $0x1  }
0x82: {  	s2 =	sshrl.u32 s2, $0x1  }
0x83: {  	s2 =	smul.u32 $0x3, s2;
	_ =	sdelay $0x1  }
0x84: {  	s2 =	ssub.s32 s0, s2  }
0x85: {  	s2 =	smul.u32 $0x7D00, s2  }
0x86: {  	_ =	swait.ge [sflag:s7], $0x1F40  }
0x87: {  	[sflag:s7] =	ssyncset.done $0x0;
	s2 =	sshrl.u32 s2, $0x2  }
0x88: {  	[sflag:s7] =	ssyncadd.s32 $0xFFFFE0C0;
	(ifvalue) =	ssetifvalue $0xFFFFFFFF;
	v3 =	vld.msk [tilespmem:s2+$0x100 ss:$0x1], $0xffff;
	_ =	sdelay $0x2  }
0x89: {  	s30 =	smulhi.u32 $0xAAAAAAAB, s18;
	p1 =	sne.s32 s24, $0x1  }
0x8a: {  	v4 =	vimm.s32 @!p1 $0x0  }
0x8b: {  	s2 =	sshrl.u32 s30, $0x1;
	v4 =	vperm.xlane @!p1 v3, v4  }
0x8c: {  	s22 =	sshll.u32 s24, $0x4;
	s2 =	smul.u32 $0xFFFE8900, s2;
	vm4 =	vlt.u32 v3, $0x2800  }
0x8d: {  	s22 =	sand.u32 $0x10, s22;
	v3 =	vnsel vm4, $0xFFFFFFFE, v3;
	vm4 =	vlt.u32 @!p1 v4, $0x2800  }
0x8e: {  	s2 =	sshra.s32 s2, $0x2;
	[tilespmem:s22+$0x60] =	vst v3;
	v3 =	vnsel @!p1 vm4, $0xFFFFFFFE, v4  }
0x8f: {  	s28 =	sadd.s32 s2, s17;
	[tilespmem:$0x80] =	vst @!p1 v3  }
0x90: {  	v3 =	vld.msk [tilespmem:s28+$0x0 ss:$0x1], $0xffff;
	_ =	sdelay $0x4  }
0x91: {  	(xrf1) =	vunique.msk.u32 $0xffff, v3;
	_ =	sdelay $0xd  }
0x92: {  	v4 =	vimm.s32 $0xFFFFFFFF;
	v5, _, _ =	vpop (xrf1)  }
0x93: {  	vm5 =	vne.s32 v3, v4;
	vm4 =	veq.s32 v5, v2  }
0x94: {  	vm6 =	vlt.u32 v3, $0x2800;
	vm4 =	vmand vm5, vm4  }
0x95: {  	vm4 =	vmand vm6, vm4  }
0x96: {  	v4 =	vnsel vm4, $0xFFFFFFFF, v3  }
0x97: {  	s31 =	sand.u32 $0x1, s0  }
0x98: {  	s0 =	simm.s32 $0x1F40;
	p1 =	seq.s32 s31, $0x1  }
0x99: {  	s0 =	simm.s32 @!p1 $0x0  }
0x9a: {  	s26 =	sadd.s32 $0x7DF0, s0;
	(ifvalue) =	ssetifvalue $0xFFFFFFFF  }
0x9b: {  	v3 =	vperm.xlane v3, v1;
	[tilespmem:s26], [sflag:$0x8] =	stream.indirect_vreg.gather [hbm4b:s1+s16], $0x1, v4, vm0, $0x4038;
	v4 =	vnsel vm6, $0xFFFFFFFE, v4;
	[tilespmem:$0x11A60] =	vst v63  }
0x9c: {  	s2 =	simm.s32 $0x0;
	s22 =	sadd.s32 $0xFFFFFFF0, s28;
	[tilespmem:s28+$0x0] =	vst v4  }
.LBB3_3:
0x9d: {  	v4 =	vld.msk [tilespmem:s22+$0x0 ss:$0x1], $0xffff;
	s2 =	sadd.s32 $0x10, s2;
	v5 =	vmov v3;
	s28 =	smov.u32 s22  }
0x9e: {  	p1 =	slt.u32 s2, $0x1F30;
	_ =	sdelay $0x4  }
0x9f: {  	v3 =	vperm.xlane v4, v1;
	(xrf1) =	vunique.msk.u32 $0xffff, v4;
	_ =	sdelay $0xd  }
0xa0: {  	v6, _, _ =	vpop (xrf1)  }
0xa1: {  	vm5 =	vne.s32 v4, v5;
	vm4 =	veq.s32 v6, v2  }
0xa2: {  	vm6 =	vlt.u32 v4, $0x2800;
	vm4 =	vmand vm5, vm4  }
0xa3: {  	vm4 =	vmand vm6, vm4  }
0xa4: {  	v4 =	vnsel vm4, $0xFFFFFFFF, v4  }
.Ltmp9:
0xa5: {  	v5 =	vnsel vm6, $0xFFFFFFFE, v4;
	(pc) =	sbr.rel @p1 .LBB3_3-.Ltmp9, $3  }
0xa6: {  	_ =	sdelay $0x1  }
0xa7: {  	s22 =	sadd.s32 $0xFFFFFFF0, s22;
	s26 =	sadd.s32 $0xFFFFFFF0, s26;
	(ifvalue) =	ssetifvalue $0xFFFFFFFF  }
0xa8: {  	[tilespmem:s26], [sflag:$0x8] =	stream.indirect_vreg.gather [hbm4b:s1+s16], $0x1, v4, vm0, $0x4038;
	[tilespmem:s28+$0x0] =	vst v5  }
0xa9: {  	s2 =	sshrl.u32 s25, $0x3  }
0xaa: {  	s0 =	sadd.s32 $0x9D40, s0;
	s2 =	sadd.s32 s9, s2  }
0xab: {  	[tilespmem:s0], [sflag:$0x8] =	stream.linear.gather [hbm:s2], $0x1F40, $0x38;
	[tilespmem:$0x11A60] =	vst v63  }
.LBB3_5:
0xac: {  	p1 =	slt.u32 s24, $0x2  }
0xad: {  	p2 =	sge.u32 @!p1 s24, s12  }
0xae: {  	p1 =	por p1, p2  }
.Ltmp10:
0xaf: {  	_ = 	snop;
	(pc) =	sbr.rel @p1 .LBB3_9-.Ltmp10, $1  }
0xb0: {  	_ =	sdelay $0x3  }
0xb1: {  	s0 =	sadd.s32 $0xFFFFFFFE, s24  }
0xb2: {  	s2 =	smulhi.u32 $0xAAAAAAAB, s0;
	_ =	sdelay $0x1  }
0xb3: {  	s2 =	sshrl.u32 s2, $0x1  }
0xb4: {  	s2 =	smul.u32 $0x3, s2;
	_ =	sdelay $0x1  }
0xb5: {  	s0 =	ssub.s32 s0, s2  }
0xb6: {  	_ =	swait.ge [sflag:s8], $0x3E80;
	s0 =	smul.u32 $0x1F40, s0  }
0xb7: {  	p1 =	sne.s32 s24, s11;
	[sflag:s8] =	ssyncset.done $0x0  }
0xb8: {  	[sflag:s8] =	ssyncadd.s32 $0xFFFFC180;
	s2 =	sadd.s32 @!p1 $0x203F, s0  }
0xb9: {  	[spmem:s14] =	stream.linear.scatter @!p1 [tilespmem:s2], [sflag:$0x1], $0x1, $0x38;
	[tilespmem:$0x11A60] =	vst v63  }
0xba: {  	s2 =	simm.s32 @!p1 $0x1  }
0xbb: {  	_ =	swait.ge @!p1 [sflag:s2], $0x1  }
0xbc: {  	s22 =	sshll.u32 s24, $0x4;
	[sflag:s2] =	ssyncset.done @!p1 $0x0  }
0xbd: {  	s25 =	sand.u32 $0x10, s22;
	[sflag:s2] =	ssyncadd.s32 @!p1 $0xFFFFFFFF  }
0xbe: {  	s2 =	sxor.u32 $0x10, s25;
	v4 =	vld [tilespmem:s25+$0x10]  }
0xbf: {  	v5 =	vld [tilespmem:s2+$0x60]  }
0xc0: {  	v3 =	vld [tilespmem:$0x80];
	_ =	sdelay $0x2  }
0xc1: {  	(v2sf) =	vpush v4, $0x0  }
0xc2: {  	(v2sf) =	vpush v5, $0x0  }
0xc3: {  	(v2sf) =	vpush v3, $0x0;
	_ =	sdelay $0xc  }
0xc4: {  	s22 =	spop (v2sf)  }
0xc5: {  	s26 =	spop (v2sf)  }
0xc6: {  	s28 =	spop (v2sf)  }
0xc7: {  	p2 =	seq.s32 s22, s26;
	p3 =	seq.s32 s28, s22  }
0xc8: {  	p3 =	por p2, p3  }
0xc9: {  	s26 =	sand.u32 $0x1, s24;
	v4 =	vpsel p3, $0xFFFFFFFF, v4  }
0xca: {  	s29 =	smul.u32 $0x1F40, s26;
	[tilespmem:s25+$0x10] =	vst.msk $0x1, v4  }
0xcb: {  	v4 =	vld [tilespmem:$0x30]  }
0xcc: {  	v5 =	vld [tilespmem:s29+$0x9D40]  }
0xcd: {  	v6 =	vld [tilespmem:s25+$0x40];
	_ =	sdelay $0x3  }
0xce: {  	vm4 =	vmmov vm1;
	v5 =	vadd.f32 v5, v4  }
0xcf: {  	vm5 =	vmmov vm2;
	vm4 =	vmmov @p2 vm2;
	s22 =	sshll.u32 s26, $0x4;
	v4 =	vadd.f32 v6, v4  }
0xd0: {  	s26 =	sor.u32 $0x11A40, s22;
	vm5 =	vmmov @p3 vm1;
	[tilespmem:s29+$0x9D40] =	vst.msk vm4, v5  }
0xd1: {  	[tilespmem:s26+$0x0] =	vst.msk vm5, v4  }
0xd2: {  	v4 =	vld [tilespmem:s29+$0x7DF0];
	_ =	sdelay $0x3  }
0xd3: {  	v5 =	vimm.f32 $0.0e+00  }
0xd4: {  	v4 =	vshift.insert v4, v5, s21  }
0xd5: {  	s22 =	sor.u32 $0x40, s2  }
0xd6: {  	[tilespmem:s22+$0x0] =	vst.msk $0x1, v4  }
0xd7: {  	[tilespmem:s29+$0x7DFF] =	vst.msk $0x1, v5  }
0xd8: {  	v4 =	vld [tilespmem:s0+$0x2030];
	_ =	sdelay $0x1  }
0xd9: {  	s22 =	smulhi.u32 $0xAAAAAAAB, s20;
	s0 =	simm.s32 $0x1  }
0xda: {  	s0 =	simm.s32 @!p0 $0x0  }
0xdb: {  	s22 =	sshrl.u32 s22, $0x1;
	s0 =	smul.u32 $0x7D00, s0  }
0xdc: {  	s22 =	smul.u32 $0xFFFE8900, s22;
	v4 =	vshift.insert v4, v1, s21  }
0xdd: {  	s0 =	sshrl.u32 s0, $0x2  }
0xde: {  	s22 =	sshra.s32 s22, $0x2;
	s30 =	sadd.s32 $0x9D40, s0;
	[tilespmem:s2+$0x10] =	vst.msk $0x1, v4  }
0xdf: {  	s22 =	sadd.s32 s22, s19;
	v6 =	vld [tilespmem:s30+$0x0]  }
0xe0: {  	v7 =	vld [tilespmem:s22+$0x0];
	_ =	sdelay $0x3  }
0xe1: {  	v5 =	vadd.f32 v6, v5  }
0xe2: {  	vm4 =	vne.s32 v7, $0xFFFFFFFF  }
0xe3: {  	(xrf2) =	vadd.seg.scan.f32 vm4, v5;
	_ =	sdelay $0x3  }
0xe4: {  	s31 =	sadd.s32 $0x5EC0, s0;
	v5 =	vperm.xlane v4, v1  }
0xe5: {  	v6 =	vld [tilespmem:s31+$0x0]  }
0xe6: {  	vm5 =	veq.s32 v7, v3;
	vm6 =	veq.s32 v7, v5  }
0xe7: {  	vm7 =	vgt.u32 v7, $0xFFFFFFFD;
	vm6 =	vmor vm6, vm5  }
0xe8: {  	vm6 =	vmor vm6, vm7  }
0xe9: {  	v9 =	vld [tilespmem:$0xA0];
	v7 =	vsel vm6, $0xFFFFFFFF, v7  }
0xea: {  	v10 =	vld [tilespmem:$0x90];
	v6 =	vsel vm5, $0x0, v6;
	v8, _, _ =	vpop (xrf2)  }
0xeb: {  	v6 =	vadd.f32 v8, v6  }
0xec: {  	s0 =	sadd.s32 $0xDBC0, s0  }
0xed: {  	vm4 =	vmand vm4, vm3;
	[tilespmem:s0+$0x0] =	vst v6;
	(ifvalue) =	ssetifvalue $0xFFFFFFFF  }
0xee: {  	vm6 =	veq.s32 v9, $0x1;
	[hbm4b:s1+s16] =	stream.indirect_vreg.scatter [tilespmem:s0], [sflag:$0x2], $0x1, v7, vm0, $0x4038;
	v7 =	vsel vm4, $0x0, v8;
	[tilespmem:$0x11A60] =	vst v63  }
0xef: {  	s2 =	simm.s32 $0x0;
	s22 =	sadd.s32 $0x10, s22;
	vm4 =	vmor vm6, vm5;
	v6 =	vsel vm5, v8, v10;
	v7 =	vshift.insert v7, v0, s21  }
.LBB3_7:
0xf0: {  	v8 =	vld [tilespmem:s22+$0x0];
	s30 =	sadd.s32 $0x10, s30  }
0xf1: {  	s31 =	sadd.s32 $0x10, s31;
	v9 =	vld [tilespmem:s30+$0x0]  }
0xf2: {  	s2 =	sadd.s32 $0x10, s2;
	v10 =	vld [tilespmem:s31+$0x0]  }
0xf3: {  	p2 =	slt.u32 s2, $0x1F30;
	_ =	sdelay $0x2  }
0xf4: {  	v7 =	vadd.f32 v9, v7  }
0xf5: {  	vm5 =	vne.s32 v8, $0xFFFFFFFF  }
0xf6: {  	vm6 =	vmand vm5, vm3;
	(xrf2) =	vadd.seg.scan.f32 vm5, v7;
	_ =	sdelay $0x5  }
0xf7: {  	vm7 =	veq.s32 v8, v5;
	vm5 =	veq.s32 v8, v3  }
0xf8: {  	vm8 =	vgt.u32 v8, $0xFFFFFFFD;
	vm4 =	vmor vm4, vm5;
	vm7 =	vmor vm7, vm5  }
0xf9: {  	vm7 =	vmor vm7, vm8  }
0xfa: {  	v8 =	vsel vm7, $0xFFFFFFFF, v8  }
.Ltmp11:
0xfb: {  	v7 =	vsel vm5, $0x0, v10;
	v9, _, _ =	vpop (xrf2);
	(pc) =	sbr.rel @p2 .LBB3_7-.Ltmp11, $4  }
0xfc: {  	v6 =	vsel vm5, v9, v6;
	v10 =	vadd.f32 v9, v7;
	v7 =	vsel vm6, $0x0, v9  }
0xfd: {  	s0 =	sadd.s32 $0x10, s0;
	v7 =	vshift.insert v7, v0, s21  }
0xfe: {  	s22 =	sadd.s32 $0x10, s22;
	[tilespmem:s0+$0x0] =	vst v10;
	(ifvalue) =	ssetifvalue $0xFFFFFFFF  }
0xff: {  	[hbm4b:s1+s16] =	stream.indirect_vreg.scatter [tilespmem:s0], [sflag:$0x2], $0x1, v8, vm0, $0x4038;
	[tilespmem:$0x11A60] =	vst v63  }
0x100: {  	v3 =	vld [tilespmem:s29+$0xFAF0];
	_ =	sdelay $0x4  }
0x101: {  	v3 =	vshift.insert v3, v0, s21  }
0x102: {  	s0 =	simm.s32 $0x30  }
0x103: {  	[tilespmem:s0+$0x0] =	vst.msk $0x1, v3  }
0x104: {  	v3 =	vsel vm4, $0x1, v1;
	[tilespmem:$0x90] =	vst v6  }
0x105: {  	s0 =	sadd.s32 @!p1 $0xFAFF, s29;
	[tilespmem:$0xA0] =	vst v3  }
0x106: {  	[spmem:s15] =	stream.linear.scatter @!p1 [tilespmem:s0], [sflag:$0x1], $0x1, $0x38;
	[tilespmem:$0x11A60] =	vst v63  }
0x107: {  	s0 =	simm.s32 @!p1 $0x1  }
0x108: {  	v3 =	vmctz.xlane @!p1 vm4;
	_ =	swait.ge @!p1 [sflag:s0], $0x1  }
0x109: {  	(v2sf) =	vpush @!p1 v4, $0x0  }
0x10a: {  	(v2sf) =	vpush @!p1 v3, $0x0;
	_ =	sdelay $0xd  }
0x10b: {  	s2 =	spop @!p1 (v2sf)  }
0x10c: {  	s22 =	spop @!p1 (v2sf)  }
0x10d: {  	p2 =	sne.s32 @!p1 s28, s2;
	p3 =	slt.s32 @!p1 s22, $0xF  }
0x10e: {  	[sflag:s0] =	ssyncset.done @!p1 $0x0;
	p2 =	por p2, p1;
	p3 =	por !p3, p1  }
0x10f: {  	[sflag:s0] =	ssyncadd.s32 @!p1 $0xFFFFFFFF;
	v3 =	vimm.s32 @!p2 $0xFFFFFFFF;
	s22 =	simm.s32 @p3 $0xF  }
0x110: {  	[tilespmem:$0x80] =	vst @!p2 v3;
	s2 =	sadd.s32 @!p1 $0x90, s22  }
0x111: {  	[spmem:s3] =	stream.linear.scatter @!p1 [tilespmem:s2], [sflag:$0x1], $0x1, $0x38;
	[tilespmem:$0x11A60] =	vst v63  }
0x112: {  	_ =	swait.ge @!p1 [sflag:s0], $0x1  }
0x113: {  	[sflag:s0] =	ssyncset.done @!p1 $0x0  }
0x114: {  	s2 =	simm.s32 @!p1 $0x80;
	[sflag:s0] =	ssyncadd.s32 @!p1 $0xFFFFFFFF  }
0x115: {  	[spmem:s13] =	stream.linear.scatter @!p1 [tilespmem:s2], [sflag:$0x1], $0x1, $0x38;
	[tilespmem:$0x11A60] =	vst v63  }
0x116: {  	_ =	swait.ge @!p1 [sflag:s0], $0x1  }
0x117: {  	[sflag:s0] =	ssyncset.done @!p1 $0x0  }
0x118: {  	[sflag:s0] =	ssyncadd.s32 @!p1 $0xFFFFFFFF;
	(ifvalue) =	ssetifvalue $0xFFFFFFFF;
	v3 =	vld [tilespmem:s25+$0x10];
	_ =	sdelay $0x3  }
.Ltmp12:
0x119: {  	_ = 	snop;
	(pc) =	sbr.rel .LBB3_9-.Ltmp12, $3  }
0x11a: {  	_ =	sdelay $0x1  }
0x11b: {  	(ifvalue) =	ssetifvalue $0xFFFFFFFF  }
0x11c: {  	[hbm4b:s1+s16] =	stream.indirect_vreg.scatter [tilespmem:s26], [sflag:$0x9], $0x1, v3, vm0, $0x4038;
	[tilespmem:$0x11A60] =	vst v63  }
.LBB3_10:
0x11d: {  	_ =	sfence.sel $0x180000  }
0x11e: {  	s0 =	simm.s32 $0x7;
	[bflag:$0x0] =	sbarrier.arrive $0xFFFF  }
0x11f: {  	s26 =	simm.s32 $0x8;
	[sflag:s0] =	ssyncpa.u1 $0x1  }
0x120: {  	s28 =	simm.s32 $0x9;
	[sflag:s26] =	ssyncpa.u1 $0x1  }
0x121: {  	[sflag:s28] =	ssyncpa.u1 $0x1  }
0x122: {  	_ =	sfence.stream.spmem  }
0x123: {  	s29 =	simm.s32 $0x3;
	[bflag:$0x0] =	sbarrier.arrive $0xFFFF  }
0x124: {  	s30 =	simm.s32 $0x4;
	[sflag:s29] =	ssyncpa.u1 $0x1  }
0x125: {  	s31 =	simm.s32 $0x3C;
	s2 =	stileid.u32;
	[sflag:s30] =	ssyncpa.u1 $0x1  }
0x126: {  	p0 =	sne.s32 s2, $0x0;
	[sflag:s31] =	ssyncpa.u1 $0x1  }
0x127: {  	s0 =	simm.s32 @p0 $0x1;
	_ =	sfence @p0  }
0x128: {  	[sflag:s0] =	ssyncpa.u1 @p0 $0x1;
	s0 =	simm.s32 @p0 $0x2  }
0x129: {  	[sflag:s0] =	ssyncpa.u1 @p0 $0x1  }
0x12a: {  	_ =	strace @p0 $0x90000056  }
0x12b: {  	[bflag:$0x2] =	sbarrier.arrive @p0 $0xFFFF  }
0x12c: {  	_ =	shalt @p0  }
.LBB3_11:
0x12d: {  	_ =	sfence.stream.spmem;
	s0 =	simm.s32 $0x5  }
0x12e: {  	s2 =	simm.s32 $0x80;
	s3 =	simm.s32 $0xC0;
	[sflag:s0] =	ssyncpa.u1 $0x0  }
0x12f: {  	[tilespmem:s3], [sflag:$0x5] =	stream.linear.gather [spmem:s2], $0x20, $0x38;
	[tilespmem:$0x11A60] =	vst v63  }
0x130: {  	s2 =	simm.s32 $0x0;
	s3 =	simm.s32 $0xE0  }
0x131: {  	[tilespmem:s3], [sflag:$0x5] =	stream.linear.gather [spmem:s2], $0x20, $0x38;
	[tilespmem:$0x11A60] =	vst v63  }
.Ltmp13:
0x132: {  	_ = 	snop;
	(pc) =	sbr.rel .LBB3_12-.Ltmp13, $4  }
0x133: {  	_ =	swait.ge [sflag:s0], $0x40  }
0x134: {  	[sflag:s0] =	ssyncset.done $0x0  }
0x135: {  	s31 =	simm.s32 $0x6;
	[sflag:s0] =	ssyncadd.s32 $0xFFFFFFC0  }
0x136: {  	s4 =	simm.s32 $0x0;
	[sflag:s31] =	ssyncpa.u1 $0x0  }
.LBB3_17:
0x137: {  	p0 =	sgt.u32 s5, $0x27FF  }
0x138: {  	s0 =	sshrl.u32 @!p0 s5, $0x3  }
0x139: {  	s5 =	sand.u32 @!p0 $0x7, s5;
	s6 =	simm.s32 @!p0 $0xB0;
	s0 =	sadd.s32 @!p0 s1, s0  }
0x13a: {  	[tilespmem:s6], [sflag:$0x6] =	stream.linear.gather @!p0 [hbm4b:s0+s5], $0x1, $0x38;
	[tilespmem:$0x11A60] =	vst v63  }
0x13b: {  	s0 =	simm.s32 @!p0 $0x6  }
0x13c: {  	_ =	swait.ge @!p0 [sflag:s0], $0x1  }
0x13d: {  	[sflag:s0] =	ssyncset.done @!p0 $0x0  }
0x13e: {  	[sflag:s0] =	ssyncadd.s32 @!p0 $0xFFFFFFFF  }
0x13f: {  	v2 =	vmov @!p0 s4;
	v1 =	vld.msk @!p0 [tilespmem:$0xB0], $0x1;
	_ =	sdelay $0x3  }
0x140: {  	s0 =	simm.s32 @!p0 $0xE0  }
0x141: {  	[tilespmem:v2+s0+$0x0], v1 =	vst.idx.ret.add.f32.msk @!p0 $0x1, v1  }
0x142: {  	[tilespmem:s2+$0xC0] =	vst.msk $0x1, v0  }
0x143: {  	v0 =	vld.msk [tilespmem:s4+$0xE0], $0x1;
	_ =	sdelay $0x4  }
0x144: {  	[tilespmem:s2+$0xE0] =	vst.msk $0x1, v0;
	s2 =	sadd.s32 $0x1, s2  }
.LBB3_19:
0x145: {  	s4 =	sadd.s32 $0x1, s4  }
0x146: {  	p0 =	sne.s32 s4, $0x20  }
.Ltmp14:
0x147: {  	_ = 	snop;
	(pc) =	sbr.rel @!p0 .LBB3_20-.Ltmp14, $1  }
0x148: {  	_ =	sdelay $0x3  }
.LBB3_12:
0x149: {  	v0 =	vld.msk [tilespmem:s4+$0xC0], $0x1;
	_ =	sdelay $0x4  }
0x14a: {  	(v2sf) =	vpush v0, $0x0;
	_ =	sdelay $0xe  }
0x14b: {  	s5 =	spop (v2sf)  }
0x14c: {  	p0 =	seq.s32 s5, $0xFFFFFFFF  }
.Ltmp15:
0x14d: {  	_ = 	snop;
	(pc) =	sbr.rel @p0 .LBB3_19-.Ltmp15, $1  }
0x14e: {  	_ =	sdelay $0x3  }
0x14f: {  	p0 =	slt.s32 s2, $0x1  }
.Ltmp16:
0x150: {  	_ = 	snop;
	(pc) =	sbr.rel @p0 .LBB3_17-.Ltmp16, $1  }
0x151: {  	_ =	sdelay $0x3  }
0x152: {  	s0 =	simm.s32 $0xC0;
	p0 =	por $0x0, $0x0  }
0x153: {  	v1 =	vld.msk @!p0 [tilespmem:s0+$0x0], $0x1;
	_ =	sdelay $0x4  }
0x154: {  	(v2sf) =	vpush @!p0 v1, $0x0;
	_ =	sdelay $0xd  }
0x155: {  	p2 =	sne.s32 s2, $0x1  }
.Ltmp17:
0x156: {  	s6 =	spop @!p0 (v2sf);
	(pc) =	sbr.rel @!p2 .LBB3_16-.Ltmp17, $4  }
0x157: {  	p1 =	seq.s32 @!p0 s5, s6  }
0x158: {  	s6 =	simm.s32 $0x0;
	p1 =	por !p1, p0  }
0x159: {  	s8 =	simm.s32 $0xFFFFFFFF;
	s6 =	simm.s32 @p1 $0xFFFFFFFF  }
0x15a: {  	s7 =	simm.s32 $0x1;
	s6 =	smov.u32 @p0 s8  }
.LBB3_15:
0x15b: {  	s8 =	smov.u32 s6;
	p0 =	sne.s32 s6, $0xFFFFFFFF  }
0x15c: {  	s0 =	sadd.s32 $0x1, s0;
	s6 =	smov.u32 s7;
	s7 =	sadd.s32 $0x1, s7  }
0x15d: {  	p1 =	sne.s32 s2, s7;
	v1 =	vld.msk @!p0 [tilespmem:s0+$0x0], $0x1;
	_ =	sdelay $0x4  }
0x15e: {  	(v2sf) =	vpush @!p0 v1, $0x0;
	_ =	sdelay $0xe  }
.Ltmp18:
0x15f: {  	s9 =	spop @!p0 (v2sf);
	(pc) =	sbr.rel @p1 .LBB3_15-.Ltmp18, $4  }
0x160: {  	p2 =	seq.s32 @!p0 s5, s9  }
0x161: {  	p2 =	por !p2, p0  }
0x162: {  	s6 =	simm.s32 @p2 $0xFFFFFFFF  }
0x163: {  	s6 =	smov.u32 @p0 s8  }
.LBB3_16:
0x164: {  	p0 =	sne.s32 s6, $0xFFFFFFFF  }
.Ltmp19:
0x165: {  	_ = 	snop;
	(pc) =	sbr.rel @!p0 .LBB3_17-.Ltmp19, $1  }
0x166: {  	_ =	sdelay $0x3  }
0x167: {  	v0 =	vld.msk [tilespmem:s4+$0xE0], $0x1;
	v1 =	vmov s6  }
.Ltmp20:
0x168: {  	_ = 	snop;
	(pc) =	sbr.rel .LBB3_19-.Ltmp20, $2  }
0x169: {  	_ =	sdelay $0x2  }
0x16a: {  	[tilespmem:v1+s3+$0x0], v0 =	vst.idx.ret.add.f32.msk $0x1, v0  }
.LBB3_20:
0x16b: {  	p0 =	slt.s32 s2, $0x1  }
.Ltmp21:
0x16c: {  	_ = 	snop;
	(pc) =	sbr.rel @p0 .LBB3_24-.Ltmp21, $3  }
0x16d: {  	_ =	sdelay $0x1  }
0x16e: {  	s0 =	simm.s32 $0x6  }
0x16f: {  	s3 =	simm.s32 $0x0;
	[sflag:s0] =	ssyncpa.u1 $0x1  }
0x170: {  	s0 =	simm.s32 $0xC0  }
0x171: {  	v0 =	vld.msk [tilespmem:s0+$0x0], $0x1;
	_ =	sdelay $0x4  }
0x172: {  	(v2sf) =	vpush v0, $0x0;
	_ =	sdelay $0xe  }
0x173: {  	s2 =	sadd.s32 $0xFFFFFFFF, s2;
	s4 =	spop (v2sf)  }
0x174: {  	p1 =	sne.s32 s2, $0x0;
	p0 =	sgt.u32 s4, $0x27FF  }
.Ltmp22:
0x175: {  	s5 =	sshrl.u32 @!p0 s4, $0x3;
	(pc) =	sbr.rel @!p1 .LBB3_23-.Ltmp22, $4  }
0x176: {  	s0 =	simm.s32 $0xE0;
	s4 =	sand.u32 @!p0 $0x7, s4;
	s5 =	sadd.s32 @!p0 s1, s5  }
0x177: {  	[hbm4b:s5+s4] =	stream.linear.scatter @!p0 [tilespmem:s0], [sflag:$0x5], $0x1, $0x38;
	[tilespmem:$0x11A60] =	vst v63  }
0x178: {  	s5 =	simm.s32 $0x0  }
0x179: {  	s4 =	simm.s32 $0xC1;
	s5 =	simm.s32 @!p0 $0x4  }
.LBB3_22:
0x17a: {  	v0 =	vld.msk [tilespmem:s4+$0x0], $0x1;
	s2 =	sadd.s32 $0xFFFFFFFF, s2;
	s3 =	sadd.s32 s3, s5  }
0x17b: {  	p0 =	sne.s32 s2, $0x0;
	_ =	sdelay $0x3  }
0x17c: {  	(v2sf) =	vpush v0, $0x0;
	_ =	sdelay $0xe  }
.Ltmp23:
0x17d: {  	s6 =	spop (v2sf);
	(pc) =	sbr.rel @p0 .LBB3_22-.Ltmp23, $4  }
0x17e: {  	s5 =	simm.s32 $0x0;
	p1 =	sgt.u32 s6, $0x27FF  }
0x17f: {  	s0 =	sadd.s32 $0x1, s0;
	s5 =	simm.s32 @!p1 $0x4;
	s7 =	sshrl.u32 @!p1 s6, $0x3  }
0x180: {  	s4 =	sadd.s32 $0x1, s4;
	s6 =	sand.u32 @!p1 $0x7, s6;
	s7 =	sadd.s32 @!p1 s1, s7  }
0x181: {  	[hbm4b:s7+s6] =	stream.linear.scatter @!p1 [tilespmem:s0], [sflag:$0x5], $0x1, $0x38;
	[tilespmem:$0x11A60] =	vst v63  }
.LBB3_23:
0x182: {  	s0 =	sadd.s32 s3, s5  }
0x183: {  	s3 =	sshrl.u32 s0, $0x2  }
.LBB3_24:
0x184: {  	s0 =	simm.s32 $0x5  }
0x185: {  	_ =	swait.ge [sflag:s0], s3  }
0x186: {  	s1 =	ssub.s32 $0x0, s3;
	[sflag:s0] =	ssyncset.done $0x0  }
0x187: {  	[sflag:s0] =	ssyncadd.s32 s1  }
0x188: {  	[sflag:s0] =	ssyncpa.u1 $0x1  }
0x189: {  	s29 =	simm.s32 $0x1;
	_ =	sfence  }
0x18a: {  	s30 =	simm.s32 $0x2;
	[sflag:s29] =	ssyncpa.u1 $0x1  }
0x18b: {  	[sflag:s30] =	ssyncpa.u1 $0x1  }
0x18c: {  	_ =	strace $0x90000056  }
0x18d: {  	[bflag:$0x2] =	sbarrier.arrive $0xFFFF  }
0x18e: {  	s31 =	rddreg [dreg:$0x2]  }
0x18f: {  	s0 =	sadd.s32 $0x100000, s31  }
0x190: {  	[sflag:s0] =	ssyncadd.tile.s32 $0x1;
	_ =	shalt  }
.Lfunc_end3:
_tile_overlayer_lowered:
.L_overlay_start_3:
0x191: {  	(tag) =	ssettag $0x3  }
0x192: {  	s0 =	rddreg [dreg:$0x0];
	s2 =	stileid.u32  }
0x193: {  	s1 =	rddreg [dreg:$0x1];
	p0 =	sne.s32 s2, $0x0  }
0x194: {  	s3 =	rddreg [dreg:$0x2];
	[bflag:$0x3] =	sbarrier.arrive $0xFFFF;
	s2 =	simm.s32 @!p0 $0x1C01  }
0x195: {  	[timem:s3], [sflag:s2] =	dma.local @!p0 [hbm:s0], s1  }
0x196: {  	s0 =	simm.s32 @!p0 $0x1  }
0x197: {  	_ =	swait.ge @!p0 [sflag:s0], s1  }
0x198: {  	s1 =	ssub.s32 @!p0 $0x0, s1;
	[sflag:s0] =	ssyncset.done @!p0 $0x0  }
0x199: {  	[sflag:s0] =	ssyncadd.s32 @!p0 s1  }
0x19a: {  	[bflag:$0x3] =	sbarrier.arrive $0xFFFF  }
0x19b: {  	_ =	shalt  }

// kernel: scatter_offload_async_start.5
scs
__scs_entry_jumppad:
0x0: {  	(pc) =	sbr.rel $0x88, $3  }
0x1: {  	(tag) =	ssettag $0x0;
	lr =	simm.s32 $0x1  }
0x2: {  	[smem:$0x3F80] =	sst lr;
	_ =	strace $0xD0000000  }
0x3: {  	_ = 	snop  }
0x4: {  	_ = 	snop  }
0x5: {  	_ = 	snop  }
0x6: {  	_ = 	snop  }
0x7: {  	_ = 	snop  }
__scs_overlays_trampoline_lowered:
0x8: {  	[smem:$0x3F8F] =	sst s0  }
0x9: {  	[smem:$0x3F90] =	sst s1  }
0xa: {  	[smem:$0x3F91] =	sst s2  }
0xb: {  	[smem:$0x3F92] =	sst s3  }
0xc: {  	[smem:$0x3F93] =	sst s4  }
0xd: {  	[smem:$0x3F94] =	sst s5  }
0xe: {  	[smem:$0x3F95] =	sst s6  }
0xf: {  	[smem:$0x3F96] =	sst s7  }
0x10: {  	[smem:$0x3F97] =	sst s8  }
0x11: {  	[smem:$0x3F98] =	sst s9;
	s0 =	simm.s32 @!p0 $0x0  }
0x12: {  	s1 =	sld [smem:$0x3F7E];
	s0 =	simm.s32 @p0 $0x1  }
0x13: {  	[smem:$0x3F99] =	sst s0;
	s0 =	simm.s32 @!p1 $0x0  }
0x14: {  	s2 =	sld [smem:$0x3F7D];
	s0 =	simm.s32 @p1 $0x1  }
0x15: {  	[smem:$0x3F9A] =	sst s0;
	s0 =	simm.s32 @!p2 $0x0  }
0x16: {  	s3 =	sld [smem:$0x3FDB];
	s0 =	simm.s32 @p2 $0x1  }
0x17: {  	s4 =	simm.s32 $0x1BF5;
	[smem:$0x3F9C] =	sst s0  }
0x18: {  	s0 =	sld [smem:$0x3F7F];
	_ =	swait.ge [sflag:s4], $0x0  }
0x19: {  	s7 =	sld [smem:$0x3F80]  }
0x1a: {  	s8 =	sadd.s32 $0xFFFFE003, lr  }
0x1b: {  	s9 =	sadd.s32 $0xFFFFFEF7, lr;
	s5 =	simm.s32 $0xFFFFFFFF;
	p2 =	slt.u32 s8, $0xFFFFF086  }
0x1c: {  	p1 =	slt.u32 s9, $0xF7A;
	s5 =	simm.s32 @!p2 $0x0  }
0x1d: {  	s5 =	simm.s32 @p1 $0x1;
	p0 =	seq.s32 s7, s2  }
0x1e: {  	s7 =	smul.u32 @!p0 $0xF7A, s2;
	p2 =	seq.s32 @!p0 s5, $0x0  }
0x1f: {  	s9 =	smul.u32 $0xF7A, s1;
	s8 =	simm.s32 @!p0 $0x1BF5;
	p2 =	por !p2, p0  }
0x20: {  	[sflag:s8] =	ssyncset.s32 @!p0 $0xFFFFF086;
	s6 =	sadd.s32 @!p0 s3, s7;
	s7 =	simm.s32 @!p0 $0x108  }
0x21: {  	s3 =	sadd.s32 s3, s9;
	s6 =	sadd.s32 @!p0 $0x88, s6;
	s7 =	simm.s32 @p2 $0x1082  }
0x22: {  	[simem:s7], [sflag:s8] =	dma.local @!p0 [hbm:s6], $0xF7A  }
0x23: {  	s9 =	sor.u32 $0xD0000000, s2;
	s6 =	simm.s32 $0x108;
	_ =	swait.ge @!p0 [sflag:s8], $0x0  }
0x24: {  	s3 =	sadd.s32 $0x88, s3;
	s6 =	simm.s32 @!p1 $0x1082;
	[sflag:s4] =	ssyncset.s32 $0xFFFFF086  }
0x25: {  	[simem:s6], [sflag:s4] =	dma.local [hbm:s3], $0xF7A  }
0x26: {  	[smem:$0x3F80] =	sst s1;
	(tag) =	ssettag s2;
	_ =	strace s9  }
0x27: {  	s1 =	sld [smem:$0x3F90]  }
0x28: {  	s2 =	sld [smem:$0x3F91]  }
0x29: {  	s4 =	sld [smem:$0x3F93]  }
0x2a: {  	p0 =	seq.s32 s5, $0x0;
	s5 =	sld [smem:$0x3F94]  }
0x2b: {  	s6 =	sld [smem:$0x3F95]  }
0x2c: {  	s7 =	sld [smem:$0x3F96]  }
0x2d: {  	s3 =	simm.s32 $0x108;
	s8 =	sld [smem:$0x3F97]  }
0x2e: {  	s3 =	simm.s32 @!p0 $0x1082;
	s9 =	sld [smem:$0x3F98]  }
0x2f: {  	lr =	sadd.s32 s0, s3;
	s0 =	sld [smem:$0x3F8F]  }
0x30: {  	s3 =	sld [smem:$0x3F92]  }
0x31: {  	[smem:$0x3F9B] =	sst s10  }
0x32: {  	s10 =	sld [smem:$0x3F99];
	_ =	sdelay $0x3  }
0x33: {  	p0 =	seq.s32 s10, $0x1;
	s10 =	sld [smem:$0x3F9B];
	_ =	sdelay $0x3  }
0x34: {  	[smem:$0x3F9B] =	sst s10  }
0x35: {  	s10 =	sld [smem:$0x3F9A];
	_ =	sdelay $0x3  }
0x36: {  	p1 =	seq.s32 s10, $0x1;
	s10 =	sld [smem:$0x3F9B];
	_ =	sdelay $0x3  }
0x37: {  	[smem:$0x3F9B] =	sst s10  }
0x38: {  	s10 =	sld [smem:$0x3F9C]  }
0x39: {  	_ = 	snop;
	(pc) =	sbr.ind lr, $3  }
0x3a: {  	_ = 	snop  }
0x3b: {  	_ = 	snop  }
0x3c: {  	p2 =	seq.s32 s10, $0x1;
	s10 =	sld [smem:$0x3F9B]  }
0x3d: {  	_ =	shalt  }
0x3e: {  	_ =	shalt  }
0x3f: {  	_ =	shalt  }
0x40: {  	_ =	shalt  }
0x41: {  	_ =	shalt  }
0x42: {  	_ =	shalt  }
0x43: {  	_ =	shalt  }
0x44: {  	_ =	shalt  }
0x45: {  	_ =	shalt  }
0x46: {  	_ =	shalt  }
0x47: {  	_ =	shalt  }
0x48: {  	_ =	shalt  }
0x49: {  	_ =	shalt  }
0x4a: {  	_ =	shalt  }
0x4b: {  	_ =	shalt  }
0x4c: {  	_ =	shalt  }
0x4d: {  	_ =	shalt  }
0x4e: {  	_ =	shalt  }
0x4f: {  	_ =	shalt  }
0x50: {  	_ =	shalt  }
0x51: {  	_ =	shalt  }
0x52: {  	_ =	shalt  }
0x53: {  	_ =	shalt  }
0x54: {  	_ =	shalt  }
0x55: {  	_ =	shalt  }
0x56: {  	_ =	shalt  }
0x57: {  	_ =	shalt  }
0x58: {  	_ =	shalt  }
0x59: {  	_ =	shalt  }
0x5a: {  	_ =	shalt  }
0x5b: {  	_ =	shalt  }
0x5c: {  	_ =	shalt  }
0x5d: {  	_ =	shalt  }
0x5e: {  	_ =	shalt  }
0x5f: {  	_ =	shalt  }
0x60: {  	_ =	shalt  }
0x61: {  	_ =	shalt  }
0x62: {  	_ =	shalt  }
0x63: {  	_ =	shalt  }
0x64: {  	_ =	shalt  }
0x65: {  	_ =	shalt  }
0x66: {  	_ =	shalt  }
0x67: {  	_ =	shalt  }
0x68: {  	_ =	shalt  }
0x69: {  	_ =	shalt  }
0x6a: {  	_ =	shalt  }
0x6b: {  	_ =	shalt  }
0x6c: {  	_ =	shalt  }
0x6d: {  	_ =	shalt  }
0x6e: {  	_ =	shalt  }
0x6f: {  	_ =	shalt  }
0x70: {  	_ =	shalt  }
0x71: {  	_ =	shalt  }
0x72: {  	_ =	shalt  }
0x73: {  	_ =	shalt  }
0x74: {  	_ =	shalt  }
0x75: {  	_ =	shalt  }
0x76: {  	_ =	shalt  }
0x77: {  	_ =	shalt  }
0x78: {  	_ =	shalt  }
0x79: {  	_ =	shalt  }
0x7a: {  	_ =	shalt  }
0x7b: {  	_ =	shalt  }
0x7c: {  	_ =	shalt  }
0x7d: {  	_ =	shalt  }
0x7e: {  	_ =	shalt  }
0x7f: {  	_ =	shalt  }
0x80: {  	_ =	shalt  }
0x81: {  	_ =	shalt  }
0x82: {  	_ =	shalt  }
0x83: {  	_ =	shalt  }
0x84: {  	_ =	shalt  }
0x85: {  	_ =	shalt  }
0x86: {  	_ =	shalt  }
0x87: {  	_ =	shalt  }
.Lfunc_end0:
.L_simem_size_0:
called_computation.5_lowered:
.L_overlay_start_0:
0x88: {  	s0 =	sld [smem:$0x3FD9]  }
0x89: {  	s1 =	sld [smem:$0x3FFE];
	_ =	sdelay $0x3  }
0x8a: {  	s0 =	sadd.s32 s1, s0  }
0x8b: {  	[smem:$0x3FA7] =	sst s0  }
0x8c: {  	_ = 	snop  }
0x8d: {  	s0 =	sld [smem:$0x3FD0];
	_ =	sdelay $0x2  }
0x8e: {  	s13 =	simm.s32 $0x15;
	s2 =	simm.s32 $0x10  }
0x8f: {  	[smem:s2], [sflag:s13] =	dma.local [hbm:s0], $0x1  }
0x90: {  	_ =	swait.eq [sflag:s13], $0x1  }
0x91: {  	[sflag:s13] =	ssyncset.done $0x0  }
0x92: {  	[sflag:s13] =	ssyncadd.s32 $0xFFFFFFFF  }
0x93: {  	s1 =	sld [smem:$0x10]  }
0x94: {  	s14 =	sld [smem:$0x12];
	(tm) =	ssettm $0x1  }
0x95: {  	s15 =	sld [smem:$0x3FFB];
	_ =	sdelay $0x3  }
0x96: {  	_ =	strace s15  }
0x97: {  	s0 =	sld [smem:$0x3FFC];
	_ =	sdelay $0x3  }
0x98: {  	_ =	strace s0  }
0x99: {  	s0 =	sld [smem:$0x3FFD];
	_ =	sdelay $0x3  }
0x9a: {  	_ =	strace s0  }
0x9b: {  	_ =	strace $0x8FFFFFFF  }
0x9c: {  	s16 =	sld [smem:$0x3FDB];
	_ =	sdelay $0x1  }
0x9d: {  	s3 =	simm.s32 $_scs_section_size  }
0x9e: {  	s4 =	simm.s32 $_size__tile_overlayer_lowered;
	s5 =	simm.s32 $_tile_overlayer_lowered  }
0x9f: {  	s6 =	simm.s32 $0x1BFF;
	s17 =	sshll.u32 s5, $0x1;
	s3 =	sadd.s32 s3, s16  }
0xa0: {  	s18 =	simm.s32 $0x0;
	s4 =	sshll.u32 s4, $0x1;
	s5 =	sadd.s32 s17, s3  }
0xa1: {  	[timem:s18], [sflag:s6] =	dma.local [hbm:s5], s4  }
0xa2: {  	_ =	swait.ge [sflag:s6], s4  }
0xa3: {  	s4 =	ssub.s32 $0x0, s4;
	[sflag:s6] =	ssyncset.done $0x0  }
0xa4: {  	[sflag:s6] =	ssyncadd.s32 s4;
	_ =	sdelay $0x1  }
0xa5: {  	s19 =	simm.s32 $0x1B8B  }
0xa6: {  	_ =	swait.ge [sflag:s19], $0x1  }
0xa7: {  	[sflag:s19] =	ssyncset.done $0x0  }
0xa8: {  	s21 =	simm.s32 $0x1B8E;
	s20 =	sld [smem:$0x3FFE];
	[sflag:s19] =	ssyncadd.s32 $0xFFFFFFFF  }
0xa9: {  	s22 =	simm.s32 $execute0_lowered;
	[smem:$0x3FD2] =	sst s21  }
0xaa: {  	s5 =	sshll.u32 s22, $0x1;
	_ =	strace $0x8000004C;
	[dreg:$0x1] =	wrdreg $0xFFFFFFFF  }
0xab: {  	s23 =	simm.s32 $_size_execute0_lowered;
	s5 =	sadd.s32 s3, s5;
	[dreg:$0x0] =	wrdreg $0x0  }
0xac: {  	s6 =	sshll.u32 s23, $0x1;
	[dreg:$0x2] =	wrdreg s5  }
0xad: {  	[dreg:$0x3] =	wrdreg s6  }
0xae: {  	[dreg:$0x4] =	wrdreg $0xC0  }
0xaf: {  	s24 =	simm.s32 $execute1_lowered;
	_ =	task [dreg:s18], $0x5FFFF  }
0xb0: {  	s5 =	sshll.u32 s24, $0x1;
	[dreg:$0x1] =	wrdreg $0xFFFFFFFF  }
0xb1: {  	s3 =	sadd.s32 s3, s5;
	[dreg:$0x0] =	wrdreg $0x60  }
0xb2: {  	[dreg:$0x2] =	wrdreg s3  }
0xb3: {  	[dreg:$0x3] =	wrdreg s14  }
0xb4: {  	[dreg:$0x4] =	wrdreg s1  }
0xb5: {  	[dreg:$0x5] =	wrdreg $0x11  }
0xb6: {  	_ =	task.clear_ibuf [dreg:s18], $0x6FFFF;
	_ =	strace $0x9000004C  }
0xb7: {  	s25 =	simm.s32 $0x11;
	_ =	strace $0x8000004E  }
0xb8: {  	_ =	swait.ge [sflag:s25], $0x1  }
0xb9: {  	[sflag:s25] =	ssyncadd.s32 $0xFFFFFFFF  }
0xba: {  	_ =	strace $0x9000004E  }
0xbb: {  	_ =	strace $0x8000004F;
	[dreg:$0x1] =	wrdreg $0xFFFFFFFF  }
0xbc: {  	[dreg:$0x0] =	wrdreg $0x2030  }
0xbd: {  	[dreg:$0x2] =	wrdreg s1  }
0xbe: {  	[dreg:$0x3] =	wrdreg s20  }
0xbf: {  	[dreg:$0x4] =	wrdreg $0x12  }
0xc0: {  	_ =	task.clear_ibuf [dreg:s18], $0x5FFFF;
	_ =	strace $0x9000004F  }
0xc1: {  	s26 =	simm.s32 $0x12;
	_ =	strace $0x80000051  }
0xc2: {  	_ =	swait.ge [sflag:s26], $0x1  }
0xc3: {  	[sflag:s26] =	ssyncadd.s32 $0xFFFFFFFF  }
0xc4: {  	_ =	strace $0x90000051  }
0xc5: {  	_ =	sfence  }
0xc6: {  	s28 =	sld [smem:$0x0];
	_ =	sdelay $0x1  }
0xc7: {  	s29 =	srdreg.scid  }
0xc8: {  	s30 =	sshll.u32 s29, $0xD;
	s31 =	sshrl.u32 s29, $0x2  }
0xc9: {  	s2 =	sand.u32 $0x1, s29;
	s3 =	sand.u32 $0x4000, s30;
	s1 =	sadd.s32 s31, s28  }
0xca: {  	s2 =	sor.u32 s3, s2;
	s1 =	sshll.u32 s1, $0x11  }
0xcb: {  	s1 =	sor.u32 s1, s2  }
0xcc: {  	s1 =	sadd.s32 $0x8F2B, s1  }
0xcd: {  	[sflag:s1] =	ssyncadd.remote.s32 $0x1  }
0xce: {  	_ =	sfence.sel $0xFFFF  }
0xcf: {  	[dreg:$0x0] =	wrdreg $0xFFFFFFFF;
	(pc) =	sbr.abs _section_cstart, $3  }
0xd0: {  	[dreg:$0x1] =	wrdreg $0xFFFFFFFF  }
0xd1: {  	_ =	task.clear_ibuf [dreg:s18], $0x2FFFF;
	_ =	strace $0x9FFFFFFF  }
0xd2: {  	(tm) =	ssettm $0x7FFFFFFF  }
0xd3: {  	_ =	shalt  }
tec
execute0_lowered:
.L_overlay_start_1:
0x0: {  	(tag) =	ssettag $0x1  }
0x1: {  	s3 =	rddreg [dreg:$0x0]  }
0x2: {  	s7 =	rddreg [dreg:$0x1]  }
0x3: {  	s2 =	rddreg [dreg:$0x2]  }
0x4: {  	s0 =	rddreg [dreg:$0x3]  }
0x5: {  	s5 =	stileid.u32;
	[bflag:$0x3] =	sbarrier.arrive $0xFFFF;
	s1 =	simm.s32 $_size_execute1_lowered  }
0x6: {  	s9 =	simm.s32 $0x1;
	p0 =	sne.s32 s5, $0x0;
	s1 =	sshll.u32 s1, $0x1  }
0x7: {  	p1 =	seq.s32 s5, $0x0;
	s4 =	simm.s32 @!p0 $0x1C3F;
	s6 =	simm.s32 @!p0 $0x4060  }
0x8: {  	[timem:s6], [sflag:s4] =	dma.local @!p0 [hbm:s3], s1  }
0x9: {  	s31 =	simm.s32 $0x2;
	s9 =	simm.s32 @!p1 $0x0;
	s4 =	smul.u32 $0x280, s5  }
0xa: {  	s6 =	simm.s32 @!p0 $0x2800;
	s3 =	simm.s32 $0x0;
	s5 =	simm.s32 $0x1  }
.Ltmp0:
0xb: {  	s6 =	simm.s32 @p0 $0x0;
	s8 =	ssub.s32 $0x2800, s4;
	(pc) =	sbr.rel .LBB2_1-.Ltmp0, $4  }
0xc: {  	_ =	strace $0x8000004D;
	p1 =	sne.s32 s8, s6;
	s6 =	simm.s32 $0x1  }
0xd: {  	[sflag:s5] =	ssyncpa.u1 $0x0;
	s10 =	sshrl.u32 s4, $0x3;
	s6 =	simm.s32 @!p1 $0x0  }
0xe: {  	[sflag:s31] =	ssyncpa.u1 $0x0;
	s7 =	sadd.s32 s10, s7;
	s6 =	sadd.s32 s9, s6  }
0xf: {  	s10 =	simm.s32 $0x0;
	s9 =	simm.s32 $0x0;
	s8 =	sadd.s32 $0x1, s6  }
.LBB2_7:
0x10: {  	p2 =	sne.s32 s9, s8  }
.Ltmp1:
0x11: {  	p1 =	slt.u32 s9, $0x2;
	(pc) =	sbr.rel @!p2 .LBB2_8-.Ltmp1, $4  }
0x12: {  	s10 =	simm.s32 @!p1 $0x2  }
0x13: {  	_ =	swait.ge @!p1 [sflag:s10], $0x280  }
0x14: {  	s11 =	sadd.s32 $0x1, s9;
	[sflag:s10] =	ssyncset.done @!p1 $0x0  }
0x15: {  	s9 =	smov.u32 s11;
	[sflag:s10] =	ssyncadd.s32 @!p1 $0xFFFFFD80;
	s10 =	smov.u32 s4  }
.LBB2_1:
0x16: {  	p1 =	sge.u32 s9, s6  }
0x17: {  	s11 =	sxor.u32 @!p1 $0x1, s9  }
0x18: {  	s11 =	smul.u32 @!p1 $0xA00, s11;
	_ =	sdelay $0x1  }
0x19: {  	s31 =	sadd.s32 $0xFFFFFFFF, s9;
	s12 =	simm.s32 @!p1 $0x0;
	s11 =	sshra.s32 @!p1 s11, $0x2  }
0x1a: {  	[tilespmem:s11], [sflag:$0x1] =	stream.linear.gather @!p1 [hbm4b:s7+s12], $0x280, $0x38;
	[tilespmem:$0xA00] =	vst v63  }
0x1b: {  	p1 =	sge.u32 s31, s6  }
.Ltmp2:
0x1c: {  	_ = 	snop;
	(pc) =	sbr.rel @p1 .LBB2_7-.Ltmp2, $1  }
0x1d: {  	_ =	sdelay $0x3  }
0x1e: {  	s11 =	sand.u32 $0x1, s9  }
0x1f: {  	s12 =	simm.s32 $0x280;
	p1 =	seq.s32 s11, $0x1  }
0x20: {  	s12 =	simm.s32 @!p1 $0x0  }
0x21: {  	v0 =	vmov s12  }
0x22: {  	_ =	swait.ge [sflag:s5], $0x280  }
0x23: {  	[sflag:s5] =	ssyncset.done $0x0;
	s11 =	sor.u32 $0x500, s12  }
0x24: {  	s13 =	simm.s32 $0x0;
	[sflag:s5] =	ssyncadd.s32 $0xFFFFFD80;
	p1 =	por $0x1, $0x1;
	v1 =	vmov s11  }
.LBB2_3:
0x25: {  	s14 =	sor.u32 $0x10, s13  }
0x26: {  	v2 =	vld.idx.msk [tilespmem:v0+s14+$0x0 ss:$0x1], $0xffff  }
0x27: {  	s15 =	sor.u32 $0x20, s13;
	v60 =	vld.idx.msk [tilespmem:v0+s13+$0x0 ss:$0x1], $0xffff  }
0x28: {  	s16 =	sor.u32 $0x30, s13;
	v3 =	vld.idx.msk [tilespmem:v0+s15+$0x0 ss:$0x1], $0xffff  }
0x29: {  	s17 =	sor.u32 $0x40, s13;
	v4 =	vld.idx.msk [tilespmem:v0+s16+$0x0 ss:$0x1], $0xffff  }
0x2a: {  	s19 =	sor.u32 $0x60, s13;
	v5 =	vld.idx.msk [tilespmem:v0+s17+$0x0 ss:$0x1], $0xffff  }
0x2b: {  	s18 =	sor.u32 $0x50, s13;
	[tilespmem:v1+s14+$0x0 ss:$0x1] =	vst.idx.msk $0xffff, v2;
	v2 =	vld.idx.msk [tilespmem:v0+s19+$0x0 ss:$0x1], $0xffff  }
0x2c: {  	s23 =	sor.u32 $0x80, s13;
	v6 =	vld.idx.msk [tilespmem:v0+s18+$0x0 ss:$0x1], $0xffff;
	[tilespmem:v1+s13+$0x0 ss:$0x1] =	vst.idx.msk $0xffff, v60  }
0x2d: {  	s24 =	sor.u32 $0x90, s13;
	v58 =	vld.idx.msk [tilespmem:v0+s23+$0x0 ss:$0x1], $0xffff;
	[tilespmem:v1+s15+$0x0 ss:$0x1] =	vst.idx.msk $0xffff, v3  }
0x2e: {  	s22 =	sor.u32 $0x70, s13;
	v59 =	vld.idx.msk [tilespmem:v0+s24+$0x0 ss:$0x1], $0xffff;
	[tilespmem:v1+s16+$0x0 ss:$0x1] =	vst.idx.msk $0xffff, v4  }
0x2f: {  	s25 =	sor.u32 $0xA0, s13;
	v3 =	vld.idx.msk [tilespmem:v0+s22+$0x0 ss:$0x1], $0xffff;
	[tilespmem:v1+s17+$0x0 ss:$0x1] =	vst.idx.msk $0xffff, v5  }
0x30: {  	s28 =	sor.u32 $0xC0, s13;
	[tilespmem:v1+s19+$0x0 ss:$0x1] =	vst.idx.msk $0xffff, v2;
	v2 =	vld.idx.msk [tilespmem:v0+s25+$0x0 ss:$0x1], $0xffff  }
0x31: {  	s29 =	sor.u32 $0xD0, s13;
	v61 =	vld.idx.msk [tilespmem:v0+s28+$0x0 ss:$0x1], $0xffff;
	[tilespmem:v1+s18+$0x0 ss:$0x1] =	vst.idx.msk $0xffff, v6  }
0x32: {  	s30 =	sor.u32 $0xE0, s13;
	v62 =	vld.idx.msk [tilespmem:v0+s29+$0x0 ss:$0x1], $0xffff;
	[tilespmem:v1+s23+$0x0 ss:$0x1] =	vst.idx.msk $0xffff, v58  }
0x33: {  	s26 =	sor.u32 $0xB0, s13;
	v63 =	vld.idx.msk [tilespmem:v0+s30+$0x0 ss:$0x1], $0xffff;
	[tilespmem:v1+s24+$0x0 ss:$0x1] =	vst.idx.msk $0xffff, v59  }
0x34: {  	s31 =	sor.u32 $0xF0, s13;
	[tilespmem:v1+s22+$0x0 ss:$0x1] =	vst.idx.msk $0xffff, v3;
	v3 =	vld.idx.msk [tilespmem:v0+s26+$0x0 ss:$0x1], $0xffff  }
0x35: {  	p2 =	por p1, p1;
	[tilespmem:v1+s25+$0x0 ss:$0x1] =	vst.idx.msk $0xffff, v2;
	v2 =	vld.idx.msk [tilespmem:v0+s31+$0x0 ss:$0x1], $0xffff  }
.Ltmp3:
0x36: {  	[tilespmem:v1+s28+$0x0 ss:$0x1] =	vst.idx.msk $0xffff, v61;
	(pc) =	sbr.rel @p2 .LBB2_3-.Ltmp3, $4  }
0x37: {  	[tilespmem:v1+s29+$0x0 ss:$0x1] =	vst.idx.msk $0xffff, v62  }
0x38: {  	[tilespmem:v1+s30+$0x0 ss:$0x1] =	vst.idx.msk $0xffff, v63  }
0x39: {  	[tilespmem:v1+s26+$0x0 ss:$0x1] =	vst.idx.msk $0xffff, v3  }
0x3a: {  	p1 =	por $0x0, $0x0;
	s13 =	simm.s32 $0x100;
	[tilespmem:v1+s31+$0x0 ss:$0x1] =	vst.idx.msk $0xffff, v2  }
0x3b: {  	s13 =	sadd.s32 $0x700, s12;
	s12 =	sadd.s32 $0x200, s12;
	s14 =	simm.s32 $0x1F0  }
.LBB2_5:
0x3c: {  	s14 =	sadd.s32 $0x10, s14  }
0x3d: {  	v0 =	vld [tilespmem:s12+$0x0];
	p1 =	slt.u32 s14, $0x270  }
.Ltmp4:
0x3e: {  	_ = 	snop;
	(pc) =	sbr.rel @p1 .LBB2_5-.Ltmp4, $2  }
0x3f: {  	_ =	sdelay $0x2  }
0x40: {  	s12 =	sadd.s32 $0x10, s12;
	[tilespmem:s13+$0x0] =	vst v0;
	s13 =	sadd.s32 $0x10, s13  }
.Ltmp5:
0x41: {  	(pc) =	sbr.rel .LBB2_7-.Ltmp5, $4  }
0x42: {  	_ = 	snop  }
0x43: {  	s10 =	sshrl.u32 s10, $0x3  }
0x44: {  	s10 =	sadd.s32 s2, s10  }
0x45: {  	[hbm4b:s10+s3] =	stream.linear.scatter [tilespmem:s11], [sflag:$0x2], $0x280, $0x38;
	[tilespmem:$0xA00] =	vst v63  }
.LBB2_8:
0x46: {  	_ =	sfence.sel $0x180000  }
0x47: {  	s2 =	simm.s32 $0x1;
	[bflag:$0x0] =	sbarrier.arrive $0xFFFF  }
0x48: {  	s31 =	simm.s32 $0x2;
	[sflag:s2] =	ssyncpa.u1 $0x1  }
0x49: {  	[sflag:s31] =	ssyncpa.u1 $0x1  }
0x4a: {  	_ =	strace $0x9000004D  }
0x4b: {  	s0 =	sadd.s32 @!p0 $0x100000, s0;
	[bflag:$0x2] =	sbarrier.arrive $0xFFFF  }
0x4c: {  	[sflag:s0] =	ssyncadd.tile.s32 @!p0 $0x1;
	s0 =	simm.s32 @!p0 $0x3F  }
0x4d: {  	_ =	swait.ge @!p0 [sflag:s0], s1  }
0x4e: {  	s1 =	ssub.s32 @!p0 $0x0, s1;
	[sflag:s0] =	ssyncset.done @!p0 $0x0  }
0x4f: {  	[sflag:s0] =	ssyncadd.s32 @!p0 s1  }
0x50: {  	[bflag:$0x3] =	sbarrier.arrive $0xFFFF  }
0x51: {  	_ =	shalt  }
.Lfunc_end2:
execute1_lowered:
.L_overlay_start_2:
0x52: {  	(tag) =	ssettag $0x2  }
0x53: {  	s1 =	rddreg [dreg:$0x0]  }
0x54: {  	s0 =	rddreg [dreg:$0x1];
	s14 =	stileid.u32  }
0x55: {  	_ =	strace $0x80000050;
	s2 =	simm.s32 $0x1;
	s3 =	smin.u32 s14, $0x4  }
0x56: {  	v1 =	vimm.s32 $0xFFFFFFFF;
	[sflag:s2] =	ssyncpa.u1 $0x0;
	s3 =	sadd.s32 s14, s3  }
0x57: {  	s4 =	simm.s32 $0x3E80;
	p0 =	slt.u32 s14, $0x4;
	[tilespmem:$0x10] =	vst v1;
	s3 =	smul.u32 $0x1F40, s3  }
0x58: {  	v0 =	vimm.f32 $0.0e+00;
	[tilespmem:$0x20] =	vst v1;
	s4 =	simm.s32 @!p0 $0x1F40  }
0x59: {  	[tilespmem:$0x30] =	vst v0;
	s4 =	sadd.s32 s4, s3  }
0x5a: {  	[tilespmem:$0x40] =	vst v0;
	s4 =	smin.u32 s4, $0x27100  }
0x5b: {  	[tilespmem:$0x50] =	vst v0;
	s9 =	ssub.s32 s4, s3  }
0x5c: {  	s7 =	simm.s32 $0x2;
	[tilespmem:$0x60] =	vst v1;
	p0 =	sgt.s32 s9, $0x0  }
0x5d: {  	s8 =	simm.s32 $0x8;
	s31 =	simm.s32 $0x9;
	[tilespmem:$0x70] =	vst v1;
	s9 =	simm.s32 @!p0 $0x0  }
0x5e: {  	s16 =	simm.s32 $0x0;
	s17 =	simm.s32 $0xF0;
	[tilespmem:$0x80] =	vst v1;
	s5 =	smulhi.u32 $0x10624DD3, s9  }
0x5f: {  	s18 =	simm.s32 $0xFFFFFFFF;
	s19 =	simm.s32 $0xFFFFC280;
	s20 =	simm.s32 $0xFFFFFFFE;
	v1 =	vimm.s32 $0x0;
	[tilespmem:$0xB0] =	vst v0  }
0x60: {  	s21 =	simm.s32 $0xF;
	s25 =	simm.s32 $0x0;
	[tilespmem:$0x90] =	vst v1;
	s10 =	sshrl.u32 s5, $0x9  }
0x61: {  	[tilespmem:$0xA0] =	vst v1;
	[sflag:s7] =	ssyncpa.u1 $0x0;
	s7 =	simm.s32 $0x7;
	s11 =	smul.u32 $0x1F40, s10  }
0x62: {  	s24 =	simm.s32 $0x0;
	s6 =	sadd.s32 $0x22C00, s0;
	[sflag:s7] =	ssyncpa.u1 $0x0  }
.Ltmp6:
0x63: {  	[sflag:s8] =	ssyncpa.u1 $0x0;
	p0 =	sne.s32 s9, s11;
	(pc) =	sbr.rel .LBB3_1-.Ltmp6, $4  }
0x64: {  	s23 =	smov.u32 s3;
	[sflag:s31] =	ssyncpa.u1 $0x0;
	s2 =	simm.s32 @!p0 $0x0  }
0x65: {  	s5 =	sadd.s32 $0x1DC00, s0;
	p0 =	por $0x0, $0x0;
	s9 =	sadd.s32 s2, s10  }
0x66: {  	vm0 =	vmmov $0xffff;
	v2 =	vlaneseq.u32;
	s10 =	sshll.u32 s14, $0x1;
	s14 =	sshllo.u32 s14, $0x1;
	s11 =	sadd.s32 $0x1, s9  }
0x67: {  	vm1 =	vmxor vm1, vm1;
	vm2 =	vmmov $0x1;
	vm3 =	vcmask $0x3F3C;
	s12 =	sadd.s32 $0x2, s9;
	s13 =	sor.u32 $0x81, s10;
	s15 =	sor.u32 $0x80, s10  }
.LBB3_9:
0x68: {  	p1 =	slt.u32 s24, $0x3  }
0x69: {  	s0 =	simm.s32 @!p1 $0x2  }
0x6a: {  	_ =	swait.ge @!p1 [sflag:s0], $0x1F40  }
0x6b: {  	[sflag:s0] =	ssyncset.done @!p1 $0x0  }
0x6c: {  	[sflag:s0] =	ssyncadd.s32 @!p1 $0xFFFFE0C0;
	s0 =	simm.s32 @!p1 $0x9  }
0x6d: {  	_ =	swait.ge @!p1 [sflag:s0], $0x10  }
0x6e: {  	[sflag:s0] =	ssyncset.done @!p1 $0x0  }
0x6f: {  	[sflag:s0] =	ssyncadd.s32 @!p1 $0xFFFFFFF0;
	p1 =	sne.s32 s24, s12  }
.Ltmp7:
0x70: {  	s2 =	sadd.s32 $0x1F40, s23;
	(pc) =	sbr.rel @!p1 .LBB3_10-.Ltmp7, $4  }
0x71: {  	s22 =	smov.u32 s3;
	s31 =	sadd.s32 $0x1, s24;
	s17 =	sadd.s32 $0x1F40, s17  }
0x72: {  	s18 =	sadd.s32 $0x1, s18;
	s25 =	smov.u32 s23;
	p2 =	slt.s32 s2, s4  }
0x73: {  	p0 =	por !p0, !p0;
	s19 =	sadd.s32 $0x1F40, s19;
	s22 =	smov.u32 @p2 s2  }
0x74: {  	s20 =	sadd.s32 $0x1, s20;
	s23 =	smov.u32 s22;
	s24 =	smov.u32 s31  }
.LBB3_1:
0x75: {  	p1 =	sge.u32 s24, s9  }
0x76: {  	s0 =	smulhi.u32 @!p1 $0xAAAAAAAB, s24;
	_ =	sdelay $0x1  }
0x77: {  	s0 =	sshrl.u32 @!p1 s0, $0x1  }
0x78: {  	s0 =	smul.u32 @!p1 $0x3, s0;
	_ =	sdelay $0x1  }
0x79: {  	s0 =	ssub.s32 @!p1 s24, s0  }
0x7a: {  	s0 =	smul.u32 @!p1 $0x7D00, s0;
	_ =	sdelay $0x1  }
0x7b: {  	s2 =	sshrl.u32 @!p1 s23, $0x3;
	s0 =	sshrl.u32 @!p1 s0, $0x2  }
0x7c: {  	s22 =	sand.u32 @!p1 $0x7, s23;
	s2 =	sadd.s32 @!p1 s5, s2;
	s0 =	sadd.s32 @!p1 $0x100, s0  }
0x7d: {  	[tilespmem:s0], [sflag:$0x7] =	stream.linear.gather @!p1 [hbm4b:s2+s22], $0x1F40, $0x38;
	[tilespmem:$0x11A60] =	vst v63  }
0x7e: {  	s0 =	sadd.s32 $0xFFFFFFFF, s24  }
0x7f: {  	p1 =	sge.u32 s0, s9  }
.Ltmp8:
0x80: {  	_ = 	snop;
	(pc) =	sbr.rel @p1 .LBB3_5-.Ltmp8, $1  }
0x81: {  	_ =	sdelay $0x3  }
0x82: {  	s2 =	smulhi.u32 $0xAAAAAAAB, s0;
	_ =	sdelay $0x1  }
0x83: {  	s2 =	sshrl.u32 s2, $0x1  }
0x84: {  	s2 =	smul.u32 $0x3, s2;
	_ =	sdelay $0x1  }
0x85: {  	s2 =	ssub.s32 s0, s2  }
0x86: {  	s2 =	smul.u32 $0x7D00, s2  }
0x87: {  	_ =	swait.ge [sflag:s7], $0x1F40  }
0x88: {  	[sflag:s7] =	ssyncset.done $0x0;
	s2 =	sshrl.u32 s2, $0x2  }
0x89: {  	[sflag:s7] =	ssyncadd.s32 $0xFFFFE0C0;
	(ifvalue) =	ssetifvalue $0xFFFFFFFF;
	v3 =	vld.msk [tilespmem:s2+$0x100 ss:$0x1], $0xffff;
	_ =	sdelay $0x2  }
0x8a: {  	s30 =	smulhi.u32 $0xAAAAAAAB, s18;
	p1 =	sne.s32 s24, $0x1  }
0x8b: {  	v4 =	vimm.s32 @!p1 $0x0  }
0x8c: {  	s2 =	sshrl.u32 s30, $0x1;
	v4 =	vperm.xlane @!p1 v3, v4  }
0x8d: {  	s22 =	sshll.u32 s24, $0x4;
	s2 =	smul.u32 $0xFFFE8900, s2;
	vm4 =	vlt.u32 v3, $0x2800  }
0x8e: {  	s22 =	sand.u32 $0x10, s22;
	v3 =	vnsel vm4, $0xFFFFFFFE, v3;
	vm4 =	vlt.u32 @!p1 v4, $0x2800  }
0x8f: {  	s2 =	sshra.s32 s2, $0x2;
	[tilespmem:s22+$0x60] =	vst v3;
	v3 =	vnsel @!p1 vm4, $0xFFFFFFFE, v4  }
0x90: {  	s28 =	sadd.s32 s2, s17;
	[tilespmem:$0x80] =	vst @!p1 v3  }
0x91: {  	v3 =	vld.msk [tilespmem:s28+$0x0 ss:$0x1], $0xffff;
	_ =	sdelay $0x4  }
0x92: {  	(xrf1) =	vunique.msk.u32 $0xffff, v3;
	_ =	sdelay $0xd  }
0x93: {  	v4 =	vimm.s32 $0xFFFFFFFF;
	v5, _, _ =	vpop (xrf1)  }
0x94: {  	vm5 =	vne.s32 v3, v4;
	vm4 =	veq.s32 v5, v2  }
0x95: {  	vm6 =	vlt.u32 v3, $0x2800;
	vm4 =	vmand vm5, vm4  }
0x96: {  	vm4 =	vmand vm6, vm4  }
0x97: {  	v4 =	vnsel vm4, $0xFFFFFFFF, v3  }
0x98: {  	s31 =	sand.u32 $0x1, s0  }
0x99: {  	s0 =	simm.s32 $0x1F40;
	p1 =	seq.s32 s31, $0x1  }
0x9a: {  	s0 =	simm.s32 @!p1 $0x0  }
0x9b: {  	s26 =	sadd.s32 $0x7DF0, s0;
	(ifvalue) =	ssetifvalue $0xFFFFFFFF  }
0x9c: {  	v3 =	vperm.xlane v3, v1;
	[tilespmem:s26], [sflag:$0x8] =	stream.indirect_vreg.gather [hbm4b:s1+s16], $0x1, v4, vm0, $0x4038;
	v4 =	vnsel vm6, $0xFFFFFFFE, v4;
	[tilespmem:$0x11A60] =	vst v63  }
0x9d: {  	s2 =	simm.s32 $0x0;
	s22 =	sadd.s32 $0xFFFFFFF0, s28;
	[tilespmem:s28+$0x0] =	vst v4  }
.LBB3_3:
0x9e: {  	v4 =	vld.msk [tilespmem:s22+$0x0 ss:$0x1], $0xffff;
	s2 =	sadd.s32 $0x10, s2;
	v5 =	vmov v3;
	s28 =	smov.u32 s22  }
0x9f: {  	p1 =	slt.u32 s2, $0x1F30;
	_ =	sdelay $0x4  }
0xa0: {  	v3 =	vperm.xlane v4, v1;
	(xrf1) =	vunique.msk.u32 $0xffff, v4;
	_ =	sdelay $0xd  }
0xa1: {  	v6, _, _ =	vpop (xrf1)  }
0xa2: {  	vm5 =	vne.s32 v4, v5;
	vm4 =	veq.s32 v6, v2  }
0xa3: {  	vm6 =	vlt.u32 v4, $0x2800;
	vm4 =	vmand vm5, vm4  }
0xa4: {  	vm4 =	vmand vm6, vm4  }
0xa5: {  	v4 =	vnsel vm4, $0xFFFFFFFF, v4  }
.Ltmp9:
0xa6: {  	v5 =	vnsel vm6, $0xFFFFFFFE, v4;
	(pc) =	sbr.rel @p1 .LBB3_3-.Ltmp9, $3  }
0xa7: {  	_ =	sdelay $0x1  }
0xa8: {  	s22 =	sadd.s32 $0xFFFFFFF0, s22;
	s26 =	sadd.s32 $0xFFFFFFF0, s26;
	(ifvalue) =	ssetifvalue $0xFFFFFFFF  }
0xa9: {  	[tilespmem:s26], [sflag:$0x8] =	stream.indirect_vreg.gather [hbm4b:s1+s16], $0x1, v4, vm0, $0x4038;
	[tilespmem:s28+$0x0] =	vst v5  }
0xaa: {  	s2 =	sshrl.u32 s25, $0x3  }
0xab: {  	s0 =	sadd.s32 $0x9D40, s0;
	s2 =	sadd.s32 s6, s2  }
0xac: {  	[tilespmem:s0], [sflag:$0x8] =	stream.linear.gather [hbm:s2], $0x1F40, $0x38;
	[tilespmem:$0x11A60] =	vst v63  }
.LBB3_5:
0xad: {  	p1 =	slt.u32 s24, $0x2  }
0xae: {  	p2 =	sge.u32 @!p1 s24, s12  }
0xaf: {  	p1 =	por p1, p2  }
.Ltmp10:
0xb0: {  	_ = 	snop;
	(pc) =	sbr.rel @p1 .LBB3_9-.Ltmp10, $1  }
0xb1: {  	_ =	sdelay $0x3  }
0xb2: {  	s0 =	sadd.s32 $0xFFFFFFFE, s24  }
0xb3: {  	s2 =	smulhi.u32 $0xAAAAAAAB, s0;
	_ =	sdelay $0x1  }
0xb4: {  	s2 =	sshrl.u32 s2, $0x1  }
0xb5: {  	s2 =	smul.u32 $0x3, s2;
	_ =	sdelay $0x1  }
0xb6: {  	s0 =	ssub.s32 s0, s2  }
0xb7: {  	_ =	swait.ge [sflag:s8], $0x3E80;
	s0 =	smul.u32 $0x1F40, s0  }
0xb8: {  	p1 =	sne.s32 s24, s11;
	[sflag:s8] =	ssyncset.done $0x0  }
0xb9: {  	[sflag:s8] =	ssyncadd.s32 $0xFFFFC180;
	s2 =	sadd.s32 @!p1 $0x203F, s0  }
0xba: {  	[spmem:s13] =	stream.linear.scatter @!p1 [tilespmem:s2], [sflag:$0x1], $0x1, $0x38;
	[tilespmem:$0x11A60] =	vst v63  }
0xbb: {  	s2 =	simm.s32 @!p1 $0x1  }
0xbc: {  	_ =	swait.ge @!p1 [sflag:s2], $0x1  }
0xbd: {  	s22 =	sshll.u32 s24, $0x4;
	[sflag:s2] =	ssyncset.done @!p1 $0x0  }
0xbe: {  	s25 =	sand.u32 $0x10, s22;
	[sflag:s2] =	ssyncadd.s32 @!p1 $0xFFFFFFFF  }
0xbf: {  	s2 =	sxor.u32 $0x10, s25;
	v4 =	vld [tilespmem:s25+$0x10]  }
0xc0: {  	v5 =	vld [tilespmem:s2+$0x60]  }
0xc1: {  	v3 =	vld [tilespmem:$0x80];
	_ =	sdelay $0x2  }
0xc2: {  	(v2sf) =	vpush v4, $0x0  }
0xc3: {  	(v2sf) =	vpush v5, $0x0  }
0xc4: {  	(v2sf) =	vpush v3, $0x0;
	_ =	sdelay $0xc  }
0xc5: {  	s22 =	spop (v2sf)  }
0xc6: {  	s26 =	spop (v2sf)  }
0xc7: {  	s28 =	spop (v2sf)  }
0xc8: {  	p2 =	seq.s32 s22, s26;
	p3 =	seq.s32 s28, s22  }
0xc9: {  	p3 =	por p2, p3  }
0xca: {  	s26 =	sand.u32 $0x1, s24;
	v4 =	vpsel p3, $0xFFFFFFFF, v4  }
0xcb: {  	s29 =	smul.u32 $0x1F40, s26;
	[tilespmem:s25+$0x10] =	vst.msk $0x1, v4  }
0xcc: {  	v4 =	vld [tilespmem:$0x30]  }
0xcd: {  	v5 =	vld [tilespmem:s29+$0x9D40]  }
0xce: {  	v6 =	vld [tilespmem:s25+$0x40];
	_ =	sdelay $0x3  }
0xcf: {  	vm4 =	vmmov vm1;
	v5 =	vadd.f32 v5, v4  }
0xd0: {  	vm5 =	vmmov vm2;
	vm4 =	vmmov @p2 vm2;
	s22 =	sshll.u32 s26, $0x4;
	v4 =	vadd.f32 v6, v4  }
0xd1: {  	s26 =	sor.u32 $0x11A40, s22;
	vm5 =	vmmov @p3 vm1;
	[tilespmem:s29+$0x9D40] =	vst.msk vm4, v5  }
0xd2: {  	[tilespmem:s26+$0x0] =	vst.msk vm5, v4  }
0xd3: {  	v4 =	vld [tilespmem:s29+$0x7DF0];
	_ =	sdelay $0x3  }
0xd4: {  	v5 =	vimm.f32 $0.0e+00  }
0xd5: {  	v4 =	vshift.insert v4, v5, s21  }
0xd6: {  	s22 =	sor.u32 $0x40, s2  }
0xd7: {  	[tilespmem:s22+$0x0] =	vst.msk $0x1, v4  }
0xd8: {  	[tilespmem:s29+$0x7DFF] =	vst.msk $0x1, v5  }
0xd9: {  	v4 =	vld [tilespmem:s0+$0x2030];
	_ =	sdelay $0x1  }
0xda: {  	s22 =	smulhi.u32 $0xAAAAAAAB, s20;
	s0 =	simm.s32 $0x1  }
0xdb: {  	s0 =	simm.s32 @!p0 $0x0  }
0xdc: {  	s22 =	sshrl.u32 s22, $0x1;
	s0 =	smul.u32 $0x7D00, s0  }
0xdd: {  	s22 =	smul.u32 $0xFFFE8900, s22;
	v4 =	vshift.insert v4, v1, s21  }
0xde: {  	s0 =	sshrl.u32 s0, $0x2  }
0xdf: {  	s22 =	sshra.s32 s22, $0x2;
	s30 =	sadd.s32 $0x9D40, s0;
	[tilespmem:s2+$0x10] =	vst.msk $0x1, v4  }
0xe0: {  	s22 =	sadd.s32 s22, s19;
	v6 =	vld [tilespmem:s30+$0x0]  }
0xe1: {  	v7 =	vld [tilespmem:s22+$0x0];
	_ =	sdelay $0x3  }
0xe2: {  	v5 =	vadd.f32 v6, v5  }
0xe3: {  	vm4 =	vne.s32 v7, $0xFFFFFFFF  }
0xe4: {  	(xrf2) =	vadd.seg.scan.f32 vm4, v5;
	_ =	sdelay $0x3  }
0xe5: {  	s31 =	sadd.s32 $0x5EC0, s0;
	v5 =	vperm.xlane v4, v1  }
0xe6: {  	v6 =	vld [tilespmem:s31+$0x0]  }
0xe7: {  	vm5 =	veq.s32 v7, v3;
	vm6 =	veq.s32 v7, v5  }
0xe8: {  	vm7 =	vgt.u32 v7, $0xFFFFFFFD;
	vm6 =	vmor vm6, vm5  }
0xe9: {  	vm6 =	vmor vm6, vm7  }
0xea: {  	v9 =	vld [tilespmem:$0xA0];
	v7 =	vsel vm6, $0xFFFFFFFF, v7  }
0xeb: {  	v10 =	vld [tilespmem:$0x90];
	v6 =	vsel vm5, $0x0, v6;
	v8, _, _ =	vpop (xrf2)  }
0xec: {  	v6 =	vadd.f32 v8, v6  }
0xed: {  	s0 =	sadd.s32 $0xDBC0, s0  }
0xee: {  	vm4 =	vmand vm4, vm3;
	[tilespmem:s0+$0x0] =	vst v6;
	(ifvalue) =	ssetifvalue $0xFFFFFFFF  }
0xef: {  	vm6 =	veq.s32 v9, $0x1;
	[hbm4b:s1+s16] =	stream.indirect_vreg.scatter [tilespmem:s0], [sflag:$0x2], $0x1, v7, vm0, $0x4038;
	v7 =	vsel vm4, $0x0, v8;
	[tilespmem:$0x11A60] =	vst v63  }
0xf0: {  	s2 =	simm.s32 $0x0;
	s22 =	sadd.s32 $0x10, s22;
	vm4 =	vmor vm6, vm5;
	v6 =	vsel vm5, v8, v10;
	v7 =	vshift.insert v7, v0, s21  }
.LBB3_7:
0xf1: {  	v8 =	vld [tilespmem:s22+$0x0];
	s30 =	sadd.s32 $0x10, s30  }
0xf2: {  	s31 =	sadd.s32 $0x10, s31;
	v9 =	vld [tilespmem:s30+$0x0]  }
0xf3: {  	s2 =	sadd.s32 $0x10, s2;
	v10 =	vld [tilespmem:s31+$0x0]  }
0xf4: {  	p2 =	slt.u32 s2, $0x1F30;
	_ =	sdelay $0x2  }
0xf5: {  	v7 =	vadd.f32 v9, v7  }
0xf6: {  	vm5 =	vne.s32 v8, $0xFFFFFFFF  }
0xf7: {  	vm6 =	vmand vm5, vm3;
	(xrf2) =	vadd.seg.scan.f32 vm5, v7;
	_ =	sdelay $0x5  }
0xf8: {  	vm7 =	veq.s32 v8, v5;
	vm5 =	veq.s32 v8, v3  }
0xf9: {  	vm8 =	vgt.u32 v8, $0xFFFFFFFD;
	vm4 =	vmor vm4, vm5;
	vm7 =	vmor vm7, vm5  }
0xfa: {  	vm7 =	vmor vm7, vm8  }
0xfb: {  	v8 =	vsel vm7, $0xFFFFFFFF, v8  }
.Ltmp11:
0xfc: {  	v7 =	vsel vm5, $0x0, v10;
	v9, _, _ =	vpop (xrf2);
	(pc) =	sbr.rel @p2 .LBB3_7-.Ltmp11, $4  }
0xfd: {  	v6 =	vsel vm5, v9, v6;
	v10 =	vadd.f32 v9, v7;
	v7 =	vsel vm6, $0x0, v9  }
0xfe: {  	s0 =	sadd.s32 $0x10, s0;
	v7 =	vshift.insert v7, v0, s21  }
0xff: {  	s22 =	sadd.s32 $0x10, s22;
	[tilespmem:s0+$0x0] =	vst v10;
	(ifvalue) =	ssetifvalue $0xFFFFFFFF  }
0x100: {  	[hbm4b:s1+s16] =	stream.indirect_vreg.scatter [tilespmem:s0], [sflag:$0x2], $0x1, v8, vm0, $0x4038;
	[tilespmem:$0x11A60] =	vst v63  }
0x101: {  	v3 =	vld [tilespmem:s29+$0xFAF0];
	_ =	sdelay $0x4  }
0x102: {  	v3 =	vshift.insert v3, v0, s21  }
0x103: {  	s0 =	simm.s32 $0x30  }
0x104: {  	[tilespmem:s0+$0x0] =	vst.msk $0x1, v3  }
0x105: {  	v3 =	vsel vm4, $0x1, v1;
	[tilespmem:$0x90] =	vst v6  }
0x106: {  	s0 =	sadd.s32 @!p1 $0xFAFF, s29;
	[tilespmem:$0xA0] =	vst v3  }
0x107: {  	[spmem:s14] =	stream.linear.scatter @!p1 [tilespmem:s0], [sflag:$0x1], $0x1, $0x38;
	[tilespmem:$0x11A60] =	vst v63  }
0x108: {  	s0 =	simm.s32 @!p1 $0x1  }
0x109: {  	v3 =	vmctz.xlane @!p1 vm4;
	_ =	swait.ge @!p1 [sflag:s0], $0x1  }
0x10a: {  	(v2sf) =	vpush @!p1 v4, $0x0  }
0x10b: {  	(v2sf) =	vpush @!p1 v3, $0x0;
	_ =	sdelay $0xd  }
0x10c: {  	s2 =	spop @!p1 (v2sf)  }
0x10d: {  	s22 =	spop @!p1 (v2sf)  }
0x10e: {  	p2 =	sne.s32 @!p1 s28, s2;
	p3 =	slt.s32 @!p1 s22, $0xF  }
0x10f: {  	[sflag:s0] =	ssyncset.done @!p1 $0x0;
	p2 =	por p2, p1;
	p3 =	por !p3, p1  }
0x110: {  	[sflag:s0] =	ssyncadd.s32 @!p1 $0xFFFFFFFF;
	v3 =	vimm.s32 @!p2 $0xFFFFFFFF;
	s22 =	simm.s32 @p3 $0xF  }
0x111: {  	[tilespmem:$0x80] =	vst @!p2 v3;
	s2 =	sadd.s32 @!p1 $0x90, s22  }
0x112: {  	[spmem:s10] =	stream.linear.scatter @!p1 [tilespmem:s2], [sflag:$0x1], $0x1, $0x38;
	[tilespmem:$0x11A60] =	vst v63  }
0x113: {  	_ =	swait.ge @!p1 [sflag:s0], $0x1  }
0x114: {  	[sflag:s0] =	ssyncset.done @!p1 $0x0  }
0x115: {  	s2 =	simm.s32 @!p1 $0x80;
	[sflag:s0] =	ssyncadd.s32 @!p1 $0xFFFFFFFF  }
0x116: {  	[spmem:s15] =	stream.linear.scatter @!p1 [tilespmem:s2], [sflag:$0x1], $0x1, $0x38;
	[tilespmem:$0x11A60] =	vst v63  }
0x117: {  	_ =	swait.ge @!p1 [sflag:s0], $0x1  }
0x118: {  	[sflag:s0] =	ssyncset.done @!p1 $0x0  }
0x119: {  	[sflag:s0] =	ssyncadd.s32 @!p1 $0xFFFFFFFF;
	(ifvalue) =	ssetifvalue $0xFFFFFFFF;
	v3 =	vld [tilespmem:s25+$0x10];
	_ =	sdelay $0x3  }
.Ltmp12:
0x11a: {  	_ = 	snop;
	(pc) =	sbr.rel .LBB3_9-.Ltmp12, $3  }
0x11b: {  	_ =	sdelay $0x1  }
0x11c: {  	(ifvalue) =	ssetifvalue $0xFFFFFFFF  }
0x11d: {  	[hbm4b:s1+s16] =	stream.indirect_vreg.scatter [tilespmem:s26], [sflag:$0x9], $0x1, v3, vm0, $0x4038;
	[tilespmem:$0x11A60] =	vst v63  }
.LBB3_10:
0x11e: {  	_ =	sfence.sel $0x180000  }
0x11f: {  	s0 =	simm.s32 $0x7;
	[bflag:$0x0] =	sbarrier.arrive $0xFFFF  }
0x120: {  	s26 =	simm.s32 $0x8;
	[sflag:s0] =	ssyncpa.u1 $0x1  }
0x121: {  	s28 =	simm.s32 $0x9;
	[sflag:s26] =	ssyncpa.u1 $0x1  }
0x122: {  	[sflag:s28] =	ssyncpa.u1 $0x1  }
0x123: {  	_ =	sfence.stream.spmem  }
0x124: {  	s29 =	simm.s32 $0x3;
	[bflag:$0x0] =	sbarrier.arrive $0xFFFF  }
0x125: {  	s30 =	simm.s32 $0x4;
	[sflag:s29] =	ssyncpa.u1 $0x1  }
0x126: {  	s31 =	simm.s32 $0x3C;
	s2 =	stileid.u32;
	[sflag:s30] =	ssyncpa.u1 $0x1  }
0x127: {  	p0 =	sne.s32 s2, $0x0;
	[sflag:s31] =	ssyncpa.u1 $0x1  }
0x128: {  	s0 =	simm.s32 @p0 $0x1;
	_ =	sfence @p0  }
0x129: {  	[sflag:s0] =	ssyncpa.u1 @p0 $0x1;
	s0 =	simm.s32 @p0 $0x2  }
0x12a: {  	[sflag:s0] =	ssyncpa.u1 @p0 $0x1  }
0x12b: {  	_ =	strace @p0 $0x90000050  }
0x12c: {  	[bflag:$0x2] =	sbarrier.arrive @p0 $0xFFFF  }
0x12d: {  	_ =	shalt @p0  }
.LBB3_11:
0x12e: {  	_ =	sfence.stream.spmem;
	s0 =	simm.s32 $0x5  }
0x12f: {  	s2 =	simm.s32 $0x80;
	s3 =	simm.s32 $0xC0;
	[sflag:s0] =	ssyncpa.u1 $0x0  }
0x130: {  	[tilespmem:s3], [sflag:$0x5] =	stream.linear.gather [spmem:s2], $0x20, $0x38;
	[tilespmem:$0x11A60] =	vst v63  }
0x131: {  	s2 =	simm.s32 $0x0;
	s3 =	simm.s32 $0xE0  }
0x132: {  	[tilespmem:s3], [sflag:$0x5] =	stream.linear.gather [spmem:s2], $0x20, $0x38;
	[tilespmem:$0x11A60] =	vst v63  }
.Ltmp13:
0x133: {  	_ = 	snop;
	(pc) =	sbr.rel .LBB3_12-.Ltmp13, $4  }
0x134: {  	_ =	swait.ge [sflag:s0], $0x40  }
0x135: {  	[sflag:s0] =	ssyncset.done $0x0  }
0x136: {  	s31 =	simm.s32 $0x6;
	[sflag:s0] =	ssyncadd.s32 $0xFFFFFFC0  }
0x137: {  	s4 =	simm.s32 $0x0;
	[sflag:s31] =	ssyncpa.u1 $0x0  }
.LBB3_17:
0x138: {  	p0 =	sgt.u32 s5, $0x27FF  }
0x139: {  	s0 =	sshrl.u32 @!p0 s5, $0x3  }
0x13a: {  	s5 =	sand.u32 @!p0 $0x7, s5;
	s6 =	simm.s32 @!p0 $0xB0;
	s0 =	sadd.s32 @!p0 s1, s0  }
0x13b: {  	[tilespmem:s6], [sflag:$0x6] =	stream.linear.gather @!p0 [hbm4b:s0+s5], $0x1, $0x38;
	[tilespmem:$0x11A60] =	vst v63  }
0x13c: {  	s0 =	simm.s32 @!p0 $0x6  }
0x13d: {  	_ =	swait.ge @!p0 [sflag:s0], $0x1  }
0x13e: {  	[sflag:s0] =	ssyncset.done @!p0 $0x0  }
0x13f: {  	[sflag:s0] =	ssyncadd.s32 @!p0 $0xFFFFFFFF  }
0x140: {  	v2 =	vmov @!p0 s4;
	v1 =	vld.msk @!p0 [tilespmem:$0xB0], $0x1;
	_ =	sdelay $0x3  }
0x141: {  	s0 =	simm.s32 @!p0 $0xE0  }
0x142: {  	[tilespmem:v2+s0+$0x0], v1 =	vst.idx.ret.add.f32.msk @!p0 $0x1, v1  }
0x143: {  	[tilespmem:s2+$0xC0] =	vst.msk $0x1, v0  }
0x144: {  	v0 =	vld.msk [tilespmem:s4+$0xE0], $0x1;
	_ =	sdelay $0x4  }
0x145: {  	[tilespmem:s2+$0xE0] =	vst.msk $0x1, v0;
	s2 =	sadd.s32 $0x1, s2  }
.LBB3_19:
0x146: {  	s4 =	sadd.s32 $0x1, s4  }
0x147: {  	p0 =	sne.s32 s4, $0x20  }
.Ltmp14:
0x148: {  	_ = 	snop;
	(pc) =	sbr.rel @!p0 .LBB3_20-.Ltmp14, $1  }
0x149: {  	_ =	sdelay $0x3  }
.LBB3_12:
0x14a: {  	v0 =	vld.msk [tilespmem:s4+$0xC0], $0x1;
	_ =	sdelay $0x4  }
0x14b: {  	(v2sf) =	vpush v0, $0x0;
	_ =	sdelay $0xe  }
0x14c: {  	s5 =	spop (v2sf)  }
0x14d: {  	p0 =	seq.s32 s5, $0xFFFFFFFF  }
.Ltmp15:
0x14e: {  	_ = 	snop;
	(pc) =	sbr.rel @p0 .LBB3_19-.Ltmp15, $1  }
0x14f: {  	_ =	sdelay $0x3  }
0x150: {  	p0 =	slt.s32 s2, $0x1  }
.Ltmp16:
0x151: {  	_ = 	snop;
	(pc) =	sbr.rel @p0 .LBB3_17-.Ltmp16, $1  }
0x152: {  	_ =	sdelay $0x3  }
0x153: {  	s0 =	simm.s32 $0xC0;
	p0 =	por $0x0, $0x0  }
0x154: {  	v1 =	vld.msk @!p0 [tilespmem:s0+$0x0], $0x1;
	_ =	sdelay $0x4  }
0x155: {  	(v2sf) =	vpush @!p0 v1, $0x0;
	_ =	sdelay $0xd  }
0x156: {  	p2 =	sne.s32 s2, $0x1  }
.Ltmp17:
0x157: {  	s6 =	spop @!p0 (v2sf);
	(pc) =	sbr.rel @!p2 .LBB3_16-.Ltmp17, $4  }
0x158: {  	p1 =	seq.s32 @!p0 s5, s6  }
0x159: {  	s6 =	simm.s32 $0x0;
	p1 =	por !p1, p0  }
0x15a: {  	s8 =	simm.s32 $0xFFFFFFFF;
	s6 =	simm.s32 @p1 $0xFFFFFFFF  }
0x15b: {  	s7 =	simm.s32 $0x1;
	s6 =	smov.u32 @p0 s8  }
.LBB3_15:
0x15c: {  	s8 =	smov.u32 s6;
	p0 =	sne.s32 s6, $0xFFFFFFFF  }
0x15d: {  	s0 =	sadd.s32 $0x1, s0;
	s6 =	smov.u32 s7;
	s7 =	sadd.s32 $0x1, s7  }
0x15e: {  	p1 =	sne.s32 s2, s7;
	v1 =	vld.msk @!p0 [tilespmem:s0+$0x0], $0x1;
	_ =	sdelay $0x4  }
0x15f: {  	(v2sf) =	vpush @!p0 v1, $0x0;
	_ =	sdelay $0xe  }
.Ltmp18:
0x160: {  	s9 =	spop @!p0 (v2sf);
	(pc) =	sbr.rel @p1 .LBB3_15-.Ltmp18, $4  }
0x161: {  	p2 =	seq.s32 @!p0 s5, s9  }
0x162: {  	p2 =	por !p2, p0  }
0x163: {  	s6 =	simm.s32 @p2 $0xFFFFFFFF  }
0x164: {  	s6 =	smov.u32 @p0 s8  }
.LBB3_16:
0x165: {  	p0 =	sne.s32 s6, $0xFFFFFFFF  }
.Ltmp19:
0x166: {  	_ = 	snop;
	(pc) =	sbr.rel @!p0 .LBB3_17-.Ltmp19, $1  }
0x167: {  	_ =	sdelay $0x3  }
0x168: {  	v0 =	vld.msk [tilespmem:s4+$0xE0], $0x1;
	v1 =	vmov s6  }
.Ltmp20:
0x169: {  	_ = 	snop;
	(pc) =	sbr.rel .LBB3_19-.Ltmp20, $2  }
0x16a: {  	_ =	sdelay $0x2  }
0x16b: {  	[tilespmem:v1+s3+$0x0], v0 =	vst.idx.ret.add.f32.msk $0x1, v0  }
.LBB3_20:
0x16c: {  	p0 =	slt.s32 s2, $0x1  }
.Ltmp21:
0x16d: {  	_ = 	snop;
	(pc) =	sbr.rel @p0 .LBB3_24-.Ltmp21, $3  }
0x16e: {  	_ =	sdelay $0x1  }
0x16f: {  	s0 =	simm.s32 $0x6  }
0x170: {  	s3 =	simm.s32 $0x0;
	[sflag:s0] =	ssyncpa.u1 $0x1  }
0x171: {  	s0 =	simm.s32 $0xC0  }
0x172: {  	v0 =	vld.msk [tilespmem:s0+$0x0], $0x1;
	_ =	sdelay $0x4  }
0x173: {  	(v2sf) =	vpush v0, $0x0;
	_ =	sdelay $0xe  }
0x174: {  	s2 =	sadd.s32 $0xFFFFFFFF, s2;
	s4 =	spop (v2sf)  }
0x175: {  	p1 =	sne.s32 s2, $0x0;
	p0 =	sgt.u32 s4, $0x27FF  }
.Ltmp22:
0x176: {  	s5 =	sshrl.u32 @!p0 s4, $0x3;
	(pc) =	sbr.rel @!p1 .LBB3_23-.Ltmp22, $4  }
0x177: {  	s0 =	simm.s32 $0xE0;
	s4 =	sand.u32 @!p0 $0x7, s4;
	s5 =	sadd.s32 @!p0 s1, s5  }
0x178: {  	[hbm4b:s5+s4] =	stream.linear.scatter @!p0 [tilespmem:s0], [sflag:$0x5], $0x1, $0x38;
	[tilespmem:$0x11A60] =	vst v63  }
0x179: {  	s5 =	simm.s32 $0x0  }
0x17a: {  	s4 =	simm.s32 $0xC1;
	s5 =	simm.s32 @!p0 $0x4  }
.LBB3_22:
0x17b: {  	v0 =	vld.msk [tilespmem:s4+$0x0], $0x1;
	s2 =	sadd.s32 $0xFFFFFFFF, s2;
	s3 =	sadd.s32 s3, s5  }
0x17c: {  	p0 =	sne.s32 s2, $0x0;
	_ =	sdelay $0x3  }
0x17d: {  	(v2sf) =	vpush v0, $0x0;
	_ =	sdelay $0xe  }
.Ltmp23:
0x17e: {  	s6 =	spop (v2sf);
	(pc) =	sbr.rel @p0 .LBB3_22-.Ltmp23, $4  }
0x17f: {  	s5 =	simm.s32 $0x0;
	p1 =	sgt.u32 s6, $0x27FF  }
0x180: {  	s0 =	sadd.s32 $0x1, s0;
	s5 =	simm.s32 @!p1 $0x4;
	s7 =	sshrl.u32 @!p1 s6, $0x3  }
0x181: {  	s4 =	sadd.s32 $0x1, s4;
	s6 =	sand.u32 @!p1 $0x7, s6;
	s7 =	sadd.s32 @!p1 s1, s7  }
0x182: {  	[hbm4b:s7+s6] =	stream.linear.scatter @!p1 [tilespmem:s0], [sflag:$0x5], $0x1, $0x38;
	[tilespmem:$0x11A60] =	vst v63  }
.LBB3_23:
0x183: {  	s0 =	sadd.s32 s3, s5  }
0x184: {  	s3 =	sshrl.u32 s0, $0x2  }
.LBB3_24:
0x185: {  	s0 =	simm.s32 $0x5  }
0x186: {  	_ =	swait.ge [sflag:s0], s3  }
0x187: {  	s1 =	ssub.s32 $0x0, s3;
	[sflag:s0] =	ssyncset.done $0x0  }
0x188: {  	[sflag:s0] =	ssyncadd.s32 s1  }
0x189: {  	[sflag:s0] =	ssyncpa.u1 $0x1  }
0x18a: {  	s29 =	simm.s32 $0x1;
	_ =	sfence  }
0x18b: {  	s30 =	simm.s32 $0x2;
	[sflag:s29] =	ssyncpa.u1 $0x1  }
0x18c: {  	[sflag:s30] =	ssyncpa.u1 $0x1  }
0x18d: {  	_ =	strace $0x90000050  }
0x18e: {  	[bflag:$0x2] =	sbarrier.arrive $0xFFFF  }
0x18f: {  	s31 =	rddreg [dreg:$0x2]  }
0x190: {  	s0 =	sadd.s32 $0x100000, s31  }
0x191: {  	[sflag:s0] =	ssyncadd.tile.s32 $0x1;
	_ =	shalt  }
.Lfunc_end3:
_tile_overlayer_lowered:
.L_overlay_start_3:
0x192: {  	(tag) =	ssettag $0x3  }
0x193: {  	s0 =	rddreg [dreg:$0x0];
	s2 =	stileid.u32  }
0x194: {  	s1 =	rddreg [dreg:$0x1];
	p0 =	sne.s32 s2, $0x0  }
0x195: {  	s3 =	rddreg [dreg:$0x2];
	[bflag:$0x3] =	sbarrier.arrive $0xFFFF;
	s2 =	simm.s32 @!p0 $0x1C01  }
0x196: {  	[timem:s3], [sflag:s2] =	dma.local @!p0 [hbm:s0], s1  }
0x197: {  	s0 =	simm.s32 @!p0 $0x1  }
0x198: {  	_ =	swait.ge @!p0 [sflag:s0], s1  }
0x199: {  	s1 =	ssub.s32 @!p0 $0x0, s1;
	[sflag:s0] =	ssyncset.done @!p0 $0x0  }
0x19a: {  	[sflag:s0] =	ssyncadd.s32 @!p0 s1  }
0x19b: {  	[bflag:$0x3] =	sbarrier.arrive $0xFFFF  }
0x19c: {  	_ =	shalt  }

// kernel: scatter_offload_async_start.6
scs
__scs_entry_jumppad:
0x0: {  	(pc) =	sbr.rel $0x88, $3  }
0x1: {  	(tag) =	ssettag $0x0;
	lr =	simm.s32 $0x1  }
0x2: {  	[smem:$0x3F80] =	sst lr;
	_ =	strace $0xD0000000  }
0x3: {  	_ = 	snop  }
0x4: {  	_ = 	snop  }
0x5: {  	_ = 	snop  }
0x6: {  	_ = 	snop  }
0x7: {  	_ = 	snop  }
__scs_overlays_trampoline_lowered:
0x8: {  	[smem:$0x3F8F] =	sst s0  }
0x9: {  	[smem:$0x3F90] =	sst s1  }
0xa: {  	[smem:$0x3F91] =	sst s2  }
0xb: {  	[smem:$0x3F92] =	sst s3  }
0xc: {  	[smem:$0x3F93] =	sst s4  }
0xd: {  	[smem:$0x3F94] =	sst s5  }
0xe: {  	[smem:$0x3F95] =	sst s6  }
0xf: {  	[smem:$0x3F96] =	sst s7  }
0x10: {  	[smem:$0x3F97] =	sst s8  }
0x11: {  	[smem:$0x3F98] =	sst s9;
	s0 =	simm.s32 @!p0 $0x0  }
0x12: {  	s1 =	sld [smem:$0x3F7E];
	s0 =	simm.s32 @p0 $0x1  }
0x13: {  	[smem:$0x3F99] =	sst s0;
	s0 =	simm.s32 @!p1 $0x0  }
0x14: {  	s2 =	sld [smem:$0x3F7D];
	s0 =	simm.s32 @p1 $0x1  }
0x15: {  	[smem:$0x3F9A] =	sst s0;
	s0 =	simm.s32 @!p2 $0x0  }
0x16: {  	s3 =	sld [smem:$0x3FDB];
	s0 =	simm.s32 @p2 $0x1  }
0x17: {  	s4 =	simm.s32 $0x1BF5;
	[smem:$0x3F9C] =	sst s0  }
0x18: {  	s0 =	sld [smem:$0x3F7F];
	_ =	swait.ge [sflag:s4], $0x0  }
0x19: {  	s7 =	sld [smem:$0x3F80]  }
0x1a: {  	s8 =	sadd.s32 $0xFFFFE003, lr  }
0x1b: {  	s9 =	sadd.s32 $0xFFFFFEF7, lr;
	s5 =	simm.s32 $0xFFFFFFFF;
	p2 =	slt.u32 s8, $0xFFFFF086  }
0x1c: {  	p1 =	slt.u32 s9, $0xF7A;
	s5 =	simm.s32 @!p2 $0x0  }
0x1d: {  	s5 =	simm.s32 @p1 $0x1;
	p0 =	seq.s32 s7, s2  }
0x1e: {  	s7 =	smul.u32 @!p0 $0xF7A, s2;
	p2 =	seq.s32 @!p0 s5, $0x0  }
0x1f: {  	s9 =	smul.u32 $0xF7A, s1;
	s8 =	simm.s32 @!p0 $0x1BF5;
	p2 =	por !p2, p0  }
0x20: {  	[sflag:s8] =	ssyncset.s32 @!p0 $0xFFFFF086;
	s6 =	sadd.s32 @!p0 s3, s7;
	s7 =	simm.s32 @!p0 $0x108  }
0x21: {  	s3 =	sadd.s32 s3, s9;
	s6 =	sadd.s32 @!p0 $0x88, s6;
	s7 =	simm.s32 @p2 $0x1082  }
0x22: {  	[simem:s7], [sflag:s8] =	dma.local @!p0 [hbm:s6], $0xF7A  }
0x23: {  	s9 =	sor.u32 $0xD0000000, s2;
	s6 =	simm.s32 $0x108;
	_ =	swait.ge @!p0 [sflag:s8], $0x0  }
0x24: {  	s3 =	sadd.s32 $0x88, s3;
	s6 =	simm.s32 @!p1 $0x1082;
	[sflag:s4] =	ssyncset.s32 $0xFFFFF086  }
0x25: {  	[simem:s6], [sflag:s4] =	dma.local [hbm:s3], $0xF7A  }
0x26: {  	[smem:$0x3F80] =	sst s1;
	(tag) =	ssettag s2;
	_ =	strace s9  }
0x27: {  	s1 =	sld [smem:$0x3F90]  }
0x28: {  	s2 =	sld [smem:$0x3F91]  }
0x29: {  	s4 =	sld [smem:$0x3F93]  }
0x2a: {  	p0 =	seq.s32 s5, $0x0;
	s5 =	sld [smem:$0x3F94]  }
0x2b: {  	s6 =	sld [smem:$0x3F95]  }
0x2c: {  	s7 =	sld [smem:$0x3F96]  }
0x2d: {  	s3 =	simm.s32 $0x108;
	s8 =	sld [smem:$0x3F97]  }
0x2e: {  	s3 =	simm.s32 @!p0 $0x1082;
	s9 =	sld [smem:$0x3F98]  }
0x2f: {  	lr =	sadd.s32 s0, s3;
	s0 =	sld [smem:$0x3F8F]  }
0x30: {  	s3 =	sld [smem:$0x3F92]  }
0x31: {  	[smem:$0x3F9B] =	sst s10  }
0x32: {  	s10 =	sld [smem:$0x3F99];
	_ =	sdelay $0x3  }
0x33: {  	p0 =	seq.s32 s10, $0x1;
	s10 =	sld [smem:$0x3F9B];
	_ =	sdelay $0x3  }
0x34: {  	[smem:$0x3F9B] =	sst s10  }
0x35: {  	s10 =	sld [smem:$0x3F9A];
	_ =	sdelay $0x3  }
0x36: {  	p1 =	seq.s32 s10, $0x1;
	s10 =	sld [smem:$0x3F9B];
	_ =	sdelay $0x3  }
0x37: {  	[smem:$0x3F9B] =	sst s10  }
0x38: {  	s10 =	sld [smem:$0x3F9C]  }
0x39: {  	_ = 	snop;
	(pc) =	sbr.ind lr, $3  }
0x3a: {  	_ = 	snop  }
0x3b: {  	_ = 	snop  }
0x3c: {  	p2 =	seq.s32 s10, $0x1;
	s10 =	sld [smem:$0x3F9B]  }
0x3d: {  	_ =	shalt  }
0x3e: {  	_ =	shalt  }
0x3f: {  	_ =	shalt  }
0x40: {  	_ =	shalt  }
0x41: {  	_ =	shalt  }
0x42: {  	_ =	shalt  }
0x43: {  	_ =	shalt  }
0x44: {  	_ =	shalt  }
0x45: {  	_ =	shalt  }
0x46: {  	_ =	shalt  }
0x47: {  	_ =	shalt  }
0x48: {  	_ =	shalt  }
0x49: {  	_ =	shalt  }
0x4a: {  	_ =	shalt  }
0x4b: {  	_ =	shalt  }
0x4c: {  	_ =	shalt  }
0x4d: {  	_ =	shalt  }
0x4e: {  	_ =	shalt  }
0x4f: {  	_ =	shalt  }
0x50: {  	_ =	shalt  }
0x51: {  	_ =	shalt  }
0x52: {  	_ =	shalt  }
0x53: {  	_ =	shalt  }
0x54: {  	_ =	shalt  }
0x55: {  	_ =	shalt  }
0x56: {  	_ =	shalt  }
0x57: {  	_ =	shalt  }
0x58: {  	_ =	shalt  }
0x59: {  	_ =	shalt  }
0x5a: {  	_ =	shalt  }
0x5b: {  	_ =	shalt  }
0x5c: {  	_ =	shalt  }
0x5d: {  	_ =	shalt  }
0x5e: {  	_ =	shalt  }
0x5f: {  	_ =	shalt  }
0x60: {  	_ =	shalt  }
0x61: {  	_ =	shalt  }
0x62: {  	_ =	shalt  }
0x63: {  	_ =	shalt  }
0x64: {  	_ =	shalt  }
0x65: {  	_ =	shalt  }
0x66: {  	_ =	shalt  }
0x67: {  	_ =	shalt  }
0x68: {  	_ =	shalt  }
0x69: {  	_ =	shalt  }
0x6a: {  	_ =	shalt  }
0x6b: {  	_ =	shalt  }
0x6c: {  	_ =	shalt  }
0x6d: {  	_ =	shalt  }
0x6e: {  	_ =	shalt  }
0x6f: {  	_ =	shalt  }
0x70: {  	_ =	shalt  }
0x71: {  	_ =	shalt  }
0x72: {  	_ =	shalt  }
0x73: {  	_ =	shalt  }
0x74: {  	_ =	shalt  }
0x75: {  	_ =	shalt  }
0x76: {  	_ =	shalt  }
0x77: {  	_ =	shalt  }
0x78: {  	_ =	shalt  }
0x79: {  	_ =	shalt  }
0x7a: {  	_ =	shalt  }
0x7b: {  	_ =	shalt  }
0x7c: {  	_ =	shalt  }
0x7d: {  	_ =	shalt  }
0x7e: {  	_ =	shalt  }
0x7f: {  	_ =	shalt  }
0x80: {  	_ =	shalt  }
0x81: {  	_ =	shalt  }
0x82: {  	_ =	shalt  }
0x83: {  	_ =	shalt  }
0x84: {  	_ =	shalt  }
0x85: {  	_ =	shalt  }
0x86: {  	_ =	shalt  }
0x87: {  	_ =	shalt  }
.Lfunc_end0:
.L_simem_size_0:
called_computation.6_lowered:
.L_overlay_start_0:
0x88: {  	s0 =	sld [smem:$0x3FD9]  }
0x89: {  	s1 =	sld [smem:$0x3FFE];
	_ =	sdelay $0x3  }
0x8a: {  	s0 =	sadd.s32 s1, s0  }
0x8b: {  	[smem:$0x3FA7] =	sst s0  }
0x8c: {  	_ = 	snop  }
0x8d: {  	s0 =	sld [smem:$0x3FD0];
	_ =	sdelay $0x2  }
0x8e: {  	s13 =	simm.s32 $0x15;
	s2 =	simm.s32 $0x10  }
0x8f: {  	[smem:s2], [sflag:s13] =	dma.local [hbm:s0], $0x1  }
0x90: {  	_ =	swait.eq [sflag:s13], $0x1  }
0x91: {  	[sflag:s13] =	ssyncset.done $0x0  }
0x92: {  	[sflag:s13] =	ssyncadd.s32 $0xFFFFFFFF  }
0x93: {  	s1 =	sld [smem:$0x12];
	(tm) =	ssettm $0x1  }
0x94: {  	s14 =	sld [smem:$0x3FFB];
	_ =	sdelay $0x3  }
0x95: {  	_ =	strace s14  }
0x96: {  	s0 =	sld [smem:$0x3FFC];
	_ =	sdelay $0x3  }
0x97: {  	_ =	strace s0  }
0x98: {  	s0 =	sld [smem:$0x3FFD];
	_ =	sdelay $0x3  }
0x99: {  	_ =	strace s0  }
0x9a: {  	_ =	strace $0x8FFFFFFF  }
0x9b: {  	s15 =	sld [smem:$0x3FDB];
	_ =	sdelay $0x1  }
0x9c: {  	s16 =	simm.s32 $_scs_section_size  }
0x9d: {  	s3 =	simm.s32 $_size__tile_overlayer_lowered;
	s4 =	simm.s32 $_tile_overlayer_lowered  }
0x9e: {  	s5 =	simm.s32 $0x1BFF;
	s17 =	sshll.u32 s4, $0x1;
	s2 =	sadd.s32 s16, s15  }
0x9f: {  	s18 =	simm.s32 $0x0;
	s3 =	sshll.u32 s3, $0x1;
	s4 =	sadd.s32 s17, s2  }
0xa0: {  	[timem:s18], [sflag:s5] =	dma.local [hbm:s4], s3  }
0xa1: {  	_ =	swait.ge [sflag:s5], s3  }
0xa2: {  	s3 =	ssub.s32 $0x0, s3;
	[sflag:s5] =	ssyncset.done $0x0  }
0xa3: {  	[sflag:s5] =	ssyncadd.s32 s3;
	_ =	sdelay $0x1  }
0xa4: {  	s19 =	simm.s32 $0x1B8B  }
0xa5: {  	_ =	swait.ge [sflag:s19], $0x1  }
0xa6: {  	[sflag:s19] =	ssyncset.done $0x0  }
0xa7: {  	s21 =	simm.s32 $0x1B8E;
	s20 =	sld [smem:$0x3FFE];
	[sflag:s19] =	ssyncadd.s32 $0xFFFFFFFF  }
0xa8: {  	s22 =	simm.s32 $execute0_lowered;
	[smem:$0x3FD2] =	sst s21  }
0xa9: {  	s4 =	sshll.u32 s22, $0x1;
	_ =	strace $0x80000046;
	[dreg:$0x1] =	wrdreg $0xFFFFFFFF  }
0xaa: {  	s23 =	simm.s32 $_size_execute0_lowered;
	s4 =	sadd.s32 s2, s4;
	[dreg:$0x0] =	wrdreg $0x0  }
0xab: {  	s5 =	sshll.u32 s23, $0x1;
	[dreg:$0x2] =	wrdreg s4  }
0xac: {  	[dreg:$0x3] =	wrdreg s5  }
0xad: {  	[dreg:$0x4] =	wrdreg $0xC0  }
0xae: {  	s24 =	simm.s32 $execute1_lowered;
	_ =	task [dreg:s18], $0x5FFFF  }
0xaf: {  	s4 =	sshll.u32 s24, $0x1;
	[dreg:$0x1] =	wrdreg $0xFFFFFFFF  }
0xb0: {  	s2 =	sadd.s32 s2, s4;
	[dreg:$0x0] =	wrdreg $0x60  }
0xb1: {  	[dreg:$0x2] =	wrdreg s2  }
0xb2: {  	[dreg:$0x3] =	wrdreg s1  }
0xb3: {  	[dreg:$0x4] =	wrdreg s20  }
0xb4: {  	[dreg:$0x5] =	wrdreg $0x13  }
0xb5: {  	_ =	task.clear_ibuf [dreg:s18], $0x6FFFF;
	_ =	strace $0x90000046  }
0xb6: {  	s25 =	simm.s32 $0x13;
	_ =	strace $0x80000048  }
0xb7: {  	_ =	swait.ge [sflag:s25], $0x1  }
0xb8: {  	[sflag:s25] =	ssyncadd.s32 $0xFFFFFFFF  }
0xb9: {  	_ =	strace $0x90000048  }
0xba: {  	_ =	strace $0x80000049;
	[dreg:$0x1] =	wrdreg $0xFFFFFFFF  }
0xbb: {  	[dreg:$0x0] =	wrdreg $0x2030  }
0xbc: {  	[dreg:$0x2] =	wrdreg s20  }
0xbd: {  	[dreg:$0x3] =	wrdreg $0x14  }
0xbe: {  	_ =	task.clear_ibuf [dreg:s18], $0x4FFFF;
	_ =	strace $0x90000049  }
0xbf: {  	s26 =	simm.s32 $0x14;
	_ =	strace $0x8000004B  }
0xc0: {  	_ =	swait.ge [sflag:s26], $0x1  }
0xc1: {  	[sflag:s26] =	ssyncadd.s32 $0xFFFFFFFF  }
0xc2: {  	_ =	strace $0x9000004B  }
0xc3: {  	_ =	sfence  }
0xc4: {  	s28 =	sld [smem:$0x0];
	_ =	sdelay $0x1  }
0xc5: {  	s29 =	srdreg.scid  }
0xc6: {  	s30 =	sshll.u32 s29, $0xD;
	s31 =	sshrl.u32 s29, $0x2  }
0xc7: {  	s3 =	sand.u32 $0x4000, s30;
	s2 =	sand.u32 $0x1, s29;
	s1 =	sadd.s32 s31, s28  }
0xc8: {  	s2 =	sor.u32 s3, s2;
	s1 =	sshll.u32 s1, $0x11  }
0xc9: {  	s1 =	sor.u32 s1, s2  }
0xca: {  	s1 =	sadd.s32 $0x8F2B, s1  }
0xcb: {  	[sflag:s1] =	ssyncadd.remote.s32 $0x1  }
0xcc: {  	_ =	sfence.sel $0xFFFF  }
0xcd: {  	[dreg:$0x0] =	wrdreg $0xFFFFFFFF;
	(pc) =	sbr.abs _section_cstart, $3  }
0xce: {  	[dreg:$0x1] =	wrdreg $0xFFFFFFFF  }
0xcf: {  	_ =	task.clear_ibuf [dreg:s18], $0x2FFFF;
	_ =	strace $0x9FFFFFFF  }
0xd0: {  	(tm) =	ssettm $0x7FFFFFFF  }
0xd1: {  	_ =	shalt  }
tec
execute0_lowered:
.L_overlay_start_1:
0x0: {  	(tag) =	ssettag $0x1  }
0x1: {  	s2 =	rddreg [dreg:$0x0]  }
0x2: {  	s7 =	rddreg [dreg:$0x1]  }
0x3: {  	s4 =	rddreg [dreg:$0x2]  }
0x4: {  	s0 =	rddreg [dreg:$0x3];
	s3 =	stileid.u32  }
0x5: {  	[bflag:$0x3] =	sbarrier.arrive $0xFFFF;
	s1 =	simm.s32 $_size_execute1_lowered;
	s9 =	simm.s32 $0x1  }
0x6: {  	s31 =	simm.s32 $0x2;
	p0 =	sne.s32 s3, $0x0;
	s1 =	sshll.u32 s1, $0x1  }
0x7: {  	p1 =	seq.s32 s3, $0x0;
	s3 =	smul.u32 $0x280, s3;
	s4 =	sadd.s32 $0x31C00, s4  }
0x8: {  	s5 =	simm.s32 @!p0 $0x1C3F;
	s6 =	simm.s32 @!p0 $0x4060;
	s9 =	simm.s32 @!p1 $0x0  }
0x9: {  	[timem:s6], [sflag:s5] =	dma.local @!p0 [hbm:s2], s1  }
0xa: {  	s2 =	simm.s32 $0x0;
	s6 =	simm.s32 @!p0 $0x2800;
	s5 =	simm.s32 $0x1  }
.Ltmp0:
0xb: {  	s8 =	ssub.s32 $0x2800, s3;
	s6 =	simm.s32 @p0 $0x0;
	(pc) =	sbr.rel .LBB2_1-.Ltmp0, $4  }
0xc: {  	s10 =	sshrl.u32 s3, $0x3;
	p1 =	sne.s32 s8, s6;
	s6 =	simm.s32 $0x1  }
0xd: {  	_ =	strace $0x80000047;
	s7 =	sadd.s32 s10, s7;
	s6 =	simm.s32 @!p1 $0x0  }
0xe: {  	s10 =	simm.s32 $0x0;
	[sflag:s5] =	ssyncpa.u1 $0x0;
	s6 =	sadd.s32 s9, s6  }
0xf: {  	[sflag:s31] =	ssyncpa.u1 $0x0;
	s9 =	simm.s32 $0x0;
	s8 =	sadd.s32 $0x1, s6  }
.LBB2_7:
0x10: {  	p2 =	sne.s32 s9, s8  }
.Ltmp1:
0x11: {  	p1 =	slt.u32 s9, $0x2;
	(pc) =	sbr.rel @!p2 .LBB2_8-.Ltmp1, $4  }
0x12: {  	s10 =	simm.s32 @!p1 $0x2  }
0x13: {  	_ =	swait.ge @!p1 [sflag:s10], $0x280  }
0x14: {  	s11 =	sadd.s32 $0x1, s9;
	[sflag:s10] =	ssyncset.done @!p1 $0x0  }
0x15: {  	s9 =	smov.u32 s11;
	[sflag:s10] =	ssyncadd.s32 @!p1 $0xFFFFFD80;
	s10 =	smov.u32 s3  }
.LBB2_1:
0x16: {  	p1 =	sge.u32 s9, s6  }
0x17: {  	s11 =	sxor.u32 @!p1 $0x1, s9  }
0x18: {  	s11 =	smul.u32 @!p1 $0xA00, s11;
	_ =	sdelay $0x1  }
0x19: {  	s31 =	sadd.s32 $0xFFFFFFFF, s9;
	s12 =	simm.s32 @!p1 $0x0;
	s11 =	sshra.s32 @!p1 s11, $0x2  }
0x1a: {  	[tilespmem:s11], [sflag:$0x1] =	stream.linear.gather @!p1 [hbm4b:s7+s12], $0x280, $0x38;
	[tilespmem:$0xA00] =	vst v63  }
0x1b: {  	p1 =	sge.u32 s31, s6  }
.Ltmp2:
0x1c: {  	_ = 	snop;
	(pc) =	sbr.rel @p1 .LBB2_7-.Ltmp2, $1  }
0x1d: {  	_ =	sdelay $0x3  }
0x1e: {  	s11 =	sand.u32 $0x1, s9  }
0x1f: {  	s12 =	simm.s32 $0x280;
	p1 =	seq.s32 s11, $0x1  }
0x20: {  	s12 =	simm.s32 @!p1 $0x0  }
0x21: {  	v0 =	vmov s12  }
0x22: {  	_ =	swait.ge [sflag:s5], $0x280  }
0x23: {  	[sflag:s5] =	ssyncset.done $0x0;
	s11 =	sor.u32 $0x500, s12  }
0x24: {  	s13 =	simm.s32 $0x0;
	[sflag:s5] =	ssyncadd.s32 $0xFFFFFD80;
	p1 =	por $0x1, $0x1;
	v1 =	vmov s11  }
.LBB2_3:
0x25: {  	s14 =	sor.u32 $0x10, s13  }
0x26: {  	v2 =	vld.idx.msk [tilespmem:v0+s14+$0x0 ss:$0x1], $0xffff  }
0x27: {  	s15 =	sor.u32 $0x20, s13;
	v60 =	vld.idx.msk [tilespmem:v0+s13+$0x0 ss:$0x1], $0xffff  }
0x28: {  	s16 =	sor.u32 $0x30, s13;
	v3 =	vld.idx.msk [tilespmem:v0+s15+$0x0 ss:$0x1], $0xffff  }
0x29: {  	s17 =	sor.u32 $0x40, s13;
	v4 =	vld.idx.msk [tilespmem:v0+s16+$0x0 ss:$0x1], $0xffff  }
0x2a: {  	s19 =	sor.u32 $0x60, s13;
	v5 =	vld.idx.msk [tilespmem:v0+s17+$0x0 ss:$0x1], $0xffff  }
0x2b: {  	s18 =	sor.u32 $0x50, s13;
	[tilespmem:v1+s14+$0x0 ss:$0x1] =	vst.idx.msk $0xffff, v2;
	v2 =	vld.idx.msk [tilespmem:v0+s19+$0x0 ss:$0x1], $0xffff  }
0x2c: {  	s23 =	sor.u32 $0x80, s13;
	v6 =	vld.idx.msk [tilespmem:v0+s18+$0x0 ss:$0x1], $0xffff;
	[tilespmem:v1+s13+$0x0 ss:$0x1] =	vst.idx.msk $0xffff, v60  }
0x2d: {  	s24 =	sor.u32 $0x90, s13;
	v58 =	vld.idx.msk [tilespmem:v0+s23+$0x0 ss:$0x1], $0xffff;
	[tilespmem:v1+s15+$0x0 ss:$0x1] =	vst.idx.msk $0xffff, v3  }
0x2e: {  	s22 =	sor.u32 $0x70, s13;
	v59 =	vld.idx.msk [tilespmem:v0+s24+$0x0 ss:$0x1], $0xffff;
	[tilespmem:v1+s16+$0x0 ss:$0x1] =	vst.idx.msk $0xffff, v4  }
0x2f: {  	s25 =	sor.u32 $0xA0, s13;
	v3 =	vld.idx.msk [tilespmem:v0+s22+$0x0 ss:$0x1], $0xffff;
	[tilespmem:v1+s17+$0x0 ss:$0x1] =	vst.idx.msk $0xffff, v5  }
0x30: {  	s28 =	sor.u32 $0xC0, s13;
	[tilespmem:v1+s19+$0x0 ss:$0x1] =	vst.idx.msk $0xffff, v2;
	v2 =	vld.idx.msk [tilespmem:v0+s25+$0x0 ss:$0x1], $0xffff  }
0x31: {  	s29 =	sor.u32 $0xD0, s13;
	v61 =	vld.idx.msk [tilespmem:v0+s28+$0x0 ss:$0x1], $0xffff;
	[tilespmem:v1+s18+$0x0 ss:$0x1] =	vst.idx.msk $0xffff, v6  }
0x32: {  	s30 =	sor.u32 $0xE0, s13;
	v62 =	vld.idx.msk [tilespmem:v0+s29+$0x0 ss:$0x1], $0xffff;
	[tilespmem:v1+s23+$0x0 ss:$0x1] =	vst.idx.msk $0xffff, v58  }
0x33: {  	s26 =	sor.u32 $0xB0, s13;
	v63 =	vld.idx.msk [tilespmem:v0+s30+$0x0 ss:$0x1], $0xffff;
	[tilespmem:v1+s24+$0x0 ss:$0x1] =	vst.idx.msk $0xffff, v59  }
0x34: {  	s31 =	sor.u32 $0xF0, s13;
	[tilespmem:v1+s22+$0x0 ss:$0x1] =	vst.idx.msk $0xffff, v3;
	v3 =	vld.idx.msk [tilespmem:v0+s26+$0x0 ss:$0x1], $0xffff  }
0x35: {  	p2 =	por p1, p1;
	[tilespmem:v1+s25+$0x0 ss:$0x1] =	vst.idx.msk $0xffff, v2;
	v2 =	vld.idx.msk [tilespmem:v0+s31+$0x0 ss:$0x1], $0xffff  }
.Ltmp3:
0x36: {  	[tilespmem:v1+s28+$0x0 ss:$0x1] =	vst.idx.msk $0xffff, v61;
	(pc) =	sbr.rel @p2 .LBB2_3-.Ltmp3, $4  }
0x37: {  	[tilespmem:v1+s29+$0x0 ss:$0x1] =	vst.idx.msk $0xffff, v62  }
0x38: {  	[tilespmem:v1+s30+$0x0 ss:$0x1] =	vst.idx.msk $0xffff, v63  }
0x39: {  	[tilespmem:v1+s26+$0x0 ss:$0x1] =	vst.idx.msk $0xffff, v3  }
0x3a: {  	p1 =	por $0x0, $0x0;
	s13 =	simm.s32 $0x100;
	[tilespmem:v1+s31+$0x0 ss:$0x1] =	vst.idx.msk $0xffff, v2  }
0x3b: {  	s13 =	sadd.s32 $0x700, s12;
	s12 =	sadd.s32 $0x200, s12;
	s14 =	simm.s32 $0x1F0  }
.LBB2_5:
0x3c: {  	s14 =	sadd.s32 $0x10, s14  }
0x3d: {  	v0 =	vld [tilespmem:s12+$0x0];
	p1 =	slt.u32 s14, $0x270  }
.Ltmp4:
0x3e: {  	_ = 	snop;
	(pc) =	sbr.rel @p1 .LBB2_5-.Ltmp4, $2  }
0x3f: {  	_ =	sdelay $0x2  }
0x40: {  	s12 =	sadd.s32 $0x10, s12;
	[tilespmem:s13+$0x0] =	vst v0;
	s13 =	sadd.s32 $0x10, s13  }
.Ltmp5:
0x41: {  	(pc) =	sbr.rel .LBB2_7-.Ltmp5, $4  }
0x42: {  	_ = 	snop  }
0x43: {  	s10 =	sshrl.u32 s10, $0x3  }
0x44: {  	s10 =	sadd.s32 s4, s10  }
0x45: {  	[hbm4b:s10+s2] =	stream.linear.scatter [tilespmem:s11], [sflag:$0x2], $0x280, $0x38;
	[tilespmem:$0xA00] =	vst v63  }
.LBB2_8:
0x46: {  	_ =	sfence.sel $0x180000  }
0x47: {  	s2 =	simm.s32 $0x1;
	[bflag:$0x0] =	sbarrier.arrive $0xFFFF  }
0x48: {  	s31 =	simm.s32 $0x2;
	[sflag:s2] =	ssyncpa.u1 $0x1  }
0x49: {  	[sflag:s31] =	ssyncpa.u1 $0x1  }
0x4a: {  	_ =	strace $0x90000047  }
0x4b: {  	s0 =	sadd.s32 @!p0 $0x100000, s0;
	[bflag:$0x2] =	sbarrier.arrive $0xFFFF  }
0x4c: {  	[sflag:s0] =	ssyncadd.tile.s32 @!p0 $0x1;
	s0 =	simm.s32 @!p0 $0x3F  }
0x4d: {  	_ =	swait.ge @!p0 [sflag:s0], s1  }
0x4e: {  	s1 =	ssub.s32 @!p0 $0x0, s1;
	[sflag:s0] =	ssyncset.done @!p0 $0x0  }
0x4f: {  	[sflag:s0] =	ssyncadd.s32 @!p0 s1  }
0x50: {  	[bflag:$0x3] =	sbarrier.arrive $0xFFFF  }
0x51: {  	_ =	shalt  }
.Lfunc_end2:
execute1_lowered:
.L_overlay_start_2:
0x52: {  	(tag) =	ssettag $0x2  }
0x53: {  	s0 =	rddreg [dreg:$0x0]  }
0x54: {  	s14 =	stileid.u32;
	_ =	strace $0x8000004A;
	s2 =	simm.s32 $0x1  }
0x55: {  	v1 =	vimm.s32 $0xFFFFFFFF;
	s1 =	smin.u32 s14, $0x4;
	[sflag:s2] =	ssyncpa.u1 $0x0  }
0x56: {  	s1 =	sadd.s32 s14, s1;
	[tilespmem:$0x10] =	vst v1  }
0x57: {  	v0 =	vimm.f32 $0.0e+00;
	p0 =	slt.u32 s14, $0x4;
	[tilespmem:$0x20] =	vst v1;
	s3 =	smul.u32 $0x1F40, s1;
	s1 =	simm.s32 $0x3E80  }
0x58: {  	[tilespmem:$0x30] =	vst v0;
	s1 =	simm.s32 @!p0 $0x1F40  }
0x59: {  	[tilespmem:$0x40] =	vst v0;
	s1 =	sadd.s32 s1, s3  }
0x5a: {  	[tilespmem:$0x50] =	vst v0;
	s4 =	smin.u32 s1, $0x27100  }
0x5b: {  	[tilespmem:$0x60] =	vst v1;
	s9 =	ssub.s32 s4, s3  }
0x5c: {  	s7 =	simm.s32 $0x2;
	s8 =	simm.s32 $0x8;
	[tilespmem:$0x70] =	vst v1;
	p0 =	sgt.s32 s9, $0x0  }
0x5d: {  	s31 =	simm.s32 $0x9;
	s16 =	simm.s32 $0x0;
	[tilespmem:$0x80] =	vst v1;
	s9 =	simm.s32 @!p0 $0x0  }
0x5e: {  	s17 =	simm.s32 $0xF0;
	s18 =	simm.s32 $0xFFFFFFFF;
	v1 =	vimm.s32 $0x0;
	[tilespmem:$0xB0] =	vst v0;
	s5 =	smulhi.u32 $0x10624DD3, s9  }
0x5f: {  	s19 =	simm.s32 $0xFFFFC280;
	s20 =	simm.s32 $0xFFFFFFFE;
	s21 =	simm.s32 $0xF;
	[tilespmem:$0x90] =	vst v1  }
0x60: {  	[tilespmem:$0xA0] =	vst v1;
	[sflag:s7] =	ssyncpa.u1 $0x0;
	s7 =	simm.s32 $0x7;
	s10 =	sshrl.u32 s5, $0x9  }
0x61: {  	s25 =	simm.s32 $0x0;
	[sflag:s7] =	ssyncpa.u1 $0x0;
	s11 =	smul.u32 $0x1F40, s10  }
0x62: {  	s24 =	simm.s32 $0x0;
	s6 =	sadd.s32 $0x2CC00, s0;
	[sflag:s8] =	ssyncpa.u1 $0x0  }
.Ltmp6:
0x63: {  	s23 =	smov.u32 s3;
	p0 =	sne.s32 s9, s11;
	(pc) =	sbr.rel .LBB3_1-.Ltmp6, $4  }
0x64: {  	s1 =	sadd.s32 $0x31C00, s0;
	[sflag:s31] =	ssyncpa.u1 $0x0;
	s2 =	simm.s32 @!p0 $0x0  }
0x65: {  	s5 =	sadd.s32 $0x27C00, s0;
	p0 =	por $0x0, $0x0;
	s9 =	sadd.s32 s2, s10  }
0x66: {  	vm0 =	vmmov $0xffff;
	v2 =	vlaneseq.u32;
	s10 =	sshll.u32 s14, $0x1;
	s14 =	sshllo.u32 s14, $0x1;
	s11 =	sadd.s32 $0x1, s9  }
0x67: {  	vm1 =	vmxor vm1, vm1;
	vm2 =	vmmov $0x1;
	vm3 =	vcmask $0x3F3C;
	s12 =	sadd.s32 $0x2, s9;
	s13 =	sor.u32 $0x81, s10;
	s15 =	sor.u32 $0x80, s10  }
.LBB3_9:
0x68: {  	p1 =	slt.u32 s24, $0x3  }
0x69: {  	s0 =	simm.s32 @!p1 $0x2  }
0x6a: {  	_ =	swait.ge @!p1 [sflag:s0], $0x1F40  }
0x6b: {  	[sflag:s0] =	ssyncset.done @!p1 $0x0  }
0x6c: {  	[sflag:s0] =	ssyncadd.s32 @!p1 $0xFFFFE0C0;
	s0 =	simm.s32 @!p1 $0x9  }
0x6d: {  	_ =	swait.ge @!p1 [sflag:s0], $0x10  }
0x6e: {  	[sflag:s0] =	ssyncset.done @!p1 $0x0  }
0x6f: {  	[sflag:s0] =	ssyncadd.s32 @!p1 $0xFFFFFFF0;
	p1 =	sne.s32 s24, s12  }
.Ltmp7:
0x70: {  	s2 =	sadd.s32 $0x1F40, s23;
	(pc) =	sbr.rel @!p1 .LBB3_10-.Ltmp7, $4  }
0x71: {  	s22 =	smov.u32 s3;
	s31 =	sadd.s32 $0x1, s24;
	s17 =	sadd.s32 $0x1F40, s17  }
0x72: {  	s18 =	sadd.s32 $0x1, s18;
	s25 =	smov.u32 s23;
	p2 =	slt.s32 s2, s4  }
0x73: {  	p0 =	por !p0, !p0;
	s19 =	sadd.s32 $0x1F40, s19;
	s22 =	smov.u32 @p2 s2  }
0x74: {  	s20 =	sadd.s32 $0x1, s20;
	s23 =	smov.u32 s22;
	s24 =	smov.u32 s31  }
.LBB3_1:
0x75: {  	p1 =	sge.u32 s24, s9  }
0x76: {  	s0 =	smulhi.u32 @!p1 $0xAAAAAAAB, s24;
	_ =	sdelay $0x1  }
0x77: {  	s0 =	sshrl.u32 @!p1 s0, $0x1  }
0x78: {  	s0 =	smul.u32 @!p1 $0x3, s0;
	_ =	sdelay $0x1  }
0x79: {  	s0 =	ssub.s32 @!p1 s24, s0  }
0x7a: {  	s0 =	smul.u32 @!p1 $0x7D00, s0;
	_ =	sdelay $0x1  }
0x7b: {  	s2 =	sshrl.u32 @!p1 s23, $0x3;
	s0 =	sshrl.u32 @!p1 s0, $0x2  }
0x7c: {  	s22 =	sand.u32 @!p1 $0x7, s23;
	s2 =	sadd.s32 @!p1 s5, s2;
	s0 =	sadd.s32 @!p1 $0x100, s0  }
0x7d: {  	[tilespmem:s0], [sflag:$0x7] =	stream.linear.gather @!p1 [hbm4b:s2+s22], $0x1F40, $0x38;
	[tilespmem:$0x11A60] =	vst v63  }
0x7e: {  	s0 =	sadd.s32 $0xFFFFFFFF, s24  }
0x7f: {  	p1 =	sge.u32 s0, s9  }
.Ltmp8:
0x80: {  	_ = 	snop;
	(pc) =	sbr.rel @p1 .LBB3_5-.Ltmp8, $1  }
0x81: {  	_ =	sdelay $0x3  }
0x82: {  	s2 =	smulhi.u32 $0xAAAAAAAB, s0;
	_ =	sdelay $0x1  }
0x83: {  	s2 =	sshrl.u32 s2, $0x1  }
0x84: {  	s2 =	smul.u32 $0x3, s2;
	_ =	sdelay $0x1  }
0x85: {  	s2 =	ssub.s32 s0, s2  }
0x86: {  	s2 =	smul.u32 $0x7D00, s2  }
0x87: {  	_ =	swait.ge [sflag:s7], $0x1F40  }
0x88: {  	[sflag:s7] =	ssyncset.done $0x0;
	s2 =	sshrl.u32 s2, $0x2  }
0x89: {  	[sflag:s7] =	ssyncadd.s32 $0xFFFFE0C0;
	(ifvalue) =	ssetifvalue $0xFFFFFFFF;
	v3 =	vld.msk [tilespmem:s2+$0x100 ss:$0x1], $0xffff;
	_ =	sdelay $0x2  }
0x8a: {  	s30 =	smulhi.u32 $0xAAAAAAAB, s18;
	p1 =	sne.s32 s24, $0x1  }
0x8b: {  	v4 =	vimm.s32 @!p1 $0x0  }
0x8c: {  	s2 =	sshrl.u32 s30, $0x1;
	v4 =	vperm.xlane @!p1 v3, v4  }
0x8d: {  	s22 =	sshll.u32 s24, $0x4;
	s2 =	smul.u32 $0xFFFE8900, s2;
	vm4 =	vlt.u32 v3, $0x2800  }
0x8e: {  	s22 =	sand.u32 $0x10, s22;
	v3 =	vnsel vm4, $0xFFFFFFFE, v3;
	vm4 =	vlt.u32 @!p1 v4, $0x2800  }
0x8f: {  	s2 =	sshra.s32 s2, $0x2;
	[tilespmem:s22+$0x60] =	vst v3;
	v3 =	vnsel @!p1 vm4, $0xFFFFFFFE, v4  }
0x90: {  	s28 =	sadd.s32 s2, s17;
	[tilespmem:$0x80] =	vst @!p1 v3  }
0x91: {  	v3 =	vld.msk [tilespmem:s28+$0x0 ss:$0x1], $0xffff;
	_ =	sdelay $0x4  }
0x92: {  	(xrf1) =	vunique.msk.u32 $0xffff, v3;
	_ =	sdelay $0xd  }
0x93: {  	v4 =	vimm.s32 $0xFFFFFFFF;
	v5, _, _ =	vpop (xrf1)  }
0x94: {  	vm5 =	vne.s32 v3, v4;
	vm4 =	veq.s32 v5, v2  }
0x95: {  	vm6 =	vlt.u32 v3, $0x2800;
	vm4 =	vmand vm5, vm4  }
0x96: {  	vm4 =	vmand vm6, vm4  }
0x97: {  	v4 =	vnsel vm4, $0xFFFFFFFF, v3  }
0x98: {  	s31 =	sand.u32 $0x1, s0  }
0x99: {  	s0 =	simm.s32 $0x1F40;
	p1 =	seq.s32 s31, $0x1  }
0x9a: {  	s0 =	simm.s32 @!p1 $0x0  }
0x9b: {  	s26 =	sadd.s32 $0x7DF0, s0;
	(ifvalue) =	ssetifvalue $0xFFFFFFFF  }
0x9c: {  	v3 =	vperm.xlane v3, v1;
	[tilespmem:s26], [sflag:$0x8] =	stream.indirect_vreg.gather [hbm4b:s1+s16], $0x1, v4, vm0, $0x4038;
	v4 =	vnsel vm6, $0xFFFFFFFE, v4;
	[tilespmem:$0x11A60] =	vst v63  }
0x9d: {  	s2 =	simm.s32 $0x0;
	s22 =	sadd.s32 $0xFFFFFFF0, s28;
	[tilespmem:s28+$0x0] =	vst v4  }
.LBB3_3:
0x9e: {  	v4 =	vld.msk [tilespmem:s22+$0x0 ss:$0x1], $0xffff;
	s2 =	sadd.s32 $0x10, s2;
	v5 =	vmov v3;
	s28 =	smov.u32 s22  }
0x9f: {  	p1 =	slt.u32 s2, $0x1F30;
	_ =	sdelay $0x4  }
0xa0: {  	v3 =	vperm.xlane v4, v1;
	(xrf1) =	vunique.msk.u32 $0xffff, v4;
	_ =	sdelay $0xd  }
0xa1: {  	v6, _, _ =	vpop (xrf1)  }
0xa2: {  	vm5 =	vne.s32 v4, v5;
	vm4 =	veq.s32 v6, v2  }
0xa3: {  	vm6 =	vlt.u32 v4, $0x2800;
	vm4 =	vmand vm5, vm4  }
0xa4: {  	vm4 =	vmand vm6, vm4  }
0xa5: {  	v4 =	vnsel vm4, $0xFFFFFFFF, v4  }
.Ltmp9:
0xa6: {  	v5 =	vnsel vm6, $0xFFFFFFFE, v4;
	(pc) =	sbr.rel @p1 .LBB3_3-.Ltmp9, $3  }
0xa7: {  	_ =	sdelay $0x1  }
0xa8: {  	s22 =	sadd.s32 $0xFFFFFFF0, s22;
	s26 =	sadd.s32 $0xFFFFFFF0, s26;
	(ifvalue) =	ssetifvalue $0xFFFFFFFF  }
0xa9: {  	[tilespmem:s26], [sflag:$0x8] =	stream.indirect_vreg.gather [hbm4b:s1+s16], $0x1, v4, vm0, $0x4038;
	[tilespmem:s28+$0x0] =	vst v5  }
0xaa: {  	s2 =	sshrl.u32 s25, $0x3  }
0xab: {  	s0 =	sadd.s32 $0x9D40, s0;
	s2 =	sadd.s32 s6, s2  }
0xac: {  	[tilespmem:s0], [sflag:$0x8] =	stream.linear.gather [hbm:s2], $0x1F40, $0x38;
	[tilespmem:$0x11A60] =	vst v63  }
.LBB3_5:
0xad: {  	p1 =	slt.u32 s24, $0x2  }
0xae: {  	p2 =	sge.u32 @!p1 s24, s12  }
0xaf: {  	p1 =	por p1, p2  }
.Ltmp10:
0xb0: {  	_ = 	snop;
	(pc) =	sbr.rel @p1 .LBB3_9-.Ltmp10, $1  }
0xb1: {  	_ =	sdelay $0x3  }
0xb2: {  	s0 =	sadd.s32 $0xFFFFFFFE, s24  }
0xb3: {  	s2 =	smulhi.u32 $0xAAAAAAAB, s0;
	_ =	sdelay $0x1  }
0xb4: {  	s2 =	sshrl.u32 s2, $0x1  }
0xb5: {  	s2 =	smul.u32 $0x3, s2;
	_ =	sdelay $0x1  }
0xb6: {  	s0 =	ssub.s32 s0, s2  }
0xb7: {  	_ =	swait.ge [sflag:s8], $0x3E80;
	s0 =	smul.u32 $0x1F40, s0  }
0xb8: {  	p1 =	sne.s32 s24, s11;
	[sflag:s8] =	ssyncset.done $0x0  }
0xb9: {  	[sflag:s8] =	ssyncadd.s32 $0xFFFFC180;
	s2 =	sadd.s32 @!p1 $0x203F, s0  }
0xba: {  	[spmem:s13] =	stream.linear.scatter @!p1 [tilespmem:s2], [sflag:$0x1], $0x1, $0x38;
	[tilespmem:$0x11A60] =	vst v63  }
0xbb: {  	s2 =	simm.s32 @!p1 $0x1  }
0xbc: {  	_ =	swait.ge @!p1 [sflag:s2], $0x1  }
0xbd: {  	s22 =	sshll.u32 s24, $0x4;
	[sflag:s2] =	ssyncset.done @!p1 $0x0  }
0xbe: {  	s25 =	sand.u32 $0x10, s22;
	[sflag:s2] =	ssyncadd.s32 @!p1 $0xFFFFFFFF  }
0xbf: {  	s2 =	sxor.u32 $0x10, s25;
	v4 =	vld [tilespmem:s25+$0x10]  }
0xc0: {  	v5 =	vld [tilespmem:s2+$0x60]  }
0xc1: {  	v3 =	vld [tilespmem:$0x80];
	_ =	sdelay $0x2  }
0xc2: {  	(v2sf) =	vpush v4, $0x0  }
0xc3: {  	(v2sf) =	vpush v5, $0x0  }
0xc4: {  	(v2sf) =	vpush v3, $0x0;
	_ =	sdelay $0xc  }
0xc5: {  	s22 =	spop (v2sf)  }
0xc6: {  	s26 =	spop (v2sf)  }
0xc7: {  	s28 =	spop (v2sf)  }
0xc8: {  	p2 =	seq.s32 s22, s26;
	p3 =	seq.s32 s28, s22  }
0xc9: {  	p3 =	por p2, p3  }
0xca: {  	s26 =	sand.u32 $0x1, s24;
	v4 =	vpsel p3, $0xFFFFFFFF, v4  }
0xcb: {  	s29 =	smul.u32 $0x1F40, s26;
	[tilespmem:s25+$0x10] =	vst.msk $0x1, v4  }
0xcc: {  	v4 =	vld [tilespmem:$0x30]  }
0xcd: {  	v5 =	vld [tilespmem:s29+$0x9D40]  }
0xce: {  	v6 =	vld [tilespmem:s25+$0x40];
	_ =	sdelay $0x3  }
0xcf: {  	vm4 =	vmmov vm1;
	v5 =	vadd.f32 v5, v4  }
0xd0: {  	vm5 =	vmmov vm2;
	vm4 =	vmmov @p2 vm2;
	s22 =	sshll.u32 s26, $0x4;
	v4 =	vadd.f32 v6, v4  }
0xd1: {  	s26 =	sor.u32 $0x11A40, s22;
	vm5 =	vmmov @p3 vm1;
	[tilespmem:s29+$0x9D40] =	vst.msk vm4, v5  }
0xd2: {  	[tilespmem:s26+$0x0] =	vst.msk vm5, v4  }
0xd3: {  	v4 =	vld [tilespmem:s29+$0x7DF0];
	_ =	sdelay $0x3  }
0xd4: {  	v5 =	vimm.f32 $0.0e+00  }
0xd5: {  	v4 =	vshift.insert v4, v5, s21  }
0xd6: {  	s22 =	sor.u32 $0x40, s2  }
0xd7: {  	[tilespmem:s22+$0x0] =	vst.msk $0x1, v4  }
0xd8: {  	[tilespmem:s29+$0x7DFF] =	vst.msk $0x1, v5  }
0xd9: {  	v4 =	vld [tilespmem:s0+$0x2030];
	_ =	sdelay $0x1  }
0xda: {  	s22 =	smulhi.u32 $0xAAAAAAAB, s20;
	s0 =	simm.s32 $0x1  }
0xdb: {  	s0 =	simm.s32 @!p0 $0x0  }
0xdc: {  	s22 =	sshrl.u32 s22, $0x1;
	s0 =	smul.u32 $0x7D00, s0  }
0xdd: {  	s22 =	smul.u32 $0xFFFE8900, s22;
	v4 =	vshift.insert v4, v1, s21  }
0xde: {  	s0 =	sshrl.u32 s0, $0x2  }
0xdf: {  	s22 =	sshra.s32 s22, $0x2;
	s30 =	sadd.s32 $0x9D40, s0;
	[tilespmem:s2+$0x10] =	vst.msk $0x1, v4  }
0xe0: {  	s22 =	sadd.s32 s22, s19;
	v6 =	vld [tilespmem:s30+$0x0]  }
0xe1: {  	v7 =	vld [tilespmem:s22+$0x0];
	_ =	sdelay $0x3  }
0xe2: {  	v5 =	vadd.f32 v6, v5  }
0xe3: {  	vm4 =	vne.s32 v7, $0xFFFFFFFF  }
0xe4: {  	(xrf2) =	vadd.seg.scan.f32 vm4, v5;
	_ =	sdelay $0x3  }
0xe5: {  	s31 =	sadd.s32 $0x5EC0, s0;
	v5 =	vperm.xlane v4, v1  }
0xe6: {  	v6 =	vld [tilespmem:s31+$0x0]  }
0xe7: {  	vm5 =	veq.s32 v7, v3;
	vm6 =	veq.s32 v7, v5  }
0xe8: {  	vm7 =	vgt.u32 v7, $0xFFFFFFFD;
	vm6 =	vmor vm6, vm5  }
0xe9: {  	vm6 =	vmor vm6, vm7  }
0xea: {  	v9 =	vld [tilespmem:$0xA0];
	v7 =	vsel vm6, $0xFFFFFFFF, v7  }
0xeb: {  	v10 =	vld [tilespmem:$0x90];
	v6 =	vsel vm5, $0x0, v6;
	v8, _, _ =	vpop (xrf2)  }
0xec: {  	v6 =	vadd.f32 v8, v6  }
0xed: {  	s0 =	sadd.s32 $0xDBC0, s0  }
0xee: {  	vm4 =	vmand vm4, vm3;
	[tilespmem:s0+$0x0] =	vst v6;
	(ifvalue) =	ssetifvalue $0xFFFFFFFF  }
0xef: {  	vm6 =	veq.s32 v9, $0x1;
	[hbm4b:s1+s16] =	stream.indirect_vreg.scatter [tilespmem:s0], [sflag:$0x2], $0x1, v7, vm0, $0x4038;
	v7 =	vsel vm4, $0x0, v8;
	[tilespmem:$0x11A60] =	vst v63  }
0xf0: {  	s2 =	simm.s32 $0x0;
	s22 =	sadd.s32 $0x10, s22;
	vm4 =	vmor vm6, vm5;
	v6 =	vsel vm5, v8, v10;
	v7 =	vshift.insert v7, v0, s21  }
.LBB3_7:
0xf1: {  	v8 =	vld [tilespmem:s22+$0x0];
	s30 =	sadd.s32 $0x10, s30  }
0xf2: {  	s31 =	sadd.s32 $0x10, s31;
	v9 =	vld [tilespmem:s30+$0x0]  }
0xf3: {  	s2 =	sadd.s32 $0x10, s2;
	v10 =	vld [tilespmem:s31+$0x0]  }
0xf4: {  	p2 =	slt.u32 s2, $0x1F30;
	_ =	sdelay $0x2  }
0xf5: {  	v7 =	vadd.f32 v9, v7  }
0xf6: {  	vm5 =	vne.s32 v8, $0xFFFFFFFF  }
0xf7: {  	vm6 =	vmand vm5, vm3;
	(xrf2) =	vadd.seg.scan.f32 vm5, v7;
	_ =	sdelay $0x5  }
0xf8: {  	vm7 =	veq.s32 v8, v5;
	vm5 =	veq.s32 v8, v3  }
0xf9: {  	vm8 =	vgt.u32 v8, $0xFFFFFFFD;
	vm4 =	vmor vm4, vm5;
	vm7 =	vmor vm7, vm5  }
0xfa: {  	vm7 =	vmor vm7, vm8  }
0xfb: {  	v8 =	vsel vm7, $0xFFFFFFFF, v8  }
.Ltmp11:
0xfc: {  	v7 =	vsel vm5, $0x0, v10;
	v9, _, _ =	vpop (xrf2);
	(pc) =	sbr.rel @p2 .LBB3_7-.Ltmp11, $4  }
0xfd: {  	v6 =	vsel vm5, v9, v6;
	v10 =	vadd.f32 v9, v7;
	v7 =	vsel vm6, $0x0, v9  }
0xfe: {  	s0 =	sadd.s32 $0x10, s0;
	v7 =	vshift.insert v7, v0, s21  }
0xff: {  	s22 =	sadd.s32 $0x10, s22;
	[tilespmem:s0+$0x0] =	vst v10;
	(ifvalue) =	ssetifvalue $0xFFFFFFFF  }
0x100: {  	[hbm4b:s1+s16] =	stream.indirect_vreg.scatter [tilespmem:s0], [sflag:$0x2], $0x1, v8, vm0, $0x4038;
	[tilespmem:$0x11A60] =	vst v63  }
0x101: {  	v3 =	vld [tilespmem:s29+$0xFAF0];
	_ =	sdelay $0x4  }
0x102: {  	v3 =	vshift.insert v3, v0, s21  }
0x103: {  	s0 =	simm.s32 $0x30  }
0x104: {  	[tilespmem:s0+$0x0] =	vst.msk $0x1, v3  }
0x105: {  	v3 =	vsel vm4, $0x1, v1;
	[tilespmem:$0x90] =	vst v6  }
0x106: {  	s0 =	sadd.s32 @!p1 $0xFAFF, s29;
	[tilespmem:$0xA0] =	vst v3  }
0x107: {  	[spmem:s14] =	stream.linear.scatter @!p1 [tilespmem:s0], [sflag:$0x1], $0x1, $0x38;
	[tilespmem:$0x11A60] =	vst v63  }
0x108: {  	s0 =	simm.s32 @!p1 $0x1  }
0x109: {  	v3 =	vmctz.xlane @!p1 vm4;
	_ =	swait.ge @!p1 [sflag:s0], $0x1  }
0x10a: {  	(v2sf) =	vpush @!p1 v4, $0x0  }
0x10b: {  	(v2sf) =	vpush @!p1 v3, $0x0;
	_ =	sdelay $0xd  }
0x10c: {  	s2 =	spop @!p1 (v2sf)  }
0x10d: {  	s22 =	spop @!p1 (v2sf)  }
0x10e: {  	p2 =	sne.s32 @!p1 s28, s2;
	p3 =	slt.s32 @!p1 s22, $0xF  }
0x10f: {  	[sflag:s0] =	ssyncset.done @!p1 $0x0;
	p2 =	por p2, p1;
	p3 =	por !p3, p1  }
0x110: {  	[sflag:s0] =	ssyncadd.s32 @!p1 $0xFFFFFFFF;
	v3 =	vimm.s32 @!p2 $0xFFFFFFFF;
	s22 =	simm.s32 @p3 $0xF  }
0x111: {  	[tilespmem:$0x80] =	vst @!p2 v3;
	s2 =	sadd.s32 @!p1 $0x90, s22  }
0x112: {  	[spmem:s10] =	stream.linear.scatter @!p1 [tilespmem:s2], [sflag:$0x1], $0x1, $0x38;
	[tilespmem:$0x11A60] =	vst v63  }
0x113: {  	_ =	swait.ge @!p1 [sflag:s0], $0x1  }
0x114: {  	[sflag:s0] =	ssyncset.done @!p1 $0x0  }
0x115: {  	s2 =	simm.s32 @!p1 $0x80;
	[sflag:s0] =	ssyncadd.s32 @!p1 $0xFFFFFFFF  }
0x116: {  	[spmem:s15] =	stream.linear.scatter @!p1 [tilespmem:s2], [sflag:$0x1], $0x1, $0x38;
	[tilespmem:$0x11A60] =	vst v63  }
0x117: {  	_ =	swait.ge @!p1 [sflag:s0], $0x1  }
0x118: {  	[sflag:s0] =	ssyncset.done @!p1 $0x0  }
0x119: {  	[sflag:s0] =	ssyncadd.s32 @!p1 $0xFFFFFFFF;
	(ifvalue) =	ssetifvalue $0xFFFFFFFF;
	v3 =	vld [tilespmem:s25+$0x10];
	_ =	sdelay $0x3  }
.Ltmp12:
0x11a: {  	_ = 	snop;
	(pc) =	sbr.rel .LBB3_9-.Ltmp12, $3  }
0x11b: {  	_ =	sdelay $0x1  }
0x11c: {  	(ifvalue) =	ssetifvalue $0xFFFFFFFF  }
0x11d: {  	[hbm4b:s1+s16] =	stream.indirect_vreg.scatter [tilespmem:s26], [sflag:$0x9], $0x1, v3, vm0, $0x4038;
	[tilespmem:$0x11A60] =	vst v63  }
.LBB3_10:
0x11e: {  	_ =	sfence.sel $0x180000  }
0x11f: {  	s0 =	simm.s32 $0x7;
	[bflag:$0x0] =	sbarrier.arrive $0xFFFF  }
0x120: {  	s26 =	simm.s32 $0x8;
	[sflag:s0] =	ssyncpa.u1 $0x1  }
0x121: {  	s28 =	simm.s32 $0x9;
	[sflag:s26] =	ssyncpa.u1 $0x1  }
0x122: {  	[sflag:s28] =	ssyncpa.u1 $0x1  }
0x123: {  	_ =	sfence.stream.spmem  }
0x124: {  	s29 =	simm.s32 $0x3;
	[bflag:$0x0] =	sbarrier.arrive $0xFFFF  }
0x125: {  	s30 =	simm.s32 $0x4;
	[sflag:s29] =	ssyncpa.u1 $0x1  }
0x126: {  	s31 =	simm.s32 $0x3C;
	s2 =	stileid.u32;
	[sflag:s30] =	ssyncpa.u1 $0x1  }
0x127: {  	p0 =	sne.s32 s2, $0x0;
	[sflag:s31] =	ssyncpa.u1 $0x1  }
0x128: {  	s0 =	simm.s32 @p0 $0x1;
	_ =	sfence @p0  }
0x129: {  	[sflag:s0] =	ssyncpa.u1 @p0 $0x1;
	s0 =	simm.s32 @p0 $0x2  }
0x12a: {  	[sflag:s0] =	ssyncpa.u1 @p0 $0x1  }
0x12b: {  	_ =	strace @p0 $0x9000004A  }
0x12c: {  	[bflag:$0x2] =	sbarrier.arrive @p0 $0xFFFF  }
0x12d: {  	_ =	shalt @p0  }
.LBB3_11:
0x12e: {  	_ =	sfence.stream.spmem;
	s0 =	simm.s32 $0x5  }
0x12f: {  	s2 =	simm.s32 $0x80;
	s3 =	simm.s32 $0xC0;
	[sflag:s0] =	ssyncpa.u1 $0x0  }
0x130: {  	[tilespmem:s3], [sflag:$0x5] =	stream.linear.gather [spmem:s2], $0x20, $0x38;
	[tilespmem:$0x11A60] =	vst v63  }
0x131: {  	s2 =	simm.s32 $0x0;
	s3 =	simm.s32 $0xE0  }
0x132: {  	[tilespmem:s3], [sflag:$0x5] =	stream.linear.gather [spmem:s2], $0x20, $0x38;
	[tilespmem:$0x11A60] =	vst v63  }
.Ltmp13:
0x133: {  	_ = 	snop;
	(pc) =	sbr.rel .LBB3_12-.Ltmp13, $4  }
0x134: {  	_ =	swait.ge [sflag:s0], $0x40  }
0x135: {  	[sflag:s0] =	ssyncset.done $0x0  }
0x136: {  	s31 =	simm.s32 $0x6;
	[sflag:s0] =	ssyncadd.s32 $0xFFFFFFC0  }
0x137: {  	s4 =	simm.s32 $0x0;
	[sflag:s31] =	ssyncpa.u1 $0x0  }
.LBB3_17:
0x138: {  	p0 =	sgt.u32 s5, $0x27FF  }
0x139: {  	s0 =	sshrl.u32 @!p0 s5, $0x3  }
0x13a: {  	s5 =	sand.u32 @!p0 $0x7, s5;
	s6 =	simm.s32 @!p0 $0xB0;
	s0 =	sadd.s32 @!p0 s1, s0  }
0x13b: {  	[tilespmem:s6], [sflag:$0x6] =	stream.linear.gather @!p0 [hbm4b:s0+s5], $0x1, $0x38;
	[tilespmem:$0x11A60] =	vst v63  }
0x13c: {  	s0 =	simm.s32 @!p0 $0x6  }
0x13d: {  	_ =	swait.ge @!p0 [sflag:s0], $0x1  }
0x13e: {  	[sflag:s0] =	ssyncset.done @!p0 $0x0  }
0x13f: {  	[sflag:s0] =	ssyncadd.s32 @!p0 $0xFFFFFFFF  }
0x140: {  	v2 =	vmov @!p0 s4;
	v1 =	vld.msk @!p0 [tilespmem:$0xB0], $0x1;
	_ =	sdelay $0x3  }
0x141: {  	s0 =	simm.s32 @!p0 $0xE0  }
0x142: {  	[tilespmem:v2+s0+$0x0], v1 =	vst.idx.ret.add.f32.msk @!p0 $0x1, v1  }
0x143: {  	[tilespmem:s2+$0xC0] =	vst.msk $0x1, v0  }
0x144: {  	v0 =	vld.msk [tilespmem:s4+$0xE0], $0x1;
	_ =	sdelay $0x4  }
0x145: {  	[tilespmem:s2+$0xE0] =	vst.msk $0x1, v0;
	s2 =	sadd.s32 $0x1, s2  }
.LBB3_19:
0x146: {  	s4 =	sadd.s32 $0x1, s4  }
0x147: {  	p0 =	sne.s32 s4, $0x20  }
.Ltmp14:
0x148: {  	_ = 	snop;
	(pc) =	sbr.rel @!p0 .LBB3_20-.Ltmp14, $1  }
0x149: {  	_ =	sdelay $0x3  }
.LBB3_12:
0x14a: {  	v0 =	vld.msk [tilespmem:s4+$0xC0], $0x1;
	_ =	sdelay $0x4  }
0x14b: {  	(v2sf) =	vpush v0, $0x0;
	_ =	sdelay $0xe  }
0x14c: {  	s5 =	spop (v2sf)  }
0x14d: {  	p0 =	seq.s32 s5, $0xFFFFFFFF  }
.Ltmp15:
0x14e: {  	_ = 	snop;
	(pc) =	sbr.rel @p0 .LBB3_19-.Ltmp15, $1  }
0x14f: {  	_ =	sdelay $0x3  }
0x150: {  	p0 =	slt.s32 s2, $0x1  }
.Ltmp16:
0x151: {  	_ = 	snop;
	(pc) =	sbr.rel @p0 .LBB3_17-.Ltmp16, $1  }
0x152: {  	_ =	sdelay $0x3  }
0x153: {  	s0 =	simm.s32 $0xC0;
	p0 =	por $0x0, $0x0  }
0x154: {  	v1 =	vld.msk @!p0 [tilespmem:s0+$0x0], $0x1;
	_ =	sdelay $0x4  }
0x155: {  	(v2sf) =	vpush @!p0 v1, $0x0;
	_ =	sdelay $0xd  }
0x156: {  	p2 =	sne.s32 s2, $0x1  }
.Ltmp17:
0x157: {  	s6 =	spop @!p0 (v2sf);
	(pc) =	sbr.rel @!p2 .LBB3_16-.Ltmp17, $4  }
0x158: {  	p1 =	seq.s32 @!p0 s5, s6  }
0x159: {  	s6 =	simm.s32 $0x0;
	p1 =	por !p1, p0  }
0x15a: {  	s8 =	simm.s32 $0xFFFFFFFF;
	s6 =	simm.s32 @p1 $0xFFFFFFFF  }
0x15b: {  	s7 =	simm.s32 $0x1;
	s6 =	smov.u32 @p0 s8  }
.LBB3_15:
0x15c: {  	s8 =	smov.u32 s6;
	p0 =	sne.s32 s6, $0xFFFFFFFF  }
0x15d: {  	s0 =	sadd.s32 $0x1, s0;
	s6 =	smov.u32 s7;
	s7 =	sadd.s32 $0x1, s7  }
0x15e: {  	p1 =	sne.s32 s2, s7;
	v1 =	vld.msk @!p0 [tilespmem:s0+$0x0], $0x1;
	_ =	sdelay $0x4  }
0x15f: {  	(v2sf) =	vpush @!p0 v1, $0x0;
	_ =	sdelay $0xe  }
.Ltmp18:
0x160: {  	s9 =	spop @!p0 (v2sf);
	(pc) =	sbr.rel @p1 .LBB3_15-.Ltmp18, $4  }
0x161: {  	p2 =	seq.s32 @!p0 s5, s9  }
0x162: {  	p2 =	por !p2, p0  }
0x163: {  	s6 =	simm.s32 @p2 $0xFFFFFFFF  }
0x164: {  	s6 =	smov.u32 @p0 s8  }
.LBB3_16:
0x165: {  	p0 =	sne.s32 s6, $0xFFFFFFFF  }
.Ltmp19:
0x166: {  	_ = 	snop;
	(pc) =	sbr.rel @!p0 .LBB3_17-.Ltmp19, $1  }
0x167: {  	_ =	sdelay $0x3  }
0x168: {  	v0 =	vld.msk [tilespmem:s4+$0xE0], $0x1;
	v1 =	vmov s6  }
.Ltmp20:
0x169: {  	_ = 	snop;
	(pc) =	sbr.rel .LBB3_19-.Ltmp20, $2  }
0x16a: {  	_ =	sdelay $0x2  }
0x16b: {  	[tilespmem:v1+s3+$0x0], v0 =	vst.idx.ret.add.f32.msk $0x1, v0  }
.LBB3_20:
0x16c: {  	p0 =	slt.s32 s2, $0x1  }
.Ltmp21:
0x16d: {  	_ = 	snop;
	(pc) =	sbr.rel @p0 .LBB3_24-.Ltmp21, $3  }
0x16e: {  	_ =	sdelay $0x1  }
0x16f: {  	s0 =	simm.s32 $0x6  }
0x170: {  	s3 =	simm.s32 $0x0;
	[sflag:s0] =	ssyncpa.u1 $0x1  }
0x171: {  	s0 =	simm.s32 $0xC0  }
0x172: {  	v0 =	vld.msk [tilespmem:s0+$0x0], $0x1;
	_ =	sdelay $0x4  }
0x173: {  	(v2sf) =	vpush v0, $0x0;
	_ =	sdelay $0xe  }
0x174: {  	s2 =	sadd.s32 $0xFFFFFFFF, s2;
	s4 =	spop (v2sf)  }
0x175: {  	p1 =	sne.s32 s2, $0x0;
	p0 =	sgt.u32 s4, $0x27FF  }
.Ltmp22:
0x176: {  	s5 =	sshrl.u32 @!p0 s4, $0x3;
	(pc) =	sbr.rel @!p1 .LBB3_23-.Ltmp22, $4  }
0x177: {  	s0 =	simm.s32 $0xE0;
	s4 =	sand.u32 @!p0 $0x7, s4;
	s5 =	sadd.s32 @!p0 s1, s5  }
0x178: {  	[hbm4b:s5+s4] =	stream.linear.scatter @!p0 [tilespmem:s0], [sflag:$0x5], $0x1, $0x38;
	[tilespmem:$0x11A60] =	vst v63  }
0x179: {  	s5 =	simm.s32 $0x0  }
0x17a: {  	s4 =	simm.s32 $0xC1;
	s5 =	simm.s32 @!p0 $0x4  }
.LBB3_22:
0x17b: {  	v0 =	vld.msk [tilespmem:s4+$0x0], $0x1;
	s2 =	sadd.s32 $0xFFFFFFFF, s2;
	s3 =	sadd.s32 s3, s5  }
0x17c: {  	p0 =	sne.s32 s2, $0x0;
	_ =	sdelay $0x3  }
0x17d: {  	(v2sf) =	vpush v0, $0x0;
	_ =	sdelay $0xe  }
.Ltmp23:
0x17e: {  	s6 =	spop (v2sf);
	(pc) =	sbr.rel @p0 .LBB3_22-.Ltmp23, $4  }
0x17f: {  	s5 =	simm.s32 $0x0;
	p1 =	sgt.u32 s6, $0x27FF  }
0x180: {  	s0 =	sadd.s32 $0x1, s0;
	s5 =	simm.s32 @!p1 $0x4;
	s7 =	sshrl.u32 @!p1 s6, $0x3  }
0x181: {  	s4 =	sadd.s32 $0x1, s4;
	s6 =	sand.u32 @!p1 $0x7, s6;
	s7 =	sadd.s32 @!p1 s1, s7  }
0x182: {  	[hbm4b:s7+s6] =	stream.linear.scatter @!p1 [tilespmem:s0], [sflag:$0x5], $0x1, $0x38;
	[tilespmem:$0x11A60] =	vst v63  }
.LBB3_23:
0x183: {  	s0 =	sadd.s32 s3, s5  }
0x184: {  	s3 =	sshrl.u32 s0, $0x2  }
.LBB3_24:
0x185: {  	s0 =	simm.s32 $0x5  }
0x186: {  	_ =	swait.ge [sflag:s0], s3  }
0x187: {  	s1 =	ssub.s32 $0x0, s3;
	[sflag:s0] =	ssyncset.done $0x0  }
0x188: {  	[sflag:s0] =	ssyncadd.s32 s1  }
0x189: {  	[sflag:s0] =	ssyncpa.u1 $0x1  }
0x18a: {  	s29 =	simm.s32 $0x1;
	_ =	sfence  }
0x18b: {  	s30 =	simm.s32 $0x2;
	[sflag:s29] =	ssyncpa.u1 $0x1  }
0x18c: {  	[sflag:s30] =	ssyncpa.u1 $0x1  }
0x18d: {  	_ =	strace $0x9000004A  }
0x18e: {  	[bflag:$0x2] =	sbarrier.arrive $0xFFFF  }
0x18f: {  	s31 =	rddreg [dreg:$0x1]  }
0x190: {  	s0 =	sadd.s32 $0x100000, s31  }
0x191: {  	[sflag:s0] =	ssyncadd.tile.s32 $0x1;
	_ =	shalt  }
.Lfunc_end3:
_tile_overlayer_lowered:
.L_overlay_start_3:
0x192: {  	(tag) =	ssettag $0x3  }
0x193: {  	s0 =	rddreg [dreg:$0x0];
	s2 =	stileid.u32  }
0x194: {  	s1 =	rddreg [dreg:$0x1];
	p0 =	sne.s32 s2, $0x0  }
0x195: {  	s3 =	rddreg [dreg:$0x2];
	[bflag:$0x3] =	sbarrier.arrive $0xFFFF;
	s2 =	simm.s32 @!p0 $0x1C01  }
0x196: {  	[timem:s3], [sflag:s2] =	dma.local @!p0 [hbm:s0], s1  }
0x197: {  	s0 =	simm.s32 @!p0 $0x1  }
0x198: {  	_ =	swait.ge @!p0 [sflag:s0], s1  }
0x199: {  	s1 =	ssub.s32 @!p0 $0x0, s1;
	[sflag:s0] =	ssyncset.done @!p0 $0x0  }
0x19a: {  	[sflag:s0] =	ssyncadd.s32 @!p0 s1  }
0x19b: {  	[bflag:$0x3] =	sbarrier.arrive $0xFFFF  }
0x19c: {  	_ =	shalt  }

// kernel: scatter_offload_async_start
scs
__scs_entry_jumppad:
0x0: {  	(pc) =	sbr.rel $0x88, $3  }
0x1: {  	(tag) =	ssettag $0x0;
	lr =	simm.s32 $0x1  }
0x2: {  	[smem:$0x3F80] =	sst lr;
	_ =	strace $0xD0000000  }
0x3: {  	_ = 	snop  }
0x4: {  	_ = 	snop  }
0x5: {  	_ = 	snop  }
0x6: {  	_ = 	snop  }
0x7: {  	_ = 	snop  }
__scs_overlays_trampoline_lowered:
0x8: {  	[smem:$0x3F8F] =	sst s0  }
0x9: {  	[smem:$0x3F90] =	sst s1  }
0xa: {  	[smem:$0x3F91] =	sst s2  }
0xb: {  	[smem:$0x3F92] =	sst s3  }
0xc: {  	[smem:$0x3F93] =	sst s4  }
0xd: {  	[smem:$0x3F94] =	sst s5  }
0xe: {  	[smem:$0x3F95] =	sst s6  }
0xf: {  	[smem:$0x3F96] =	sst s7  }
0x10: {  	[smem:$0x3F97] =	sst s8  }
0x11: {  	[smem:$0x3F98] =	sst s9;
	s0 =	simm.s32 @!p0 $0x0  }
0x12: {  	s1 =	sld [smem:$0x3F7E];
	s0 =	simm.s32 @p0 $0x1  }
0x13: {  	[smem:$0x3F99] =	sst s0;
	s0 =	simm.s32 @!p1 $0x0  }
0x14: {  	s2 =	sld [smem:$0x3F7D];
	s0 =	simm.s32 @p1 $0x1  }
0x15: {  	[smem:$0x3F9A] =	sst s0;
	s0 =	simm.s32 @!p2 $0x0  }
0x16: {  	s3 =	sld [smem:$0x3FDB];
	s0 =	simm.s32 @p2 $0x1  }
0x17: {  	s4 =	simm.s32 $0x1BF5;
	[smem:$0x3F9C] =	sst s0  }
0x18: {  	s0 =	sld [smem:$0x3F7F];
	_ =	swait.ge [sflag:s4], $0x0  }
0x19: {  	s7 =	sld [smem:$0x3F80]  }
0x1a: {  	s8 =	sadd.s32 $0xFFFFE003, lr  }
0x1b: {  	s9 =	sadd.s32 $0xFFFFFEF7, lr;
	s5 =	simm.s32 $0xFFFFFFFF;
	p2 =	slt.u32 s8, $0xFFFFF086  }
0x1c: {  	p1 =	slt.u32 s9, $0xF7A;
	s5 =	simm.s32 @!p2 $0x0  }
0x1d: {  	s5 =	simm.s32 @p1 $0x1;
	p0 =	seq.s32 s7, s2  }
0x1e: {  	s7 =	smul.u32 @!p0 $0xF7A, s2;
	p2 =	seq.s32 @!p0 s5, $0x0  }
0x1f: {  	s9 =	smul.u32 $0xF7A, s1;
	s8 =	simm.s32 @!p0 $0x1BF5;
	p2 =	por !p2, p0  }
0x20: {  	[sflag:s8] =	ssyncset.s32 @!p0 $0xFFFFF086;
	s6 =	sadd.s32 @!p0 s3, s7;
	s7 =	simm.s32 @!p0 $0x108  }
0x21: {  	s3 =	sadd.s32 s3, s9;
	s6 =	sadd.s32 @!p0 $0x88, s6;
	s7 =	simm.s32 @p2 $0x1082  }
0x22: {  	[simem:s7], [sflag:s8] =	dma.local @!p0 [hbm:s6], $0xF7A  }
0x23: {  	s9 =	sor.u32 $0xD0000000, s2;
	s6 =	simm.s32 $0x108;
	_ =	swait.ge @!p0 [sflag:s8], $0x0  }
0x24: {  	s3 =	sadd.s32 $0x88, s3;
	s6 =	simm.s32 @!p1 $0x1082;
	[sflag:s4] =	ssyncset.s32 $0xFFFFF086  }
0x25: {  	[simem:s6], [sflag:s4] =	dma.local [hbm:s3], $0xF7A  }
0x26: {  	[smem:$0x3F80] =	sst s1;
	(tag) =	ssettag s2;
	_ =	strace s9  }
0x27: {  	s1 =	sld [smem:$0x3F90]  }
0x28: {  	s2 =	sld [smem:$0x3F91]  }
0x29: {  	s4 =	sld [smem:$0x3F93]  }
0x2a: {  	p0 =	seq.s32 s5, $0x0;
	s5 =	sld [smem:$0x3F94]  }
0x2b: {  	s6 =	sld [smem:$0x3F95]  }
0x2c: {  	s7 =	sld [smem:$0x3F96]  }
0x2d: {  	s3 =	simm.s32 $0x108;
	s8 =	sld [smem:$0x3F97]  }
0x2e: {  	s3 =	simm.s32 @!p0 $0x1082;
	s9 =	sld [smem:$0x3F98]  }
0x2f: {  	lr =	sadd.s32 s0, s3;
	s0 =	sld [smem:$0x3F8F]  }
0x30: {  	s3 =	sld [smem:$0x3F92]  }
0x31: {  	[smem:$0x3F9B] =	sst s10  }
0x32: {  	s10 =	sld [smem:$0x3F99];
	_ =	sdelay $0x3  }
0x33: {  	p0 =	seq.s32 s10, $0x1;
	s10 =	sld [smem:$0x3F9B];
	_ =	sdelay $0x3  }
0x34: {  	[smem:$0x3F9B] =	sst s10  }
0x35: {  	s10 =	sld [smem:$0x3F9A];
	_ =	sdelay $0x3  }
0x36: {  	p1 =	seq.s32 s10, $0x1;
	s10 =	sld [smem:$0x3F9B];
	_ =	sdelay $0x3  }
0x37: {  	[smem:$0x3F9B] =	sst s10  }
0x38: {  	s10 =	sld [smem:$0x3F9C]  }
0x39: {  	_ = 	snop;
	(pc) =	sbr.ind lr, $3  }
0x3a: {  	_ = 	snop  }
0x3b: {  	_ = 	snop  }
0x3c: {  	p2 =	seq.s32 s10, $0x1;
	s10 =	sld [smem:$0x3F9B]  }
0x3d: {  	_ =	shalt  }
0x3e: {  	_ =	shalt  }
0x3f: {  	_ =	shalt  }
0x40: {  	_ =	shalt  }
0x41: {  	_ =	shalt  }
0x42: {  	_ =	shalt  }
0x43: {  	_ =	shalt  }
0x44: {  	_ =	shalt  }
0x45: {  	_ =	shalt  }
0x46: {  	_ =	shalt  }
0x47: {  	_ =	shalt  }
0x48: {  	_ =	shalt  }
0x49: {  	_ =	shalt  }
0x4a: {  	_ =	shalt  }
0x4b: {  	_ =	shalt  }
0x4c: {  	_ =	shalt  }
0x4d: {  	_ =	shalt  }
0x4e: {  	_ =	shalt  }
0x4f: {  	_ =	shalt  }
0x50: {  	_ =	shalt  }
0x51: {  	_ =	shalt  }
0x52: {  	_ =	shalt  }
0x53: {  	_ =	shalt  }
0x54: {  	_ =	shalt  }
0x55: {  	_ =	shalt  }
0x56: {  	_ =	shalt  }
0x57: {  	_ =	shalt  }
0x58: {  	_ =	shalt  }
0x59: {  	_ =	shalt  }
0x5a: {  	_ =	shalt  }
0x5b: {  	_ =	shalt  }
0x5c: {  	_ =	shalt  }
0x5d: {  	_ =	shalt  }
0x5e: {  	_ =	shalt  }
0x5f: {  	_ =	shalt  }
0x60: {  	_ =	shalt  }
0x61: {  	_ =	shalt  }
0x62: {  	_ =	shalt  }
0x63: {  	_ =	shalt  }
0x64: {  	_ =	shalt  }
0x65: {  	_ =	shalt  }
0x66: {  	_ =	shalt  }
0x67: {  	_ =	shalt  }
0x68: {  	_ =	shalt  }
0x69: {  	_ =	shalt  }
0x6a: {  	_ =	shalt  }
0x6b: {  	_ =	shalt  }
0x6c: {  	_ =	shalt  }
0x6d: {  	_ =	shalt  }
0x6e: {  	_ =	shalt  }
0x6f: {  	_ =	shalt  }
0x70: {  	_ =	shalt  }
0x71: {  	_ =	shalt  }
0x72: {  	_ =	shalt  }
0x73: {  	_ =	shalt  }
0x74: {  	_ =	shalt  }
0x75: {  	_ =	shalt  }
0x76: {  	_ =	shalt  }
0x77: {  	_ =	shalt  }
0x78: {  	_ =	shalt  }
0x79: {  	_ =	shalt  }
0x7a: {  	_ =	shalt  }
0x7b: {  	_ =	shalt  }
0x7c: {  	_ =	shalt  }
0x7d: {  	_ =	shalt  }
0x7e: {  	_ =	shalt  }
0x7f: {  	_ =	shalt  }
0x80: {  	_ =	shalt  }
0x81: {  	_ =	shalt  }
0x82: {  	_ =	shalt  }
0x83: {  	_ =	shalt  }
0x84: {  	_ =	shalt  }
0x85: {  	_ =	shalt  }
0x86: {  	_ =	shalt  }
0x87: {  	_ =	shalt  }
.Lfunc_end0:
.L_simem_size_0:
called_computation_lowered:
.L_overlay_start_0:
0x88: {  	s2 =	sld [smem:$0x3FD9]  }
0x89: {  	s3 =	sld [smem:$0x3FFE];
	_ =	sdelay $0x1  }
0x8a: {  	s1 =	srdreg.scid  }
0x8b: {  	s0 =	sand.u32 $0x1, s1  }
0x8c: {  	s12 =	sshll.u32 s0, $0xA;
	s2 =	sadd.s32 s3, s2  }
0x8d: {  	s2 =	sadd.s32 s2, s12  }
0x8e: {  	[smem:$0x3FA7] =	sst s2  }
0x8f: {  	_ = 	snop  }
0x90: {  	(tm) =	ssettm $0x1  }
0x91: {  	s13 =	sld [smem:$0x3FFB];
	_ =	sdelay $0x3  }
0x92: {  	_ =	strace s13  }
0x93: {  	s2 =	sld [smem:$0x3FFC];
	_ =	sdelay $0x3  }
0x94: {  	_ =	strace s2  }
0x95: {  	s2 =	sld [smem:$0x3FFD];
	_ =	sdelay $0x3  }
0x96: {  	_ =	strace s2  }
0x97: {  	_ =	strace $0x8FFFFFFF  }
0x98: {  	s14 =	sld [smem:$0x3FDB];
	_ =	sdelay $0x1  }
0x99: {  	s15 =	simm.s32 $_scs_section_size  }
0x9a: {  	s4 =	simm.s32 $_size__tile_overlayer_lowered;
	s5 =	simm.s32 $_tile_overlayer_lowered  }
0x9b: {  	s19 =	simm.s32 $0x1BFF;
	s17 =	sshll.u32 s5, $0x1;
	s6 =	sadd.s32 s15, s14  }
0x9c: {  	s20 =	simm.s32 $0x0;
	s16 =	sshll.u32 s4, $0x1;
	s18 =	sadd.s32 s17, s6  }
0x9d: {  	[timem:s20], [sflag:s19] =	dma.local [hbm:s18], s16  }
0x9e: {  	_ =	swait.ge [sflag:s19], s16  }
0x9f: {  	s3 =	ssub.s32 $0x0, s16;
	[sflag:s19] =	ssyncset.done $0x0  }
0xa0: {  	[sflag:s19] =	ssyncadd.s32 s3;
	_ =	sdelay $0x1  }
0xa1: {  	s21 =	simm.s32 $0x1B8B  }
0xa2: {  	_ =	swait.ge [sflag:s21], $0x1  }
0xa3: {  	[sflag:s21] =	ssyncset.done $0x0  }
0xa4: {  	[sflag:s21] =	ssyncadd.s32 $0xFFFFFFFF  }
0xa5: {  	s3 =	sld [smem:$0x0]  }
0xa6: {  	s4 =	sand.u32 $0xFFFFFFFE, s1  }
0xa7: {  	p0 =	sne.s32 s1, s4  }
0xa8: {  	s4 =	sshll.u32 @p0 s4, $0xE  }
0xa9: {  	s5 =	sadd.s32 @p0 $0x11B8D, s4;
	s7 =	sshll.u32 @p0 s3, $0x11  }
0xaa: {  	s5 =	sor.u32 @p0 s7, s5  }
0xab: {  	[sflag:s5] =	ssyncadd.remote.s32 @p0 $0x1;
	_ =	sdelay $0x1  }
0xac: {  	s5 =	simm.s32 @p0 $0x1B8D  }
0xad: {  	_ =	swait.eq @p0 [sflag:s5], $0x1  }
0xae: {  	[sflag:s5] =	ssyncadd.s32 @p0 $0xFFFFFFFF  }
0xaf: {  	s7 =	sshll.u32 @!p0 s1, $0xE  }
0xb0: {  	s7 =	sor.u32 @!p0 $0x4000, s7;
	s5 =	simm.s32 @!p0 $0x1B8D  }
0xb1: {  	s9 =	sshll.u32 @!p0 s3, $0x11;
	s8 =	sadd.s32 @!p0 $0x11B8D, s7;
	_ =	swait.eq @!p0 [sflag:s5], $0x1  }
0xb2: {  	[sflag:s5] =	ssyncadd.s32 @!p0 $0xFFFFFFFF;
	s5 =	sor.u32 @!p0 s9, s8  }
0xb3: {  	s23 =	simm.s32 $0x1B8E;
	s22 =	sld [smem:$0x3FFE];
	[sflag:s5] =	ssyncadd.remote.s32 @!p0 $0x1  }
0xb4: {  	s24 =	simm.s32 $execute0_lowered;
	[smem:$0x3FD2] =	sst s23  }
0xb5: {  	s8 =	sshll.u32 s24, $0x1;
	_ =	strace $0x80000064;
	[dreg:$0x1] =	wrdreg $0xFFFFFFFF  }
0xb6: {  	s25 =	simm.s32 $_size_execute0_lowered;
	s8 =	sadd.s32 s6, s8;
	[dreg:$0x0] =	wrdreg $0x0  }
0xb7: {  	s9 =	sshll.u32 s25, $0x1;
	[dreg:$0x2] =	wrdreg s8  }
0xb8: {  	[dreg:$0x3] =	wrdreg s9  }
0xb9: {  	[dreg:$0x4] =	wrdreg $0xC0  }
0xba: {  	s26 =	simm.s32 $execute1_lowered;
	_ =	task [dreg:s20], $0x5FFFF  }
0xbb: {  	s8 =	sshll.u32 s26, $0x1;
	[dreg:$0x1] =	wrdreg $0xFFFFFFFF  }
0xbc: {  	s6 =	sadd.s32 s6, s8;
	[dreg:$0x0] =	wrdreg $0x60  }
0xbd: {  	[dreg:$0x2] =	wrdreg s6  }
0xbe: {  	[dreg:$0x3] =	wrdreg s22  }
0xbf: {  	[dreg:$0x4] =	wrdreg $0x9  }
0xc0: {  	_ =	task.clear_ibuf [dreg:s20], $0x5FFFF;
	_ =	strace $0x90000064  }
0xc1: {  	s28 =	simm.s32 $0x9;
	_ =	strace $0x80000066  }
0xc2: {  	_ =	swait.ge [sflag:s28], $0x1  }
0xc3: {  	[sflag:s28] =	ssyncadd.s32 $0xFFFFFFFF  }
0xc4: {  	_ =	strace $0x90000066  }
0xc5: {  	s6 =	sld [smem:$0x0];
	_ =	sdelay $0x3  }
0xc6: {  	s4 =	sadd.s32 @p0 $0x11BF3, s4;
	s8 =	sshll.u32 @p0 s6, $0x11  }
0xc7: {  	s4 =	sor.u32 @p0 s8, s4  }
0xc8: {  	[sflag:s4] =	ssyncadd.remote.s32 @p0 $0x1;
	_ =	sdelay $0x1  }
0xc9: {  	s4 =	simm.s32 @p0 $0x1BF3  }
0xca: {  	_ =	swait.eq @p0 [sflag:s4], $0x1  }
0xcb: {  	[sflag:s4] =	ssyncadd.s32 @p0 $0xFFFFFFFF;
	_ =	sdelay $0x1  }
0xcc: {  	s4 =	simm.s32 @!p0 $0x1BF3  }
0xcd: {  	s7 =	sadd.s32 @!p0 $0x11BF3, s7;
	s6 =	sshll.u32 @!p0 s6, $0x11;
	_ =	swait.eq @!p0 [sflag:s4], $0x1  }
0xce: {  	[sflag:s4] =	ssyncadd.s32 @!p0 $0xFFFFFFFF;
	s4 =	sor.u32 @!p0 s6, s7  }
0xcf: {  	[sflag:s4] =	ssyncadd.remote.s32 @!p0 $0x1  }
0xd0: {  	_ =	strace $0x80000067;
	[dreg:$0x1] =	wrdreg $0xFFFFFFFF  }
0xd1: {  	[dreg:$0x0] =	wrdreg $0x2030  }
0xd2: {  	[dreg:$0x2] =	wrdreg s22  }
0xd3: {  	[dreg:$0x3] =	wrdreg s1  }
0xd4: {  	[dreg:$0x4] =	wrdreg s3  }
0xd5: {  	[dreg:$0x5] =	wrdreg $0xA  }
0xd6: {  	_ =	task.clear_ibuf [dreg:s20], $0x6FFFF;
	_ =	strace $0x90000067  }
0xd7: {  	s29 =	simm.s32 $0xA;
	_ =	strace $0x80000069  }
0xd8: {  	_ =	swait.ge [sflag:s29], $0x1  }
0xd9: {  	[sflag:s29] =	ssyncadd.s32 $0xFFFFFFFF  }
0xda: {  	_ =	strace $0x90000069  }
0xdb: {  	_ =	sfence  }
0xdc: {  	s30 =	sld [smem:$0x0];
	_ =	sdelay $0x2  }
0xdd: {  	s31 =	sshll.u32 s1, $0xD;
	s1 =	sshrl.u32 s1, $0x2  }
0xde: {  	s4 =	sand.u32 $0x4000, s31;
	s1 =	sadd.s32 s1, s30  }
0xdf: {  	s0 =	sor.u32 s4, s0;
	s1 =	sshll.u32 s1, $0x11  }
0xe0: {  	s0 =	sor.u32 s1, s0  }
0xe1: {  	s0 =	sadd.s32 $0x8F2B, s0  }
0xe2: {  	[sflag:s0] =	ssyncadd.remote.s32 $0x1  }
0xe3: {  	_ =	sfence.sel $0xFFFF  }
0xe4: {  	[dreg:$0x0] =	wrdreg $0xFFFFFFFF;
	(pc) =	sbr.abs _section_cstart, $3  }
0xe5: {  	[dreg:$0x1] =	wrdreg $0xFFFFFFFF  }
0xe6: {  	_ =	task.clear_ibuf [dreg:s20], $0x2FFFF;
	_ =	strace $0x9FFFFFFF  }
0xe7: {  	(tm) =	ssettm $0x7FFFFFFF  }
tec
execute0_lowered:
.L_overlay_start_1:
0x0: {  	(tag) =	ssettag $0x1  }
0x1: {  	s2 =	rddreg [dreg:$0x0]  }
0x2: {  	s4 =	rddreg [dreg:$0x1]  }
0x3: {  	s0 =	rddreg [dreg:$0x2];
	s3 =	stileid.u32;
	[bflag:$0x3] =	sbarrier.arrive $0xFFFF  }
0x4: {  	s1 =	simm.s32 $_size_execute1_lowered;
	s29 =	srdreg.scid;
	p0 =	sne.s32 s3, $0x0  }
0x5: {  	s1 =	sshll.u32 s1, $0x1;
	s5 =	simm.s32 @!p0 $0x1C3F;
	s6 =	simm.s32 @!p0 $0x4060  }
0x6: {  	[timem:s6], [sflag:s5] =	dma.local @!p0 [hbm:s2], s1  }
0x7: {  	s2 =	sshll.u32 s29, $0x7  }
0x8: {  	s7 =	simm.s32 $0x1;
	s3 =	sshll.u32 s3, $0x8;
	s2 =	sand.u32 $0x80, s2  }
0x9: {  	s8 =	simm.s32 $0x2;
	s9 =	simm.s32 $0x0;
	s2 =	sor.u32 s3, s2  }
0xa: {  	s12 =	simm.s32 $0x0;
	s11 =	simm.s32 $0x0;
	s30 =	ssub.s32 $0x2800, s2  }
.Ltmp0:
0xb: {  	s5 =	simm.s32 $0x1;
	s31 =	sand.u32 $0xF80, s30;
	(pc) =	sbr.rel .LBB2_1-.Ltmp0, $4  }
0xc: {  	_ =	strace $0x80000065;
	s3 =	sadd.s32 $0x2B2000, s4;
	p1 =	sne.s32 s31, $0x0  }
0xd: {  	[sflag:s5] =	ssyncpa.u1 $0x0;
	s6 =	sshrl.u32 s30, $0xC;
	s7 =	simm.s32 @!p1 $0x0  }
0xe: {  	s4 =	sadd.s32 $0xA95C00, s4;
	[sflag:s8] =	ssyncpa.u1 $0x0;
	s6 =	sadd.s32 s7, s6  }
0xf: {  	s8 =	simm.s32 $0x0;
	s10 =	smov.u32 s2;
	s7 =	sadd.s32 $0x1, s6  }
.LBB2_4:
0x10: {  	_ =	sdelay $0x3  }
0x11: {  	[tilespmem:v0+s14+$0xFFFFFFA0 ss:$0x1] =	vst.idx.msk $0xffff, v6  }
0x12: {  	v56 =	vld.idx.msk [tilespmem:v1+s15+$0x30 ss:$0x1], $0xffff;
	[tilespmem:v0+s14+$0xFFFFFFB0 ss:$0x1] =	vst.idx.msk $0xffff, v4  }
0x13: {  	v57 =	vld.idx.msk [tilespmem:v1+s15+$0xFFFFFFC0 ss:$0x1], $0xffff;
	[tilespmem:v0+s14+$0xFFFFFFC0 ss:$0x1] =	vst.idx.msk $0xffff, v2  }
0x14: {  	v58 =	vld.idx.msk [tilespmem:v1+s15+$0xFFFFFFD0 ss:$0x1], $0xffff;
	[tilespmem:v0+s14+$0xFFFFFFD0 ss:$0x1] =	vst.idx.msk $0xffff, v3  }
0x15: {  	v59 =	vld.idx.msk [tilespmem:v1+s15+$0xFFFFFFE0 ss:$0x1], $0xffff;
	[tilespmem:v0+s14+$0xFFFFFFE0 ss:$0x1] =	vst.idx.msk $0xffff, v5  }
0x16: {  	v60 =	vld.idx.msk [tilespmem:v1+s15+$0xFFFFFFF0 ss:$0x1], $0xffff;
	[tilespmem:v0+s14+$0xFFFFFFF0 ss:$0x1] =	vst.idx.msk $0xffff, v7;
	s12 =	sand.u32 $0x1FFFFFF, s12  }
0x17: {  	v61 =	vld.idx.msk [tilespmem:v1+s15+$0x0 ss:$0x1], $0xffff;
	s31 =	smulhi.u32 $0xCCCCCD, s12;
	[tilespmem:v0+s15+$0x0 ss:$0x1] =	vst.idx.msk $0xffff, v56  }
0x18: {  	v62 =	vld.idx.msk [tilespmem:v1+s15+$0x10 ss:$0x1], $0xffff;
	[tilespmem:v0+s15+$0xFFFFFF90 ss:$0x1] =	vst.idx.msk $0xffff, v57  }
0x19: {  	v63 =	vld.idx.msk [tilespmem:v1+s15+$0x20 ss:$0x1], $0xffff;
	s14 =	sshrl.u32 s31, $0x5;
	[tilespmem:v0+s15+$0xFFFFFFA0 ss:$0x1] =	vst.idx.msk $0xffff, v58  }
0x1a: {  	s14 =	smul.u32 $0x2800, s14;
	[tilespmem:v0+s15+$0xFFFFFFB0 ss:$0x1] =	vst.idx.msk $0xffff, v59  }
0x1b: {  	[tilespmem:v0+s15+$0xFFFFFFC0 ss:$0x1] =	vst.idx.msk $0xffff, v60  }
0x1c: {  	[tilespmem:v0+s15+$0xFFFFFFD0 ss:$0x1] =	vst.idx.msk $0xffff, v61;
	s12 =	ssub.s32 s12, s14  }
0x1d: {  	[tilespmem:v0+s15+$0xFFFFFFE0 ss:$0x1] =	vst.idx.msk $0xffff, v62;
	s12 =	sshll.u32 s12, $0x4  }
0x1e: {  	[tilespmem:v0+s15+$0xFFFFFFF0 ss:$0x1] =	vst.idx.msk $0xffff, v63;
	s12 =	sadd.s32 s4, s12  }
0x1f: {  	[hbm4b:s12+s8] =	stream.linear.scatter [tilespmem:s13], [sflag:$0x2], $0x4000, $0x38;
	[tilespmem:$0x10000] =	vst v63  }
.LBB2_5:
0x20: {  	s14 =	sadd.s32 $0x1000, s10  }
0x21: {  	p2 =	sgt.s32 s14, $0x27FF  }
0x22: {  	s14 =	smov.u32 @p2 s2;
	p2 =	sne.s32 s11, s7  }
.Ltmp1:
0x23: {  	p1 =	slt.u32 s11, $0x2;
	(pc) =	sbr.rel @!p2 .LBB2_6-.Ltmp1, $4  }
0x24: {  	s13 =	simm.s32 @!p1 $0x2  }
0x25: {  	s15 =	sadd.s32 $0x1, s11;
	_ =	swait.ge @!p1 [sflag:s13], $0x4000  }
0x26: {  	s12 =	smov.u32 s10;
	s9 =	sadd.s32 $0x4000, s9;
	[sflag:s13] =	ssyncset.done @!p1 $0x0  }
0x27: {  	s11 =	smov.u32 s15;
	s10 =	smov.u32 s14;
	[sflag:s13] =	ssyncadd.s32 @!p1 $0xFFFFC000  }
.LBB2_1:
0x28: {  	p1 =	sge.u32 s11, s6  }
0x29: {  	s13 =	sand.u32 @!p1 $0x1FFFFFF, s10  }
0x2a: {  	s14 =	smulhi.u32 @!p1 $0xCCCCCD, s13;
	_ =	sdelay $0x1  }
0x2b: {  	s14 =	sshrl.u32 @!p1 s14, $0x5  }
0x2c: {  	s14 =	smul.u32 @!p1 $0x2800, s14;
	_ =	sdelay $0x1  }
0x2d: {  	s15 =	sxor.u32 @!p1 $0xFFFFFFFF, s11;
	s13 =	ssub.s32 @!p1 s13, s14  }
0x2e: {  	s31 =	sadd.s32 $0xFFFFFFFF, s11;
	s14 =	sshll.u32 @!p1 s15, $0xE;
	s13 =	sshll.u32 @!p1 s13, $0x4  }
0x2f: {  	s15 =	simm.s32 @!p1 $0x0;
	s14 =	sand.u32 @!p1 $0x4000, s14;
	s13 =	sadd.s32 @!p1 s3, s13  }
0x30: {  	[tilespmem:s14], [sflag:$0x1] =	stream.linear.gather @!p1 [hbm4b:s13+s15], $0x4000, $0x38;
	[tilespmem:$0x10000] =	vst v63  }
0x31: {  	p1 =	sge.u32 s31, s6  }
.Ltmp2:
0x32: {  	_ = 	snop;
	(pc) =	sbr.rel @p1 .LBB2_5-.Ltmp2, $1  }
0x33: {  	_ =	sdelay $0x3  }
0x34: {  	s13 =	sand.u32 $0x4000, s9  }
0x35: {  	s14 =	sor.u32 $0x40, s13  }
0x36: {  	v1 =	vmov s14;
	_ =	sdelay $0x1  }
0x37: {  	_ =	swait.ge [sflag:s5], $0x4000  }
0x38: {  	[sflag:s5] =	ssyncset.done $0x0  }
0x39: {  	[sflag:s5] =	ssyncadd.s32 $0xFFFFC000;
	s14 =	simm.s32 $0x0  }
0x3a: {  	s13 =	sor.u32 $0x8070, s13;
	v7 =	vld.idx.msk [tilespmem:v1+s14+$0x30 ss:$0x1], $0xffff  }
0x3b: {  	v0 =	vmov s13;
	v8 =	vld.idx.msk [tilespmem:v1+s14+$0xFFFFFFC0 ss:$0x1], $0xffff  }
0x3c: {  	v6 =	vld.idx.msk [tilespmem:v1+s14+$0xFFFFFFD0 ss:$0x1], $0xffff  }
0x3d: {  	v4 =	vld.idx.msk [tilespmem:v1+s14+$0xFFFFFFE0 ss:$0x1], $0xffff  }
0x3e: {  	v2 =	vld.idx.msk [tilespmem:v1+s14+$0xFFFFFFF0 ss:$0x1], $0xffff  }
0x3f: {  	s31 =	sshll.u32 s11, $0xE;
	v3 =	vld.idx.msk [tilespmem:v1+s14+$0x0 ss:$0x1], $0xffff  }
0x40: {  	s13 =	sand.u32 $0x4000, s31;
	v5 =	vld.idx.msk [tilespmem:v1+s14+$0x10 ss:$0x1], $0xffff;
	[tilespmem:v0+s14+$0x0 ss:$0x1] =	vst.idx.msk $0xffff, v7  }
0x41: {  	s15 =	simm.s32 $0x80;
	s16 =	simm.s32 $0x400;
	s13 =	sor.u32 $0x8000, s13;
	[tilespmem:v0+s14+$0xFFFFFF90 ss:$0x1] =	vst.idx.msk $0xffff, v8;
	v7 =	vld.idx.msk [tilespmem:v1+s14+$0x20 ss:$0x1], $0xffff  }
.LBB2_3:
0x42: {  	p1 =	sne.s32 s16, $0xFE00;
	v8 =	vld.idx.msk [tilespmem:v1+s15+$0x30 ss:$0x1], $0xffff;
	[tilespmem:v0+s14+$0xFFFFFFA0 ss:$0x1] =	vst.idx.msk $0xffff, v6  }
0x43: {  	v9 =	vld.idx.msk [tilespmem:v1+s15+$0xFFFFFFC0 ss:$0x1], $0xffff;
	[tilespmem:v0+s14+$0xFFFFFFB0 ss:$0x1] =	vst.idx.msk $0xffff, v4  }
0x44: {  	v6 =	vld.idx.msk [tilespmem:v1+s15+$0xFFFFFFD0 ss:$0x1], $0xffff;
	[tilespmem:v0+s14+$0xFFFFFFC0 ss:$0x1] =	vst.idx.msk $0xffff, v2  }
.Ltmp3:
0x45: {  	v4 =	vld.idx.msk [tilespmem:v1+s15+$0xFFFFFFE0 ss:$0x1], $0xffff;
	[tilespmem:v0+s14+$0xFFFFFFD0 ss:$0x1] =	vst.idx.msk $0xffff, v3;
	(pc) =	sbr.rel @p1 .LBB2_3-.Ltmp3, $4  }
0x46: {  	v2 =	vld.idx.msk [tilespmem:v1+s15+$0xFFFFFFF0 ss:$0x1], $0xffff;
	[tilespmem:v0+s14+$0xFFFFFFE0 ss:$0x1] =	vst.idx.msk $0xffff, v5  }
0x47: {  	v3 =	vld.idx.msk [tilespmem:v1+s15+$0x0 ss:$0x1], $0xffff;
	[tilespmem:v0+s14+$0xFFFFFFF0 ss:$0x1] =	vst.idx.msk $0xffff, v7;
	s14 =	smov.u32 s15  }
0x48: {  	v5 =	vld.idx.msk [tilespmem:v1+s14+$0x10 ss:$0x1], $0xffff;
	[tilespmem:v0+s14+$0x0 ss:$0x1] =	vst.idx.msk $0xffff, v8  }
0x49: {  	s15 =	sshra.s32 s16, $0x2;
	s16 =	sadd.s32 $0x200, s16;
	[tilespmem:v0+s14+$0xFFFFFF90 ss:$0x1] =	vst.idx.msk $0xffff, v9;
	v7 =	vld.idx.msk [tilespmem:v1+s14+$0x20 ss:$0x1], $0xffff  }
.Ltmp4:
0x4a: {  	_ = 	snop;
	(pc) =	sbr.rel .LBB2_4-.Ltmp4, $1  }
0x4b: {  	_ =	sdelay $0x3  }
.LBB2_6:
0x4c: {  	_ =	sfence.sel $0x180000  }
0x4d: {  	s2 =	simm.s32 $0x1;
	[bflag:$0x0] =	sbarrier.arrive $0xFFFF  }
0x4e: {  	s31 =	simm.s32 $0x2;
	[sflag:s2] =	ssyncpa.u1 $0x1  }
0x4f: {  	[sflag:s31] =	ssyncpa.u1 $0x1  }
0x50: {  	_ =	strace $0x90000065  }
0x51: {  	s0 =	sadd.s32 @!p0 $0x100000, s0;
	[bflag:$0x2] =	sbarrier.arrive $0xFFFF  }
0x52: {  	[sflag:s0] =	ssyncadd.tile.s32 @!p0 $0x1;
	s0 =	simm.s32 @!p0 $0x3F  }
0x53: {  	_ =	swait.ge @!p0 [sflag:s0], s1  }
0x54: {  	s1 =	ssub.s32 @!p0 $0x0, s1;
	[sflag:s0] =	ssyncset.done @!p0 $0x0  }
0x55: {  	[sflag:s0] =	ssyncadd.s32 @!p0 s1  }
0x56: {  	[bflag:$0x3] =	sbarrier.arrive $0xFFFF  }
0x57: {  	_ =	shalt  }
.Lfunc_end2:
execute1_lowered:
.L_overlay_start_2:
0x58: {  	(tag) =	ssettag $0x2  }
0x59: {  	s2 =	rddreg [dreg:$0x0]  }
0x5a: {  	s3 =	rddreg [dreg:$0x1];
	_ =	strace $0x80000068;
	s0 =	simm.s32 $0x1  }
0x5b: {  	v0 =	vimm.s32 $0x0;
	[sflag:s0] =	ssyncpa.u1 $0x0;
	s0 =	simm.s32 $0x108  }
0x5c: {  	[tilespmem:s0+$0x70] =	vst v0  }
0x5d: {  	[tilespmem:s0+$0x60] =	vst v0  }
0x5e: {  	[tilespmem:s0+$0x50] =	vst v0  }
0x5f: {  	[tilespmem:s0+$0x40] =	vst v0  }
0x60: {  	s1 =	sadd.s32 $0xA95C00, s2;
	[tilespmem:s0+$0x30] =	vst v0  }
0x61: {  	s15 =	sadd.s32 $0x5A0000, s2;
	s6 =	sadd.s32 $0x5B3C00, s2;
	[tilespmem:s0+$0x20] =	vst v0  }
0x62: {  	s14 =	sadd.s32 $0x5A9E00, s2;
	s5 =	sand.u32 $0x1, s3;
	s3 =	simm.s32 $0x40;
	[tilespmem:s0+$0x10] =	vst v0  }
.LBB3_1:
0x63: {  	s3 =	sadd.s32 $0x40, s3;
	[tilespmem:s0+$0x0] =	vst v0;
	s0 =	sadd.s32 $0x80, s0  }
0x64: {  	p0 =	slt.u32 s3, $0x3C40;
	[tilespmem:s0+$0x70] =	vst v0  }
0x65: {  	[tilespmem:s0+$0x60] =	vst v0  }
.Ltmp5:
0x66: {  	[tilespmem:s0+$0x50] =	vst v0;
	(pc) =	sbr.rel @p0 .LBB3_1-.Ltmp5, $4  }
0x67: {  	[tilespmem:s0+$0x40] =	vst v0  }
0x68: {  	[tilespmem:s0+$0x30] =	vst v0  }
0x69: {  	[tilespmem:s0+$0x20] =	vst v0  }
0x6a: {  	[tilespmem:s0+$0x10] =	vst v0  }
0x6b: {  	s9 =	stileid.u32  }
0x6c: {  	s2 =	smul.u32 $0x29, s9  }
0x6d: {  	s3 =	smin.u32 s9, $0xB  }
0x6e: {  	s2 =	sadd.s32 s3, s2  }
0x6f: {  	p0 =	slt.u32 s9, $0xB;
	s7 =	smul.u32 $0xF0, s2;
	s2 =	simm.s32 $0x2760  }
0x70: {  	s2 =	simm.s32 @!p0 $0x2670  }
0x71: {  	s2 =	sadd.s32 s2, s7  }
0x72: {  	s8 =	smin.u32 s2, $0x27100  }
0x73: {  	s2 =	ssub.s32 s8, s7  }
0x74: {  	p0 =	sgt.s32 s2, $0x0  }
0x75: {  	s29 =	simm.s32 $0x2;
	s10 =	simm.s32 $0x9;
	s2 =	simm.s32 @!p0 $0x0  }
0x76: {  	s4 =	simm.s32 $0xA;
	s11 =	simm.s32 $0xB;
	s28 =	smulhi.u32 $0x88888889, s2  }
0x77: {  	[dreg:$0x4] =	wrdreg s5;
	s31 =	smul.u32 $0x4E20, s5;
	s12 =	simm.s32 $0x1  }
0x78: {  	s22 =	simm.s32 $0x0;
	s18 =	simm.s32 $0xC;
	s30 =	sshrl.u32 s28, $0x7  }
0x79: {  	s20 =	simm.s32 $0x0;
	s21 =	simm.s32 $0x0;
	s3 =	smul.u32 $0xF0, s30  }
.Ltmp6:
0x7a: {  	[tilespmem:s0+$0x0] =	vst v0;
	v0 =	vimm.s32 $0xFFFFFFFF;
	[sflag:s29] =	ssyncpa.u1 $0x0;
	s16 =	sshll.u32 s9, $0x8;
	(pc) =	sbr.rel .LBB3_3-.Ltmp6, $4  }
0x7b: {  	[tilespmem:$0xF208] =	vst v0;
	[sflag:s10] =	ssyncpa.u1 $0x0;
	p0 =	sne.s32 s2, s3;
	s2 =	simm.s32 $0x1  }
0x7c: {  	s14 =	sadd.s32 s31, s14;
	[sflag:s4] =	ssyncpa.u1 $0x0;
	s2 =	simm.s32 @!p0 $0x0  }
0x7d: {  	s15 =	sadd.s32 s31, s15;
	[sflag:s11] =	ssyncpa.u1 $0x0;
	s13 =	sadd.s32 s2, s30  }
0x7e: {  	v0 =	vlaneseq.u32;
	s19 =	smov.u32 s7;
	p0 =	por $0x0, $0x0;
	s17 =	sadd.s32 $0x1, s13  }
.LBB3_18:
0x7f: {  	s0 =	sshrl.u32 s31, $0x2  }
.LBB3_20:
0x80: {  	_ =	swait.ge [sflag:s18], s0  }
0x81: {  	s31 =	ssub.s32 $0x0, s0;
	v1 =	vmov s24;
	vm0 =	veq.s32 v0, $0x0;
	[sflag:s18] =	ssyncset.done $0x0  }
0x82: {  	vm15 =	veq.s32 v0, $0x2;
	v1 =	vsel vm0, s30, v1;
	[sflag:s18] =	ssyncadd.s32 s31  }
0x83: {  	v1 =	vsel vm15, s22, v1;
	[sflag:s18] =	ssyncpa.u1 $0x1  }
0x84: {  	[tilespmem:$0xF208] =	vst v1  }
.LBB3_21:
0x85: {  	s0 =	sadd.s32 $0xF0, s19  }
0x86: {  	s2 =	smov.u32 s7;
	p1 =	slt.s32 s0, s8  }
0x87: {  	s2 =	smov.u32 @p1 s0;
	p1 =	sne.s32 s21, s17  }
.Ltmp7:
0x88: {  	_ = 	snop;
	(pc) =	sbr.rel @!p1 .LBB3_22-.Ltmp7, $3  }
0x89: {  	_ =	sdelay $0x1  }
0x8a: {  	s22 =	smov.u32 s20;
	s31 =	sadd.s32 $0x1, s21;
	s20 =	smov.u32 s19  }
0x8b: {  	p0 =	por !p0, !p0;
	s21 =	smov.u32 s31;
	s19 =	smov.u32 s2  }
.LBB3_3:
0x8c: {  	p1 =	sge.u32 s21, s13  }
0x8d: {  	s0 =	smulhi.u32 @!p1 $0xAAAAAAAB, s21  }
0x8e: {  	s2 =	smov.u32 s19;
	p2 =	sgt.s32 @!p1 s19, $0x27010  }
0x8f: {  	s3 =	sshra.s32 @!p1 s19, $0x1F;
	p2 =	por !p2, p1;
	s0 =	sshrl.u32 @!p1 s0, $0x1  }
0x90: {  	s3 =	sand.u32 @!p1 s3, s19;
	s2 =	simm.s32 @p2 $0x27010;
	s0 =	smul.u32 @!p1 $0x3, s0  }
0x91: {  	s2 =	ssub.s32 @!p1 s2, s3  }
0x92: {  	s2 =	sadd.s32 @!p1 $0xFFFD8FF0, s2;
	s0 =	ssub.s32 @!p1 s21, s0  }
0x93: {  	s3 =	sshll.u32 @!p1 s2, $0x2;
	p2 =	sgt.s32 @!p1 s2, $0xEF;
	s0 =	smul.u32 @!p1 $0x3C0, s0  }
0x94: {  	s4 =	sand.u32 @!p1 $0x7, s19;
	s2 =	ssub.s32 @!p1 $0x3C0, s3;
	p2 =	por !p2, p1  }
0x95: {  	s3 =	sshrl.u32 @!p1 s19, $0x3;
	s2 =	sshrl.u32 @!p1 s2, $0x2;
	s0 =	sshrl.u32 @!p1 s0, $0x2  }
0x96: {  	s3 =	sadd.s32 @!p1 s3, s14;
	s2 =	simm.s32 @!p2 $0x0;
	s0 =	sadd.s32 @!p1 $0x10248, s0  }
0x97: {  	[tilespmem:s0], [sflag:$0xA] =	stream.linear.gather @!p1 [hbm4b:s3+s4], s2, $0x38;
	[tilespmem:$0x1F6F8] =	vst v63  }
0x98: {  	s0 =	sadd.s32 $0xFFFFFFFF, s21  }
0x99: {  	p1 =	sge.u32 s0, s13  }
0x9a: {  	p2 =	sgt.s32 @!p1 s20, $0x27010  }
0x9b: {  	s2 =	smov.u32 s20;
	s3 =	sshra.s32 @!p1 s20, $0x1F;
	p2 =	por !p2, p1  }
0x9c: {  	s3 =	sand.u32 @!p1 s3, s20;
	s2 =	simm.s32 @p2 $0x27010  }
0x9d: {  	s2 =	ssub.s32 @!p1 s2, s3  }
0x9e: {  	s2 =	sadd.s32 @!p1 $0xFFFD8FF0, s2  }
0x9f: {  	s4 =	sand.u32 @!p1 $0x1, s0;
	s3 =	sshll.u32 @!p1 s2, $0x2  }
0xa0: {  	p2 =	sgt.s32 @!p1 s2, $0xEF;
	s2 =	ssub.s32 @!p1 $0x3C0, s3;
	s3 =	smulhi.u32 @!p1 $0xAAAAAAAB, s0  }
0xa1: {  	s23 =	smul.u32 @!p1 $0x3C0, s4;
	p2 =	por !p2, p1;
	s2 =	sshrl.u32 @!p1 s2, $0x2  }
0xa2: {  	s5 =	simm.s32 @!p1 $0xA;
	s2 =	simm.s32 @!p2 $0x0;
	s3 =	sshrl.u32 @!p1 s3, $0x1  }
0xa3: {  	s23 =	sshrl.u32 @!p1 s23, $0x2;
	_ =	swait.ge @!p1 [sflag:s5], s2;
	s3 =	smul.u32 @!p1 $0x3, s3  }
0xa4: {  	s23 =	sadd.s32 @!p1 $0x10518, s23;
	s24 =	ssub.s32 @!p1 $0x0, s2;
	[sflag:s5] =	ssyncset.done @!p1 $0x0  }
0xa5: {  	[sflag:s5] =	ssyncadd.s32 @!p1 s24;
	s5 =	sshrl.u32 @!p1 s20, $0x3;
	s0 =	ssub.s32 @!p1 s0, s3  }
0xa6: {  	s24 =	sand.u32 @!p1 $0x7, s20;
	s5 =	sadd.s32 @!p1 s5, s15;
	s0 =	smul.u32 @!p1 $0x3C0, s0  }
0xa7: {  	[tilespmem:s23], [sflag:$0xB] =	stream.linear.gather @!p1 [hbm4b:s5+s24], s2, $0x38;
	[tilespmem:$0x1F6F8] =	vst v63  }
0xa8: {  	s3 =	ssub.s32 @!p1 $0x27100, s20;
	s2 =	smul.u32 @!p1 $0x1E000, s4  }
0xa9: {  	p2 =	slt.s32 @!p1 s3, $0xF0  }
0xaa: {  	p2 =	por !p2, p1;
	s0 =	sshrl.u32 @!p1 s0, $0x2;
	s2 =	sshrl.u32 @!p1 s2, $0x2  }
0xab: {  	s3 =	simm.s32 @p2 $0xF0;
	s0 =	sadd.s32 @!p1 $0x10248, s0;
	s2 =	sor.u32 @!p1 $0x106F8, s2  }
0xac: {  	[tilespmem:s2], [sflag:$0x9] =	stream.indirect.gather @!p1 [hbm4b:s6+s3], $0x80, s0, s3, $0xb8;
	[tilespmem:$0x1F6F8] =	vst v63  }
0xad: {  	p1 =	slt.u32 s21, $0x2  }
.Ltmp8:
0xae: {  	_ = 	snop;
	(pc) =	sbr.rel @p1 .LBB3_21-.Ltmp8, $1  }
0xaf: {  	_ =	sdelay $0x3  }
0xb0: {  	p1 =	sgt.s32 s22, $0x27010  }
0xb1: {  	s0 =	smov.u32 s22;
	s2 =	sshra.s32 s22, $0x1F;
	s3 =	ssub.s32 $0x27100, s22  }
0xb2: {  	s0 =	simm.s32 @!p1 $0x27010;
	s2 =	sand.u32 s2, s22;
	p1 =	slt.s32 s3, $0xF0  }
0xb3: {  	s0 =	ssub.s32 s0, s2;
	s3 =	simm.s32 @!p1 $0xF0  }
0xb4: {  	s0 =	sadd.s32 $0xFFFD8FF0, s0;
	s25 =	sshll.u32 s3, $0x7  }
0xb5: {  	s26 =	sshll.u32 s0, $0x2;
	s2 =	sand.u32 $0x3FFFFF80, s25  }
0xb6: {  	p1 =	sgt.s32 s0, $0xEF;
	s29 =	ssub.s32 $0x3C0, s26;
	_ =	swait.ge [sflag:s10], s2  }
0xb7: {  	s2 =	ssub.s32 $0x0, s2;
	[sflag:s10] =	ssyncset.done $0x0;
	s0 =	sshrl.u32 s29, $0x2  }
0xb8: {  	[sflag:s10] =	ssyncadd.s32 s2;
	s0 =	simm.s32 @p1 $0x0  }
0xb9: {  	_ =	swait.ge [sflag:s11], s0  }
0xba: {  	s0 =	ssub.s32 $0x0, s0;
	[sflag:s11] =	ssyncset.done $0x0  }
0xbb: {  	[sflag:s11] =	ssyncadd.s32 s0  }
0xbc: {  	v1 =	vld [tilespmem:$0xF208];
	_ =	sdelay $0x4  }
0xbd: {  	(v2sf) =	vpush v1, $0x0  }
0xbe: {  	(v2sf) =	vpush v1, $0x1  }
0xbf: {  	(v2sf) =	vpush v1, $0x2;
	_ =	sdelay $0x3  }
0xc0: {  	s0 =	sadd.s32 $0xF0, s22  }
0xc1: {  	s2 =	ssub.s32 $0x4E200, s22;
	p1 =	slt.s32 s8, s0  }
0xc2: {  	s0 =	smov.u32 @p1 s8;
	p1 =	sgt.s32 s2, $0x0  }
0xc3: {  	s26 =	ssub.s32 s0, s22;
	s2 =	simm.s32 @!p1 $0x0  }
0xc4: {  	p1 =	slt.s32 s2, s26  }
0xc5: {  	s26 =	smov.u32 @p1 s2  }
0xc6: {  	s25 =	simm.s32 $0x1;
	p1 =	slt.s32 s26, $0x1  }
.Ltmp9:
0xc7: {  	s25 =	simm.s32 @!p0 $0x0;
	(pc) =	sbr.rel @p1 .LBB3_8-.Ltmp9, $4  }
0xc8: {  	s31 =	smul.u32 $0x3C0, s25  }
0xc9: {  	s28 =	spop (v2sf)  }
0xca: {  	s0 =	sshrl.u32 s31, $0x2;
	s30 =	spop (v2sf)  }
0xcb: {  	s23 =	sadd.s32 $0x10518, s0;
	s22 =	spop (v2sf)  }
0xcc: {  	s0 =	smin.u32 s26, $0x10  }
0xcd: {  	v1 =	vmov s0  }
0xce: {  	p2 =	sgt.s32 s26, $0x10;
	vm1 =	vgt.u32 v1, v0  }
.Ltmp10:
0xcf: {  	_ = 	snop;
	(pc) =	sbr.rel @!p2 .LBB3_7-.Ltmp10, $2  }
0xd0: {  	_ =	sdelay $0x2  }
0xd1: {  	s4 =	simm.s32 $0x10;
	s24 =	sadd.s32 $0xFFFFFFF0, s26;
	s0 =	smov.u32 s23;
	vm0 =	vmmov vm1  }
.LBB3_6:
0xd2: {  	s2 =	smin.u32 s24, $0x10;
	s4 =	sadd.s32 $0x10, s4;
	v1 =	vld.msk [tilespmem:s0+$0x0 ss:$0x1], vm1  }
0xd3: {  	v2 =	vmov s2;
	p2 =	slt.s32 s4, s26  }
0xd4: {  	vm1 =	vgt.u32 v2, v0  }
.Ltmp11:
0xd5: {  	(pc) =	sbr.rel @p2 .LBB3_6-.Ltmp11, $3  }
0xd6: {  	_ =	sdelay $0x1  }
0xd7: {  	v1 =	vshll.u32 v1, $0x4  }
0xd8: {  	s24 =	sadd.s32 $0xFFFFFFF0, s24;
	[tilespmem:s0+$0x0] =	vst.msk vm0, v1;
	s0 =	sadd.s32 $0x10, s0;
	vm0 =	vmmov vm1  }
.LBB3_7:
0xd9: {  	_ =	sdelay $0x4  }
0xda: {  	v1 =	vld.msk [tilespmem:s0+$0x0 ss:$0x1], vm1;
	_ =	sdelay $0x4  }
0xdb: {  	v1 =	vshll.u32 v1, $0x4  }
0xdc: {  	[tilespmem:s0+$0x0] =	vst.msk vm0, v1  }
.LBB3_8:
0xdd: {  	s0 =	sand.u32 $0x1, s21  }
0xde: {  	s0 =	smul.u32 $0xF0, s0  }
0xdf: {  	p2 =	sne.s32 s30, $0xFFFFFFFF  }
0xe0: {  	v1 =	vld.msk @!p2 [tilespmem:s0+$0x10518], $0x1;
	_ =	sdelay $0x4  }
0xe1: {  	(v2sf) =	vpush @!p2 v1, $0x0;
	_ =	sdelay $0xc  }
.Ltmp12:
0xe2: {  	_ = 	snop;
	(pc) =	sbr.rel @p1 .LBB3_19-.Ltmp12, $4  }
0xe3: {  	_ = 	snop  }
0xe4: {  	s29 =	spop @!p2 (v2sf)  }
0xe5: {  	s22 =	simm.s32 @!p2 $0x0;
	s24 =	smov.u32 s29  }
0xe6: {  	[sflag:s18] =	ssyncpa.u1 $0x0;
	s29 =	smov.u32 @p2 s28;
	s24 =	smov.u32 @p2 s30  }
0xe7: {  	v1 =	vld.msk [tilespmem:s23+$0x0], $0x1;
	_ =	sdelay $0x4  }
0xe8: {  	(v2sf) =	vpush v1, $0x0;
	_ =	sdelay $0xe  }
0xe9: {  	s2 =	smul.u32 $0x1E000, s25;
	s0 =	spop (v2sf)  }
0xea: {  	s26 =	ssub.s32 $0x0, s26;
	p1 =	seq.s32 s29, s0  }
0xeb: {  	s30 =	sadd.s32 $0x1, s26;
	s2 =	sshrl.u32 s2, $0x2;
	p2 =	sgt.s32 @!p1 s29, $0x0  }
0xec: {  	s25 =	sor.u32 $0x10738, s2;
	s2 =	smov.u32 s29;
	p2 =	por !p2, p1  }
0xed: {  	s2 =	simm.s32 @p2 $0x0;
	p2 =	seq.s32 s30, $0x0  }
.Ltmp13:
0xee: {  	_ = 	snop;
	(pc) =	sbr.rel @p2 .LBB3_11-.Ltmp13, $4  }
0xef: {  	_ = 	snop  }
0xf0: {  	s28 =	simm.s32 $0x0;
	s31 =	sadd.s32 $0x1, s23;
	s2 =	smin.u32 @!p1 s2, $0x27FF0  }
0xf1: {  	s4 =	simm.s32 @!p1 $0x1;
	s5 =	simm.s32 @!p1 $0x7988;
	s3 =	sand.u32 @!p1 $0x3FFF8, s2  }
0xf2: {  	s4 =	smov.u32 @p1 s28;
	s2 =	sand.u32 @!p1 $0x7, s2;
	s3 =	sadd.s32 @!p1 s1, s3  }
.LBB3_10:
0xf3: {  	s9 =	smov.u32 s4  }
0xf4: {  	[tilespmem:s5], [sflag:$0x2] =	stream.linear.gather @!p1 [hbm4b:s3+s2], $0x80, $0x38;
	[tilespmem:$0x1F6F8] =	vst v63  }
0xf5: {  	s30 =	sadd.s32 $0x1, s30;
	s2 =	smov.u32 s0;
	v1 =	vld.msk [tilespmem:s31+$0x0], $0x1  }
0xf6: {  	p2 =	seq.s32 s30, $0x0;
	_ =	sdelay $0x3  }
0xf7: {  	(v2sf) =	vpush v1, $0x0;
	_ =	sdelay $0xe  }
0xf8: {  	s0 =	spop (v2sf)  }
0xf9: {  	p1 =	seq.s32 s2, s0  }
0xfa: {  	p3 =	sgt.s32 @!p1 s2, $0x0;
	s3 =	sshll.u32 @!p1 s4, $0x9;
	s4 =	sadd.s32 @!p1 $0x1, s4  }
.Ltmp14:
0xfb: {  	p3 =	por !p3, p1;
	s3 =	sshra.s32 @!p1 s3, $0x2;
	(pc) =	sbr.rel @!p2 .LBB3_10-.Ltmp14, $4  }
0xfc: {  	s4 =	smov.u32 @p1 s9;
	s2 =	simm.s32 @p3 $0x0;
	s5 =	sadd.s32 @!p1 $0x7988, s3  }
0xfd: {  	s2 =	smin.u32 @!p1 s2, $0x27FF0  }
0xfe: {  	s3 =	sand.u32 @!p1 $0x3FFF8, s2;
	s2 =	sand.u32 @!p1 $0x7, s2  }
0xff: {  	s31 =	sadd.s32 $0x1, s31;
	s3 =	sadd.s32 @!p1 s1, s3  }
.LBB3_11:
0x100: {  	[tilespmem:s5], [sflag:$0x2] =	stream.linear.gather @!p1 [hbm4b:s3+s2], $0x80, $0x38;
	[tilespmem:$0x1F6F8] =	vst v63  }
.Ltmp15:
0x101: {  	s0 =	sshll.u32 s4, $0x7;
	(pc) =	sbr.rel .LBB3_12-.Ltmp15, $4  }
0x102: {  	s30 =	simm.s32 $0x2;
	s0 =	sand.u32 $0x3FFFFF80, s0  }
0x103: {  	_ =	swait.ge [sflag:s30], s0  }
0x104: {  	s0 =	ssub.s32 $0x0, s0;
	[sflag:s30] =	ssyncset.done $0x0  }
0x105: {  	s31 =	simm.s32 $0x0;
	[sflag:s30] =	ssyncadd.s32 s0  }
.LBB3_13:
0x106: {  	v1 =	vld [tilespmem:s25+$0xFFFFFFC0];
	_ =	sdelay $0x3  }
0x107: {  	s0 =	sshra.s32 s0, $0x2  }
0x108: {  	[tilespmem:s0+$0x108] =	vst.add.f32.msk $0xffff, v1  }
0x109: {  	v1 =	vld [tilespmem:s25+$0xFFFFFFD0];
	_ =	sdelay $0x4  }
0x10a: {  	[tilespmem:s0+$0x118] =	vst.add.f32.msk $0xffff, v1  }
0x10b: {  	v1 =	vld [tilespmem:s25+$0xFFFFFFE0];
	_ =	sdelay $0x4  }
0x10c: {  	[tilespmem:s0+$0x128] =	vst.add.f32.msk $0xffff, v1  }
0x10d: {  	v1 =	vld [tilespmem:s25+$0xFFFFFFF0];
	_ =	sdelay $0x4  }
0x10e: {  	[tilespmem:s0+$0x138] =	vst.add.f32.msk $0xffff, v1  }
0x10f: {  	v1 =	vld [tilespmem:s25+$0x0];
	_ =	sdelay $0x4  }
0x110: {  	[tilespmem:s0+$0x148] =	vst.add.f32.msk $0xffff, v1  }
0x111: {  	v1 =	vld [tilespmem:s25+$0x10];
	_ =	sdelay $0x4  }
0x112: {  	[tilespmem:s0+$0x158] =	vst.add.f32.msk $0xffff, v1  }
0x113: {  	v1 =	vld [tilespmem:s25+$0x20];
	_ =	sdelay $0x4  }
0x114: {  	[tilespmem:s0+$0x168] =	vst.add.f32.msk $0xffff, v1  }
0x115: {  	v1 =	vld [tilespmem:s25+$0x30];
	_ =	sdelay $0x4  }
0x116: {  	[tilespmem:s0+$0x178] =	vst.add.f32.msk $0xffff, v1  }
.LBB3_17:
0x117: {  	s26 =	sadd.s32 $0x1, s26  }
0x118: {  	p1 =	seq.s32 s26, $0x0  }
.Ltmp16:
0x119: {  	_ = 	snop;
	(pc) =	sbr.rel @p1 .LBB3_18-.Ltmp16, $2  }
0x11a: {  	_ =	sdelay $0x2  }
0x11b: {  	s23 =	sadd.s32 $0x1, s23;
	s25 =	sadd.s32 $0x80, s25;
	s29 =	smov.u32 s30  }
.LBB3_12:
0x11c: {  	v1 =	vld.msk [tilespmem:s23+$0x0], $0x1;
	_ =	sdelay $0x4  }
0x11d: {  	(v2sf) =	vpush v1, $0x0;
	_ =	sdelay $0xe  }
0x11e: {  	s30 =	spop (v2sf)  }
0x11f: {  	p1 =	sne.s32 s29, s30  }
.Ltmp17:
0x120: {  	_ = 	snop;
	(pc) =	sbr.rel @!p1 .LBB3_13-.Ltmp17, $2  }
0x121: {  	_ =	sdelay $0x2  }
0x122: {  	s0 =	sshll.u32 s22, $0x9  }
0x123: {  	p1 =	seq.s32 s29, s24  }
.Ltmp18:
0x124: {  	_ = 	snop;
	(pc) =	sbr.rel @!p1 .LBB3_15-.Ltmp18, $1  }
0x125: {  	_ =	sdelay $0x3  }
0x126: {  	s0 =	sshra.s32 s0, $0x2  }
.Ltmp19:
0x127: {  	s0 =	sadd.s32 $0x108, s0;
	(pc) =	sbr.rel .LBB3_16-.Ltmp19, $4  }
0x128: {  	[spmem:s16] =	stream.linear.scatter [tilespmem:s0], [sflag:$0x1], $0x80, $0x38;
	[tilespmem:$0x1F6F8] =	vst v63  }
0x129: {  	_ =	swait.ge [sflag:s12], $0x80  }
0x12a: {  	[sflag:s12] =	ssyncset.done $0x0  }
0x12b: {  	[sflag:s12] =	ssyncadd.s32 $0xFFFFFF80  }
.LBB3_15:
0x12c: {  	s2 =	sshll.u32 s28, $0x9  }
0x12d: {  	s2 =	sshra.s32 s2, $0x2  }
0x12e: {  	v1 =	vld [tilespmem:s2+$0x7988];
	_ =	sdelay $0x3  }
0x12f: {  	s0 =	sshra.s32 s0, $0x2  }
0x130: {  	[tilespmem:s0+$0x108] =	vst.add.f32.msk $0xffff, v1  }
0x131: {  	v1 =	vld [tilespmem:s2+$0x7998];
	_ =	sdelay $0x4  }
0x132: {  	[tilespmem:s0+$0x118] =	vst.add.f32.msk $0xffff, v1  }
0x133: {  	v1 =	vld [tilespmem:s2+$0x79A8];
	_ =	sdelay $0x4  }
0x134: {  	[tilespmem:s0+$0x128] =	vst.add.f32.msk $0xffff, v1  }
0x135: {  	v1 =	vld [tilespmem:s2+$0x79B8];
	_ =	sdelay $0x4  }
0x136: {  	[tilespmem:s0+$0x138] =	vst.add.f32.msk $0xffff, v1  }
0x137: {  	v1 =	vld [tilespmem:s2+$0x79C8];
	_ =	sdelay $0x4  }
0x138: {  	[tilespmem:s0+$0x148] =	vst.add.f32.msk $0xffff, v1  }
0x139: {  	v1 =	vld [tilespmem:s2+$0x79D8];
	_ =	sdelay $0x4  }
0x13a: {  	[tilespmem:s0+$0x158] =	vst.add.f32.msk $0xffff, v1  }
0x13b: {  	v1 =	vld [tilespmem:s2+$0x79E8];
	_ =	sdelay $0x4  }
0x13c: {  	[tilespmem:s0+$0x168] =	vst.add.f32.msk $0xffff, v1  }
0x13d: {  	v1 =	vld [tilespmem:s2+$0x79F8];
	_ =	sdelay $0x2  }
0x13e: {  	p1 =	sgt.u32 s29, $0x27FF0  }
0x13f: {  	s2 =	sand.u32 @!p1 $0x3FFF8, s29  }
0x140: {  	s3 =	sadd.s32 $0x108, s0;
	[tilespmem:s0+$0x178] =	vst.add.f32.msk $0xffff, v1;
	s0 =	sadd.s32 @!p1 s1, s2;
	s2 =	sand.u32 @!p1 $0x7, s29  }
0x141: {  	[hbm4b:s0+s2] =	stream.linear.scatter @!p1 [tilespmem:s3], [sflag:$0xC], $0x80, $0x38;
	[tilespmem:$0x1F6F8] =	vst v63  }
0x142: {  	s0 =	simm.s32 $0x0  }
0x143: {  	s0 =	simm.s32 @!p1 $0x200  }
0x144: {  	s31 =	sadd.s32 s0, s31  }
.LBB3_16:
0x145: {  	s0 =	sadd.s32 $0x1, s22  }
0x146: {  	s2 =	smulhi.u32 $0x88888889, s0;
	_ =	sdelay $0x1  }
0x147: {  	v1 =	vld [tilespmem:s25+$0xFFFFFFC0];
	s2 =	sshrl.u32 s2, $0x7  }
0x148: {  	s2 =	smul.u32 $0xF0, s2;
	_ =	sdelay $0x1  }
0x149: {  	s22 =	ssub.s32 s0, s2  }
0x14a: {  	s0 =	sshll.u32 s22, $0x7  }
0x14b: {  	[tilespmem:s0+$0x108] =	vst v1  }
0x14c: {  	v1 =	vld [tilespmem:s25+$0xFFFFFFD0];
	_ =	sdelay $0x4  }
0x14d: {  	[tilespmem:s0+$0x118] =	vst v1  }
0x14e: {  	v1 =	vld [tilespmem:s25+$0xFFFFFFE0];
	_ =	sdelay $0x4  }
0x14f: {  	[tilespmem:s0+$0x128] =	vst v1  }
0x150: {  	v1 =	vld [tilespmem:s25+$0xFFFFFFF0];
	_ =	sdelay $0x4  }
0x151: {  	[tilespmem:s0+$0x138] =	vst v1  }
0x152: {  	v1 =	vld [tilespmem:s25+$0x0];
	_ =	sdelay $0x4  }
0x153: {  	[tilespmem:s0+$0x148] =	vst v1  }
0x154: {  	v1 =	vld [tilespmem:s25+$0x10];
	_ =	sdelay $0x4  }
0x155: {  	[tilespmem:s0+$0x158] =	vst v1  }
0x156: {  	v1 =	vld [tilespmem:s25+$0x20];
	_ =	sdelay $0x4  }
0x157: {  	[tilespmem:s0+$0x168] =	vst v1  }
0x158: {  	v1 =	vld [tilespmem:s25+$0x30]  }
.Ltmp20:
0x159: {  	_ = 	snop;
	(pc) =	sbr.rel .LBB3_17-.Ltmp20, $2  }
0x15a: {  	_ =	sdelay $0x2  }
0x15b: {  	s28 =	sadd.s32 $0x1, s28;
	[tilespmem:s0+$0x178] =	vst v1  }
.LBB3_19:
.Ltmp21:
0x15c: {  	(pc) =	sbr.rel .LBB3_20-.Ltmp21, $4  }
0x15d: {  	_ = 	snop  }
0x15e: {  	s0 =	simm.s32 $0x2  }
0x15f: {  	_ =	swait.ge [sflag:s0], $0x0  }
0x160: {  	s30 =	smov.u32 s29;
	[sflag:s0] =	ssyncset.done $0x0;
	s0 =	simm.s32 $0x0  }
.LBB3_22:
0x161: {  	_ =	sfence.sel $0x180000  }
0x162: {  	s0 =	simm.s32 $0x9;
	[bflag:$0x0] =	sbarrier.arrive $0xFFFF  }
0x163: {  	s24 =	simm.s32 $0xA;
	[sflag:s0] =	ssyncpa.u1 $0x1  }
0x164: {  	s25 =	simm.s32 $0xB;
	[sflag:s24] =	ssyncpa.u1 $0x1  }
0x165: {  	s26 =	simm.s32 $0x2;
	[sflag:s25] =	ssyncpa.u1 $0x1  }
0x166: {  	[sflag:s26] =	ssyncpa.u1 $0x1  }
0x167: {  	v0 =	vld [tilespmem:$0xF208];
	_ =	sdelay $0x4  }
0x168: {  	(v2sf) =	vpush v0, $0x0  }
0x169: {  	(v2sf) =	vpush v0, $0x1;
	_ =	sdelay $0x1  }
0x16a: {  	(v2sf) =	vpush v0, $0x2;
	_ =	sdelay $0xb  }
0x16b: {  	s0 =	spop (v2sf)  }
0x16c: {  	s2 =	spop (v2sf)  }
0x16d: {  	s3 =	smov.u32 s0;
	p0 =	sne.s32 s0, s2  }
0x16e: {  	s4 =	spop (v2sf);
	s3 =	simm.s32 @!p0 $0xFFFFFFFF  }
0x16f: {  	v2 =	vimm.s32 $0x1;
	v3 =	vlaneseq.u32;
	p0 =	seq.s32 s4, $0xFFFFFFFF;
	v1 =	vmov s3  }
0x170: {  	s16 =	stileid.u32;
	v0 =	vperm.xlane v0, v2;
	p1 =	sne.s32 @!p0 s0, s2;
	v1 =	vperm.xlane v1, v3  }
0x171: {  	vm0 =	vcmask $0x3F04;
	s6 =	simm.s32 $0xF208;
	s0 =	simm.s32 @!p0 $0x1;
	p1 =	por !p1, p0  }
0x172: {  	s3 =	sshll.u32 s16, $0x1;
	s2 =	sshll.u32 @!p0 s4, $0x9;
	s0 =	simm.s32 @p1 $0x0;
	v0 =	vsel vm0, v1, v0  }
0x173: {  	s5 =	sor.u32 $0x1000, s3;
	s2 =	sshra.s32 @!p0 s2, $0x2;
	s0 =	sor.u32 @!p0 s0, s3;
	[tilespmem:$0xF208] =	vst v0  }
0x174: {  	[spmem:s5] =	stream.linear.scatter [tilespmem:s6], [sflag:$0x1], $0x2, $0x38;
	[tilespmem:$0x1F6F8] =	vst v63  }
0x175: {  	s2 =	sadd.s32 @!p0 $0x108, s2;
	s0 =	sshll.u32 @!p0 s0, $0x7  }
0x176: {  	[spmem:s0] =	stream.linear.scatter @!p0 [tilespmem:s2], [sflag:$0x1], $0x80, $0x38;
	[tilespmem:$0x1F6F8] =	vst v63  }
0x177: {  	s0 =	simm.s32 @!p0 $0x82  }
0x178: {  	s28 =	simm.s32 $0x1;
	s0 =	simm.s32 @p0 $0x2  }
0x179: {  	_ =	swait.ge [sflag:s28], s0  }
0x17a: {  	s0 =	ssub.s32 $0x0, s0;
	[sflag:s28] =	ssyncset.done $0x0  }
0x17b: {  	p0 =	sne.s32 s16, $0x0;
	[sflag:s28] =	ssyncadd.s32 s0  }
.Ltmp22:
0x17c: {  	_ =	sfence.stream.spmem;
	(pc) =	sbr.rel @p0 .LBB3_39-.Ltmp22, $4  }
0x17d: {  	s29 =	simm.s32 $0x3;
	[bflag:$0x0] =	sbarrier.arrive $0xFFFF  }
0x17e: {  	s30 =	simm.s32 $0x4;
	[sflag:s29] =	ssyncpa.u1 $0x1  }
0x17f: {  	s31 =	simm.s32 $0x3C;
	[sflag:s30] =	ssyncpa.u1 $0x1  }
0x180: {  	s15 =	rddreg [dreg:$0x4];
	[sflag:s31] =	ssyncpa.u1 $0x1  }
0x181: {  	_ =	sfence.stream.spmem;
	s0 =	simm.s32 $0x5  }
0x182: {  	s2 =	simm.s32 $0x1000;
	s3 =	simm.s32 $0xF218;
	[sflag:s0] =	ssyncpa.u1 $0x0  }
0x183: {  	[tilespmem:s3], [sflag:$0x5] =	stream.linear.gather [spmem:s2], $0x20, $0x38;
	[tilespmem:$0x1F6F8] =	vst v63  }
0x184: {  	s26 =	simm.s32 $0x0;
	s28 =	simm.s32 $0xF238  }
0x185: {  	[tilespmem:s28], [sflag:$0x5] =	stream.linear.gather [spmem:s26], $0x1000, $0x38;
	[tilespmem:$0x1F6F8] =	vst v63  }
0x186: {  	_ =	swait.ge [sflag:s0], $0x1020  }
0x187: {  	[sflag:s0] =	ssyncset.done $0x0  }
0x188: {  	s29 =	simm.s32 $0x0;
	[sflag:s0] =	ssyncadd.s32 $0xFFFFEFE0  }
0x189: {  	v0 =	vld.msk [tilespmem:s29+$0xF218], $0x1;
	_ =	sdelay $0x1  }
0x18a: {  	s30 =	simm.s32 $0x1  }
0x18b: {  	v1 =	vld.msk [tilespmem:s30+$0xF218], $0x1;
	_ =	sdelay $0x1  }
0x18c: {  	(v2sf) =	vpush v0, $0x0;
	_ =	sdelay $0x2  }
0x18d: {  	(v2sf) =	vpush v1, $0x0;
	_ =	sdelay $0x2  }
0x18e: {  	s31 =	simm.s32 $0x2  }
0x18f: {  	v0 =	vld.msk [tilespmem:s31+$0xF218], $0x1;
	_ =	sdelay $0x2  }
0x190: {  	s4 =	simm.s32 $0xFFFFFFFF;
	s5 =	simm.s32 $0xFFFFFFFF;
	s0 =	simm.s32 $0xC  }
.LBB3_24:
0x191: {  	s2 =	smov.u32 s5;
	s3 =	smov.u32 s4  }
0x192: {  	s4 =	sshra.s32 s0, $0x2;
	p1 =	sne.s32 s0, $0x7C;
	s0 =	sadd.s32 $0x4, s0;
	(v2sf) =	vpush v0, $0x0  }
0x193: {  	v0 =	vld.msk [tilespmem:s4+$0xF218], $0x1  }
.Ltmp23:
0x194: {  	(pc) =	sbr.rel @p1 .LBB3_24-.Ltmp23, $4  }
0x195: {  	s5 =	spop (v2sf)  }
0x196: {  	p2 =	sne.s32 s3, $0xFFFFFFFF;
	s4 =	smov.u32 s5  }
0x197: {  	p3 =	seq.s32 s5, $0xFFFFFFFF;
	s4 =	smov.u32 @p2 s3  }
0x198: {  	s5 =	smov.u32 @p3 s2;
	s4 =	smov.u32 @p3 s3  }
0x199: {  	(v2sf) =	vpush v0, $0x0;
	_ =	sdelay $0x8  }
0x19a: {  	s0 =	spop (v2sf)  }
0x19b: {  	p1 =	sne.s32 s4, $0xFFFFFFFF;
	s2 =	smov.u32 s0  }
0x19c: {  	s9 =	simm.s32 $0x6;
	p2 =	seq.s32 s0, $0xFFFFFFFF;
	s2 =	smov.u32 @p1 s4  }
0x19d: {  	s6 =	simm.s32 $0x0;
	s2 =	smov.u32 @p2 s4;
	s3 =	spop (v2sf)  }
0x19e: {  	s0 =	smov.u32 @p2 s5;
	p1 =	sne.s32 s2, $0xFFFFFFFF;
	s4 =	smov.u32 s3  }
.Ltmp24:
0x19f: {  	p2 =	seq.s32 s3, $0xFFFFFFFF;
	s4 =	smov.u32 @p1 s2;
	(pc) =	sbr.rel .LBB3_26-.Ltmp24, $4  }
0x1a0: {  	s10 =	simm.s32 $0xF188;
	s4 =	smov.u32 @p2 s2;
	s7 =	spop (v2sf)  }
0x1a1: {  	s11 =	simm.s32 $0x0;
	p1 =	sne.s32 s4, $0xFFFFFFFF;
	s8 =	smov.u32 s7  }
0x1a2: {  	s3 =	smov.u32 @p2 s0;
	p2 =	seq.s32 s7, $0xFFFFFFFF;
	s8 =	smov.u32 @p1 s4  }
0x1a3: {  	[sflag:s9] =	ssyncpa.u1 $0x0;
	s7 =	smov.u32 @p2 s3;
	s8 =	smov.u32 @p2 s4  }
.LBB3_32:
0x1a4: {  	p1 =	sgt.u32 s12, $0x27FF0  }
0x1a5: {  	p2 =	seq.s32 @!p1 s12, s8  }
0x1a6: {  	p1 =	por p1, p2  }
0x1a7: {  	p2 =	sne.s32 @!p1 s12, s7  }
0x1a8: {  	p1 =	por p1, !p2  }
0x1a9: {  	s0 =	sshll.u32 @p1 s11, $0x9  }
0x1aa: {  	s0 =	sand.u32 @!p1 $0x3FFF8, s12  }
0x1ab: {  	s2 =	sand.u32 @!p1 $0x7, s12;
	s0 =	sadd.s32 @!p1 s1, s0  }
0x1ac: {  	[tilespmem:s10], [sflag:$0x6] =	stream.linear.gather @!p1 [hbm4b:s0+s2], $0x80, $0x38;
	[tilespmem:$0x1F6F8] =	vst v63  }
0x1ad: {  	_ =	swait.ge @!p1 [sflag:s9], $0x80  }
0x1ae: {  	[sflag:s9] =	ssyncset.done @!p1 $0x0  }
0x1af: {  	[sflag:s9] =	ssyncadd.s32 @!p1 $0xFFFFFF80  }
0x1b0: {  	v1 =	vld @!p1 [tilespmem:$0xF188];
	_ =	sdelay $0x2  }
0x1b1: {  	s0 =	sshll.u32 @!p1 s11, $0x9  }
0x1b2: {  	s2 =	sshrl.u32 @!p1 s0, $0x2  }
0x1b3: {  	[tilespmem:s2+$0xF238] =	vst.add.f32.msk @!p1 $0xffff, v1  }
0x1b4: {  	v1 =	vld @!p1 [tilespmem:$0xF198];
	_ =	sdelay $0x4  }
0x1b5: {  	[tilespmem:s2+$0xF248] =	vst.add.f32.msk @!p1 $0xffff, v1  }
0x1b6: {  	v1 =	vld @!p1 [tilespmem:$0xF1A8];
	_ =	sdelay $0x4  }
0x1b7: {  	[tilespmem:s2+$0xF258] =	vst.add.f32.msk @!p1 $0xffff, v1  }
0x1b8: {  	v1 =	vld @!p1 [tilespmem:$0xF1B8];
	_ =	sdelay $0x4  }
0x1b9: {  	[tilespmem:s2+$0xF268] =	vst.add.f32.msk @!p1 $0xffff, v1  }
0x1ba: {  	v1 =	vld @!p1 [tilespmem:$0xF1C8];
	_ =	sdelay $0x4  }
0x1bb: {  	[tilespmem:s2+$0xF278] =	vst.add.f32.msk @!p1 $0xffff, v1  }
0x1bc: {  	v1 =	vld @!p1 [tilespmem:$0xF1D8];
	_ =	sdelay $0x4  }
0x1bd: {  	[tilespmem:s2+$0xF288] =	vst.add.f32.msk @!p1 $0xffff, v1  }
0x1be: {  	v1 =	vld @!p1 [tilespmem:$0xF1E8];
	_ =	sdelay $0x4  }
0x1bf: {  	[tilespmem:s2+$0xF298] =	vst.add.f32.msk @!p1 $0xffff, v1  }
0x1c0: {  	v1 =	vld @!p1 [tilespmem:$0xF1F8];
	_ =	sdelay $0x4  }
0x1c1: {  	[tilespmem:s2+$0xF2A8] =	vst.add.f32.msk @!p1 $0xffff, v1  }
0x1c2: {  	s0 =	sshrl.u32 s0, $0x2;
	[tilespmem:s6+$0xF218] =	vst.msk $0x1, v0  }
0x1c3: {  	v0 =	vld [tilespmem:s0+$0xF238];
	_ =	sdelay $0x2  }
0x1c4: {  	s31 =	sshll.u32 s6, $0x9  }
0x1c5: {  	s2 =	sshra.s32 s31, $0x2  }
0x1c6: {  	[tilespmem:s2+$0xF238] =	vst v0  }
0x1c7: {  	v0 =	vld [tilespmem:s0+$0xF248];
	_ =	sdelay $0x4  }
0x1c8: {  	[tilespmem:s2+$0xF248] =	vst v0  }
0x1c9: {  	v0 =	vld [tilespmem:s0+$0xF258];
	_ =	sdelay $0x4  }
0x1ca: {  	[tilespmem:s2+$0xF258] =	vst v0  }
0x1cb: {  	v0 =	vld [tilespmem:s0+$0xF268];
	_ =	sdelay $0x4  }
0x1cc: {  	[tilespmem:s2+$0xF268] =	vst v0  }
0x1cd: {  	v0 =	vld [tilespmem:s0+$0xF278];
	_ =	sdelay $0x4  }
0x1ce: {  	[tilespmem:s2+$0xF278] =	vst v0  }
0x1cf: {  	v0 =	vld [tilespmem:s0+$0xF288];
	_ =	sdelay $0x4  }
0x1d0: {  	[tilespmem:s2+$0xF288] =	vst v0  }
0x1d1: {  	v0 =	vld [tilespmem:s0+$0xF298];
	_ =	sdelay $0x4  }
0x1d2: {  	[tilespmem:s2+$0xF298] =	vst v0  }
0x1d3: {  	v0 =	vld [tilespmem:s0+$0xF2A8];
	_ =	sdelay $0x4  }
0x1d4: {  	s6 =	sadd.s32 $0x1, s6;
	[tilespmem:s2+$0xF2A8] =	vst v0  }
.LBB3_33:
0x1d5: {  	s11 =	sadd.s32 $0x1, s11  }
0x1d6: {  	p1 =	sne.s32 s11, $0x20  }
.Ltmp25:
0x1d7: {  	_ = 	snop;
	(pc) =	sbr.rel @!p1 .LBB3_34-.Ltmp25, $1  }
0x1d8: {  	_ =	sdelay $0x3  }
.LBB3_26:
0x1d9: {  	v0 =	vld.msk [tilespmem:s11+$0xF218], $0x1;
	_ =	sdelay $0x4  }
0x1da: {  	(v2sf) =	vpush v0, $0x0;
	_ =	sdelay $0xe  }
0x1db: {  	s12 =	spop (v2sf)  }
0x1dc: {  	p1 =	seq.s32 s12, $0xFFFFFFFF  }
.Ltmp26:
0x1dd: {  	_ = 	snop;
	(pc) =	sbr.rel @p1 .LBB3_33-.Ltmp26, $1  }
0x1de: {  	_ =	sdelay $0x3  }
0x1df: {  	p1 =	slt.s32 s6, $0x1  }
.Ltmp27:
0x1e0: {  	_ = 	snop;
	(pc) =	sbr.rel @p1 .LBB3_32-.Ltmp27, $1  }
0x1e1: {  	_ =	sdelay $0x3  }
0x1e2: {  	s13 =	simm.s32 $0xF218;
	p1 =	por $0x0, $0x0  }
0x1e3: {  	v1 =	vld.msk @!p1 [tilespmem:s13+$0x0], $0x1;
	_ =	sdelay $0x4  }
0x1e4: {  	(v2sf) =	vpush @!p1 v1, $0x0;
	_ =	sdelay $0xd  }
0x1e5: {  	p3 =	sne.s32 s6, $0x1  }
.Ltmp28:
0x1e6: {  	s0 =	spop @!p1 (v2sf);
	(pc) =	sbr.rel @!p3 .LBB3_30-.Ltmp28, $4  }
0x1e7: {  	p2 =	seq.s32 @!p1 s12, s0  }
0x1e8: {  	s14 =	simm.s32 $0x0;
	p2 =	por !p2, p1  }
0x1e9: {  	s2 =	simm.s32 $0xFFFFFFFF;
	s14 =	simm.s32 @p2 $0xFFFFFFFF  }
0x1ea: {  	s0 =	simm.s32 $0x1;
	s14 =	smov.u32 @p1 s2  }
.LBB3_29:
0x1eb: {  	s2 =	smov.u32 s14;
	p1 =	sne.s32 s14, $0xFFFFFFFF  }
0x1ec: {  	s13 =	sadd.s32 $0x1, s13;
	s14 =	smov.u32 s0;
	s0 =	sadd.s32 $0x1, s0  }
0x1ed: {  	p2 =	sne.s32 s6, s0;
	v1 =	vld.msk @!p1 [tilespmem:s13+$0x0], $0x1;
	_ =	sdelay $0x4  }
0x1ee: {  	(v2sf) =	vpush @!p1 v1, $0x0;
	_ =	sdelay $0xe  }
.Ltmp29:
0x1ef: {  	s3 =	spop @!p1 (v2sf);
	(pc) =	sbr.rel @p2 .LBB3_29-.Ltmp29, $4  }
0x1f0: {  	p3 =	seq.s32 @!p1 s12, s3  }
0x1f1: {  	p3 =	por !p3, p1  }
0x1f2: {  	s14 =	simm.s32 @p3 $0xFFFFFFFF  }
0x1f3: {  	s14 =	smov.u32 @p1 s2  }
.LBB3_30:
0x1f4: {  	p1 =	seq.s32 s14, $0xFFFFFFFF  }
.Ltmp30:
0x1f5: {  	_ = 	snop;
	(pc) =	sbr.rel @p1 .LBB3_32-.Ltmp30, $1  }
0x1f6: {  	_ =	sdelay $0x3  }
0x1f7: {  	s0 =	sshll.u32 s11, $0x7  }
0x1f8: {  	s0 =	sand.u32 $0x3FFFFF80, s0  }
0x1f9: {  	v0 =	vld [tilespmem:s0+$0xF238];
	_ =	sdelay $0x2  }
0x1fa: {  	s2 =	sshll.u32 s14, $0x9  }
0x1fb: {  	s2 =	sshra.s32 s2, $0x2  }
0x1fc: {  	[tilespmem:s2+$0xF238] =	vst.add.f32.msk $0xffff, v0  }
0x1fd: {  	v0 =	vld [tilespmem:s0+$0xF248];
	_ =	sdelay $0x4  }
0x1fe: {  	[tilespmem:s2+$0xF248] =	vst.add.f32.msk $0xffff, v0  }
0x1ff: {  	v0 =	vld [tilespmem:s0+$0xF258];
	_ =	sdelay $0x4  }
0x200: {  	[tilespmem:s2+$0xF258] =	vst.add.f32.msk $0xffff, v0  }
0x201: {  	v0 =	vld [tilespmem:s0+$0xF268];
	_ =	sdelay $0x4  }
0x202: {  	[tilespmem:s2+$0xF268] =	vst.add.f32.msk $0xffff, v0  }
0x203: {  	v0 =	vld [tilespmem:s0+$0xF278];
	_ =	sdelay $0x4  }
0x204: {  	[tilespmem:s2+$0xF278] =	vst.add.f32.msk $0xffff, v0  }
0x205: {  	v0 =	vld [tilespmem:s0+$0xF288];
	_ =	sdelay $0x4  }
0x206: {  	[tilespmem:s2+$0xF288] =	vst.add.f32.msk $0xffff, v0  }
0x207: {  	v0 =	vld [tilespmem:s0+$0xF298];
	_ =	sdelay $0x4  }
0x208: {  	[tilespmem:s2+$0xF298] =	vst.add.f32.msk $0xffff, v0  }
0x209: {  	v0 =	vld [tilespmem:s0+$0xF2A8]  }
.Ltmp31:
0x20a: {  	_ = 	snop;
	(pc) =	sbr.rel .LBB3_33-.Ltmp31, $2  }
0x20b: {  	_ =	sdelay $0x2  }
0x20c: {  	[tilespmem:s2+$0xF2A8] =	vst.add.f32.msk $0xffff, v0  }
.LBB3_34:
0x20d: {  	s0 =	simm.s32 $0x6;
	p1 =	seq.s32 s6, $0x0  }
0x20e: {  	[sflag:s0] =	ssyncpa.u1 $0x1;
	v0 =	vimm.s32 @p1 $0xFFFFFFFF  }
0x20f: {  	s9 =	sadd.s32 $0xFFFFFFFF, s6;
	[tilespmem:$0x10238] =	vst @p1 v0  }
0x210: {  	v0 =	vld.msk @!p1 [tilespmem:s9+$0xF218], $0x1;
	_ =	sdelay $0x1  }
0x211: {  	v1 =	vld.msk @!p1 [tilespmem:$0xF218], $0x1;
	_ =	sdelay $0x2  }
0x212: {  	p2 =	seq.s32 @!p1 s9, $0x0;
	v0 =	vbroadcast @!p1 v0, $0x0  }
0x213: {  	vm0 =	vmmov @!p1 $0x1;
	p2 =	por !p2, p1  }
0x214: {  	v1 =	vnsel @!p1 vm0, $0xFFFFFFFF, v1;
	vm0 =	vcmask @!p1 $0x308;
	v0 =	vpsel !p2, $0xFFFFFFFF, v0  }
0x215: {  	p2 =	sne.s32 @!p1 s8, s7;
	v0 =	vsel @!p1 vm0, v1, v0  }
0x216: {  	s0 =	simm.s32 @!p1 $0xF238;
	s2 =	simm.s32 @!p1 $0x0;
	p3 =	por !p2, p1;
	[tilespmem:$0x10238] =	vst @!p1 v0  }
0x217: {  	[spmem:s2] =	stream.linear.scatter @!p1 [tilespmem:s0], [sflag:$0x1], $0x80, $0x38;
	[tilespmem:$0x1F6F8] =	vst v63  }
0x218: {  	s0 =	sshll.u32 @!p3 s9, $0x9  }
0x219: {  	s0 =	sshra.s32 @!p3 s0, $0x2  }
0x21a: {  	s2 =	simm.s32 @!p3 $0x80;
	s0 =	sadd.s32 @!p3 $0xF238, s0  }
0x21b: {  	[spmem:s2] =	stream.linear.scatter @!p3 [tilespmem:s0], [sflag:$0x1], $0x80, $0x38;
	[tilespmem:$0x1F6F8] =	vst v63  }
0x21c: {  	s0 =	simm.s32 @!p3 $0x1  }
0x21d: {  	_ =	swait.ge @!p3 [sflag:s0], $0x100  }
0x21e: {  	p1 =	por p2, p1;
	[sflag:s0] =	ssyncset.done @!p3 $0x0  }
0x21f: {  	[sflag:s0] =	ssyncadd.s32 @!p3 $0xFFFFFF00;
	s0 =	simm.s32 @!p1 $0x1  }
0x220: {  	_ =	swait.ge @!p1 [sflag:s0], $0x80  }
0x221: {  	s29 =	simm.s32 $0x10238;
	[sflag:s0] =	ssyncset.done @!p1 $0x0  }
0x222: {  	s30 =	simm.s32 $0x1000;
	s31 =	simm.s32 $0x1;
	[sflag:s0] =	ssyncadd.s32 @!p1 $0xFFFFFF80  }
0x223: {  	[spmem:s30] =	stream.linear.scatter [tilespmem:s29], [sflag:$0x1], $0x10, $0x38;
	[tilespmem:$0x1F6F8] =	vst v63  }
0x224: {  	_ =	swait.ge [sflag:s31], $0x10  }
0x225: {  	[sflag:s31] =	ssyncset.done $0x0  }
0x226: {  	p1 =	seq.s32 s15, $0x0;
	s8 =	rddreg [dreg:$0x1];
	[sflag:s31] =	ssyncadd.s32 $0xFFFFFFF0  }
0x227: {  	s2 =	sshll.u32 @p1 s8, $0xE;
	s7 =	rddreg [dreg:$0x2]  }
0x228: {  	s0 =	sadd.s32 @p1 $0x15C3C, s2;
	s2 =	sshll.u32 @p1 s7, $0x11  }
0x229: {  	_ =	sfence.stream.spmem;
	s0 =	sor.u32 @p1 s2, s0  }
0x22a: {  	[sflag:s0] =	ssyncadd.remote.s32 @p1 $0x1;
	s0 =	simm.s32 @p1 $0x4  }
0x22b: {  	s3 =	simm.s32 @!p1 $0x3C;
	s2 =	sand.u32 $0xFFFFFFFE, s8;
	_ =	swait.ge @p1 [sflag:s0], $0x22  }
0x22c: {  	s4 =	simm.s32 @!p1 $0x0;
	s2 =	sadd.s32 @!p1 $0x4, s2;
	[sflag:s0] =	ssyncset.done @p1 $0x0  }
0x22d: {  	s5 =	simm.s32 @!p1 $0x100;
	[sflag:s0] =	ssyncadd.s32 @p1 $0xFFFFFFDE;
	s0 =	sshll.u32 @!p1 s2, $0x1A  }
0x22e: {  	s2 =	sshll.u32 @!p1 s2, $0xD;
	s0 =	sor.u32 @!p1 s0, s7;
	_ =	swait.eq @!p1 [sflag:s3], $0x1  }
0x22f: {  	s2 =	sor.u32 @!p1 $0x1C04, s2;
	s3 =	simm.s32 @!p1 $0x1C03;
	s0 =	sor.u32 @!p1 $0x80004000, s0  }
0x230: {  	[spmem:s5], [sflag:s2] =	dma.general @!p1 [spmem:s4], [sflag:s3], length:$0x20, [dreg:$0x0], stride_count:$0x0, ici_dest:s0, dma_misc:DstOpCode:WRITE  }
0x231: {  	p2 =	slt.s32 s9, $0x2;
	s4 =	simm.s32 @!p1 $0x200;
	s5 =	simm.s32 @!p1 $0x202  }
0x232: {  	[spmem:s5], [sflag:s2] =	dma.general @!p1 [spmem:s4], [sflag:s3], length:$0x2, [dreg:$0x0], stride_count:$0x0, ici_dest:s0, dma_misc:DstOpCode:WRITE  }
.Ltmp32:
0x233: {  	s0 =	simm.s32 @!p1 $0x3;
	(pc) =	sbr.rel @p2 .LBB3_38-.Ltmp32, $4  }
0x234: {  	s2 =	sshll.u32 @!p1 s8, $0xE;
	_ =	swait.ge @!p1 [sflag:s0], $0x22  }
0x235: {  	s3 =	sshll.u32 @!p1 s7, $0x11;
	s2 =	sadd.s32 @!p1 $0x11C3C, s2;
	[sflag:s0] =	ssyncset.done @!p1 $0x0  }
0x236: {  	[sflag:s0] =	ssyncadd.s32 @!p1 $0xFFFFFFDE;
	s0 =	sor.u32 @!p1 s3, s2  }
0x237: {  	[sflag:s0] =	ssyncadd.remote.s32 @!p1 $0xFFFFFFFF;
	s0 =	simm.s32 $0x0  }
0x238: {  	s0 =	simm.s32 $0xF219  }
0x239: {  	v0 =	vld.msk [tilespmem:s0+$0x0], $0x1;
	_ =	sdelay $0x4  }
0x23a: {  	(v2sf) =	vpush v0, $0x0;
	_ =	sdelay $0xb  }
0x23b: {  	s31 =	sadd.s32 $0xFFFFFFFE, s6  }
0x23c: {  	s0 =	sadd.s32 $0xFFFFFFFF, s31  }
0x23d: {  	p2 =	sne.s32 s0, $0x0  }
.Ltmp33:
0x23e: {  	s2 =	spop (v2sf);
	(pc) =	sbr.rel @!p2 .LBB3_37-.Ltmp33, $4  }
0x23f: {  	s4 =	simm.s32 $0xF2B8;
	s7 =	simm.s32 $0x0;
	p1 =	sgt.u32 s2, $0x27FF0  }
0x240: {  	s5 =	simm.s32 $0x0;
	s6 =	simm.s32 $0xF21A;
	s3 =	sand.u32 @!p1 $0x3FFF8, s2  }
0x241: {  	s2 =	sand.u32 @!p1 $0x7, s2;
	s7 =	simm.s32 @!p1 $0x200;
	s3 =	sadd.s32 @!p1 s1, s3  }
0x242: {  	[hbm4b:s3+s2] =	stream.linear.scatter @!p1 [tilespmem:s4], [sflag:$0x5], $0x80, $0x38;
	[tilespmem:$0x1F6F8] =	vst v63  }
.LBB3_36:
0x243: {  	v0 =	vld.msk [tilespmem:s6+$0x0], $0x1;
	s0 =	sadd.s32 $0xFFFFFFFF, s0;
	s5 =	sadd.s32 s5, s7  }
0x244: {  	p1 =	sne.s32 s0, $0x0;
	_ =	sdelay $0x3  }
0x245: {  	(v2sf) =	vpush v0, $0x0;
	_ =	sdelay $0xe  }
.Ltmp34:
0x246: {  	s2 =	spop (v2sf);
	(pc) =	sbr.rel @p1 .LBB3_36-.Ltmp34, $4  }
0x247: {  	s7 =	simm.s32 $0x0;
	p2 =	sgt.u32 s2, $0x27FF0  }
0x248: {  	s4 =	sadd.s32 $0x80, s4;
	s7 =	simm.s32 @!p2 $0x200;
	s3 =	sand.u32 @!p2 $0x3FFF8, s2  }
0x249: {  	s6 =	sadd.s32 $0x1, s6;
	s2 =	sand.u32 @!p2 $0x7, s2;
	s3 =	sadd.s32 @!p2 s1, s3  }
0x24a: {  	[hbm4b:s3+s2] =	stream.linear.scatter @!p2 [tilespmem:s4], [sflag:$0x5], $0x80, $0x38;
	[tilespmem:$0x1F6F8] =	vst v63  }
.LBB3_37:
0x24b: {  	s0 =	sadd.s32 s5, s7  }
0x24c: {  	s0 =	sshrl.u32 s0, $0x2  }
.LBB3_38:
0x24d: {  	s2 =	simm.s32 $0x5  }
0x24e: {  	_ =	swait.ge [sflag:s2], s0  }
0x24f: {  	s31 =	ssub.s32 $0x0, s0;
	[sflag:s2] =	ssyncset.done $0x0  }
0x250: {  	[sflag:s2] =	ssyncadd.s32 s31  }
0x251: {  	[sflag:s2] =	ssyncpa.u1 $0x1  }
.LBB3_39:
0x252: {  	s0 =	sor.u32 s15, s16  }
0x253: {  	p1 =	sne.s32 s0, $0x0  }
.Ltmp35:
0x254: {  	_ = 	snop;
	(pc) =	sbr.rel @p1 .LBB3_54-.Ltmp35, $3  }
0x255: {  	_ =	sdelay $0x1  }
0x256: {  	[bflag:$0x0] =	sbarrier.arrive $0xFFFF  }
0x257: {  	_ =	sfence  }
0x258: {  	s0 =	simm.s32 $0x7  }
0x259: {  	s2 =	simm.s32 $0x1000;
	s3 =	simm.s32 $0xF218;
	[sflag:s0] =	ssyncpa.u1 $0x0  }
0x25a: {  	[tilespmem:s3], [sflag:$0x7] =	stream.linear.gather [spmem:s2], $0x20, $0x38;
	[tilespmem:$0x1F6F8] =	vst v63  }
0x25b: {  	s30 =	simm.s32 $0xF238;
	s2 =	simm.s32 $0x0  }
0x25c: {  	[tilespmem:s30], [sflag:$0x7] =	stream.linear.gather [spmem:s2], $0x1000, $0x38;
	[tilespmem:$0x1F6F8] =	vst v63  }
.Ltmp36:
0x25d: {  	_ = 	snop;
	(pc) =	sbr.rel .LBB3_41-.Ltmp36, $4  }
0x25e: {  	_ =	swait.ge [sflag:s0], $0x1020  }
0x25f: {  	[sflag:s0] =	ssyncset.done $0x0  }
0x260: {  	s31 =	simm.s32 $0x8;
	[sflag:s0] =	ssyncadd.s32 $0xFFFFEFE0  }
0x261: {  	s3 =	simm.s32 $0x0;
	[sflag:s31] =	ssyncpa.u1 $0x0  }
.LBB3_47:
0x262: {  	p1 =	slt.u32 s4, $0x27FF1  }
0x263: {  	s0 =	sand.u32 @p1 $0x3FFF8, s4  }
0x264: {  	s4 =	sand.u32 @p1 $0x7, s4;
	s5 =	simm.s32 @p1 $0xF188;
	s0 =	sadd.s32 @p1 s1, s0  }
0x265: {  	[tilespmem:s5], [sflag:$0x8] =	stream.linear.gather @p1 [hbm4b:s0+s4], $0x80, $0x38;
	[tilespmem:$0x1F6F8] =	vst v63  }
0x266: {  	s0 =	simm.s32 @p1 $0x8  }
0x267: {  	_ =	swait.ge @p1 [sflag:s0], $0x80  }
0x268: {  	[sflag:s0] =	ssyncset.done @p1 $0x0  }
0x269: {  	[sflag:s0] =	ssyncadd.s32 @p1 $0xFFFFFF80  }
0x26a: {  	v1 =	vld @p1 [tilespmem:$0xF188];
	_ =	sdelay $0x2  }
0x26b: {  	s0 =	sshll.u32 @p1 s3, $0x9  }
0x26c: {  	s4 =	sshrl.u32 @p1 s0, $0x2  }
0x26d: {  	[tilespmem:s4+$0xF238] =	vst.add.f32.msk @p1 $0xffff, v1  }
0x26e: {  	v1 =	vld @p1 [tilespmem:$0xF198];
	_ =	sdelay $0x4  }
0x26f: {  	[tilespmem:s4+$0xF248] =	vst.add.f32.msk @p1 $0xffff, v1  }
0x270: {  	v1 =	vld @p1 [tilespmem:$0xF1A8];
	_ =	sdelay $0x4  }
0x271: {  	[tilespmem:s4+$0xF258] =	vst.add.f32.msk @p1 $0xffff, v1  }
0x272: {  	v1 =	vld @p1 [tilespmem:$0xF1B8];
	_ =	sdelay $0x4  }
0x273: {  	[tilespmem:s4+$0xF268] =	vst.add.f32.msk @p1 $0xffff, v1  }
0x274: {  	v1 =	vld @p1 [tilespmem:$0xF1C8];
	_ =	sdelay $0x4  }
0x275: {  	[tilespmem:s4+$0xF278] =	vst.add.f32.msk @p1 $0xffff, v1  }
0x276: {  	v1 =	vld @p1 [tilespmem:$0xF1D8];
	_ =	sdelay $0x4  }
0x277: {  	[tilespmem:s4+$0xF288] =	vst.add.f32.msk @p1 $0xffff, v1  }
0x278: {  	v1 =	vld @p1 [tilespmem:$0xF1E8];
	_ =	sdelay $0x4  }
0x279: {  	[tilespmem:s4+$0xF298] =	vst.add.f32.msk @p1 $0xffff, v1  }
0x27a: {  	v1 =	vld @p1 [tilespmem:$0xF1F8];
	_ =	sdelay $0x3  }
0x27b: {  	s5 =	sshll.u32 @!p1 s3, $0x9  }
0x27c: {  	s5 =	smov.u32 @p1 s0;
	[tilespmem:s4+$0xF2A8] =	vst.add.f32.msk @p1 $0xffff, v1  }
0x27d: {  	s0 =	sshrl.u32 s5, $0x2;
	[tilespmem:s2+$0xF218] =	vst.msk $0x1, v0  }
0x27e: {  	v0 =	vld [tilespmem:s0+$0xF238];
	_ =	sdelay $0x2  }
0x27f: {  	s31 =	sshll.u32 s2, $0x9  }
0x280: {  	s4 =	sshra.s32 s31, $0x2  }
0x281: {  	[tilespmem:s4+$0xF238] =	vst v0  }
0x282: {  	v0 =	vld [tilespmem:s0+$0xF248];
	_ =	sdelay $0x4  }
0x283: {  	[tilespmem:s4+$0xF248] =	vst v0  }
0x284: {  	v0 =	vld [tilespmem:s0+$0xF258];
	_ =	sdelay $0x4  }
0x285: {  	[tilespmem:s4+$0xF258] =	vst v0  }
0x286: {  	v0 =	vld [tilespmem:s0+$0xF268];
	_ =	sdelay $0x4  }
0x287: {  	[tilespmem:s4+$0xF268] =	vst v0  }
0x288: {  	v0 =	vld [tilespmem:s0+$0xF278];
	_ =	sdelay $0x4  }
0x289: {  	[tilespmem:s4+$0xF278] =	vst v0  }
0x28a: {  	v0 =	vld [tilespmem:s0+$0xF288];
	_ =	sdelay $0x4  }
0x28b: {  	[tilespmem:s4+$0xF288] =	vst v0  }
0x28c: {  	v0 =	vld [tilespmem:s0+$0xF298];
	_ =	sdelay $0x4  }
0x28d: {  	[tilespmem:s4+$0xF298] =	vst v0  }
0x28e: {  	v0 =	vld [tilespmem:s0+$0xF2A8];
	_ =	sdelay $0x4  }
0x28f: {  	s2 =	sadd.s32 $0x1, s2;
	[tilespmem:s4+$0xF2A8] =	vst v0  }
.LBB3_48:
0x290: {  	s3 =	sadd.s32 $0x1, s3  }
0x291: {  	p1 =	sne.s32 s3, $0x20  }
.Ltmp37:
0x292: {  	_ = 	snop;
	(pc) =	sbr.rel @!p1 .LBB3_49-.Ltmp37, $1  }
0x293: {  	_ =	sdelay $0x3  }
.LBB3_41:
0x294: {  	v0 =	vld.msk [tilespmem:s3+$0xF218], $0x1;
	_ =	sdelay $0x4  }
0x295: {  	(v2sf) =	vpush v0, $0x0;
	_ =	sdelay $0xe  }
0x296: {  	s4 =	spop (v2sf)  }
0x297: {  	p1 =	seq.s32 s4, $0xFFFFFFFF  }
.Ltmp38:
0x298: {  	_ = 	snop;
	(pc) =	sbr.rel @p1 .LBB3_48-.Ltmp38, $1  }
0x299: {  	_ =	sdelay $0x3  }
0x29a: {  	p1 =	slt.s32 s2, $0x1  }
.Ltmp39:
0x29b: {  	_ = 	snop;
	(pc) =	sbr.rel @p1 .LBB3_47-.Ltmp39, $1  }
0x29c: {  	_ =	sdelay $0x3  }
0x29d: {  	s5 =	simm.s32 $0xF218;
	p1 =	por $0x0, $0x0  }
0x29e: {  	v1 =	vld.msk @!p1 [tilespmem:s5+$0x0], $0x1;
	_ =	sdelay $0x4  }
0x29f: {  	(v2sf) =	vpush @!p1 v1, $0x0;
	_ =	sdelay $0xd  }
0x2a0: {  	p3 =	sne.s32 s2, $0x1  }
.Ltmp40:
0x2a1: {  	s0 =	spop @!p1 (v2sf);
	(pc) =	sbr.rel @!p3 .LBB3_45-.Ltmp40, $4  }
0x2a2: {  	p2 =	seq.s32 @!p1 s4, s0  }
0x2a3: {  	s6 =	simm.s32 $0x0;
	p2 =	por !p2, p1  }
0x2a4: {  	s7 =	simm.s32 $0xFFFFFFFF;
	s6 =	simm.s32 @p2 $0xFFFFFFFF  }
0x2a5: {  	s0 =	simm.s32 $0x1;
	s6 =	smov.u32 @p1 s7  }
.LBB3_44:
0x2a6: {  	s7 =	smov.u32 s6;
	p1 =	sne.s32 s6, $0xFFFFFFFF  }
0x2a7: {  	s5 =	sadd.s32 $0x1, s5;
	s6 =	smov.u32 s0;
	s0 =	sadd.s32 $0x1, s0  }
0x2a8: {  	p2 =	sne.s32 s2, s0;
	v1 =	vld.msk @!p1 [tilespmem:s5+$0x0], $0x1;
	_ =	sdelay $0x4  }
0x2a9: {  	(v2sf) =	vpush @!p1 v1, $0x0;
	_ =	sdelay $0xe  }
.Ltmp41:
0x2aa: {  	s8 =	spop @!p1 (v2sf);
	(pc) =	sbr.rel @p2 .LBB3_44-.Ltmp41, $4  }
0x2ab: {  	p3 =	seq.s32 @!p1 s4, s8  }
0x2ac: {  	p3 =	por !p3, p1  }
0x2ad: {  	s6 =	simm.s32 @p3 $0xFFFFFFFF  }
0x2ae: {  	s6 =	smov.u32 @p1 s7  }
.LBB3_45:
0x2af: {  	p1 =	seq.s32 s6, $0xFFFFFFFF  }
.Ltmp42:
0x2b0: {  	_ = 	snop;
	(pc) =	sbr.rel @p1 .LBB3_47-.Ltmp42, $1  }
0x2b1: {  	_ =	sdelay $0x3  }
0x2b2: {  	s0 =	sshll.u32 s3, $0x7  }
0x2b3: {  	s0 =	sand.u32 $0x3FFFFF80, s0  }
0x2b4: {  	v0 =	vld [tilespmem:s0+$0xF238];
	_ =	sdelay $0x2  }
0x2b5: {  	s4 =	sshll.u32 s6, $0x9  }
0x2b6: {  	s4 =	sshra.s32 s4, $0x2  }
0x2b7: {  	[tilespmem:s4+$0xF238] =	vst.add.f32.msk $0xffff, v0  }
0x2b8: {  	v0 =	vld [tilespmem:s0+$0xF248];
	_ =	sdelay $0x4  }
0x2b9: {  	[tilespmem:s4+$0xF248] =	vst.add.f32.msk $0xffff, v0  }
0x2ba: {  	v0 =	vld [tilespmem:s0+$0xF258];
	_ =	sdelay $0x4  }
0x2bb: {  	[tilespmem:s4+$0xF258] =	vst.add.f32.msk $0xffff, v0  }
0x2bc: {  	v0 =	vld [tilespmem:s0+$0xF268];
	_ =	sdelay $0x4  }
0x2bd: {  	[tilespmem:s4+$0xF268] =	vst.add.f32.msk $0xffff, v0  }
0x2be: {  	v0 =	vld [tilespmem:s0+$0xF278];
	_ =	sdelay $0x4  }
0x2bf: {  	[tilespmem:s4+$0xF278] =	vst.add.f32.msk $0xffff, v0  }
0x2c0: {  	v0 =	vld [tilespmem:s0+$0xF288];
	_ =	sdelay $0x4  }
0x2c1: {  	[tilespmem:s4+$0xF288] =	vst.add.f32.msk $0xffff, v0  }
0x2c2: {  	v0 =	vld [tilespmem:s0+$0xF298];
	_ =	sdelay $0x4  }
0x2c3: {  	[tilespmem:s4+$0xF298] =	vst.add.f32.msk $0xffff, v0  }
0x2c4: {  	v0 =	vld [tilespmem:s0+$0xF2A8]  }
.Ltmp43:
0x2c5: {  	_ = 	snop;
	(pc) =	sbr.rel .LBB3_48-.Ltmp43, $2  }
0x2c6: {  	_ =	sdelay $0x2  }
0x2c7: {  	[tilespmem:s4+$0xF2A8] =	vst.add.f32.msk $0xffff, v0  }
.LBB3_49:
0x2c8: {  	p1 =	slt.s32 s2, $0x1  }
.Ltmp44:
0x2c9: {  	_ = 	snop;
	(pc) =	sbr.rel @p1 .LBB3_53-.Ltmp44, $3  }
0x2ca: {  	_ =	sdelay $0x1  }
0x2cb: {  	s0 =	simm.s32 $0x8  }
0x2cc: {  	s3 =	simm.s32 $0x0;
	[sflag:s0] =	ssyncpa.u1 $0x1  }
0x2cd: {  	s0 =	simm.s32 $0xF218  }
0x2ce: {  	v0 =	vld.msk [tilespmem:s0+$0x0], $0x1;
	_ =	sdelay $0x4  }
0x2cf: {  	(v2sf) =	vpush v0, $0x0;
	_ =	sdelay $0xe  }
0x2d0: {  	s0 =	sadd.s32 $0xFFFFFFFF, s2;
	s5 =	spop (v2sf)  }
0x2d1: {  	p2 =	sne.s32 s0, $0x0;
	p1 =	sgt.u32 s5, $0x27FF0  }
.Ltmp45:
0x2d2: {  	s6 =	sand.u32 @!p1 $0x3FFF8, s5;
	(pc) =	sbr.rel @!p2 .LBB3_52-.Ltmp45, $4  }
0x2d3: {  	s4 =	simm.s32 $0xF238;
	s5 =	sand.u32 @!p1 $0x7, s5;
	s2 =	sadd.s32 @!p1 s1, s6  }
0x2d4: {  	[hbm4b:s2+s5] =	stream.linear.scatter @!p1 [tilespmem:s4], [sflag:$0x7], $0x80, $0x38;
	[tilespmem:$0x1F6F8] =	vst v63  }
0x2d5: {  	s5 =	simm.s32 $0x0  }
0x2d6: {  	s2 =	simm.s32 $0xF219;
	s5 =	simm.s32 @!p1 $0x200  }
.LBB3_51:
0x2d7: {  	v0 =	vld.msk [tilespmem:s2+$0x0], $0x1;
	s0 =	sadd.s32 $0xFFFFFFFF, s0;
	s3 =	sadd.s32 s3, s5  }
0x2d8: {  	p1 =	sne.s32 s0, $0x0;
	_ =	sdelay $0x3  }
0x2d9: {  	(v2sf) =	vpush v0, $0x0;
	_ =	sdelay $0xe  }
.Ltmp46:
0x2da: {  	s6 =	spop (v2sf);
	(pc) =	sbr.rel @p1 .LBB3_51-.Ltmp46, $4  }
0x2db: {  	s5 =	simm.s32 $0x0;
	p2 =	sgt.u32 s6, $0x27FF0  }
0x2dc: {  	s4 =	sadd.s32 $0x80, s4;
	s5 =	simm.s32 @!p2 $0x200;
	s7 =	sand.u32 @!p2 $0x3FFF8, s6  }
0x2dd: {  	s2 =	sadd.s32 $0x1, s2;
	s6 =	sand.u32 @!p2 $0x7, s6;
	s7 =	sadd.s32 @!p2 s1, s7  }
0x2de: {  	[hbm4b:s7+s6] =	stream.linear.scatter @!p2 [tilespmem:s4], [sflag:$0x7], $0x80, $0x38;
	[tilespmem:$0x1F6F8] =	vst v63  }
.LBB3_52:
0x2df: {  	s0 =	sadd.s32 s3, s5  }
0x2e0: {  	s3 =	sshrl.u32 s0, $0x2  }
.LBB3_53:
0x2e1: {  	s0 =	simm.s32 $0x7  }
0x2e2: {  	_ =	swait.ge [sflag:s0], s3  }
0x2e3: {  	s1 =	ssub.s32 $0x0, s3;
	[sflag:s0] =	ssyncset.done $0x0  }
0x2e4: {  	[sflag:s0] =	ssyncadd.s32 s1  }
0x2e5: {  	[sflag:s0] =	ssyncpa.u1 $0x1  }
.LBB3_54:
0x2e6: {  	_ =	sfence;
	s0 =	simm.s32 $0x1  }
0x2e7: {  	[sflag:s0] =	ssyncpa.u1 $0x1  }
0x2e8: {  	_ =	strace $0x90000068  }
0x2e9: {  	[bflag:$0x2] =	sbarrier.arrive $0xFFFF  }
0x2ea: {  	s0 =	rddreg [dreg:$0x3]  }
0x2eb: {  	s0 =	sadd.s32 @!p0 $0x100000, s0  }
0x2ec: {  	[sflag:s0] =	ssyncadd.tile.s32 @!p0 $0x1;
	_ =	shalt  }
.Lfunc_end3:
_tile_overlayer_lowered:
.L_overlay_start_3:
0x2ed: {  	(tag) =	ssettag $0x3  }
0x2ee: {  	s0 =	rddreg [dreg:$0x0];
	s2 =	stileid.u32  }
0x2ef: {  	s1 =	rddreg [dreg:$0x1];
	p0 =	sne.s32 s2, $0x0  }
0x2f0: {  	s3 =	rddreg [dreg:$0x2];
	[bflag:$0x3] =	sbarrier.arrive $0xFFFF;
	s2 =	simm.s32 @!p0 $0x1C01  }
0x2f1: {  	[timem:s3], [sflag:s2] =	dma.local @!p0 [hbm:s0], s1  }
0x2f2: {  	s0 =	simm.s32 @!p0 $0x1  }
0x2f3: {  	_ =	swait.ge @!p0 [sflag:s0], s1  }
0x2f4: {  	s1 =	ssub.s32 @!p0 $0x0, s1;
	[sflag:s0] =	ssyncset.done @!p0 $0x0  }
0x2f5: {  	[sflag:s0] =	ssyncadd.s32 @!p0 s1  }
0x2f6: {  	[bflag:$0x3] =	sbarrier.arrive $0xFFFF  }
0x2f7: {  	_ =	shalt  }

</sc_bundles>
